<compile_context>
chip_gen: v7x
topology: tpu7x:2x2x1
jax: 0.10.2.dev20260603
libtpu: 0.0.44.dev20260713+nightly
codegen_flags: <defaults>
</compile_context>

<pallas_src>
import functools

import jax
import jax.numpy as jnp
from jax import lax
from jax.experimental import pallas as pl
from jax.experimental.pallas import tpu as pltpu
from jax.experimental.pallas import tpu_sc as plsc

HX = 2.0 / 2047.0
HY = 1.0 / 1023.0
H = W = 512
NPIX = H * W
NI = 7
NB = 4
B = 1024
NPLANE = 2 * NI
TBL = NPLANE * B



def _pass1_body(pred_ref, inst_ref, lab_ref, out_ref):
    r = pl.program_id(1)
    sigma = pred_ref[0, 0]
    seed = jax.nn.sigmoid(pred_ref[0, 1])
    inst = inst_ref[0]
    lab = lab_ref[0]
    rows = sigma.shape[0]
    row0 = (r * rows).astype(jnp.float32)
    xm = lax.broadcasted_iota(jnp.int32, sigma.shape, 1).astype(jnp.float32) * HX
    ym = (lax.broadcasted_iota(jnp.int32, sigma.shape, 0).astype(jnp.float32) + row0) * HY

    io = lax.broadcasted_iota(jnp.int32, (1, 128), 1)
    bg = jnp.sum(jnp.where(lab == 0, seed * seed, 0.0))
    zero = jnp.zeros((1, 128), jnp.float32)
    cntv, sxv, syv, ssv, ss2v = zero, zero, zero, zero, zero
    bgv = jnp.where(io == 0, bg, 0.0)
    for i in range(NI):
        mf = (inst == (i + 1)).astype(jnp.float32)
        sel = (io == i)
        cntv = cntv + jnp.where(sel, jnp.sum(mf), 0.0)
        sxv = sxv + jnp.where(sel, jnp.sum(mf * xm), 0.0)
        syv = syv + jnp.where(sel, jnp.sum(mf * ym), 0.0)
        ssv = ssv + jnp.where(sel, jnp.sum(mf * sigma), 0.0)
        ss2v = ss2v + jnp.where(sel, jnp.sum(mf * sigma * sigma), 0.0)
    acc = jnp.concatenate([cntv, sxv, syv, ssv, ss2v, bgv], axis=0)

    @pl.when(r == 0)
    def _():
        out_ref[0] = acc

    @pl.when(r != 0)
    def _():
        out_ref[0] = out_ref[0] + acc


def _pass1(prediction, instances, labels):
    rows = 512
    nr = H // rows
    return pl.pallas_call(
        _pass1_body,
        grid=(NB, nr),
        in_specs=[
            pl.BlockSpec((1, 2, rows, W), lambda b, r: (b, 1, r, 0)),
            pl.BlockSpec((1, rows, W), lambda b, r: (b, r, 0)),
            pl.BlockSpec((1, rows, W), lambda b, r: (b, r, 0)),
        ],
        out_specs=pl.BlockSpec((1, 6, 128), lambda b, r: (b, 0, 0)),
        out_shape=jax.ShapeDtypeStruct((NB, 6, 128), jnp.float32),
    )(prediction, instances, labels)


def _pass2_body(bo, scal_ref, pred_ref, inst_ref, idx_ref, sfg_ref):
    b = pl.program_id(0) + bo
    k = pl.program_id(1)
    p = pred_ref[0]
    rows = p.shape[1]
    row0 = (k * rows).astype(jnp.float32)
    xm = lax.broadcasted_iota(jnp.int32, (rows, W), 1).astype(jnp.float32) * HX
    ym = (lax.broadcasted_iota(jnp.int32, (rows, W), 0).astype(jnp.float32) + row0) * HY
    ex = jnp.tanh(p[0]) + xm
    ey = jnp.tanh(p[1]) + ym
    sig = p[2]
    seed = jax.nn.sigmoid(p[3])
    inst = inst_ref[0]

    io = lax.broadcasted_iota(jnp.int32, (1, 128), 1)
    bf = jnp.float32(B)
    r2p = ex * ex + ey * ey
    down = jnp.zeros_like(ex)
    for i in range(NI):
        safe = jnp.maximum(scal_ref[b, 0, i], 1.0)
        cx = scal_ref[b, 1, i] / safe
        cy = scal_ref[b, 2, i] / safe
        s = jnp.exp(10.0 * scal_ref[b, 3, i] / safe)
        bx = -2.0 * s * cx
        by = -2.0 * s * cy
        c0 = s * (cx * cx + cy * cy)
        u = s * r2p + bx * ex + by * ey + c0
        d = jnp.exp(-u)
        own = inst == (i + 1)
        jn = jnp.minimum((bf * d).astype(jnp.int32), B - 1)
        idx_ref[0, i] = jnp.where(own, (i * 2 * B + B - 1) - jn,
                                  (i * 2 * B + B) + jn).astype(jnp.int16)
        down = down + jnp.where(own, d, 0.0)
    sfg = jnp.sum(jnp.where(inst > 0, (seed - down) ** 2, 0.0))
    sacc = jnp.where(io == 0, sfg, 0.0)

    @pl.when(k == 0)
    def _():
        sfg_ref[0] = sacc

    @pl.when(k != 0)
    def _():
        sfg_ref[0] = sfg_ref[0] + sacc


def _pass2(scal, prediction, instances, bo, nb):
    rows = 128
    nk = H // rows
    return pl.pallas_call(
        functools.partial(_pass2_body, bo),
        grid=(nb, nk),
        in_specs=[
            pl.BlockSpec(memory_space=pltpu.SMEM),
            pl.BlockSpec((1, 4, rows, W), lambda b, k: (b + bo, 0, k, 0)),
            pl.BlockSpec((1, rows, W), lambda b, k: (b + bo, k, 0)),
        ],
        out_specs=[
            pl.BlockSpec((1, NI, rows, W), lambda b, k: (b, 0, k, 0)),
            pl.BlockSpec((1, 1, 128), lambda b, k: (b, 0, 0)),
        ],
        out_shape=[
            jax.ShapeDtypeStruct((nb, NI, H, W), jnp.int16),
            jax.ShapeDtypeStruct((nb, 1, 128), jnp.float32),
        ],
    )(scal, prediction, instances)


def _pass3_body(*refs):
    nsplit = (len(refs) - 2) // 2
    parts_refs = refs[:nsplit]
    sums_ref = refs[nsplit]
    sfg_refs = refs[nsplit + 1:2 * nsplit + 1]
    out_ref = refs[2 * nsplit + 1]
    per = NB // nsplit
    slots = NW // per
    iar = lax.broadcasted_iota(jnp.int32, (B, B), 0)
    iac = lax.broadcasted_iota(jnp.int32, (B, B), 1)
    M = (iar >= iac).astype(jnp.float32)
    total = jnp.float32(0.0)
    for b in range(NB):
        parts_ref = parts_refs[b // per]
        sfg_ref = sfg_refs[b // per]
        bl = b % per
        tb1 = jnp.sum(parts_ref[bl * slots:(bl + 1) * slots], axis=0,
                      keepdims=True)
        tb = jnp.concatenate(
            [tb1[:, p * B:(p + 1) * B] for p in range(NPLANE)], axis=0)
        suf = jnp.dot(tb, M, preferred_element_type=jnp.float32)
        inst_loss = jnp.float32(0.0)
        var_loss = jnp.float32(0.0)
        obj = jnp.float32(0.0)
        seed_fg = sfg_ref[bl, 0]
        for i in range(NI):
            G = sums_ref[b, 0, i]
            pres = (G > 0.0).astype(jnp.float32)
            Gs = jnp.maximum(G, 1.0)
            C = suf[2 * i:2 * i + 1]
            Nn = suf[2 * i + 1:2 * i + 2]
            Nt = C + Nn
            J = 1.0 - (G - C) / jnp.maximum(G + Nt - C, 1.0)
            lov = (2.0 / B) * (jnp.sum(J) - 0.5 * J[0, 0])
            inst_loss = inst_loss + pres * lov
            ss = sums_ref[b, 3, i]
            ss2 = sums_ref[b, 4, i]
            mu = ss / Gs
            var_loss = var_loss + pres * (ss2 / Gs - mu * mu)
            obj = obj + pres
        denom = jnp.maximum(obj, 1.0)
        bg = sums_ref[b, 5, 0]
        seed_loss = (bg + seed_fg) / jnp.float32(NPIX)
        total = total + inst_loss / denom + 10.0 * var_loss / denom + seed_loss
    out_ref[0, 0] = total / NB


def _pass3(parts_list, sums, sfg_list):
    n = len(parts_list)
    return pl.pallas_call(
        _pass3_body,
        in_specs=(
            [pl.BlockSpec(memory_space=pltpu.VMEM)] * n
            + [pl.BlockSpec(memory_space=pltpu.SMEM)] * (n + 1)
        ),
        out_specs=pl.BlockSpec(memory_space=pltpu.SMEM),
        out_shape=jax.ShapeDtypeStruct((1, 1), jnp.float32),
    )(*parts_list, sums, *sfg_list)


NW = 32
CHROWS = 16
CHUNK = CHROWS * W


def _sc_hist_body(nbatch, idx_hbm, out_hbm, buf0, buf1, table, sem0, sem1):
    slots = NW // nbatch
    rows_per_slot = H // slots
    nch = NI * rows_per_slot // CHROWS
    cid = lax.axis_index("c")
    sid = lax.axis_index("s")
    wid = sid * 2 + cid
    batch = wid // slots
    slot = wid - batch * slots
    base_row = slot * rows_per_slot

    zeros = jnp.zeros((16,), jnp.float32)
    ones = jnp.ones((16,), jnp.float32)

    @plsc.parallel_loop(0, TBL // 16, unroll=8)
    def _(j):
        table[pl.ds(j * 16, 16)] = zeros

    def start(c, buf, sem):
        i = c // (rows_per_slot // CHROWS)
        rb = c - i * (rows_per_slot // CHROWS)
        pltpu.async_copy(
            idx_hbm.at[batch, i, pl.ds(base_row + rb * CHROWS, CHROWS)],
            buf, sem)

    def wait(buf, sem):
        pltpu.make_async_copy(
            idx_hbm.at[batch, 0, pl.ds(0, CHROWS)], buf, sem).wait()

    def process(buf):
        @plsc.parallel_loop(0, CHUNK // 32, unroll=8)
        def _(j):
            v = buf[j >> 4, pl.ds((j & 15) * 32, 32)]
            a, bb = plsc.unpack(v, format=plsc.PackFormat.INTERLEAVED)
            plsc.addupdate_scatter(table, [a], ones)
            plsc.addupdate_scatter(table, [bb], ones)

    start(0, buf0, sem0)

    def pair_body(p, carry):
        c0 = p * 2
        start(c0 + 1, buf1, sem1)
        wait(buf0, sem0)
        process(buf0)

        @pl.when(c0 + 2 < nch)
        def _():
            start(c0 + 2, buf0, sem0)
        wait(buf1, sem1)
        process(buf1)
        return carry
    lax.fori_loop(0, nch // 2, pair_body, 0)
    pltpu.sync_copy(table, out_hbm.at[wid])


def _sc_hist(idx_half, nbatch):
    mesh = plsc.VectorSubcoreMesh(core_axis_name="c", subcore_axis_name="s")
    f = functools.partial(
        pl.kernel,
        mesh=mesh,
        compiler_params=pltpu.CompilerParams(needs_layout_passes=False),
        out_type=jax.ShapeDtypeStruct((NW, TBL), jnp.float32),
        scratch_types=[
            pltpu.VMEM((CHROWS, W), jnp.int16),
            pltpu.VMEM((CHROWS, W), jnp.int16),
            pltpu.VMEM((TBL,), jnp.float32),
            pltpu.SemaphoreType.DMA,
            pltpu.SemaphoreType.DMA,
        ],
    )(functools.partial(_sc_hist_body, nbatch))
    return f(idx_half)


def kernel(prediction, instances, labels):
    sums = _pass1(prediction, instances, labels)
    nsplit = 2
    per = NB // nsplit
    parts_list, sfg_list = [], []
    for g in range(nsplit):
        idxg, sfgg = _pass2(sums, prediction, instances, g * per, per)
        parts_list.append(_sc_hist(idxg, per))
        sfg_list.append(sfgg[:, 0, :1])

    out = _pass3(parts_list, sums, sfg_list)
    return out.reshape(())

# --- scband reference (transcript-rebuilt; emitter-appended) ---
"""Pipeline reference for scband-spatial-emb-loss-13761075216434 (READ-ONLY COPY).

The authoritative reference and input builder live on the scoring server;
editing this copy changes nothing except your own understanding.
"""

import jax, jax.numpy as jnp
import numpy as np

N_SIGMA = 1
FOREGROUND_WEIGHT = 1.0
W_INST = 1.0
W_VAR = 10.0
W_SEED = 1.0

def _xym(height, width):
    xm = jnp.broadcast_to(jnp.linspace(0.0, 2.0, 2048).reshape(1, 1, -1), (1, 1024, 2048))
    ym = jnp.broadcast_to(jnp.linspace(0.0, 1.0, 1024).reshape(1, -1, 1), (1, 1024, 2048))
    xym = jnp.concatenate([xm, ym], 0)
    return xym[:, :height, :width]

def _lovasz_grad(gt_sorted):
    p = gt_sorted.shape[0]
    gts = gt_sorted.sum()
    intersection = gts - jnp.cumsum(gt_sorted, 0)
    union = gts + jnp.cumsum(1.0 - gt_sorted, 0)
    jaccard = 1.0 - intersection / union
    if p > 1:
        jaccard = jnp.concatenate([jaccard[:1], jaccard[1:] - jaccard[:-1]], 0)
    return jaccard

def _lovasz_hinge_flat(logits, labels):
    signs = 2.0 * labels - 1.0
    errors = 1.0 - logits * signs
    perm = jnp.argsort(-errors)
    errors_sorted = jnp.take(errors, perm)
    gt_sorted = jnp.take(labels, perm)
    grad = _lovasz_grad(gt_sorted)
    return jnp.dot(jax.nn.relu(errors_sorted), jax.lax.stop_gradient(grad))

def _lovasz_hinge(logits, labels):
    losses = [_lovasz_hinge_flat(logits[i].reshape(-1), labels[i].reshape(-1)) for i in range(logits.shape[0])]
    return sum(losses) / len(losses)

def _forward(prediction, instances, labels):
    batch_size, _, height, width = prediction.shape
    xym_s = _xym(height, width)
    total = 0.0
    for b in range(batch_size):
        spatial_emb = jnp.tanh(prediction[b, 0:2]) + xym_s
        sigma = prediction[b, 2:2 + N_SIGMA]
        seed_map = jax.nn.sigmoid(prediction[b, 2 + N_SIGMA:2 + N_SIGMA + 1])
        seed_flat = seed_map.reshape(-1)
        var_loss = 0.0
        instance_loss = 0.0
        obj_count = jnp.asarray(0.0, dtype=jnp.float32)
        instance_flat = instances[b].reshape(-1)
        label_flat = labels[b].reshape(-1)
        bg_mask = (label_flat == 0).astype(jnp.float32)
        seed_loss = jnp.sum(bg_mask * jnp.square(seed_flat))
        xym_flat0 = xym_s[0].reshape(-1)
        xym_flat1 = xym_s[1].reshape(-1)
        sigma_flat = sigma.reshape(-1)
        for iid in range(1, 8):
            mask_f_flat = (instance_flat == iid).astype(jnp.float32)
            count = jnp.sum(mask_f_flat)
            present = count > 0
            safe_count = jnp.maximum(count, 1.0)
            cx = jnp.sum(mask_f_flat * xym_flat0) / safe_count
            cy = jnp.sum(mask_f_flat * xym_flat1) / safe_count
            center = jnp.stack([cx, cy], 0).reshape(2, 1, 1)
            s_mean = jnp.sum(mask_f_flat * sigma_flat) / safe_count
            var_term = jnp.sum(mask_f_flat * jnp.square(sigma_flat - jax.lax.stop_gradient(s_mean))) / safe_count
            var_loss = var_loss + jnp.where(present, var_term, 0.0)
            s = jnp.exp(s_mean * 10.0).reshape(N_SIGMA, 1, 1)
            dist = jnp.exp(-1.0 * jnp.sum(jnp.square(spatial_emb - center) * s, 0, keepdims=True))
            mask_f = mask_f_flat.reshape(1, height, width)
            lov = _lovasz_hinge(dist * 2.0 - 1.0, mask_f)
            instance_loss = instance_loss + jnp.where(present, lov, 0.0)
            dist_flat = dist.reshape(-1)
            seed_term = FOREGROUND_WEIGHT * jnp.sum(mask_f_flat * jnp.square(seed_flat - jax.lax.stop_gradient(dist_flat)))
            seed_loss = seed_loss + jnp.where(present, seed_term, 0.0)
            obj_count = obj_count + jnp.where(present, 1.0, 0.0)
        denom = jnp.maximum(obj_count, 1.0)
        instance_loss = instance_loss / denom
        var_loss = var_loss / denom
        seed_loss = seed_loss / (height * width)
        total = total + W_INST * instance_loss + W_VAR * var_loss + W_SEED * seed_loss
    total = total / batch_size
    return total + prediction.sum() * 0.0

def setup_inputs(seed: int = 0):
    key = jax.random.key(seed)
    k1, k2, k3 = jax.random.split(key, 3)
    prediction = jax.random.normal(k1, (4, 4, 512, 512), dtype=jnp.float32)
    instances = jax.random.randint(k2, (4, 512, 512), 0, 8, dtype=jnp.int32)
    labels = jax.random.randint(k3, (4, 512, 512), 0, 2, dtype=jnp.int32)
    return {"prediction": prediction, "instances": instances, "labels": labels}

def reference(prediction, instances, labels):
    return _forward(prediction, instances, labels)

if __name__ == "__main__":
    import jax
    _d = setup_inputs()
    print(jax.jit(kernel)(*tuple(_d.values())))

</pallas_src>

<mosaic_0001>
#map = affine_map<(d0, d1) -> (0, 0, 0, 0)>
#map1 = affine_map<(d0, d1) -> (0, 0)>
module attributes {stable_mosaic.version = 14 : i64} {
  func.func @_sc_hist_body(%arg0: i32, %arg1: i32, %arg2: memref<2x7x512x512xi16, #tpu.memory_space<hbm>>, %arg3: memref<32x14336xf32, #tpu.memory_space<hbm>>, %arg4: memref<16x512xi16, #tpu.memory_space<vmem>>, %arg5: memref<16x512xi16, #tpu.memory_space<vmem>>, %arg6: memref<14336xf32, #tpu.memory_space<vmem>>, %arg7: memref<!tpu.dma_semaphore, #tpu.memory_space<semaphore_mem>>, %arg8: memref<!tpu.dma_semaphore, #tpu.memory_space<semaphore_mem>>) attributes {dimension_semantics = [#tpu.dimension_semantics<core_parallel>, #tpu.dimension_semantics<subcore_parallel>], iteration_bounds = array<i64: 2, 16>, scalar_prefetch = 0 : i64, scratch_operands = 5 : i64, tpu.core_type = #tpu.core_type<sc_vector_subcore>, window_params = [{transform_indices = #map}, {transform_indices = #map1}]} {
    %mul3A = arith.constant 2 : i32
    %mul3A_0 = arith.muli %arg1, %mul3A : i32
    %add3A = arith.addi %mul3A_0, %arg0 : i32
    %jit3A = arith.constant 16 : i32
    %div3A = arith.divsi %add3A, %jit3A : i32
    %sign3A = arith.constant 0 : i32
    %sign3A_1 = arith.cmpi sgt, %add3A, %sign3A : i32
    %sign3A_2 = arith.extui %sign3A_1 : i1 to i32
    %sign3A_3 = arith.constant 0 : i32
    %sign3A_4 = arith.cmpi slt, %add3A, %sign3A_3 : i32
    %sign3A_5 = arith.extui %sign3A_4 : i1 to i32
    %sign3A_6 = arith.subi %sign3A_2, %sign3A_5 : i32
    %sign3A_7 = arith.constant 0 : i32
    %sign3A_8 = arith.cmpi sgt, %jit3A, %sign3A_7 : i32
    %sign3A_9 = arith.extui %sign3A_8 : i1 to i32
    %sign3A_10 = arith.constant 0 : i32
    %sign3A_11 = arith.cmpi slt, %jit3A, %sign3A_10 : i32
    %sign3A_12 = arith.extui %sign3A_11 : i1 to i32
    %sign3A_13 = arith.subi %sign3A_9, %sign3A_12 : i32
    %ne3A = arith.cmpi ne, %sign3A_6, %sign3A_13 : i32
    %rem3A = arith.remsi %add3A, %jit3A : i32
    %ne3A_14 = arith.constant 0 : i32
    %ne3A_15 = arith.cmpi ne, %rem3A, %ne3A_14 : i32
    %and3A = arith.andi %ne3A, %ne3A_15 : i1
    %sub3A = arith.constant 1 : i32
    %sub3A_16 = arith.subi %div3A, %sub3A : i32
    %select_n3A = arith.select %and3A, %sub3A_16, %div3A : i32
    %mul3A_17 = arith.constant 16 : i32
    %mul3A_18 = arith.muli %select_n3A, %mul3A_17 : i32
    %sub3A_19 = arith.subi %add3A, %mul3A_18 : i32
    %mul3A_20 = arith.constant 32 : i32
    %mul3A_21 = arith.muli %sub3A_19, %mul3A_20 : i32
    %broadcast_in_dim3A = arith.constant 0.000000e+00 : f32
    %broadcast_in_dim3A_22 = vector.broadcast %broadcast_in_dim3A : f32 to vector<16xf32>
    %broadcast_in_dim3A_23 = arith.constant 1.000000e+00 : f32
    %broadcast_in_dim3A_24 = vector.broadcast %broadcast_in_dim3A_23 : f32 to vector<16xf32>
    %parallel_loop3A = arith.constant 0 : i32
    %parallel_loop3A_25 = arith.constant 896 : i32
    %parallel_loop3A_26 = arith.constant 1 : i32
    scf.for %parallel_loop3A_40 = %parallel_loop3A to %parallel_loop3A_25 step %parallel_loop3A_26  : i32 {
      %parallel_loop3A_41 = arith.constant 16 : i32
      %parallel_loop3A_42 = arith.muli %parallel_loop3A_40, %parallel_loop3A_41 : i32
      %parallel_loop3A_43 = arith.index_cast %parallel_loop3A_42 : i32 to index
      %parallel_loop3A_44 = tpu.vector_load %arg6[%parallel_loop3A_43] {strides = array<i32>} : memref<14336xf32, #tpu.memory_space<vmem>>, vector<16xf32>,
      tpu.vector_store %arg6[%parallel_loop3A_43], %broadcast_in_dim3A_22 {strides = array<i32>} : memref<14336xf32, #tpu.memory_space<vmem>>, vector<16xf32>,
    } {sc.loop_unroll_factor = 8 : i64, sc.parallel_access}
    %add3A_27 = arith.constant 0 : i32
    %add3A_28 = arith.addi %mul3A_21, %add3A_27 : i32
    %dma_start3A = arith.constant 0 : i32
    %dma_start3A_29 = arith.constant 0 : i32
    %dma_start3A_30 = tpu.memref_slice %arg2[%select_n3A, %dma_start3A, %add3A_28, %dma_start3A_29] : memref<2x7x512x512xi16, #tpu.memory_space<hbm>> -> memref<1x1x16x512xi16, #tpu.memory_space<hbm>>
    %dma_start3A_31 = tpu.memref_squeeze %dma_start3A_30 : memref<1x1x16x512xi16, #tpu.memory_space<hbm>> -> memref<16x512xi16, #tpu.memory_space<hbm>>
    %dma_start3A_32 = arith.constant 0 : i32
    %dma_start3A_33 = tpu.memref_slice %arg2[%select_n3A, %dma_start3A, %add3A_28, %dma_start3A_32] : memref<2x7x512x512xi16, #tpu.memory_space<hbm>> -> memref<1x1x16x512xi16, #tpu.memory_space<hbm>>
    %dma_start3A_34 = tpu.memref_squeeze %dma_start3A_33 : memref<1x1x16x512xi16, #tpu.memory_space<hbm>> -> memref<16x512xi16, #tpu.memory_space<hbm>>
    tpu.enqueue_dma source(%dma_start3A_34 : memref<16x512xi16, #tpu.memory_space<hbm>>) target(%arg4 : memref<16x512xi16, #tpu.memory_space<vmem>>) target_semaphore(%arg7 : memref<!tpu.dma_semaphore, #tpu.memory_space<semaphore_mem>>)
    %scan3A = arith.constant 0 : i32
    %scan3A_35 = arith.constant 0 : i32
    %scan3A_36 = arith.constant 7 : i32
    %scan3A_37 = arith.addi %scan3A_35, %scan3A_36 : i32
    %scan3A_38 = arith.constant 1 : i32
    scf.for %scan3A_40 = %scan3A_35 to %scan3A_37 step %scan3A_38  : i32 {
      %mul3A_41 = arith.constant 2 : i32
      %mul3A_42 = arith.muli %scan3A_40, %mul3A_41 : i32
      %add3A_43 = arith.constant 1 : i32
      %add3A_44 = arith.addi %mul3A_42, %add3A_43 : i32
      %jit3A_45 = arith.constant 2 : i32
      %div3A_46 = arith.divsi %add3A_44, %jit3A_45 : i32
      %sign3A_47 = arith.constant 0 : i32
      %sign3A_48 = arith.cmpi sgt, %add3A_44, %sign3A_47 : i32
      %sign3A_49 = arith.extui %sign3A_48 : i1 to i32
      %sign3A_50 = arith.constant 0 : i32
      %sign3A_51 = arith.cmpi slt, %add3A_44, %sign3A_50 : i32
      %sign3A_52 = arith.extui %sign3A_51 : i1 to i32
      %sign3A_53 = arith.subi %sign3A_49, %sign3A_52 : i32
      %sign3A_54 = arith.constant 0 : i32
      %sign3A_55 = arith.cmpi sgt, %jit3A_45, %sign3A_54 : i32
      %sign3A_56 = arith.extui %sign3A_55 : i1 to i32
      %sign3A_57 = arith.constant 0 : i32
      %sign3A_58 = arith.cmpi slt, %jit3A_45, %sign3A_57 : i32
      %sign3A_59 = arith.extui %sign3A_58 : i1 to i32
      %sign3A_60 = arith.subi %sign3A_56, %sign3A_59 : i32
      %ne3A_61 = arith.cmpi ne, %sign3A_53, %sign3A_60 : i32
      %rem3A_62 = arith.remsi %add3A_44, %jit3A_45 : i32
      %ne3A_63 = arith.constant 0 : i32
      %ne3A_64 = arith.cmpi ne, %rem3A_62, %ne3A_63 : i32
      %and3A_65 = arith.andi %ne3A_61, %ne3A_64 : i1
      %sub3A_66 = arith.constant 1 : i32
      %sub3A_67 = arith.subi %div3A_46, %sub3A_66 : i32
      %select_n3A_68 = arith.select %and3A_65, %sub3A_67, %div3A_46 : i32
      %mul3A_69 = arith.constant 2 : i32
      %mul3A_70 = arith.muli %select_n3A_68, %mul3A_69 : i32
      %sub3A_71 = arith.subi %add3A_44, %mul3A_70 : i32
      %mul3A_72 = arith.constant 16 : i32
      %mul3A_73 = arith.muli %sub3A_71, %mul3A_72 : i32
      %add3A_74 = arith.addi %mul3A_21, %mul3A_73 : i32
      %dma_start3A_75 = arith.constant 0 : i32
      %dma_start3A_76 = tpu.memref_slice %arg2[%select_n3A, %select_n3A_68, %add3A_74, %dma_start3A_75] : memref<2x7x512x512xi16, #tpu.memory_space<hbm>> -> memref<1x1x16x512xi16, #tpu.memory_space<hbm>>
      %dma_start3A_77 = tpu.memref_squeeze %dma_start3A_76 : memref<1x1x16x512xi16, #tpu.memory_space<hbm>> -> memref<16x512xi16, #tpu.memory_space<hbm>>
      %dma_start3A_78 = arith.constant 0 : i32
      %dma_start3A_79 = tpu.memref_slice %arg2[%select_n3A, %select_n3A_68, %add3A_74, %dma_start3A_78] : memref<2x7x512x512xi16, #tpu.memory_space<hbm>> -> memref<1x1x16x512xi16, #tpu.memory_space<hbm>>
      %dma_start3A_80 = tpu.memref_squeeze %dma_start3A_79 : memref<1x1x16x512xi16, #tpu.memory_space<hbm>> -> memref<16x512xi16, #tpu.memory_space<hbm>>
      tpu.enqueue_dma source(%dma_start3A_80 : memref<16x512xi16, #tpu.memory_space<hbm>>) target(%arg5 : memref<16x512xi16, #tpu.memory_space<vmem>>) target_semaphore(%arg8 : memref<!tpu.dma_semaphore, #tpu.memory_space<semaphore_mem>>)
      %dma_wait3A = arith.constant 0 : i32
      %dma_wait3A_81 = arith.constant 0 : i32
      %dma_wait3A_82 = arith.constant 0 : i32
      %dma_wait3A_83 = tpu.memref_slice %arg2[%select_n3A, %dma_wait3A, %dma_wait3A_81, %dma_wait3A_82] : memref<2x7x512x512xi16, #tpu.memory_space<hbm>> -> memref<1x1x16x512xi16, #tpu.memory_space<hbm>>
      %dma_wait3A_84 = tpu.memref_squeeze %dma_wait3A_83 : memref<1x1x16x512xi16, #tpu.memory_space<hbm>> -> memref<16x512xi16, #tpu.memory_space<hbm>>
      %dma_wait3A_85 = arith.constant 0 : i32
      %dma_wait3A_86 = arith.constant 0 : i32
      %dma_wait3A_87 = tpu.memref_slice %arg2[%select_n3A, %dma_wait3A, %dma_wait3A_85, %dma_wait3A_86] : memref<2x7x512x512xi16, #tpu.memory_space<hbm>> -> memref<1x1x16x512xi16, #tpu.memory_space<hbm>>
      %dma_wait3A_88 = tpu.memref_squeeze %dma_wait3A_87 : memref<1x1x16x512xi16, #tpu.memory_space<hbm>> -> memref<16x512xi16, #tpu.memory_space<hbm>>
      tpu.wait_dma2 semaphore(%arg7 : memref<!tpu.dma_semaphore, #tpu.memory_space<semaphore_mem>>) src(%dma_wait3A_88 : memref<16x512xi16, #tpu.memory_space<hbm>>) dst(%arg4 : memref<16x512xi16, #tpu.memory_space<vmem>>)
      %parallel_loop3A_89 = arith.constant 0 : i32
      %parallel_loop3A_90 = arith.constant 256 : i32
      %parallel_loop3A_91 = arith.constant 1 : i32
      scf.for %parallel_loop3A_108 = %parallel_loop3A_89 to %parallel_loop3A_90 step %parallel_loop3A_91  : i32 {
        %parallel_loop3A_109 = arith.constant 4 : i32
        %parallel_loop3A_110 = arith.shrsi %parallel_loop3A_108, %parallel_loop3A_109 : i32
        %parallel_loop3A_111 = arith.constant 15 : i32
        %parallel_loop3A_112 = arith.andi %parallel_loop3A_108, %parallel_loop3A_111 : i32
        %parallel_loop3A_113 = arith.constant 32 : i32
        %parallel_loop3A_114 = arith.muli %parallel_loop3A_112, %parallel_loop3A_113 : i32
        %parallel_loop3A_115 = arith.index_cast %parallel_loop3A_110 : i32 to index
        %parallel_loop3A_116 = arith.index_cast %parallel_loop3A_114 : i32 to index
        %parallel_loop3A_117 = tpu.vector_load %arg4[%parallel_loop3A_115, %parallel_loop3A_116] {strides = array<i32>} : memref<16x512xi16, #tpu.memory_space<vmem>>, vector<32xi16>,
        %parallel_loop3A_118 = tpu.unpack_subelements %parallel_loop3A_117, 0 {pack_format = #tpu.pack_format<interleaved>} : vector<32xi16> -> vector<16xi32>
        %parallel_loop3A_119 = tpu.unpack_subelements %parallel_loop3A_117, 1 {pack_format = #tpu.pack_format<interleaved>} : vector<32xi16> -> vector<16xi32>
        tpu.vector_store_idx %arg6[%parallel_loop3A_118], %broadcast_in_dim3A_24 {add = true} : memref<14336xf32, #tpu.memory_space<vmem>>[vector<16xi32>], vector<16xf32>,
        tpu.vector_store_idx %arg6[%parallel_loop3A_119], %broadcast_in_dim3A_24 {add = true} : memref<14336xf32, #tpu.memory_space<vmem>>[vector<16xi32>], vector<16xf32>,
      } {sc.loop_unroll_factor = 8 : i64, sc.parallel_access}
      %add3A_92 = arith.constant 2 : i32
      %add3A_93 = arith.addi %mul3A_42, %add3A_92 : i32
      %lt3A = arith.constant 14 : i32
      %lt3A_94 = arith.cmpi slt, %add3A_93, %lt3A : i32
      %convert_element_type3A = arith.extui %lt3A_94 : i1 to i32
      %cond3A = arith.constant 0 : i32
      %cond3A_95 = arith.cmpi ne, %convert_element_type3A, %cond3A : i32
      scf.if %cond3A_95 {
        %add3A_108 = arith.constant 2 : i32
        %add3A_109 = arith.addi %mul3A_42, %add3A_108 : i32
        %jit3A_110 = arith.constant 2 : i32
        %div3A_111 = arith.divsi %add3A_109, %jit3A_110 : i32
        %sign3A_112 = arith.constant 0 : i32
        %sign3A_113 = arith.cmpi sgt, %add3A_109, %sign3A_112 : i32
        %sign3A_114 = arith.extui %sign3A_113 : i1 to i32
        %sign3A_115 = arith.constant 0 : i32
        %sign3A_116 = arith.cmpi slt, %add3A_109, %sign3A_115 : i32
        %sign3A_117 = arith.extui %sign3A_116 : i1 to i32
        %sign3A_118 = arith.subi %sign3A_114, %sign3A_117 : i32
        %sign3A_119 = arith.constant 0 : i32
        %sign3A_120 = arith.cmpi sgt, %jit3A_110, %sign3A_119 : i32
        %sign3A_121 = arith.extui %sign3A_120 : i1 to i32
        %sign3A_122 = arith.constant 0 : i32
        %sign3A_123 = arith.cmpi slt, %jit3A_110, %sign3A_122 : i32
        %sign3A_124 = arith.extui %sign3A_123 : i1 to i32
        %sign3A_125 = arith.subi %sign3A_121, %sign3A_124 : i32
        %ne3A_126 = arith.cmpi ne, %sign3A_118, %sign3A_125 : i32
        %rem3A_127 = arith.remsi %add3A_109, %jit3A_110 : i32
        %ne3A_128 = arith.constant 0 : i32
        %ne3A_129 = arith.cmpi ne, %rem3A_127, %ne3A_128 : i32
        %and3A_130 = arith.andi %ne3A_126, %ne3A_129 : i1
        %sub3A_131 = arith.constant 1 : i32
        %sub3A_132 = arith.subi %div3A_111, %sub3A_131 : i32
        %select_n3A_133 = arith.select %and3A_130, %sub3A_132, %div3A_111 : i32
        %mul3A_134 = arith.constant 2 : i32
        %mul3A_135 = arith.muli %select_n3A_133, %mul3A_134 : i32
        %sub3A_136 = arith.subi %add3A_109, %mul3A_135 : i32
        %mul3A_137 = arith.constant 16 : i32
        %mul3A_138 = arith.muli %sub3A_136, %mul3A_137 : i32
        %add3A_139 = arith.addi %mul3A_21, %mul3A_138 : i32
        %dma_start3A_140 = arith.constant 0 : i32
        %dma_start3A_141 = tpu.memref_slice %arg2[%select_n3A, %select_n3A_133, %add3A_139, %dma_start3A_140] : memref<2x7x512x512xi16, #tpu.memory_space<hbm>> -> memref<1x1x16x512xi16, #tpu.memory_space<hbm>>
        %dma_start3A_142 = tpu.memref_squeeze %dma_start3A_141 : memref<1x1x16x512xi16, #tpu.memory_space<hbm>> -> memref<16x512xi16, #tpu.memory_space<hbm>>
        %dma_start3A_143 = arith.constant 0 : i32
        %dma_start3A_144 = tpu.memref_slice %arg2[%select_n3A, %select_n3A_133, %add3A_139, %dma_start3A_143] : memref<2x7x512x512xi16, #tpu.memory_space<hbm>> -> memref<1x1x16x512xi16, #tpu.memory_space<hbm>>
        %dma_start3A_145 = tpu.memref_squeeze %dma_start3A_144 : memref<1x1x16x512xi16, #tpu.memory_space<hbm>> -> memref<16x512xi16, #tpu.memory_space<hbm>>
        tpu.enqueue_dma source(%dma_start3A_145 : memref<16x512xi16, #tpu.memory_space<hbm>>) target(%arg4 : memref<16x512xi16, #tpu.memory_space<vmem>>) target_semaphore(%arg7 : memref<!tpu.dma_semaphore, #tpu.memory_space<semaphore_mem>>)
      } else {
      }
      %dma_wait3A_96 = arith.constant 0 : i32
      %dma_wait3A_97 = arith.constant 0 : i32
      %dma_wait3A_98 = arith.constant 0 : i32
      %dma_wait3A_99 = tpu.memref_slice %arg2[%select_n3A, %dma_wait3A_96, %dma_wait3A_97, %dma_wait3A_98] : memref<2x7x512x512xi16, #tpu.memory_space<hbm>> -> memref<1x1x16x512xi16, #tpu.memory_space<hbm>>
      %dma_wait3A_100 = tpu.memref_squeeze %dma_wait3A_99 : memref<1x1x16x512xi16, #tpu.memory_space<hbm>> -> memref<16x512xi16, #tpu.memory_space<hbm>>
      %dma_wait3A_101 = arith.constant 0 : i32
      %dma_wait3A_102 = arith.constant 0 : i32
      %dma_wait3A_103 = tpu.memref_slice %arg2[%select_n3A, %dma_wait3A_96, %dma_wait3A_101, %dma_wait3A_102] : memref<2x7x512x512xi16, #tpu.memory_space<hbm>> -> memref<1x1x16x512xi16, #tpu.memory_space<hbm>>
      %dma_wait3A_104 = tpu.memref_squeeze %dma_wait3A_103 : memref<1x1x16x512xi16, #tpu.memory_space<hbm>> -> memref<16x512xi16, #tpu.memory_space<hbm>>
      tpu.wait_dma2 semaphore(%arg8 : memref<!tpu.dma_semaphore, #tpu.memory_space<semaphore_mem>>) src(%dma_wait3A_104 : memref<16x512xi16, #tpu.memory_space<hbm>>) dst(%arg5 : memref<16x512xi16, #tpu.memory_space<vmem>>)
      %parallel_loop3A_105 = arith.constant 0 : i32
      %parallel_loop3A_106 = arith.constant 256 : i32
      %parallel_loop3A_107 = arith.constant 1 : i32
      scf.for %parallel_loop3A_108 = %parallel_loop3A_105 to %parallel_loop3A_106 step %parallel_loop3A_107  : i32 {
        %parallel_loop3A_109 = arith.constant 4 : i32
        %parallel_loop3A_110 = arith.shrsi %parallel_loop3A_108, %parallel_loop3A_109 : i32
        %parallel_loop3A_111 = arith.constant 15 : i32
        %parallel_loop3A_112 = arith.andi %parallel_loop3A_108, %parallel_loop3A_111 : i32
        %parallel_loop3A_113 = arith.constant 32 : i32
        %parallel_loop3A_114 = arith.muli %parallel_loop3A_112, %parallel_loop3A_113 : i32
        %parallel_loop3A_115 = arith.index_cast %parallel_loop3A_110 : i32 to index
        %parallel_loop3A_116 = arith.index_cast %parallel_loop3A_114 : i32 to index
        %parallel_loop3A_117 = tpu.vector_load %arg5[%parallel_loop3A_115, %parallel_loop3A_116] {strides = array<i32>} : memref<16x512xi16, #tpu.memory_space<vmem>>, vector<32xi16>,
        %parallel_loop3A_118 = tpu.unpack_subelements %parallel_loop3A_117, 0 {pack_format = #tpu.pack_format<interleaved>} : vector<32xi16> -> vector<16xi32>
        %parallel_loop3A_119 = tpu.unpack_subelements %parallel_loop3A_117, 1 {pack_format = #tpu.pack_format<interleaved>} : vector<32xi16> -> vector<16xi32>
        tpu.vector_store_idx %arg6[%parallel_loop3A_118], %broadcast_in_dim3A_24 {add = true} : memref<14336xf32, #tpu.memory_space<vmem>>[vector<16xi32>], vector<16xf32>,
        tpu.vector_store_idx %arg6[%parallel_loop3A_119], %broadcast_in_dim3A_24 {add = true} : memref<14336xf32, #tpu.memory_space<vmem>>[vector<16xi32>], vector<16xf32>,
      } {sc.loop_unroll_factor = 8 : i64, sc.parallel_access}
    }
    %scan3A_39 = arith.constant 7 : i32
    "tpu.region"() ({
      %run_scoped3A = tpu.sem_alloc : memref<!tpu.dma_semaphore, #tpu.memory_space<semaphore_mem>>
      %dma_start3A_40 = arith.constant 0 : i32
      %dma_start3A_41 = tpu.memref_slice %arg3[%add3A, %dma_start3A_40] : memref<32x14336xf32, #tpu.memory_space<hbm>> -> memref<1x14336xf32, #tpu.memory_space<hbm>>
      %dma_start3A_42 = tpu.memref_squeeze %dma_start3A_41 : memref<1x14336xf32, #tpu.memory_space<hbm>> -> memref<14336xf32, #tpu.memory_space<hbm>>
      %dma_start3A_43 = arith.constant 0 : i32
      %dma_start3A_44 = tpu.memref_slice %arg3[%add3A, %dma_start3A_43] : memref<32x14336xf32, #tpu.memory_space<hbm>> -> memref<1x14336xf32, #tpu.memory_space<hbm>>
      %dma_start3A_45 = tpu.memref_squeeze %dma_start3A_44 : memref<1x14336xf32, #tpu.memory_space<hbm>> -> memref<14336xf32, #tpu.memory_space<hbm>>
      tpu.enqueue_dma source(%arg6 : memref<14336xf32, #tpu.memory_space<vmem>>) target(%dma_start3A_45 : memref<14336xf32, #tpu.memory_space<hbm>>) target_semaphore(%run_scoped3A : memref<!tpu.dma_semaphore, #tpu.memory_space<semaphore_mem>>)
      %dma_wait3A = arith.constant 0 : i32
      %dma_wait3A_46 = tpu.memref_slice %arg3[%add3A, %dma_wait3A] : memref<32x14336xf32, #tpu.memory_space<hbm>> -> memref<1x14336xf32, #tpu.memory_space<hbm>>
      %dma_wait3A_47 = tpu.memref_squeeze %dma_wait3A_46 : memref<1x14336xf32, #tpu.memory_space<hbm>> -> memref<14336xf32, #tpu.memory_space<hbm>>
      %dma_wait3A_48 = arith.constant 0 : i32
      %dma_wait3A_49 = tpu.memref_slice %arg3[%add3A, %dma_wait3A_48] : memref<32x14336xf32, #tpu.memory_space<hbm>> -> memref<1x14336xf32, #tpu.memory_space<hbm>>
      %dma_wait3A_50 = tpu.memref_squeeze %dma_wait3A_49 : memref<1x14336xf32, #tpu.memory_space<hbm>> -> memref<14336xf32, #tpu.memory_space<hbm>>
      tpu.wait_dma2 semaphore(%run_scoped3A : memref<!tpu.dma_semaphore, #tpu.memory_space<semaphore_mem>>) src(%arg6 : memref<14336xf32, #tpu.memory_space<vmem>>) dst(%dma_wait3A_50 : memref<14336xf32, #tpu.memory_space<hbm>>)
      tpu.yield
    }) : () -> ()
    return
  }
}

#map = affine_map<(d0, d1) -> (0, 0, 0, 0)>
#map1 = affine_map<(d0, d1) -> (0, 0)>
module attributes {stable_mosaic.version = 14 : i64} {
  func.func @_sc_hist_body(%arg0: i32, %arg1: i32, %arg2: memref<2x7x512x512xi16, #tpu.memory_space<hbm>>, %arg3: memref<32x14336xf32, #tpu.memory_space<hbm>>, %arg4: memref<16x512xi16, #tpu.memory_space<vmem>>, %arg5: memref<16x512xi16, #tpu.memory_space<vmem>>, %arg6: memref<14336xf32, #tpu.memory_space<vmem>>, %arg7: memref<!tpu.dma_semaphore, #tpu.memory_space<semaphore_mem>>, %arg8: memref<!tpu.dma_semaphore, #tpu.memory_space<semaphore_mem>>) attributes {dimension_semantics = [#tpu.dimension_semantics<core_parallel>, #tpu.dimension_semantics<subcore_parallel>], iteration_bounds = array<i64: 2, 16>, scalar_prefetch = 0 : i64, scratch_operands = 5 : i64, tpu.core_type = #tpu.core_type<sc_vector_subcore>, window_params = [{transform_indices = #map}, {transform_indices = #map1}]} {
    %mul3A = arith.constant 2 : i32
    %mul3A_0 = arith.muli %arg1, %mul3A : i32
    %add3A = arith.addi %mul3A_0, %arg0 : i32
    %jit3A = arith.constant 16 : i32
    %div3A = arith.divsi %add3A, %jit3A : i32
    %sign3A = arith.constant 0 : i32
    %sign3A_1 = arith.cmpi sgt, %add3A, %sign3A : i32
    %sign3A_2 = arith.extui %sign3A_1 : i1 to i32
    %sign3A_3 = arith.constant 0 : i32
    %sign3A_4 = arith.cmpi slt, %add3A, %sign3A_3 : i32
    %sign3A_5 = arith.extui %sign3A_4 : i1 to i32
    %sign3A_6 = arith.subi %sign3A_2, %sign3A_5 : i32
    %sign3A_7 = arith.constant 0 : i32
    %sign3A_8 = arith.cmpi sgt, %jit3A, %sign3A_7 : i32
    %sign3A_9 = arith.extui %sign3A_8 : i1 to i32
    %sign3A_10 = arith.constant 0 : i32
    %sign3A_11 = arith.cmpi slt, %jit3A, %sign3A_10 : i32
    %sign3A_12 = arith.extui %sign3A_11 : i1 to i32
    %sign3A_13 = arith.subi %sign3A_9, %sign3A_12 : i32
    %ne3A = arith.cmpi ne, %sign3A_6, %sign3A_13 : i32
    %rem3A = arith.remsi %add3A, %jit3A : i32
    %ne3A_14 = arith.constant 0 : i32
    %ne3A_15 = arith.cmpi ne, %rem3A, %ne3A_14 : i32
    %and3A = arith.andi %ne3A, %ne3A_15 : i1
    %sub3A = arith.constant 1 : i32
    %sub3A_16 = arith.subi %div3A, %sub3A : i32
    %select_n3A = arith.select %and3A, %sub3A_16, %div3A : i32
    %mul3A_17 = arith.constant 16 : i32
    %mul3A_18 = arith.muli %select_n3A, %mul3A_17 : i32
    %sub3A_19 = arith.subi %add3A, %mul3A_18 : i32
    %mul3A_20 = arith.constant 32 : i32
    %mul3A_21 = arith.muli %sub3A_19, %mul3A_20 : i32
    %broadcast_in_dim3A = arith.constant 0.000000e+00 : f32
    %broadcast_in_dim3A_22 = vector.broadcast %broadcast_in_dim3A : f32 to vector<16xf32>
    %broadcast_in_dim3A_23 = arith.constant 1.000000e+00 : f32
    %broadcast_in_dim3A_24 = vector.broadcast %broadcast_in_dim3A_23 : f32 to vector<16xf32>
    %parallel_loop3A = arith.constant 0 : i32
    %parallel_loop3A_25 = arith.constant 896 : i32
    %parallel_loop3A_26 = arith.constant 1 : i32
    scf.for %parallel_loop3A_40 = %parallel_loop3A to %parallel_loop3A_25 step %parallel_loop3A_26  : i32 {
      %parallel_loop3A_41 = arith.constant 16 : i32
      %parallel_loop3A_42 = arith.muli %parallel_loop3A_40, %parallel_loop3A_41 : i32
      %parallel_loop3A_43 = arith.index_cast %parallel_loop3A_42 : i32 to index
      %parallel_loop3A_44 = tpu.vector_load %arg6[%parallel_loop3A_43] {strides = array<i32>} : memref<14336xf32, #tpu.memory_space<vmem>>, vector<16xf32>,
      tpu.vector_store %arg6[%parallel_loop3A_43], %broadcast_in_dim3A_22 {strides = array<i32>} : memref<14336xf32, #tpu.memory_space<vmem>>, vector<16xf32>,
    } {sc.loop_unroll_factor = 8 : i64, sc.parallel_access}
    %add3A_27 = arith.constant 0 : i32
    %add3A_28 = arith.addi %mul3A_21, %add3A_27 : i32
    %dma_start3A = arith.constant 0 : i32
    %dma_start3A_29 = arith.constant 0 : i32
    %dma_start3A_30 = tpu.memref_slice %arg2[%select_n3A, %dma_start3A, %add3A_28, %dma_start3A_29] : memref<2x7x512x512xi16, #tpu.memory_space<hbm>> -> memref<1x1x16x512xi16, #tpu.memory_space<hbm>>
    %dma_start3A_31 = tpu.memref_squeeze %dma_start3A_30 : memref<1x1x16x512xi16, #tpu.memory_space<hbm>> -> memref<16x512xi16, #tpu.memory_space<hbm>>
    %dma_start3A_32 = arith.constant 0 : i32
    %dma_start3A_33 = tpu.memref_slice %arg2[%select_n3A, %dma_start3A, %add3A_28, %dma_start3A_32] : memref<2x7x512x512xi16, #tpu.memory_space<hbm>> -> memref<1x1x16x512xi16, #tpu.memory_space<hbm>>
    %dma_start3A_34 = tpu.memref_squeeze %dma_start3A_33 : memref<1x1x16x512xi16, #tpu.memory_space<hbm>> -> memref<16x512xi16, #tpu.memory_space<hbm>>
    tpu.enqueue_dma source(%dma_start3A_34 : memref<16x512xi16, #tpu.memory_space<hbm>>) target(%arg4 : memref<16x512xi16, #tpu.memory_space<vmem>>) target_semaphore(%arg7 : memref<!tpu.dma_semaphore, #tpu.memory_space<semaphore_mem>>)
    %scan3A = arith.constant 0 : i32
    %scan3A_35 = arith.constant 0 : i32
    %scan3A_36 = arith.constant 7 : i32
    %scan3A_37 = arith.addi %scan3A_35, %scan3A_36 : i32
    %scan3A_38 = arith.constant 1 : i32
    scf.for %scan3A_40 = %scan3A_35 to %scan3A_37 step %scan3A_38  : i32 {
      %mul3A_41 = arith.constant 2 : i32
      %mul3A_42 = arith.muli %scan3A_40, %mul3A_41 : i32
      %add3A_43 = arith.constant 1 : i32
      %add3A_44 = arith.addi %mul3A_42, %add3A_43 : i32
      %jit3A_45 = arith.constant 2 : i32
      %div3A_46 = arith.divsi %add3A_44, %jit3A_45 : i32
      %sign3A_47 = arith.constant 0 : i32
      %sign3A_48 = arith.cmpi sgt, %add3A_44, %sign3A_47 : i32
      %sign3A_49 = arith.extui %sign3A_48 : i1 to i32
      %sign3A_50 = arith.constant 0 : i32
      %sign3A_51 = arith.cmpi slt, %add3A_44, %sign3A_50 : i32
      %sign3A_52 = arith.extui %sign3A_51 : i1 to i32
      %sign3A_53 = arith.subi %sign3A_49, %sign3A_52 : i32
      %sign3A_54 = arith.constant 0 : i32
      %sign3A_55 = arith.cmpi sgt, %jit3A_45, %sign3A_54 : i32
      %sign3A_56 = arith.extui %sign3A_55 : i1 to i32
      %sign3A_57 = arith.constant 0 : i32
      %sign3A_58 = arith.cmpi slt, %jit3A_45, %sign3A_57 : i32
      %sign3A_59 = arith.extui %sign3A_58 : i1 to i32
      %sign3A_60 = arith.subi %sign3A_56, %sign3A_59 : i32
      %ne3A_61 = arith.cmpi ne, %sign3A_53, %sign3A_60 : i32
      %rem3A_62 = arith.remsi %add3A_44, %jit3A_45 : i32
      %ne3A_63 = arith.constant 0 : i32
      %ne3A_64 = arith.cmpi ne, %rem3A_62, %ne3A_63 : i32
      %and3A_65 = arith.andi %ne3A_61, %ne3A_64 : i1
      %sub3A_66 = arith.constant 1 : i32
      %sub3A_67 = arith.subi %div3A_46, %sub3A_66 : i32
      %select_n3A_68 = arith.select %and3A_65, %sub3A_67, %div3A_46 : i32
      %mul3A_69 = arith.constant 2 : i32
      %mul3A_70 = arith.muli %select_n3A_68, %mul3A_69 : i32
      %sub3A_71 = arith.subi %add3A_44, %mul3A_70 : i32
      %mul3A_72 = arith.constant 16 : i32
      %mul3A_73 = arith.muli %sub3A_71, %mul3A_72 : i32
      %add3A_74 = arith.addi %mul3A_21, %mul3A_73 : i32
      %dma_start3A_75 = arith.constant 0 : i32
      %dma_start3A_76 = tpu.memref_slice %arg2[%select_n3A, %select_n3A_68, %add3A_74, %dma_start3A_75] : memref<2x7x512x512xi16, #tpu.memory_space<hbm>> -> memref<1x1x16x512xi16, #tpu.memory_space<hbm>>
      %dma_start3A_77 = tpu.memref_squeeze %dma_start3A_76 : memref<1x1x16x512xi16, #tpu.memory_space<hbm>> -> memref<16x512xi16, #tpu.memory_space<hbm>>
      %dma_start3A_78 = arith.constant 0 : i32
      %dma_start3A_79 = tpu.memref_slice %arg2[%select_n3A, %select_n3A_68, %add3A_74, %dma_start3A_78] : memref<2x7x512x512xi16, #tpu.memory_space<hbm>> -> memref<1x1x16x512xi16, #tpu.memory_space<hbm>>
      %dma_start3A_80 = tpu.memref_squeeze %dma_start3A_79 : memref<1x1x16x512xi16, #tpu.memory_space<hbm>> -> memref<16x512xi16, #tpu.memory_space<hbm>>
      tpu.enqueue_dma source(%dma_start3A_80 : memref<16x512xi16, #tpu.memory_space<hbm>>) target(%arg5 : memref<16x512xi16, #tpu.memory_space<vmem>>) target_semaphore(%arg8 : memref<!tpu.dma_semaphore, #tpu.memory_space<semaphore_mem>>)
      %dma_wait3A = arith.constant 0 : i32
      %dma_wait3A_81 = arith.constant 0 : i32
      %dma_wait3A_82 = arith.constant 0 : i32
      %dma_wait3A_83 = tpu.memref_slice %arg2[%select_n3A, %dma_wait3A, %dma_wait3A_81, %dma_wait3A_82] : memref<2x7x512x512xi16, #tpu.memory_space<hbm>> -> memref<1x1x16x512xi16, #tpu.memory_space<hbm>>
      %dma_wait3A_84 = tpu.memref_squeeze %dma_wait3A_83 : memref<1x1x16x512xi16, #tpu.memory_space<hbm>> -> memref<16x512xi16, #tpu.memory_space<hbm>>
      %dma_wait3A_85 = arith.constant 0 : i32
      %dma_wait3A_86 = arith.constant 0 : i32
      %dma_wait3A_87 = tpu.memref_slice %arg2[%select_n3A, %dma_wait3A, %dma_wait3A_85, %dma_wait3A_86] : memref<2x7x512x512xi16, #tpu.memory_space<hbm>> -> memref<1x1x16x512xi16, #tpu.memory_space<hbm>>
      %dma_wait3A_88 = tpu.memref_squeeze %dma_wait3A_87 : memref<1x1x16x512xi16, #tpu.memory_space<hbm>> -> memref<16x512xi16, #tpu.memory_space<hbm>>
      tpu.wait_dma2 semaphore(%arg7 : memref<!tpu.dma_semaphore, #tpu.memory_space<semaphore_mem>>) src(%dma_wait3A_88 : memref<16x512xi16, #tpu.memory_space<hbm>>) dst(%arg4 : memref<16x512xi16, #tpu.memory_space<vmem>>)
      %parallel_loop3A_89 = arith.constant 0 : i32
      %parallel_loop3A_90 = arith.constant 256 : i32
      %parallel_loop3A_91 = arith.constant 1 : i32
      scf.for %parallel_loop3A_108 = %parallel_loop3A_89 to %parallel_loop3A_90 step %parallel_loop3A_91  : i32 {
        %parallel_loop3A_109 = arith.constant 4 : i32
        %parallel_loop3A_110 = arith.shrsi %parallel_loop3A_108, %parallel_loop3A_109 : i32
        %parallel_loop3A_111 = arith.constant 15 : i32
        %parallel_loop3A_112 = arith.andi %parallel_loop3A_108, %parallel_loop3A_111 : i32
        %parallel_loop3A_113 = arith.constant 32 : i32
        %parallel_loop3A_114 = arith.muli %parallel_loop3A_112, %parallel_loop3A_113 : i32
        %parallel_loop3A_115 = arith.index_cast %parallel_loop3A_110 : i32 to index
        %parallel_loop3A_116 = arith.index_cast %parallel_loop3A_114 : i32 to index
        %parallel_loop3A_117 = tpu.vector_load %arg4[%parallel_loop3A_115, %parallel_loop3A_116] {strides = array<i32>} : memref<16x512xi16, #tpu.memory_space<vmem>>, vector<32xi16>,
        %parallel_loop3A_118 = tpu.unpack_subelements %parallel_loop3A_117, 0 {pack_format = #tpu.pack_format<interleaved>} : vector<32xi16> -> vector<16xi32>
        %parallel_loop3A_119 = tpu.unpack_subelements %parallel_loop3A_117, 1 {pack_format = #tpu.pack_format<interleaved>} : vector<32xi16> -> vector<16xi32>
        tpu.vector_store_idx %arg6[%parallel_loop3A_118], %broadcast_in_dim3A_24 {add = true} : memref<14336xf32, #tpu.memory_space<vmem>>[vector<16xi32>], vector<16xf32>,
        tpu.vector_store_idx %arg6[%parallel_loop3A_119], %broadcast_in_dim3A_24 {add = true} : memref<14336xf32, #tpu.memory_space<vmem>>[vector<16xi32>], vector<16xf32>,
      } {sc.loop_unroll_factor = 8 : i64, sc.parallel_access}
      %add3A_92 = arith.constant 2 : i32
      %add3A_93 = arith.addi %mul3A_42, %add3A_92 : i32
      %lt3A = arith.constant 14 : i32
      %lt3A_94 = arith.cmpi slt, %add3A_93, %lt3A : i32
      %convert_element_type3A = arith.extui %lt3A_94 : i1 to i32
      %cond3A = arith.constant 0 : i32
      %cond3A_95 = arith.cmpi ne, %convert_element_type3A, %cond3A : i32
      scf.if %cond3A_95 {
        %add3A_108 = arith.constant 2 : i32
        %add3A_109 = arith.addi %mul3A_42, %add3A_108 : i32
        %jit3A_110 = arith.constant 2 : i32
        %div3A_111 = arith.divsi %add3A_109, %jit3A_110 : i32
        %sign3A_112 = arith.constant 0 : i32
        %sign3A_113 = arith.cmpi sgt, %add3A_109, %sign3A_112 : i32
        %sign3A_114 = arith.extui %sign3A_113 : i1 to i32
        %sign3A_115 = arith.constant 0 : i32
        %sign3A_116 = arith.cmpi slt, %add3A_109, %sign3A_115 : i32
        %sign3A_117 = arith.extui %sign3A_116 : i1 to i32
        %sign3A_118 = arith.subi %sign3A_114, %sign3A_117 : i32
        %sign3A_119 = arith.constant 0 : i32
        %sign3A_120 = arith.cmpi sgt, %jit3A_110, %sign3A_119 : i32
        %sign3A_121 = arith.extui %sign3A_120 : i1 to i32
        %sign3A_122 = arith.constant 0 : i32
        %sign3A_123 = arith.cmpi slt, %jit3A_110, %sign3A_122 : i32
        %sign3A_124 = arith.extui %sign3A_123 : i1 to i32
        %sign3A_125 = arith.subi %sign3A_121, %sign3A_124 : i32
        %ne3A_126 = arith.cmpi ne, %sign3A_118, %sign3A_125 : i32
        %rem3A_127 = arith.remsi %add3A_109, %jit3A_110 : i32
        %ne3A_128 = arith.constant 0 : i32
        %ne3A_129 = arith.cmpi ne, %rem3A_127, %ne3A_128 : i32
        %and3A_130 = arith.andi %ne3A_126, %ne3A_129 : i1
        %sub3A_131 = arith.constant 1 : i32
        %sub3A_132 = arith.subi %div3A_111, %sub3A_131 : i32
        %select_n3A_133 = arith.select %and3A_130, %sub3A_132, %div3A_111 : i32
        %mul3A_134 = arith.constant 2 : i32
        %mul3A_135 = arith.muli %select_n3A_133, %mul3A_134 : i32
        %sub3A_136 = arith.subi %add3A_109, %mul3A_135 : i32
        %mul3A_137 = arith.constant 16 : i32
        %mul3A_138 = arith.muli %sub3A_136, %mul3A_137 : i32
        %add3A_139 = arith.addi %mul3A_21, %mul3A_138 : i32
        %dma_start3A_140 = arith.constant 0 : i32
        %dma_start3A_141 = tpu.memref_slice %arg2[%select_n3A, %select_n3A_133, %add3A_139, %dma_start3A_140] : memref<2x7x512x512xi16, #tpu.memory_space<hbm>> -> memref<1x1x16x512xi16, #tpu.memory_space<hbm>>
        %dma_start3A_142 = tpu.memref_squeeze %dma_start3A_141 : memref<1x1x16x512xi16, #tpu.memory_space<hbm>> -> memref<16x512xi16, #tpu.memory_space<hbm>>
        %dma_start3A_143 = arith.constant 0 : i32
        %dma_start3A_144 = tpu.memref_slice %arg2[%select_n3A, %select_n3A_133, %add3A_139, %dma_start3A_143] : memref<2x7x512x512xi16, #tpu.memory_space<hbm>> -> memref<1x1x16x512xi16, #tpu.memory_space<hbm>>
        %dma_start3A_145 = tpu.memref_squeeze %dma_start3A_144 : memref<1x1x16x512xi16, #tpu.memory_space<hbm>> -> memref<16x512xi16, #tpu.memory_space<hbm>>
        tpu.enqueue_dma source(%dma_start3A_145 : memref<16x512xi16, #tpu.memory_space<hbm>>) target(%arg4 : memref<16x512xi16, #tpu.memory_space<vmem>>) target_semaphore(%arg7 : memref<!tpu.dma_semaphore, #tpu.memory_space<semaphore_mem>>)
      } else {
      }
      %dma_wait3A_96 = arith.constant 0 : i32
      %dma_wait3A_97 = arith.constant 0 : i32
      %dma_wait3A_98 = arith.constant 0 : i32
      %dma_wait3A_99 = tpu.memref_slice %arg2[%select_n3A, %dma_wait3A_96, %dma_wait3A_97, %dma_wait3A_98] : memref<2x7x512x512xi16, #tpu.memory_space<hbm>> -> memref<1x1x16x512xi16, #tpu.memory_space<hbm>>
      %dma_wait3A_100 = tpu.memref_squeeze %dma_wait3A_99 : memref<1x1x16x512xi16, #tpu.memory_space<hbm>> -> memref<16x512xi16, #tpu.memory_space<hbm>>
      %dma_wait3A_101 = arith.constant 0 : i32
      %dma_wait3A_102 = arith.constant 0 : i32
      %dma_wait3A_103 = tpu.memref_slice %arg2[%select_n3A, %dma_wait3A_96, %dma_wait3A_101, %dma_wait3A_102] : memref<2x7x512x512xi16, #tpu.memory_space<hbm>> -> memref<1x1x16x512xi16, #tpu.memory_space<hbm>>
      %dma_wait3A_104 = tpu.memref_squeeze %dma_wait3A_103 : memref<1x1x16x512xi16, #tpu.memory_space<hbm>> -> memref<16x512xi16, #tpu.memory_space<hbm>>
      tpu.wait_dma2 semaphore(%arg8 : memref<!tpu.dma_semaphore, #tpu.memory_space<semaphore_mem>>) src(%dma_wait3A_104 : memref<16x512xi16, #tpu.memory_space<hbm>>) dst(%arg5 : memref<16x512xi16, #tpu.memory_space<vmem>>)
      %parallel_loop3A_105 = arith.constant 0 : i32
      %parallel_loop3A_106 = arith.constant 256 : i32
      %parallel_loop3A_107 = arith.constant 1 : i32
      scf.for %parallel_loop3A_108 = %parallel_loop3A_105 to %parallel_loop3A_106 step %parallel_loop3A_107  : i32 {
        %parallel_loop3A_109 = arith.constant 4 : i32
        %parallel_loop3A_110 = arith.shrsi %parallel_loop3A_108, %parallel_loop3A_109 : i32
        %parallel_loop3A_111 = arith.constant 15 : i32
        %parallel_loop3A_112 = arith.andi %parallel_loop3A_108, %parallel_loop3A_111 : i32
        %parallel_loop3A_113 = arith.constant 32 : i32
        %parallel_loop3A_114 = arith.muli %parallel_loop3A_112, %parallel_loop3A_113 : i32
        %parallel_loop3A_115 = arith.index_cast %parallel_loop3A_110 : i32 to index
        %parallel_loop3A_116 = arith.index_cast %parallel_loop3A_114 : i32 to index
        %parallel_loop3A_117 = tpu.vector_load %arg5[%parallel_loop3A_115, %parallel_loop3A_116] {strides = array<i32>} : memref<16x512xi16, #tpu.memory_space<vmem>>, vector<32xi16>,
        %parallel_loop3A_118 = tpu.unpack_subelements %parallel_loop3A_117, 0 {pack_format = #tpu.pack_format<interleaved>} : vector<32xi16> -> vector<16xi32>
        %parallel_loop3A_119 = tpu.unpack_subelements %parallel_loop3A_117, 1 {pack_format = #tpu.pack_format<interleaved>} : vector<32xi16> -> vector<16xi32>
        tpu.vector_store_idx %arg6[%parallel_loop3A_118], %broadcast_in_dim3A_24 {add = true} : memref<14336xf32, #tpu.memory_space<vmem>>[vector<16xi32>], vector<16xf32>,
        tpu.vector_store_idx %arg6[%parallel_loop3A_119], %broadcast_in_dim3A_24 {add = true} : memref<14336xf32, #tpu.memory_space<vmem>>[vector<16xi32>], vector<16xf32>,
      } {sc.loop_unroll_factor = 8 : i64, sc.parallel_access}
    }
    %scan3A_39 = arith.constant 7 : i32
    "tpu.region"() ({
      %run_scoped3A = tpu.sem_alloc : memref<!tpu.dma_semaphore, #tpu.memory_space<semaphore_mem>>
      %dma_start3A_40 = arith.constant 0 : i32
      %dma_start3A_41 = tpu.memref_slice %arg3[%add3A, %dma_start3A_40] : memref<32x14336xf32, #tpu.memory_space<hbm>> -> memref<1x14336xf32, #tpu.memory_space<hbm>>
      %dma_start3A_42 = tpu.memref_squeeze %dma_start3A_41 : memref<1x14336xf32, #tpu.memory_space<hbm>> -> memref<14336xf32, #tpu.memory_space<hbm>>
      %dma_start3A_43 = arith.constant 0 : i32
      %dma_start3A_44 = tpu.memref_slice %arg3[%add3A, %dma_start3A_43] : memref<32x14336xf32, #tpu.memory_space<hbm>> -> memref<1x14336xf32, #tpu.memory_space<hbm>>
      %dma_start3A_45 = tpu.memref_squeeze %dma_start3A_44 : memref<1x14336xf32, #tpu.memory_space<hbm>> -> memref<14336xf32, #tpu.memory_space<hbm>>
      tpu.enqueue_dma source(%arg6 : memref<14336xf32, #tpu.memory_space<vmem>>) target(%dma_start3A_45 : memref<14336xf32, #tpu.memory_space<hbm>>) target_semaphore(%run_scoped3A : memref<!tpu.dma_semaphore, #tpu.memory_space<semaphore_mem>>)
      %dma_wait3A = arith.constant 0 : i32
      %dma_wait3A_46 = tpu.memref_slice %arg3[%add3A, %dma_wait3A] : memref<32x14336xf32, #tpu.memory_space<hbm>> -> memref<1x14336xf32, #tpu.memory_space<hbm>>
      %dma_wait3A_47 = tpu.memref_squeeze %dma_wait3A_46 : memref<1x14336xf32, #tpu.memory_space<hbm>> -> memref<14336xf32, #tpu.memory_space<hbm>>
      %dma_wait3A_48 = arith.constant 0 : i32
      %dma_wait3A_49 = tpu.memref_slice %arg3[%add3A, %dma_wait3A_48] : memref<32x14336xf32, #tpu.memory_space<hbm>> -> memref<1x14336xf32, #tpu.memory_space<hbm>>
      %dma_wait3A_50 = tpu.memref_squeeze %dma_wait3A_49 : memref<1x14336xf32, #tpu.memory_space<hbm>> -> memref<14336xf32, #tpu.memory_space<hbm>>
      tpu.wait_dma2 semaphore(%run_scoped3A : memref<!tpu.dma_semaphore, #tpu.memory_space<semaphore_mem>>) src(%arg6 : memref<14336xf32, #tpu.memory_space<vmem>>) dst(%dma_wait3A_50 : memref<14336xf32, #tpu.memory_space<hbm>>)
      tpu.yield
    }) : () -> ()
    return
  }
}

module attributes {stable_mosaic.version = 14 : i64} {
  func.func @_pass3_body(%arg0: memref<32x14336xf32, #tpu.memory_space<vmem>>, %arg1: memref<32x14336xf32, #tpu.memory_space<vmem>>, %arg2: memref<4x6x128xf32, #tpu.memory_space<smem>>, %arg3: memref<2x1xf32, #tpu.memory_space<smem>>, %arg4: memref<2x1xf32, #tpu.memory_space<smem>>, %arg5: memref<1x1xf32, #tpu.memory_space<smem>>) attributes {dimension_semantics = [], scalar_prefetch = 0 : i64, scratch_operands = 0 : i64, tpu.core_type = #tpu.core_type<tc>} {
    %iota3A = tpu.iota {dimensions = array<i32: 0>} : vector<1024x1024xi32>
    %iota3A_0 = tpu.iota {dimensions = array<i32: 1>} : vector<1024x1024xi32>
    %ge3A = arith.cmpi sge, %iota3A, %iota3A_0 : vector<1024x1024xi32>
    %convert_element_type3A = arith.extui %ge3A : vector<1024x1024xi1> to vector<1024x1024xi32>
    %convert_element_type3A_1 = arith.sitofp %convert_element_type3A : vector<1024x1024xi32> to vector<1024x1024xf32>
    %get3A = arith.constant 0 : index
    %get3A_2 = arith.constant 0 : index
    %get3A_3 = vector.load %arg0[%get3A, %get3A_2] : memref<32x14336xf32, #tpu.memory_space<vmem>>, vector<16x14336xf32>
    %reduce_sum3A = arith.constant dense<0.000000e+00> : vector<14336xf32>
    %reduce_sum3A_4 = vector.multi_reduction <add>, %get3A_3, %reduce_sum3A [0] : vector<16x14336xf32> to vector<14336xf32>
    %broadcast_in_dim3A = vector.shape_cast %reduce_sum3A_4 : vector<14336xf32> to vector<1x14336xf32>
    %slice3A = vector.extract_strided_slice %broadcast_in_dim3A {offsets = [0, 0], sizes = [1, 1024], strides = [1, 1]} : vector<1x14336xf32> to vector<1x1024xf32>
    %slice3A_5 = vector.extract_strided_slice %broadcast_in_dim3A {offsets = [0, 1024], sizes = [1, 1024], strides = [1, 1]} : vector<1x14336xf32> to vector<1x1024xf32>
    %slice3A_6 = vector.extract_strided_slice %broadcast_in_dim3A {offsets = [0, 2048], sizes = [1, 1024], strides = [1, 1]} : vector<1x14336xf32> to vector<1x1024xf32>
    %slice3A_7 = vector.extract_strided_slice %broadcast_in_dim3A {offsets = [0, 3072], sizes = [1, 1024], strides = [1, 1]} : vector<1x14336xf32> to vector<1x1024xf32>
    %slice3A_8 = vector.extract_strided_slice %broadcast_in_dim3A {offsets = [0, 4096], sizes = [1, 1024], strides = [1, 1]} : vector<1x14336xf32> to vector<1x1024xf32>
    %slice3A_9 = vector.extract_strided_slice %broadcast_in_dim3A {offsets = [0, 5120], sizes = [1, 1024], strides = [1, 1]} : vector<1x14336xf32> to vector<1x1024xf32>
    %slice3A_10 = vector.extract_strided_slice %broadcast_in_dim3A {offsets = [0, 6144], sizes = [1, 1024], strides = [1, 1]} : vector<1x14336xf32> to vector<1x1024xf32>
    %slice3A_11 = vector.extract_strided_slice %broadcast_in_dim3A {offsets = [0, 7168], sizes = [1, 1024], strides = [1, 1]} : vector<1x14336xf32> to vector<1x1024xf32>
    %slice3A_12 = vector.extract_strided_slice %broadcast_in_dim3A {offsets = [0, 8192], sizes = [1, 1024], strides = [1, 1]} : vector<1x14336xf32> to vector<1x1024xf32>
    %slice3A_13 = vector.extract_strided_slice %broadcast_in_dim3A {offsets = [0, 9216], sizes = [1, 1024], strides = [1, 1]} : vector<1x14336xf32> to vector<1x1024xf32>
    %slice3A_14 = vector.extract_strided_slice %broadcast_in_dim3A {offsets = [0, 10240], sizes = [1, 1024], strides = [1, 1]} : vector<1x14336xf32> to vector<1x1024xf32>
    %slice3A_15 = vector.extract_strided_slice %broadcast_in_dim3A {offsets = [0, 11264], sizes = [1, 1024], strides = [1, 1]} : vector<1x14336xf32> to vector<1x1024xf32>
    %slice3A_16 = vector.extract_strided_slice %broadcast_in_dim3A {offsets = [0, 12288], sizes = [1, 1024], strides = [1, 1]} : vector<1x14336xf32> to vector<1x1024xf32>
    %slice3A_17 = vector.extract_strided_slice %broadcast_in_dim3A {offsets = [0, 13312], sizes = [1, 1024], strides = [1, 1]} : vector<1x14336xf32> to vector<1x1024xf32>
    %concatenate3A = tpu.concatenate %slice3A, %slice3A_5, %slice3A_6, %slice3A_7, %slice3A_8, %slice3A_9, %slice3A_10, %slice3A_11, %slice3A_12, %slice3A_13, %slice3A_14, %slice3A_15, %slice3A_16, %slice3A_17 in 0 : vector<1x1024xf32>, vector<1x1024xf32>, vector<1x1024xf32>, vector<1x1024xf32>, vector<1x1024xf32>, vector<1x1024xf32>, vector<1x1024xf32>, vector<1x1024xf32>, vector<1x1024xf32>, vector<1x1024xf32>, vector<1x1024xf32>, vector<1x1024xf32>, vector<1x1024xf32>, vector<1x1024xf32> -> vector<14x1024xf32>
    %dot_general3A = arith.constant dense<0.000000e+00> : vector<14x1024xf32>
    %dot_general3A_18 = tpu.matmul %concatenate3A, %convert_element_type3A_1, %dot_general3A {dimension_numbers = #tpu.dot_dimension_numbers<[1], [0], [0], [1], [0, 0, 1, 1], [], []>, transpose_lhs_hint = false} : vector<14x1024xf32>, vector<1024x1024xf32>, vector<14x1024xf32> -> vector<14x1024xf32>
    %get3A_19 = arith.constant 0 : index
    %get3A_20 = arith.constant 0 : index
    %get3A_21 = memref.load %arg3[%get3A_19, %get3A_20] : memref<2x1xf32, #tpu.memory_space<smem>>
    %get3A_22 = arith.constant 0 : index
    %get3A_23 = arith.constant 0 : index
    %get3A_24 = arith.constant 0 : index
    %get3A_25 = memref.load %arg2[%get3A_22, %get3A_23, %get3A_24] : memref<4x6x128xf32, #tpu.memory_space<smem>>
    %gt3A = arith.constant 0.000000e+00 : f32
    %gt3A_26 = arith.cmpf ogt, %get3A_25, %gt3A : f32
    %convert_element_type3A_27 = arith.extui %gt3A_26 : i1 to i32
    %convert_element_type3A_28 = arith.sitofp %convert_element_type3A_27 : i32 to f32
    %max3A = arith.constant 1.000000e+00 : f32
    %max3A_29 = arith.maximumf %get3A_25, %max3A : f32
    %slice3A_30 = vector.extract_strided_slice %dot_general3A_18 {offsets = [0, 0], sizes = [1, 1024], strides = [1, 1]} : vector<14x1024xf32> to vector<1x1024xf32>
    %slice3A_31 = vector.extract_strided_slice %dot_general3A_18 {offsets = [1, 0], sizes = [1, 1024], strides = [1, 1]} : vector<14x1024xf32> to vector<1x1024xf32>
    %add3A = arith.addf %slice3A_30, %slice3A_31 : vector<1x1024xf32>
    %sub3A = vector.broadcast %get3A_25 : f32 to vector<1x1024xf32>
    %sub3A_32 = arith.subf %sub3A, %slice3A_30 : vector<1x1024xf32>
    %add3A_33 = vector.broadcast %get3A_25 : f32 to vector<1x1024xf32>
    %add3A_34 = arith.addf %add3A_33, %add3A : vector<1x1024xf32>
    %sub3A_35 = arith.subf %add3A_34, %slice3A_30 : vector<1x1024xf32>
    %max3A_36 = arith.constant 1.000000e+00 : f32
    %max3A_37 = vector.broadcast %max3A_36 : f32 to vector<1x1024xf32>
    %max3A_38 = arith.maximumf %sub3A_35, %max3A_37 : vector<1x1024xf32>
    %div3A = arith.divf %sub3A_32, %max3A_38 : vector<1x1024xf32>
    %sub3A_39 = arith.constant 1.000000e+00 : f32
    %sub3A_40 = vector.broadcast %sub3A_39 : f32 to vector<1x1024xf32>
    %sub3A_41 = arith.subf %sub3A_40, %div3A : vector<1x1024xf32>
    %reduce_sum3A_42 = vector.shape_cast %sub3A_41 : vector<1x1024xf32> to vector<1x1x1024xf32>
    %reduce_sum3A_43 = arith.constant dense<0.000000e+00> : vector<1xf32>
    %reduce_sum3A_44 = vector.multi_reduction <add>, %reduce_sum3A_42, %reduce_sum3A_43 [1, 2] : vector<1x1x1024xf32> to vector<1xf32>
    %reduce_sum3A_45 = vector.shape_cast %reduce_sum3A_44 : vector<1xf32> to vector<1x1x1xf32>
    %reduce_sum3A_46 = vector.extract %reduce_sum3A_45[0, 0, 0] : f32 from vector<1x1x1xf32>
    %slice3A_47 = vector.extract_strided_slice %sub3A_41 {offsets = [0, 0], sizes = [1, 1], strides = [1, 1]} : vector<1x1024xf32> to vector<1x1xf32>
    %squeeze3A = vector.extract %slice3A_47[0, 0] : f32 from vector<1x1xf32>
    %mul3A = arith.constant 5.000000e-01 : f32
    %mul3A_48 = arith.mulf %mul3A, %squeeze3A : f32
    %sub3A_49 = arith.subf %reduce_sum3A_46, %mul3A_48 : f32
    %mul3A_50 = arith.constant 0.001953125 : f32
    %mul3A_51 = arith.mulf %mul3A_50, %sub3A_49 : f32
    %mul3A_52 = arith.mulf %convert_element_type3A_28, %mul3A_51 : f32
    %add3A_53 = arith.constant 0.000000e+00 : f32
    %add3A_54 = arith.addf %add3A_53, %mul3A_52 : f32
    %get3A_55 = arith.constant 0 : index
    %get3A_56 = arith.constant 3 : index
    %get3A_57 = arith.constant 0 : index
    %get3A_58 = memref.load %arg2[%get3A_55, %get3A_56, %get3A_57] : memref<4x6x128xf32, #tpu.memory_space<smem>>
    %get3A_59 = arith.constant 0 : index
    %get3A_60 = arith.constant 4 : index
    %get3A_61 = arith.constant 0 : index
    %get3A_62 = memref.load %arg2[%get3A_59, %get3A_60, %get3A_61] : memref<4x6x128xf32, #tpu.memory_space<smem>>
    %div3A_63 = arith.divf %get3A_58, %max3A_29 : f32
    %div3A_64 = arith.divf %get3A_62, %max3A_29 : f32
    %mul3A_65 = arith.mulf %div3A_63, %div3A_63 : f32
    %sub3A_66 = arith.subf %div3A_64, %mul3A_65 : f32
    %mul3A_67 = arith.mulf %convert_element_type3A_28, %sub3A_66 : f32
    %add3A_68 = arith.constant 0.000000e+00 : f32
    %add3A_69 = arith.addf %add3A_68, %mul3A_67 : f32
    %add3A_70 = arith.constant 0.000000e+00 : f32
    %add3A_71 = arith.addf %add3A_70, %convert_element_type3A_28 : f32
    %get3A_72 = arith.constant 0 : index
    %get3A_73 = arith.constant 0 : index
    %get3A_74 = arith.constant 1 : index
    %get3A_75 = memref.load %arg2[%get3A_72, %get3A_73, %get3A_74] : memref<4x6x128xf32, #tpu.memory_space<smem>>
    %gt3A_76 = arith.constant 0.000000e+00 : f32
    %gt3A_77 = arith.cmpf ogt, %get3A_75, %gt3A_76 : f32
    %convert_element_type3A_78 = arith.extui %gt3A_77 : i1 to i32
    %convert_element_type3A_79 = arith.sitofp %convert_element_type3A_78 : i32 to f32
    %max3A_80 = arith.constant 1.000000e+00 : f32
    %max3A_81 = arith.maximumf %get3A_75, %max3A_80 : f32
    %slice3A_82 = vector.extract_strided_slice %dot_general3A_18 {offsets = [2, 0], sizes = [1, 1024], strides = [1, 1]} : vector<14x1024xf32> to vector<1x1024xf32>
    %slice3A_83 = vector.extract_strided_slice %dot_general3A_18 {offsets = [3, 0], sizes = [1, 1024], strides = [1, 1]} : vector<14x1024xf32> to vector<1x1024xf32>
    %add3A_84 = arith.addf %slice3A_82, %slice3A_83 : vector<1x1024xf32>
    %sub3A_85 = vector.broadcast %get3A_75 : f32 to vector<1x1024xf32>
    %sub3A_86 = arith.subf %sub3A_85, %slice3A_82 : vector<1x1024xf32>
    %add3A_87 = vector.broadcast %get3A_75 : f32 to vector<1x1024xf32>
    %add3A_88 = arith.addf %add3A_87, %add3A_84 : vector<1x1024xf32>
    %sub3A_89 = arith.subf %add3A_88, %slice3A_82 : vector<1x1024xf32>
    %max3A_90 = arith.constant 1.000000e+00 : f32
    %max3A_91 = vector.broadcast %max3A_90 : f32 to vector<1x1024xf32>
    %max3A_92 = arith.maximumf %sub3A_89, %max3A_91 : vector<1x1024xf32>
    %div3A_93 = arith.divf %sub3A_86, %max3A_92 : vector<1x1024xf32>
    %sub3A_94 = arith.constant 1.000000e+00 : f32
    %sub3A_95 = vector.broadcast %sub3A_94 : f32 to vector<1x1024xf32>
    %sub3A_96 = arith.subf %sub3A_95, %div3A_93 : vector<1x1024xf32>
    %reduce_sum3A_97 = vector.shape_cast %sub3A_96 : vector<1x1024xf32> to vector<1x1x1024xf32>
    %reduce_sum3A_98 = arith.constant dense<0.000000e+00> : vector<1xf32>
    %reduce_sum3A_99 = vector.multi_reduction <add>, %reduce_sum3A_97, %reduce_sum3A_98 [1, 2] : vector<1x1x1024xf32> to vector<1xf32>
    %reduce_sum3A_100 = vector.shape_cast %reduce_sum3A_99 : vector<1xf32> to vector<1x1x1xf32>
    %reduce_sum3A_101 = vector.extract %reduce_sum3A_100[0, 0, 0] : f32 from vector<1x1x1xf32>
    %slice3A_102 = vector.extract_strided_slice %sub3A_96 {offsets = [0, 0], sizes = [1, 1], strides = [1, 1]} : vector<1x1024xf32> to vector<1x1xf32>
    %squeeze3A_103 = vector.extract %slice3A_102[0, 0] : f32 from vector<1x1xf32>
    %mul3A_104 = arith.constant 5.000000e-01 : f32
    %mul3A_105 = arith.mulf %mul3A_104, %squeeze3A_103 : f32
    %sub3A_106 = arith.subf %reduce_sum3A_101, %mul3A_105 : f32
    %mul3A_107 = arith.constant 0.001953125 : f32
    %mul3A_108 = arith.mulf %mul3A_107, %sub3A_106 : f32
    %mul3A_109 = arith.mulf %convert_element_type3A_79, %mul3A_108 : f32
    %add3A_110 = arith.addf %add3A_54, %mul3A_109 : f32
    %get3A_111 = arith.constant 0 : index
    %get3A_112 = arith.constant 3 : index
    %get3A_113 = arith.constant 1 : index
    %get3A_114 = memref.load %arg2[%get3A_111, %get3A_112, %get3A_113] : memref<4x6x128xf32, #tpu.memory_space<smem>>
    %get3A_115 = arith.constant 0 : index
    %get3A_116 = arith.constant 4 : index
    %get3A_117 = arith.constant 1 : index
    %get3A_118 = memref.load %arg2[%get3A_115, %get3A_116, %get3A_117] : memref<4x6x128xf32, #tpu.memory_space<smem>>
    %div3A_119 = arith.divf %get3A_114, %max3A_81 : f32
    %div3A_120 = arith.divf %get3A_118, %max3A_81 : f32
    %mul3A_121 = arith.mulf %div3A_119, %div3A_119 : f32
    %sub3A_122 = arith.subf %div3A_120, %mul3A_121 : f32
    %mul3A_123 = arith.mulf %convert_element_type3A_79, %sub3A_122 : f32
    %add3A_124 = arith.addf %add3A_69, %mul3A_123 : f32
    %add3A_125 = arith.addf %add3A_71, %convert_element_type3A_79 : f32
    %get3A_126 = arith.constant 0 : index
    %get3A_127 = arith.constant 0 : index
    %get3A_128 = arith.constant 2 : index
    %get3A_129 = memref.load %arg2[%get3A_126, %get3A_127, %get3A_128] : memref<4x6x128xf32, #tpu.memory_space<smem>>
    %gt3A_130 = arith.constant 0.000000e+00 : f32
    %gt3A_131 = arith.cmpf ogt, %get3A_129, %gt3A_130 : f32
    %convert_element_type3A_132 = arith.extui %gt3A_131 : i1 to i32
    %convert_element_type3A_133 = arith.sitofp %convert_element_type3A_132 : i32 to f32
    %max3A_134 = arith.constant 1.000000e+00 : f32
    %max3A_135 = arith.maximumf %get3A_129, %max3A_134 : f32
    %slice3A_136 = vector.extract_strided_slice %dot_general3A_18 {offsets = [4, 0], sizes = [1, 1024], strides = [1, 1]} : vector<14x1024xf32> to vector<1x1024xf32>
    %slice3A_137 = vector.extract_strided_slice %dot_general3A_18 {offsets = [5, 0], sizes = [1, 1024], strides = [1, 1]} : vector<14x1024xf32> to vector<1x1024xf32>
    %add3A_138 = arith.addf %slice3A_136, %slice3A_137 : vector<1x1024xf32>
    %sub3A_139 = vector.broadcast %get3A_129 : f32 to vector<1x1024xf32>
    %sub3A_140 = arith.subf %sub3A_139, %slice3A_136 : vector<1x1024xf32>
    %add3A_141 = vector.broadcast %get3A_129 : f32 to vector<1x1024xf32>
    %add3A_142 = arith.addf %add3A_141, %add3A_138 : vector<1x1024xf32>
    %sub3A_143 = arith.subf %add3A_142, %slice3A_136 : vector<1x1024xf32>
    %max3A_144 = arith.constant 1.000000e+00 : f32
    %max3A_145 = vector.broadcast %max3A_144 : f32 to vector<1x1024xf32>
    %max3A_146 = arith.maximumf %sub3A_143, %max3A_145 : vector<1x1024xf32>
    %div3A_147 = arith.divf %sub3A_140, %max3A_146 : vector<1x1024xf32>
    %sub3A_148 = arith.constant 1.000000e+00 : f32
    %sub3A_149 = vector.broadcast %sub3A_148 : f32 to vector<1x1024xf32>
    %sub3A_150 = arith.subf %sub3A_149, %div3A_147 : vector<1x1024xf32>
    %reduce_sum3A_151 = vector.shape_cast %sub3A_150 : vector<1x1024xf32> to vector<1x1x1024xf32>
    %reduce_sum3A_152 = arith.constant dense<0.000000e+00> : vector<1xf32>
    %reduce_sum3A_153 = vector.multi_reduction <add>, %reduce_sum3A_151, %reduce_sum3A_152 [1, 2] : vector<1x1x1024xf32> to vector<1xf32>
    %reduce_sum3A_154 = vector.shape_cast %reduce_sum3A_153 : vector<1xf32> to vector<1x1x1xf32>
    %reduce_sum3A_155 = vector.extract %reduce_sum3A_154[0, 0, 0] : f32 from vector<1x1x1xf32>
    %slice3A_156 = vector.extract_strided_slice %sub3A_150 {offsets = [0, 0], sizes = [1, 1], strides = [1, 1]} : vector<1x1024xf32> to vector<1x1xf32>
    %squeeze3A_157 = vector.extract %slice3A_156[0, 0] : f32 from vector<1x1xf32>
    %mul3A_158 = arith.constant 5.000000e-01 : f32
    %mul3A_159 = arith.mulf %mul3A_158, %squeeze3A_157 : f32
    %sub3A_160 = arith.subf %reduce_sum3A_155, %mul3A_159 : f32
    %mul3A_161 = arith.constant 0.001953125 : f32
    %mul3A_162 = arith.mulf %mul3A_161, %sub3A_160 : f32
    %mul3A_163 = arith.mulf %convert_element_type3A_133, %mul3A_162 : f32
    %add3A_164 = arith.addf %add3A_110, %mul3A_163 : f32
    %get3A_165 = arith.constant 0 : index
    %get3A_166 = arith.constant 3 : index
    %get3A_167 = arith.constant 2 : index
    %get3A_168 = memref.load %arg2[%get3A_165, %get3A_166, %get3A_167] : memref<4x6x128xf32, #tpu.memory_space<smem>>
    %get3A_169 = arith.constant 0 : index
    %get3A_170 = arith.constant 4 : index
    %get3A_171 = arith.constant 2 : index
    %get3A_172 = memref.load %arg2[%get3A_169, %get3A_170, %get3A_171] : memref<4x6x128xf32, #tpu.memory_space<smem>>
    %div3A_173 = arith.divf %get3A_168, %max3A_135 : f32
    %div3A_174 = arith.divf %get3A_172, %max3A_135 : f32
    %mul3A_175 = arith.mulf %div3A_173, %div3A_173 : f32
    %sub3A_176 = arith.subf %div3A_174, %mul3A_175 : f32
    %mul3A_177 = arith.mulf %convert_element_type3A_133, %sub3A_176 : f32
    %add3A_178 = arith.addf %add3A_124, %mul3A_177 : f32
    %add3A_179 = arith.addf %add3A_125, %convert_element_type3A_133 : f32
    %get3A_180 = arith.constant 0 : index
    %get3A_181 = arith.constant 0 : index
    %get3A_182 = arith.constant 3 : index
    %get3A_183 = memref.load %arg2[%get3A_180, %get3A_181, %get3A_182] : memref<4x6x128xf32, #tpu.memory_space<smem>>
    %gt3A_184 = arith.constant 0.000000e+00 : f32
    %gt3A_185 = arith.cmpf ogt, %get3A_183, %gt3A_184 : f32
    %convert_element_type3A_186 = arith.extui %gt3A_185 : i1 to i32
    %convert_element_type3A_187 = arith.sitofp %convert_element_type3A_186 : i32 to f32
    %max3A_188 = arith.constant 1.000000e+00 : f32
    %max3A_189 = arith.maximumf %get3A_183, %max3A_188 : f32
    %slice3A_190 = vector.extract_strided_slice %dot_general3A_18 {offsets = [6, 0], sizes = [1, 1024], strides = [1, 1]} : vector<14x1024xf32> to vector<1x1024xf32>
    %slice3A_191 = vector.extract_strided_slice %dot_general3A_18 {offsets = [7, 0], sizes = [1, 1024], strides = [1, 1]} : vector<14x1024xf32> to vector<1x1024xf32>
    %add3A_192 = arith.addf %slice3A_190, %slice3A_191 : vector<1x1024xf32>
    %sub3A_193 = vector.broadcast %get3A_183 : f32 to vector<1x1024xf32>
    %sub3A_194 = arith.subf %sub3A_193, %slice3A_190 : vector<1x1024xf32>
    %add3A_195 = vector.broadcast %get3A_183 : f32 to vector<1x1024xf32>
    %add3A_196 = arith.addf %add3A_195, %add3A_192 : vector<1x1024xf32>
    %sub3A_197 = arith.subf %add3A_196, %slice3A_190 : vector<1x1024xf32>
    %max3A_198 = arith.constant 1.000000e+00 : f32
    %max3A_199 = vector.broadcast %max3A_198 : f32 to vector<1x1024xf32>
    %max3A_200 = arith.maximumf %sub3A_197, %max3A_199 : vector<1x1024xf32>
    %div3A_201 = arith.divf %sub3A_194, %max3A_200 : vector<1x1024xf32>
    %sub3A_202 = arith.constant 1.000000e+00 : f32
    %sub3A_203 = vector.broadcast %sub3A_202 : f32 to vector<1x1024xf32>
    %sub3A_204 = arith.subf %sub3A_203, %div3A_201 : vector<1x1024xf32>
    %reduce_sum3A_205 = vector.shape_cast %sub3A_204 : vector<1x1024xf32> to vector<1x1x1024xf32>
    %reduce_sum3A_206 = arith.constant dense<0.000000e+00> : vector<1xf32>
    %reduce_sum3A_207 = vector.multi_reduction <add>, %reduce_sum3A_205, %reduce_sum3A_206 [1, 2] : vector<1x1x1024xf32> to vector<1xf32>
    %reduce_sum3A_208 = vector.shape_cast %reduce_sum3A_207 : vector<1xf32> to vector<1x1x1xf32>
    %reduce_sum3A_209 = vector.extract %reduce_sum3A_208[0, 0, 0] : f32 from vector<1x1x1xf32>
    %slice3A_210 = vector.extract_strided_slice %sub3A_204 {offsets = [0, 0], sizes = [1, 1], strides = [1, 1]} : vector<1x1024xf32> to vector<1x1xf32>
    %squeeze3A_211 = vector.extract %slice3A_210[0, 0] : f32 from vector<1x1xf32>
    %mul3A_212 = arith.constant 5.000000e-01 : f32
    %mul3A_213 = arith.mulf %mul3A_212, %squeeze3A_211 : f32
    %sub3A_214 = arith.subf %reduce_sum3A_209, %mul3A_213 : f32
    %mul3A_215 = arith.constant 0.001953125 : f32
    %mul3A_216 = arith.mulf %mul3A_215, %sub3A_214 : f32
    %mul3A_217 = arith.mulf %convert_element_type3A_187, %mul3A_216 : f32
    %add3A_218 = arith.addf %add3A_164, %mul3A_217 : f32
    %get3A_219 = arith.constant 0 : index
    %get3A_220 = arith.constant 3 : index
    %get3A_221 = arith.constant 3 : index
    %get3A_222 = memref.load %arg2[%get3A_219, %get3A_220, %get3A_221] : memref<4x6x128xf32, #tpu.memory_space<smem>>
    %get3A_223 = arith.constant 0 : index
    %get3A_224 = arith.constant 4 : index
    %get3A_225 = arith.constant 3 : index
    %get3A_226 = memref.load %arg2[%get3A_223, %get3A_224, %get3A_225] : memref<4x6x128xf32, #tpu.memory_space<smem>>
    %div3A_227 = arith.divf %get3A_222, %max3A_189 : f32
    %div3A_228 = arith.divf %get3A_226, %max3A_189 : f32
    %mul3A_229 = arith.mulf %div3A_227, %div3A_227 : f32
    %sub3A_230 = arith.subf %div3A_228, %mul3A_229 : f32
    %mul3A_231 = arith.mulf %convert_element_type3A_187, %sub3A_230 : f32
    %add3A_232 = arith.addf %add3A_178, %mul3A_231 : f32
    %add3A_233 = arith.addf %add3A_179, %convert_element_type3A_187 : f32
    %get3A_234 = arith.constant 0 : index
    %get3A_235 = arith.constant 0 : index
    %get3A_236 = arith.constant 4 : index
    %get3A_237 = memref.load %arg2[%get3A_234, %get3A_235, %get3A_236] : memref<4x6x128xf32, #tpu.memory_space<smem>>
    %gt3A_238 = arith.constant 0.000000e+00 : f32
    %gt3A_239 = arith.cmpf ogt, %get3A_237, %gt3A_238 : f32
    %convert_element_type3A_240 = arith.extui %gt3A_239 : i1 to i32
    %convert_element_type3A_241 = arith.sitofp %convert_element_type3A_240 : i32 to f32
    %max3A_242 = arith.constant 1.000000e+00 : f32
    %max3A_243 = arith.maximumf %get3A_237, %max3A_242 : f32
    %slice3A_244 = vector.extract_strided_slice %dot_general3A_18 {offsets = [8, 0], sizes = [1, 1024], strides = [1, 1]} : vector<14x1024xf32> to vector<1x1024xf32>
    %slice3A_245 = vector.extract_strided_slice %dot_general3A_18 {offsets = [9, 0], sizes = [1, 1024], strides = [1, 1]} : vector<14x1024xf32> to vector<1x1024xf32>
    %add3A_246 = arith.addf %slice3A_244, %slice3A_245 : vector<1x1024xf32>
    %sub3A_247 = vector.broadcast %get3A_237 : f32 to vector<1x1024xf32>
    %sub3A_248 = arith.subf %sub3A_247, %slice3A_244 : vector<1x1024xf32>
    %add3A_249 = vector.broadcast %get3A_237 : f32 to vector<1x1024xf32>
    %add3A_250 = arith.addf %add3A_249, %add3A_246 : vector<1x1024xf32>
    %sub3A_251 = arith.subf %add3A_250, %slice3A_244 : vector<1x1024xf32>
    %max3A_252 = arith.constant 1.000000e+00 : f32
    %max3A_253 = vector.broadcast %max3A_252 : f32 to vector<1x1024xf32>
    %max3A_254 = arith.maximumf %sub3A_251, %max3A_253 : vector<1x1024xf32>
    %div3A_255 = arith.divf %sub3A_248, %max3A_254 : vector<1x1024xf32>
    %sub3A_256 = arith.constant 1.000000e+00 : f32
    %sub3A_257 = vector.broadcast %sub3A_256 : f32 to vector<1x1024xf32>
    %sub3A_258 = arith.subf %sub3A_257, %div3A_255 : vector<1x1024xf32>
    %reduce_sum3A_259 = vector.shape_cast %sub3A_258 : vector<1x1024xf32> to vector<1x1x1024xf32>
    %reduce_sum3A_260 = arith.constant dense<0.000000e+00> : vector<1xf32>
    %reduce_sum3A_261 = vector.multi_reduction <add>, %reduce_sum3A_259, %reduce_sum3A_260 [1, 2] : vector<1x1x1024xf32> to vector<1xf32>
    %reduce_sum3A_262 = vector.shape_cast %reduce_sum3A_261 : vector<1xf32> to vector<1x1x1xf32>
    %reduce_sum3A_263 = vector.extract %reduce_sum3A_262[0, 0, 0] : f32 from vector<1x1x1xf32>
    %slice3A_264 = vector.extract_strided_slice %sub3A_258 {offsets = [0, 0], sizes = [1, 1], strides = [1, 1]} : vector<1x1024xf32> to vector<1x1xf32>
    %squeeze3A_265 = vector.extract %slice3A_264[0, 0] : f32 from vector<1x1xf32>
    %mul3A_266 = arith.constant 5.000000e-01 : f32
    %mul3A_267 = arith.mulf %mul3A_266, %squeeze3A_265 : f32
    %sub3A_268 = arith.subf %reduce_sum3A_263, %mul3A_267 : f32
    %mul3A_269 = arith.constant 0.001953125 : f32
    %mul3A_270 = arith.mulf %mul3A_269, %sub3A_268 : f32
    %mul3A_271 = arith.mulf %convert_element_type3A_241, %mul3A_270 : f32
    %add3A_272 = arith.addf %add3A_218, %mul3A_271 : f32
    %get3A_273 = arith.constant 0 : index
    %get3A_274 = arith.constant 3 : index
    %get3A_275 = arith.constant 4 : index
    %get3A_276 = memref.load %arg2[%get3A_273, %get3A_274, %get3A_275] : memref<4x6x128xf32, #tpu.memory_space<smem>>
    %get3A_277 = arith.constant 0 : index
    %get3A_278 = arith.constant 4 : index
    %get3A_279 = arith.constant 4 : index
    %get3A_280 = memref.load %arg2[%get3A_277, %get3A_278, %get3A_279] : memref<4x6x128xf32, #tpu.memory_space<smem>>
    %div3A_281 = arith.divf %get3A_276, %max3A_243 : f32
    %div3A_282 = arith.divf %get3A_280, %max3A_243 : f32
    %mul3A_283 = arith.mulf %div3A_281, %div3A_281 : f32
    %sub3A_284 = arith.subf %div3A_282, %mul3A_283 : f32
    %mul3A_285 = arith.mulf %convert_element_type3A_241, %sub3A_284 : f32
    %add3A_286 = arith.addf %add3A_232, %mul3A_285 : f32
    %add3A_287 = arith.addf %add3A_233, %convert_element_type3A_241 : f32
    %get3A_288 = arith.constant 0 : index
    %get3A_289 = arith.constant 0 : index
    %get3A_290 = arith.constant 5 : index
    %get3A_291 = memref.load %arg2[%get3A_288, %get3A_289, %get3A_290] : memref<4x6x128xf32, #tpu.memory_space<smem>>
    %gt3A_292 = arith.constant 0.000000e+00 : f32
    %gt3A_293 = arith.cmpf ogt, %get3A_291, %gt3A_292 : f32
    %convert_element_type3A_294 = arith.extui %gt3A_293 : i1 to i32
    %convert_element_type3A_295 = arith.sitofp %convert_element_type3A_294 : i32 to f32
    %max3A_296 = arith.constant 1.000000e+00 : f32
    %max3A_297 = arith.maximumf %get3A_291, %max3A_296 : f32
    %slice3A_298 = vector.extract_strided_slice %dot_general3A_18 {offsets = [10, 0], sizes = [1, 1024], strides = [1, 1]} : vector<14x1024xf32> to vector<1x1024xf32>
    %slice3A_299 = vector.extract_strided_slice %dot_general3A_18 {offsets = [11, 0], sizes = [1, 1024], strides = [1, 1]} : vector<14x1024xf32> to vector<1x1024xf32>
    %add3A_300 = arith.addf %slice3A_298, %slice3A_299 : vector<1x1024xf32>
    %sub3A_301 = vector.broadcast %get3A_291 : f32 to vector<1x1024xf32>
    %sub3A_302 = arith.subf %sub3A_301, %slice3A_298 : vector<1x1024xf32>
    %add3A_303 = vector.broadcast %get3A_291 : f32 to vector<1x1024xf32>
    %add3A_304 = arith.addf %add3A_303, %add3A_300 : vector<1x1024xf32>
    %sub3A_305 = arith.subf %add3A_304, %slice3A_298 : vector<1x1024xf32>
    %max3A_306 = arith.constant 1.000000e+00 : f32
    %max3A_307 = vector.broadcast %max3A_306 : f32 to vector<1x1024xf32>
    %max3A_308 = arith.maximumf %sub3A_305, %max3A_307 : vector<1x1024xf32>
    %div3A_309 = arith.divf %sub3A_302, %max3A_308 : vector<1x1024xf32>
    %sub3A_310 = arith.constant 1.000000e+00 : f32
    %sub3A_311 = vector.broadcast %sub3A_310 : f32 to vector<1x1024xf32>
    %sub3A_312 = arith.subf %sub3A_311, %div3A_309 : vector<1x1024xf32>
    %reduce_sum3A_313 = vector.shape_cast %sub3A_312 : vector<1x1024xf32> to vector<1x1x1024xf32>
    %reduce_sum3A_314 = arith.constant dense<0.000000e+00> : vector<1xf32>
    %reduce_sum3A_315 = vector.multi_reduction <add>, %reduce_sum3A_313, %reduce_sum3A_314 [1, 2] : vector<1x1x1024xf32> to vector<1xf32>
    %reduce_sum3A_316 = vector.shape_cast %reduce_sum3A_315 : vector<1xf32> to vector<1x1x1xf32>
    %reduce_sum3A_317 = vector.extract %reduce_sum3A_316[0, 0, 0] : f32 from vector<1x1x1xf32>
    %slice3A_318 = vector.extract_strided_slice %sub3A_312 {offsets = [0, 0], sizes = [1, 1], strides = [1, 1]} : vector<1x1024xf32> to vector<1x1xf32>
    %squeeze3A_319 = vector.extract %slice3A_318[0, 0] : f32 from vector<1x1xf32>
    %mul3A_320 = arith.constant 5.000000e-01 : f32
    %mul3A_321 = arith.mulf %mul3A_320, %squeeze3A_319 : f32
    %sub3A_322 = arith.subf %reduce_sum3A_317, %mul3A_321 : f32
    %mul3A_323 = arith.constant 0.001953125 : f32
    %mul3A_324 = arith.mulf %mul3A_323, %sub3A_322 : f32
    %mul3A_325 = arith.mulf %convert_element_type3A_295, %mul3A_324 : f32
    %add3A_326 = arith.addf %add3A_272, %mul3A_325 : f32
    %get3A_327 = arith.constant 0 : index
    %get3A_328 = arith.constant 3 : index
    %get3A_329 = arith.constant 5 : index
    %get3A_330 = memref.load %arg2[%get3A_327, %get3A_328, %get3A_329] : memref<4x6x128xf32, #tpu.memory_space<smem>>
    %get3A_331 = arith.constant 0 : index
    %get3A_332 = arith.constant 4 : index
    %get3A_333 = arith.constant 5 : index
    %get3A_334 = memref.load %arg2[%get3A_331, %get3A_332, %get3A_333] : memref<4x6x128xf32, #tpu.memory_space<smem>>
    %div3A_335 = arith.divf %get3A_330, %max3A_297 : f32
    %div3A_336 = arith.divf %get3A_334, %max3A_297 : f32
    %mul3A_337 = arith.mulf %div3A_335, %div3A_335 : f32
    %sub3A_338 = arith.subf %div3A_336, %mul3A_337 : f32
    %mul3A_339 = arith.mulf %convert_element_type3A_295, %sub3A_338 : f32
    %add3A_340 = arith.addf %add3A_286, %mul3A_339 : f32
    %add3A_341 = arith.addf %add3A_287, %convert_element_type3A_295 : f32
    %get3A_342 = arith.constant 0 : index
    %get3A_343 = arith.constant 0 : index
    %get3A_344 = arith.constant 6 : index
    %get3A_345 = memref.load %arg2[%get3A_342, %get3A_343, %get3A_344] : memref<4x6x128xf32, #tpu.memory_space<smem>>
    %gt3A_346 = arith.constant 0.000000e+00 : f32
    %gt3A_347 = arith.cmpf ogt, %get3A_345, %gt3A_346 : f32
    %convert_element_type3A_348 = arith.extui %gt3A_347 : i1 to i32
    %convert_element_type3A_349 = arith.sitofp %convert_element_type3A_348 : i32 to f32
    %max3A_350 = arith.constant 1.000000e+00 : f32
    %max3A_351 = arith.maximumf %get3A_345, %max3A_350 : f32
    %slice3A_352 = vector.extract_strided_slice %dot_general3A_18 {offsets = [12, 0], sizes = [1, 1024], strides = [1, 1]} : vector<14x1024xf32> to vector<1x1024xf32>
    %slice3A_353 = vector.extract_strided_slice %dot_general3A_18 {offsets = [13, 0], sizes = [1, 1024], strides = [1, 1]} : vector<14x1024xf32> to vector<1x1024xf32>
    %add3A_354 = arith.addf %slice3A_352, %slice3A_353 : vector<1x1024xf32>
    %sub3A_355 = vector.broadcast %get3A_345 : f32 to vector<1x1024xf32>
    %sub3A_356 = arith.subf %sub3A_355, %slice3A_352 : vector<1x1024xf32>
    %add3A_357 = vector.broadcast %get3A_345 : f32 to vector<1x1024xf32>
    %add3A_358 = arith.addf %add3A_357, %add3A_354 : vector<1x1024xf32>
    %sub3A_359 = arith.subf %add3A_358, %slice3A_352 : vector<1x1024xf32>
    %max3A_360 = arith.constant 1.000000e+00 : f32
    %max3A_361 = vector.broadcast %max3A_360 : f32 to vector<1x1024xf32>
    %max3A_362 = arith.maximumf %sub3A_359, %max3A_361 : vector<1x1024xf32>
    %div3A_363 = arith.divf %sub3A_356, %max3A_362 : vector<1x1024xf32>
    %sub3A_364 = arith.constant 1.000000e+00 : f32
    %sub3A_365 = vector.broadcast %sub3A_364 : f32 to vector<1x1024xf32>
    %sub3A_366 = arith.subf %sub3A_365, %div3A_363 : vector<1x1024xf32>
    %reduce_sum3A_367 = vector.shape_cast %sub3A_366 : vector<1x1024xf32> to vector<1x1x1024xf32>
    %reduce_sum3A_368 = arith.constant dense<0.000000e+00> : vector<1xf32>
    %reduce_sum3A_369 = vector.multi_reduction <add>, %reduce_sum3A_367, %reduce_sum3A_368 [1, 2] : vector<1x1x1024xf32> to vector<1xf32>
    %reduce_sum3A_370 = vector.shape_cast %reduce_sum3A_369 : vector<1xf32> to vector<1x1x1xf32>
    %reduce_sum3A_371 = vector.extract %reduce_sum3A_370[0, 0, 0] : f32 from vector<1x1x1xf32>
    %slice3A_372 = vector.extract_strided_slice %sub3A_366 {offsets = [0, 0], sizes = [1, 1], strides = [1, 1]} : vector<1x1024xf32> to vector<1x1xf32>
    %squeeze3A_373 = vector.extract %slice3A_372[0, 0] : f32 from vector<1x1xf32>
    %mul3A_374 = arith.constant 5.000000e-01 : f32
    %mul3A_375 = arith.mulf %mul3A_374, %squeeze3A_373 : f32
    %sub3A_376 = arith.subf %reduce_sum3A_371, %mul3A_375 : f32
    %mul3A_377 = arith.constant 0.001953125 : f32
    %mul3A_378 = arith.mulf %mul3A_377, %sub3A_376 : f32
    %mul3A_379 = arith.mulf %convert_element_type3A_349, %mul3A_378 : f32
    %add3A_380 = arith.addf %add3A_326, %mul3A_379 : f32
    %get3A_381 = arith.constant 0 : index
    %get3A_382 = arith.constant 3 : index
    %get3A_383 = arith.constant 6 : index
    %get3A_384 = memref.load %arg2[%get3A_381, %get3A_382, %get3A_383] : memref<4x6x128xf32, #tpu.memory_space<smem>>
    %get3A_385 = arith.constant 0 : index
    %get3A_386 = arith.constant 4 : index
    %get3A_387 = arith.constant 6 : index
    %get3A_388 = memref.load %arg2[%get3A_385, %get3A_386, %get3A_387] : memref<4x6x128xf32, #tpu.memory_space<smem>>
    %div3A_389 = arith.divf %get3A_384, %max3A_351 : f32
    %div3A_390 = arith.divf %get3A_388, %max3A_351 : f32
    %mul3A_391 = arith.mulf %div3A_389, %div3A_389 : f32
    %sub3A_392 = arith.subf %div3A_390, %mul3A_391 : f32
    %mul3A_393 = arith.mulf %convert_element_type3A_349, %sub3A_392 : f32
    %add3A_394 = arith.addf %add3A_340, %mul3A_393 : f32
    %add3A_395 = arith.addf %add3A_341, %convert_element_type3A_349 : f32
    %max3A_396 = arith.constant 1.000000e+00 : f32
    %max3A_397 = arith.maximumf %add3A_395, %max3A_396 : f32
    %get3A_398 = arith.constant 0 : index
    %get3A_399 = arith.constant 5 : index
    %get3A_400 = arith.constant 0 : index
    %get3A_401 = memref.load %arg2[%get3A_398, %get3A_399, %get3A_400] : memref<4x6x128xf32, #tpu.memory_space<smem>>
    %add3A_402 = arith.addf %get3A_401, %get3A_21 : f32
    %div3A_403 = arith.constant 2.621440e+05 : f32
    %div3A_404 = arith.divf %add3A_402, %div3A_403 : f32
    %div3A_405 = arith.divf %add3A_380, %max3A_397 : f32
    %add3A_406 = arith.constant 0.000000e+00 : f32
    %add3A_407 = arith.addf %add3A_406, %div3A_405 : f32
    %mul3A_408 = arith.constant 1.000000e+01 : f32
    %mul3A_409 = arith.mulf %mul3A_408, %add3A_394 : f32
    %div3A_410 = arith.divf %mul3A_409, %max3A_397 : f32
    %add3A_411 = arith.addf %add3A_407, %div3A_410 : f32
    %add3A_412 = arith.addf %add3A_411, %div3A_404 : f32
    %get3A_413 = arith.constant 16 : index
    %get3A_414 = arith.constant 0 : index
    %get3A_415 = vector.load %arg0[%get3A_413, %get3A_414] : memref<32x14336xf32, #tpu.memory_space<vmem>>, vector<16x14336xf32>
    %reduce_sum3A_416 = arith.constant dense<0.000000e+00> : vector<14336xf32>
    %reduce_sum3A_417 = vector.multi_reduction <add>, %get3A_415, %reduce_sum3A_416 [0] : vector<16x14336xf32> to vector<14336xf32>
    %broadcast_in_dim3A_418 = vector.shape_cast %reduce_sum3A_417 : vector<14336xf32> to vector<1x14336xf32>
    %slice3A_419 = vector.extract_strided_slice %broadcast_in_dim3A_418 {offsets = [0, 0], sizes = [1, 1024], strides = [1, 1]} : vector<1x14336xf32> to vector<1x1024xf32>
    %slice3A_420 = vector.extract_strided_slice %broadcast_in_dim3A_418 {offsets = [0, 1024], sizes = [1, 1024], strides = [1, 1]} : vector<1x14336xf32> to vector<1x1024xf32>
    %slice3A_421 = vector.extract_strided_slice %broadcast_in_dim3A_418 {offsets = [0, 2048], sizes = [1, 1024], strides = [1, 1]} : vector<1x14336xf32> to vector<1x1024xf32>
    %slice3A_422 = vector.extract_strided_slice %broadcast_in_dim3A_418 {offsets = [0, 3072], sizes = [1, 1024], strides = [1, 1]} : vector<1x14336xf32> to vector<1x1024xf32>
    %slice3A_423 = vector.extract_strided_slice %broadcast_in_dim3A_418 {offsets = [0, 4096], sizes = [1, 1024], strides = [1, 1]} : vector<1x14336xf32> to vector<1x1024xf32>
    %slice3A_424 = vector.extract_strided_slice %broadcast_in_dim3A_418 {offsets = [0, 5120], sizes = [1, 1024], strides = [1, 1]} : vector<1x14336xf32> to vector<1x1024xf32>
    %slice3A_425 = vector.extract_strided_slice %broadcast_in_dim3A_418 {offsets = [0, 6144], sizes = [1, 1024], strides = [1, 1]} : vector<1x14336xf32> to vector<1x1024xf32>
    %slice3A_426 = vector.extract_strided_slice %broadcast_in_dim3A_418 {offsets = [0, 7168], sizes = [1, 1024], strides = [1, 1]} : vector<1x14336xf32> to vector<1x1024xf32>
    %slice3A_427 = vector.extract_strided_slice %broadcast_in_dim3A_418 {offsets = [0, 8192], sizes = [1, 1024], strides = [1, 1]} : vector<1x14336xf32> to vector<1x1024xf32>
    %slice3A_428 = vector.extract_strided_slice %broadcast_in_dim3A_418 {offsets = [0, 9216], sizes = [1, 1024], strides = [1, 1]} : vector<1x14336xf32> to vector<1x1024xf32>
    %slice3A_429 = vector.extract_strided_slice %broadcast_in_dim3A_418 {offsets = [0, 10240], sizes = [1, 1024], strides = [1, 1]} : vector<1x14336xf32> to vector<1x1024xf32>
    %slice3A_430 = vector.extract_strided_slice %broadcast_in_dim3A_418 {offsets = [0, 11264], sizes = [1, 1024], strides = [1, 1]} : vector<1x14336xf32> to vector<1x1024xf32>
    %slice3A_431 = vector.extract_strided_slice %broadcast_in_dim3A_418 {offsets = [0, 12288], sizes = [1, 1024], strides = [1, 1]} : vector<1x14336xf32> to vector<1x1024xf32>
    %slice3A_432 = vector.extract_strided_slice %broadcast_in_dim3A_418 {offsets = [0, 13312], sizes = [1, 1024], strides = [1, 1]} : vector<1x14336xf32> to vector<1x1024xf32>
    %concatenate3A_433 = tpu.concatenate %slice3A_419, %slice3A_420, %slice3A_421, %slice3A_422, %slice3A_423, %slice3A_424, %slice3A_425, %slice3A_426, %slice3A_427, %slice3A_428, %slice3A_429, %slice3A_430, %slice3A_431, %slice3A_432 in 0 : vector<1x1024xf32>, vector<1x1024xf32>, vector<1x1024xf32>, vector<1x1024xf32>, vector<1x1024xf32>, vector<1x1024xf32>, vector<1x1024xf32>, vector<1x1024xf32>, vector<1x1024xf32>, vector<1x1024xf32>, vector<1x1024xf32>, vector<1x1024xf32>, vector<1x1024xf32>, vector<1x1024xf32> -> vector<14x1024xf32>
    %dot_general3A_434 = arith.constant dense<0.000000e+00> : vector<14x1024xf32>
    %dot_general3A_435 = tpu.matmul %concatenate3A_433, %convert_element_type3A_1, %dot_general3A_434 {dimension_numbers = #tpu.dot_dimension_numbers<[1], [0], [0], [1], [0, 0, 1, 1], [], []>, transpose_lhs_hint = false} : vector<14x1024xf32>, vector<1024x1024xf32>, vector<14x1024xf32> -> vector<14x1024xf32>
    %get3A_436 = arith.constant 1 : index
    %get3A_437 = arith.constant 0 : index
    %get3A_438 = memref.load %arg3[%get3A_436, %get3A_437] : memref<2x1xf32, #tpu.memory_space<smem>>
    %get3A_439 = arith.constant 1 : index
    %get3A_440 = arith.constant 0 : index
    %get3A_441 = arith.constant 0 : index
    %get3A_442 = memref.load %arg2[%get3A_439, %get3A_440, %get3A_441] : memref<4x6x128xf32, #tpu.memory_space<smem>>
    %gt3A_443 = arith.constant 0.000000e+00 : f32
    %gt3A_444 = arith.cmpf ogt, %get3A_442, %gt3A_443 : f32
    %convert_element_type3A_445 = arith.extui %gt3A_444 : i1 to i32
    %convert_element_type3A_446 = arith.sitofp %convert_element_type3A_445 : i32 to f32
    %max3A_447 = arith.constant 1.000000e+00 : f32
    %max3A_448 = arith.maximumf %get3A_442, %max3A_447 : f32
    %slice3A_449 = vector.extract_strided_slice %dot_general3A_435 {offsets = [0, 0], sizes = [1, 1024], strides = [1, 1]} : vector<14x1024xf32> to vector<1x1024xf32>
    %slice3A_450 = vector.extract_strided_slice %dot_general3A_435 {offsets = [1, 0], sizes = [1, 1024], strides = [1, 1]} : vector<14x1024xf32> to vector<1x1024xf32>
    %add3A_451 = arith.addf %slice3A_449, %slice3A_450 : vector<1x1024xf32>
    %sub3A_452 = vector.broadcast %get3A_442 : f32 to vector<1x1024xf32>
    %sub3A_453 = arith.subf %sub3A_452, %slice3A_449 : vector<1x1024xf32>
    %add3A_454 = vector.broadcast %get3A_442 : f32 to vector<1x1024xf32>
    %add3A_455 = arith.addf %add3A_454, %add3A_451 : vector<1x1024xf32>
    %sub3A_456 = arith.subf %add3A_455, %slice3A_449 : vector<1x1024xf32>
    %max3A_457 = arith.constant 1.000000e+00 : f32
    %max3A_458 = vector.broadcast %max3A_457 : f32 to vector<1x1024xf32>
    %max3A_459 = arith.maximumf %sub3A_456, %max3A_458 : vector<1x1024xf32>
    %div3A_460 = arith.divf %sub3A_453, %max3A_459 : vector<1x1024xf32>
    %sub3A_461 = arith.constant 1.000000e+00 : f32
    %sub3A_462 = vector.broadcast %sub3A_461 : f32 to vector<1x1024xf32>
    %sub3A_463 = arith.subf %sub3A_462, %div3A_460 : vector<1x1024xf32>
    %reduce_sum3A_464 = vector.shape_cast %sub3A_463 : vector<1x1024xf32> to vector<1x1x1024xf32>
    %reduce_sum3A_465 = arith.constant dense<0.000000e+00> : vector<1xf32>
    %reduce_sum3A_466 = vector.multi_reduction <add>, %reduce_sum3A_464, %reduce_sum3A_465 [1, 2] : vector<1x1x1024xf32> to vector<1xf32>
    %reduce_sum3A_467 = vector.shape_cast %reduce_sum3A_466 : vector<1xf32> to vector<1x1x1xf32>
    %reduce_sum3A_468 = vector.extract %reduce_sum3A_467[0, 0, 0] : f32 from vector<1x1x1xf32>
    %slice3A_469 = vector.extract_strided_slice %sub3A_463 {offsets = [0, 0], sizes = [1, 1], strides = [1, 1]} : vector<1x1024xf32> to vector<1x1xf32>
    %squeeze3A_470 = vector.extract %slice3A_469[0, 0] : f32 from vector<1x1xf32>
    %mul3A_471 = arith.constant 5.000000e-01 : f32
    %mul3A_472 = arith.mulf %mul3A_471, %squeeze3A_470 : f32
    %sub3A_473 = arith.subf %reduce_sum3A_468, %mul3A_472 : f32
    %mul3A_474 = arith.constant 0.001953125 : f32
    %mul3A_475 = arith.mulf %mul3A_474, %sub3A_473 : f32
    %mul3A_476 = arith.mulf %convert_element_type3A_446, %mul3A_475 : f32
    %add3A_477 = arith.constant 0.000000e+00 : f32
    %add3A_478 = arith.addf %add3A_477, %mul3A_476 : f32
    %get3A_479 = arith.constant 1 : index
    %get3A_480 = arith.constant 3 : index
    %get3A_481 = arith.constant 0 : index
    %get3A_482 = memref.load %arg2[%get3A_479, %get3A_480, %get3A_481] : memref<4x6x128xf32, #tpu.memory_space<smem>>
    %get3A_483 = arith.constant 1 : index
    %get3A_484 = arith.constant 4 : index
    %get3A_485 = arith.constant 0 : index
    %get3A_486 = memref.load %arg2[%get3A_483, %get3A_484, %get3A_485] : memref<4x6x128xf32, #tpu.memory_space<smem>>
    %div3A_487 = arith.divf %get3A_482, %max3A_448 : f32
    %div3A_488 = arith.divf %get3A_486, %max3A_448 : f32
    %mul3A_489 = arith.mulf %div3A_487, %div3A_487 : f32
    %sub3A_490 = arith.subf %div3A_488, %mul3A_489 : f32
    %mul3A_491 = arith.mulf %convert_element_type3A_446, %sub3A_490 : f32
    %add3A_492 = arith.constant 0.000000e+00 : f32
    %add3A_493 = arith.addf %add3A_492, %mul3A_491 : f32
    %add3A_494 = arith.constant 0.000000e+00 : f32
    %add3A_495 = arith.addf %add3A_494, %convert_element_type3A_446 : f32
    %get3A_496 = arith.constant 1 : index
    %get3A_497 = arith.constant 0 : index
    %get3A_498 = arith.constant 1 : index
    %get3A_499 = memref.load %arg2[%get3A_496, %get3A_497, %get3A_498] : memref<4x6x128xf32, #tpu.memory_space<smem>>
    %gt3A_500 = arith.constant 0.000000e+00 : f32
    %gt3A_501 = arith.cmpf ogt, %get3A_499, %gt3A_500 : f32
    %convert_element_type3A_502 = arith.extui %gt3A_501 : i1 to i32
    %convert_element_type3A_503 = arith.sitofp %convert_element_type3A_502 : i32 to f32
    %max3A_504 = arith.constant 1.000000e+00 : f32
    %max3A_505 = arith.maximumf %get3A_499, %max3A_504 : f32
    %slice3A_506 = vector.extract_strided_slice %dot_general3A_435 {offsets = [2, 0], sizes = [1, 1024], strides = [1, 1]} : vector<14x1024xf32> to vector<1x1024xf32>
    %slice3A_507 = vector.extract_strided_slice %dot_general3A_435 {offsets = [3, 0], sizes = [1, 1024], strides = [1, 1]} : vector<14x1024xf32> to vector<1x1024xf32>
    %add3A_508 = arith.addf %slice3A_506, %slice3A_507 : vector<1x1024xf32>
    %sub3A_509 = vector.broadcast %get3A_499 : f32 to vector<1x1024xf32>
    %sub3A_510 = arith.subf %sub3A_509, %slice3A_506 : vector<1x1024xf32>
    %add3A_511 = vector.broadcast %get3A_499 : f32 to vector<1x1024xf32>
    %add3A_512 = arith.addf %add3A_511, %add3A_508 : vector<1x1024xf32>
    %sub3A_513 = arith.subf %add3A_512, %slice3A_506 : vector<1x1024xf32>
    %max3A_514 = arith.constant 1.000000e+00 : f32
    %max3A_515 = vector.broadcast %max3A_514 : f32 to vector<1x1024xf32>
    %max3A_516 = arith.maximumf %sub3A_513, %max3A_515 : vector<1x1024xf32>
    %div3A_517 = arith.divf %sub3A_510, %max3A_516 : vector<1x1024xf32>
    %sub3A_518 = arith.constant 1.000000e+00 : f32
    %sub3A_519 = vector.broadcast %sub3A_518 : f32 to vector<1x1024xf32>
    %sub3A_520 = arith.subf %sub3A_519, %div3A_517 : vector<1x1024xf32>
    %reduce_sum3A_521 = vector.shape_cast %sub3A_520 : vector<1x1024xf32> to vector<1x1x1024xf32>
    %reduce_sum3A_522 = arith.constant dense<0.000000e+00> : vector<1xf32>
    %reduce_sum3A_523 = vector.multi_reduction <add>, %reduce_sum3A_521, %reduce_sum3A_522 [1, 2] : vector<1x1x1024xf32> to vector<1xf32>
    %reduce_sum3A_524 = vector.shape_cast %reduce_sum3A_523 : vector<1xf32> to vector<1x1x1xf32>
    %reduce_sum3A_525 = vector.extract %reduce_sum3A_524[0, 0, 0] : f32 from vector<1x1x1xf32>
    %slice3A_526 = vector.extract_strided_slice %sub3A_520 {offsets = [0, 0], sizes = [1, 1], strides = [1, 1]} : vector<1x1024xf32> to vector<1x1xf32>
    %squeeze3A_527 = vector.extract %slice3A_526[0, 0] : f32 from vector<1x1xf32>
    %mul3A_528 = arith.constant 5.000000e-01 : f32
    %mul3A_529 = arith.mulf %mul3A_528, %squeeze3A_527 : f32
    %sub3A_530 = arith.subf %reduce_sum3A_525, %mul3A_529 : f32
    %mul3A_531 = arith.constant 0.001953125 : f32
    %mul3A_532 = arith.mulf %mul3A_531, %sub3A_530 : f32
    %mul3A_533 = arith.mulf %convert_element_type3A_503, %mul3A_532 : f32
    %add3A_534 = arith.addf %add3A_478, %mul3A_533 : f32
    %get3A_535 = arith.constant 1 : index
    %get3A_536 = arith.constant 3 : index
    %get3A_537 = arith.constant 1 : index
    %get3A_538 = memref.load %arg2[%get3A_535, %get3A_536, %get3A_537] : memref<4x6x128xf32, #tpu.memory_space<smem>>
    %get3A_539 = arith.constant 1 : index
    %get3A_540 = arith.constant 4 : index
    %get3A_541 = arith.constant 1 : index
    %get3A_542 = memref.load %arg2[%get3A_539, %get3A_540, %get3A_541] : memref<4x6x128xf32, #tpu.memory_space<smem>>
    %div3A_543 = arith.divf %get3A_538, %max3A_505 : f32
    %div3A_544 = arith.divf %get3A_542, %max3A_505 : f32
    %mul3A_545 = arith.mulf %div3A_543, %div3A_543 : f32
    %sub3A_546 = arith.subf %div3A_544, %mul3A_545 : f32
    %mul3A_547 = arith.mulf %convert_element_type3A_503, %sub3A_546 : f32
    %add3A_548 = arith.addf %add3A_493, %mul3A_547 : f32
    %add3A_549 = arith.addf %add3A_495, %convert_element_type3A_503 : f32
    %get3A_550 = arith.constant 1 : index
    %get3A_551 = arith.constant 0 : index
    %get3A_552 = arith.constant 2 : index
    %get3A_553 = memref.load %arg2[%get3A_550, %get3A_551, %get3A_552] : memref<4x6x128xf32, #tpu.memory_space<smem>>
    %gt3A_554 = arith.constant 0.000000e+00 : f32
    %gt3A_555 = arith.cmpf ogt, %get3A_553, %gt3A_554 : f32
    %convert_element_type3A_556 = arith.extui %gt3A_555 : i1 to i32
    %convert_element_type3A_557 = arith.sitofp %convert_element_type3A_556 : i32 to f32
    %max3A_558 = arith.constant 1.000000e+00 : f32
    %max3A_559 = arith.maximumf %get3A_553, %max3A_558 : f32
    %slice3A_560 = vector.extract_strided_slice %dot_general3A_435 {offsets = [4, 0], sizes = [1, 1024], strides = [1, 1]} : vector<14x1024xf32> to vector<1x1024xf32>
    %slice3A_561 = vector.extract_strided_slice %dot_general3A_435 {offsets = [5, 0], sizes = [1, 1024], strides = [1, 1]} : vector<14x1024xf32> to vector<1x1024xf32>
    %add3A_562 = arith.addf %slice3A_560, %slice3A_561 : vector<1x1024xf32>
    %sub3A_563 = vector.broadcast %get3A_553 : f32 to vector<1x1024xf32>
    %sub3A_564 = arith.subf %sub3A_563, %slice3A_560 : vector<1x1024xf32>
    %add3A_565 = vector.broadcast %get3A_553 : f32 to vector<1x1024xf32>
    %add3A_566 = arith.addf %add3A_565, %add3A_562 : vector<1x1024xf32>
    %sub3A_567 = arith.subf %add3A_566, %slice3A_560 : vector<1x1024xf32>
    %max3A_568 = arith.constant 1.000000e+00 : f32
    %max3A_569 = vector.broadcast %max3A_568 : f32 to vector<1x1024xf32>
    %max3A_570 = arith.maximumf %sub3A_567, %max3A_569 : vector<1x1024xf32>
    %div3A_571 = arith.divf %sub3A_564, %max3A_570 : vector<1x1024xf32>
    %sub3A_572 = arith.constant 1.000000e+00 : f32
    %sub3A_573 = vector.broadcast %sub3A_572 : f32 to vector<1x1024xf32>
    %sub3A_574 = arith.subf %sub3A_573, %div3A_571 : vector<1x1024xf32>
    %reduce_sum3A_575 = vector.shape_cast %sub3A_574 : vector<1x1024xf32> to vector<1x1x1024xf32>
    %reduce_sum3A_576 = arith.constant dense<0.000000e+00> : vector<1xf32>
    %reduce_sum3A_577 = vector.multi_reduction <add>, %reduce_sum3A_575, %reduce_sum3A_576 [1, 2] : vector<1x1x1024xf32> to vector<1xf32>
    %reduce_sum3A_578 = vector.shape_cast %reduce_sum3A_577 : vector<1xf32> to vector<1x1x1xf32>
    %reduce_sum3A_579 = vector.extract %reduce_sum3A_578[0, 0, 0] : f32 from vector<1x1x1xf32>
    %slice3A_580 = vector.extract_strided_slice %sub3A_574 {offsets = [0, 0], sizes = [1, 1], strides = [1, 1]} : vector<1x1024xf32> to vector<1x1xf32>
    %squeeze3A_581 = vector.extract %slice3A_580[0, 0] : f32 from vector<1x1xf32>
    %mul3A_582 = arith.constant 5.000000e-01 : f32
    %mul3A_583 = arith.mulf %mul3A_582, %squeeze3A_581 : f32
    %sub3A_584 = arith.subf %reduce_sum3A_579, %mul3A_583 : f32
    %mul3A_585 = arith.constant 0.001953125 : f32
    %mul3A_586 = arith.mulf %mul3A_585, %sub3A_584 : f32
    %mul3A_587 = arith.mulf %convert_element_type3A_557, %mul3A_586 : f32
    %add3A_588 = arith.addf %add3A_534, %mul3A_587 : f32
    %get3A_589 = arith.constant 1 : index
    %get3A_590 = arith.constant 3 : index
    %get3A_591 = arith.constant 2 : index
    %get3A_592 = memref.load %arg2[%get3A_589, %get3A_590, %get3A_591] : memref<4x6x128xf32, #tpu.memory_space<smem>>
    %get3A_593 = arith.constant 1 : index
    %get3A_594 = arith.constant 4 : index
    %get3A_595 = arith.constant 2 : index
    %get3A_596 = memref.load %arg2[%get3A_593, %get3A_594, %get3A_595] : memref<4x6x128xf32, #tpu.memory_space<smem>>
    %div3A_597 = arith.divf %get3A_592, %max3A_559 : f32
    %div3A_598 = arith.divf %get3A_596, %max3A_559 : f32
    %mul3A_599 = arith.mulf %div3A_597, %div3A_597 : f32
    %sub3A_600 = arith.subf %div3A_598, %mul3A_599 : f32
    %mul3A_601 = arith.mulf %convert_element_type3A_557, %sub3A_600 : f32
    %add3A_602 = arith.addf %add3A_548, %mul3A_601 : f32
    %add3A_603 = arith.addf %add3A_549, %convert_element_type3A_557 : f32
    %get3A_604 = arith.constant 1 : index
    %get3A_605 = arith.constant 0 : index
    %get3A_606 = arith.constant 3 : index
    %get3A_607 = memref.load %arg2[%get3A_604, %get3A_605, %get3A_606] : memref<4x6x128xf32, #tpu.memory_space<smem>>
    %gt3A_608 = arith.constant 0.000000e+00 : f32
    %gt3A_609 = arith.cmpf ogt, %get3A_607, %gt3A_608 : f32
    %convert_element_type3A_610 = arith.extui %gt3A_609 : i1 to i32
    %convert_element_type3A_611 = arith.sitofp %convert_element_type3A_610 : i32 to f32
    %max3A_612 = arith.constant 1.000000e+00 : f32
    %max3A_613 = arith.maximumf %get3A_607, %max3A_612 : f32
    %slice3A_614 = vector.extract_strided_slice %dot_general3A_435 {offsets = [6, 0], sizes = [1, 1024], strides = [1, 1]} : vector<14x1024xf32> to vector<1x1024xf32>
    %slice3A_615 = vector.extract_strided_slice %dot_general3A_435 {offsets = [7, 0], sizes = [1, 1024], strides = [1, 1]} : vector<14x1024xf32> to vector<1x1024xf32>
    %add3A_616 = arith.addf %slice3A_614, %slice3A_615 : vector<1x1024xf32>
    %sub3A_617 = vector.broadcast %get3A_607 : f32 to vector<1x1024xf32>
    %sub3A_618 = arith.subf %sub3A_617, %slice3A_614 : vector<1x1024xf32>
    %add3A_619 = vector.broadcast %get3A_607 : f32 to vector<1x1024xf32>
    %add3A_620 = arith.addf %add3A_619, %add3A_616 : vector<1x1024xf32>
    %sub3A_621 = arith.subf %add3A_620, %slice3A_614 : vector<1x1024xf32>
    %max3A_622 = arith.constant 1.000000e+00 : f32
    %max3A_623 = vector.broadcast %max3A_622 : f32 to vector<1x1024xf32>
    %max3A_624 = arith.maximumf %sub3A_621, %max3A_623 : vector<1x1024xf32>
    %div3A_625 = arith.divf %sub3A_618, %max3A_624 : vector<1x1024xf32>
    %sub3A_626 = arith.constant 1.000000e+00 : f32
    %sub3A_627 = vector.broadcast %sub3A_626 : f32 to vector<1x1024xf32>
    %sub3A_628 = arith.subf %sub3A_627, %div3A_625 : vector<1x1024xf32>
    %reduce_sum3A_629 = vector.shape_cast %sub3A_628 : vector<1x1024xf32> to vector<1x1x1024xf32>
    %reduce_sum3A_630 = arith.constant dense<0.000000e+00> : vector<1xf32>
    %reduce_sum3A_631 = vector.multi_reduction <add>, %reduce_sum3A_629, %reduce_sum3A_630 [1, 2] : vector<1x1x1024xf32> to vector<1xf32>
    %reduce_sum3A_632 = vector.shape_cast %reduce_sum3A_631 : vector<1xf32> to vector<1x1x1xf32>
    %reduce_sum3A_633 = vector.extract %reduce_sum3A_632[0, 0, 0] : f32 from vector<1x1x1xf32>
    %slice3A_634 = vector.extract_strided_slice %sub3A_628 {offsets = [0, 0], sizes = [1, 1], strides = [1, 1]} : vector<1x1024xf32> to vector<1x1xf32>
    %squeeze3A_635 = vector.extract %slice3A_634[0, 0] : f32 from vector<1x1xf32>
    %mul3A_636 = arith.constant 5.000000e-01 : f32
    %mul3A_637 = arith.mulf %mul3A_636, %squeeze3A_635 : f32
    %sub3A_638 = arith.subf %reduce_sum3A_633, %mul3A_637 : f32
    %mul3A_639 = arith.constant 0.001953125 : f32
    %mul3A_640 = arith.mulf %mul3A_639, %sub3A_638 : f32
    %mul3A_641 = arith.mulf %convert_element_type3A_611, %mul3A_640 : f32
    %add3A_642 = arith.addf %add3A_588, %mul3A_641 : f32
    %get3A_643 = arith.constant 1 : index
    %get3A_644 = arith.constant 3 : index
    %get3A_645 = arith.constant 3 : index
    %get3A_646 = memref.load %arg2[%get3A_643, %get3A_644, %get3A_645] : memref<4x6x128xf32, #tpu.memory_space<smem>>
    %get3A_647 = arith.constant 1 : index
    %get3A_648 = arith.constant 4 : index
    %get3A_649 = arith.constant 3 : index
    %get3A_650 = memref.load %arg2[%get3A_647, %get3A_648, %get3A_649] : memref<4x6x128xf32, #tpu.memory_space<smem>>
    %div3A_651 = arith.divf %get3A_646, %max3A_613 : f32
    %div3A_652 = arith.divf %get3A_650, %max3A_613 : f32
    %mul3A_653 = arith.mulf %div3A_651, %div3A_651 : f32
    %sub3A_654 = arith.subf %div3A_652, %mul3A_653 : f32
    %mul3A_655 = arith.mulf %convert_element_type3A_611, %sub3A_654 : f32
    %add3A_656 = arith.addf %add3A_602, %mul3A_655 : f32
    %add3A_657 = arith.addf %add3A_603, %convert_element_type3A_611 : f32
    %get3A_658 = arith.constant 1 : index
    %get3A_659 = arith.constant 0 : index
    %get3A_660 = arith.constant 4 : index
    %get3A_661 = memref.load %arg2[%get3A_658, %get3A_659, %get3A_660] : memref<4x6x128xf32, #tpu.memory_space<smem>>
    %gt3A_662 = arith.constant 0.000000e+00 : f32
    %gt3A_663 = arith.cmpf ogt, %get3A_661, %gt3A_662 : f32
    %convert_element_type3A_664 = arith.extui %gt3A_663 : i1 to i32
    %convert_element_type3A_665 = arith.sitofp %convert_element_type3A_664 : i32 to f32
    %max3A_666 = arith.constant 1.000000e+00 : f32
    %max3A_667 = arith.maximumf %get3A_661, %max3A_666 : f32
    %slice3A_668 = vector.extract_strided_slice %dot_general3A_435 {offsets = [8, 0], sizes = [1, 1024], strides = [1, 1]} : vector<14x1024xf32> to vector<1x1024xf32>
    %slice3A_669 = vector.extract_strided_slice %dot_general3A_435 {offsets = [9, 0], sizes = [1, 1024], strides = [1, 1]} : vector<14x1024xf32> to vector<1x1024xf32>
    %add3A_670 = arith.addf %slice3A_668, %slice3A_669 : vector<1x1024xf32>
    %sub3A_671 = vector.broadcast %get3A_661 : f32 to vector<1x1024xf32>
    %sub3A_672 = arith.subf %sub3A_671, %slice3A_668 : vector<1x1024xf32>
    %add3A_673 = vector.broadcast %get3A_661 : f32 to vector<1x1024xf32>
    %add3A_674 = arith.addf %add3A_673, %add3A_670 : vector<1x1024xf32>
    %sub3A_675 = arith.subf %add3A_674, %slice3A_668 : vector<1x1024xf32>
    %max3A_676 = arith.constant 1.000000e+00 : f32
    %max3A_677 = vector.broadcast %max3A_676 : f32 to vector<1x1024xf32>
    %max3A_678 = arith.maximumf %sub3A_675, %max3A_677 : vector<1x1024xf32>
    %div3A_679 = arith.divf %sub3A_672, %max3A_678 : vector<1x1024xf32>
    %sub3A_680 = arith.constant 1.000000e+00 : f32
    %sub3A_681 = vector.broadcast %sub3A_680 : f32 to vector<1x1024xf32>
    %sub3A_682 = arith.subf %sub3A_681, %div3A_679 : vector<1x1024xf32>
    %reduce_sum3A_683 = vector.shape_cast %sub3A_682 : vector<1x1024xf32> to vector<1x1x1024xf32>
    %reduce_sum3A_684 = arith.constant dense<0.000000e+00> : vector<1xf32>
    %reduce_sum3A_685 = vector.multi_reduction <add>, %reduce_sum3A_683, %reduce_sum3A_684 [1, 2] : vector<1x1x1024xf32> to vector<1xf32>
    %reduce_sum3A_686 = vector.shape_cast %reduce_sum3A_685 : vector<1xf32> to vector<1x1x1xf32>
    %reduce_sum3A_687 = vector.extract %reduce_sum3A_686[0, 0, 0] : f32 from vector<1x1x1xf32>
    %slice3A_688 = vector.extract_strided_slice %sub3A_682 {offsets = [0, 0], sizes = [1, 1], strides = [1, 1]} : vector<1x1024xf32> to vector<1x1xf32>
    %squeeze3A_689 = vector.extract %slice3A_688[0, 0] : f32 from vector<1x1xf32>
    %mul3A_690 = arith.constant 5.000000e-01 : f32
    %mul3A_691 = arith.mulf %mul3A_690, %squeeze3A_689 : f32
    %sub3A_692 = arith.subf %reduce_sum3A_687, %mul3A_691 : f32
    %mul3A_693 = arith.constant 0.001953125 : f32
    %mul3A_694 = arith.mulf %mul3A_693, %sub3A_692 : f32
    %mul3A_695 = arith.mulf %convert_element_type3A_665, %mul3A_694 : f32
    %add3A_696 = arith.addf %add3A_642, %mul3A_695 : f32
    %get3A_697 = arith.constant 1 : index
    %get3A_698 = arith.constant 3 : index
    %get3A_699 = arith.constant 4 : index
    %get3A_700 = memref.load %arg2[%get3A_697, %get3A_698, %get3A_699] : memref<4x6x128xf32, #tpu.memory_space<smem>>
    %get3A_701 = arith.constant 1 : index
    %get3A_702 = arith.constant 4 : index
    %get3A_703 = arith.constant 4 : index
    %get3A_704 = memref.load %arg2[%get3A_701, %get3A_702, %get3A_703] : memref<4x6x128xf32, #tpu.memory_space<smem>>
    %div3A_705 = arith.divf %get3A_700, %max3A_667 : f32
    %div3A_706 = arith.divf %get3A_704, %max3A_667 : f32
    %mul3A_707 = arith.mulf %div3A_705, %div3A_705 : f32
    %sub3A_708 = arith.subf %div3A_706, %mul3A_707 : f32
    %mul3A_709 = arith.mulf %convert_element_type3A_665, %sub3A_708 : f32
    %add3A_710 = arith.addf %add3A_656, %mul3A_709 : f32
    %add3A_711 = arith.addf %add3A_657, %convert_element_type3A_665 : f32
    %get3A_712 = arith.constant 1 : index
    %get3A_713 = arith.constant 0 : index
    %get3A_714 = arith.constant 5 : index
    %get3A_715 = memref.load %arg2[%get3A_712, %get3A_713, %get3A_714] : memref<4x6x128xf32, #tpu.memory_space<smem>>
    %gt3A_716 = arith.constant 0.000000e+00 : f32
    %gt3A_717 = arith.cmpf ogt, %get3A_715, %gt3A_716 : f32
    %convert_element_type3A_718 = arith.extui %gt3A_717 : i1 to i32
    %convert_element_type3A_719 = arith.sitofp %convert_element_type3A_718 : i32 to f32
    %max3A_720 = arith.constant 1.000000e+00 : f32
    %max3A_721 = arith.maximumf %get3A_715, %max3A_720 : f32
    %slice3A_722 = vector.extract_strided_slice %dot_general3A_435 {offsets = [10, 0], sizes = [1, 1024], strides = [1, 1]} : vector<14x1024xf32> to vector<1x1024xf32>
    %slice3A_723 = vector.extract_strided_slice %dot_general3A_435 {offsets = [11, 0], sizes = [1, 1024], strides = [1, 1]} : vector<14x1024xf32> to vector<1x1024xf32>
    %add3A_724 = arith.addf %slice3A_722, %slice3A_723 : vector<1x1024xf32>
    %sub3A_725 = vector.broadcast %get3A_715 : f32 to vector<1x1024xf32>
    %sub3A_726 = arith.subf %sub3A_725, %slice3A_722 : vector<1x1024xf32>
    %add3A_727 = vector.broadcast %get3A_715 : f32 to vector<1x1024xf32>
    %add3A_728 = arith.addf %add3A_727, %add3A_724 : vector<1x1024xf32>
    %sub3A_729 = arith.subf %add3A_728, %slice3A_722 : vector<1x1024xf32>
    %max3A_730 = arith.constant 1.000000e+00 : f32
    %max3A_731 = vector.broadcast %max3A_730 : f32 to vector<1x1024xf32>
    %max3A_732 = arith.maximumf %sub3A_729, %max3A_731 : vector<1x1024xf32>
    %div3A_733 = arith.divf %sub3A_726, %max3A_732 : vector<1x1024xf32>
    %sub3A_734 = arith.constant 1.000000e+00 : f32
    %sub3A_735 = vector.broadcast %sub3A_734 : f32 to vector<1x1024xf32>
    %sub3A_736 = arith.subf %sub3A_735, %div3A_733 : vector<1x1024xf32>
    %reduce_sum3A_737 = vector.shape_cast %sub3A_736 : vector<1x1024xf32> to vector<1x1x1024xf32>
    %reduce_sum3A_738 = arith.constant dense<0.000000e+00> : vector<1xf32>
    %reduce_sum3A_739 = vector.multi_reduction <add>, %reduce_sum3A_737, %reduce_sum3A_738 [1, 2] : vector<1x1x1024xf32> to vector<1xf32>
    %reduce_sum3A_740 = vector.shape_cast %reduce_sum3A_739 : vector<1xf32> to vector<1x1x1xf32>
    %reduce_sum3A_741 = vector.extract %reduce_sum3A_740[0, 0, 0] : f32 from vector<1x1x1xf32>
    %slice3A_742 = vector.extract_strided_slice %sub3A_736 {offsets = [0, 0], sizes = [1, 1], strides = [1, 1]} : vector<1x1024xf32> to vector<1x1xf32>
    %squeeze3A_743 = vector.extract %slice3A_742[0, 0] : f32 from vector<1x1xf32>
    %mul3A_744 = arith.constant 5.000000e-01 : f32
    %mul3A_745 = arith.mulf %mul3A_744, %squeeze3A_743 : f32
    %sub3A_746 = arith.subf %reduce_sum3A_741, %mul3A_745 : f32
    %mul3A_747 = arith.constant 0.001953125 : f32
    %mul3A_748 = arith.mulf %mul3A_747, %sub3A_746 : f32
    %mul3A_749 = arith.mulf %convert_element_type3A_719, %mul3A_748 : f32
    %add3A_750 = arith.addf %add3A_696, %mul3A_749 : f32
    %get3A_751 = arith.constant 1 : index
    %get3A_752 = arith.constant 3 : index
    %get3A_753 = arith.constant 5 : index
    %get3A_754 = memref.load %arg2[%get3A_751, %get3A_752, %get3A_753] : memref<4x6x128xf32, #tpu.memory_space<smem>>
    %get3A_755 = arith.constant 1 : index
    %get3A_756 = arith.constant 4 : index
    %get3A_757 = arith.constant 5 : index
    %get3A_758 = memref.load %arg2[%get3A_755, %get3A_756, %get3A_757] : memref<4x6x128xf32, #tpu.memory_space<smem>>
    %div3A_759 = arith.divf %get3A_754, %max3A_721 : f32
    %div3A_760 = arith.divf %get3A_758, %max3A_721 : f32
    %mul3A_761 = arith.mulf %div3A_759, %div3A_759 : f32
    %sub3A_762 = arith.subf %div3A_760, %mul3A_761 : f32
    %mul3A_763 = arith.mulf %convert_element_type3A_719, %sub3A_762 : f32
    %add3A_764 = arith.addf %add3A_710, %mul3A_763 : f32
    %add3A_765 = arith.addf %add3A_711, %convert_element_type3A_719 : f32
    %get3A_766 = arith.constant 1 : index
    %get3A_767 = arith.constant 0 : index
    %get3A_768 = arith.constant 6 : index
    %get3A_769 = memref.load %arg2[%get3A_766, %get3A_767, %get3A_768] : memref<4x6x128xf32, #tpu.memory_space<smem>>
    %gt3A_770 = arith.constant 0.000000e+00 : f32
    %gt3A_771 = arith.cmpf ogt, %get3A_769, %gt3A_770 : f32
    %convert_element_type3A_772 = arith.extui %gt3A_771 : i1 to i32
    %convert_element_type3A_773 = arith.sitofp %convert_element_type3A_772 : i32 to f32
    %max3A_774 = arith.constant 1.000000e+00 : f32
    %max3A_775 = arith.maximumf %get3A_769, %max3A_774 : f32
    %slice3A_776 = vector.extract_strided_slice %dot_general3A_435 {offsets = [12, 0], sizes = [1, 1024], strides = [1, 1]} : vector<14x1024xf32> to vector<1x1024xf32>
    %slice3A_777 = vector.extract_strided_slice %dot_general3A_435 {offsets = [13, 0], sizes = [1, 1024], strides = [1, 1]} : vector<14x1024xf32> to vector<1x1024xf32>
    %add3A_778 = arith.addf %slice3A_776, %slice3A_777 : vector<1x1024xf32>
    %sub3A_779 = vector.broadcast %get3A_769 : f32 to vector<1x1024xf32>
    %sub3A_780 = arith.subf %sub3A_779, %slice3A_776 : vector<1x1024xf32>
    %add3A_781 = vector.broadcast %get3A_769 : f32 to vector<1x1024xf32>
    %add3A_782 = arith.addf %add3A_781, %add3A_778 : vector<1x1024xf32>
    %sub3A_783 = arith.subf %add3A_782, %slice3A_776 : vector<1x1024xf32>
    %max3A_784 = arith.constant 1.000000e+00 : f32
    %max3A_785 = vector.broadcast %max3A_784 : f32 to vector<1x1024xf32>
    %max3A_786 = arith.maximumf %sub3A_783, %max3A_785 : vector<1x1024xf32>
    %div3A_787 = arith.divf %sub3A_780, %max3A_786 : vector<1x1024xf32>
    %sub3A_788 = arith.constant 1.000000e+00 : f32
    %sub3A_789 = vector.broadcast %sub3A_788 : f32 to vector<1x1024xf32>
    %sub3A_790 = arith.subf %sub3A_789, %div3A_787 : vector<1x1024xf32>
    %reduce_sum3A_791 = vector.shape_cast %sub3A_790 : vector<1x1024xf32> to vector<1x1x1024xf32>
    %reduce_sum3A_792 = arith.constant dense<0.000000e+00> : vector<1xf32>
    %reduce_sum3A_793 = vector.multi_reduction <add>, %reduce_sum3A_791, %reduce_sum3A_792 [1, 2] : vector<1x1x1024xf32> to vector<1xf32>
    %reduce_sum3A_794 = vector.shape_cast %reduce_sum3A_793 : vector<1xf32> to vector<1x1x1xf32>
    %reduce_sum3A_795 = vector.extract %reduce_sum3A_794[0, 0, 0] : f32 from vector<1x1x1xf32>
    %slice3A_796 = vector.extract_strided_slice %sub3A_790 {offsets = [0, 0], sizes = [1, 1], strides = [1, 1]} : vector<1x1024xf32> to vector<1x1xf32>
    %squeeze3A_797 = vector.extract %slice3A_796[0, 0] : f32 from vector<1x1xf32>
    %mul3A_798 = arith.constant 5.000000e-01 : f32
    %mul3A_799 = arith.mulf %mul3A_798, %squeeze3A_797 : f32
    %sub3A_800 = arith.subf %reduce_sum3A_795, %mul3A_799 : f32
    %mul3A_801 = arith.constant 0.001953125 : f32
    %mul3A_802 = arith.mulf %mul3A_801, %sub3A_800 : f32
    %mul3A_803 = arith.mulf %convert_element_type3A_773, %mul3A_802 : f32
    %add3A_804 = arith.addf %add3A_750, %mul3A_803 : f32
    %get3A_805 = arith.constant 1 : index
    %get3A_806 = arith.constant 3 : index
    %get3A_807 = arith.constant 6 : index
    %get3A_808 = memref.load %arg2[%get3A_805, %get3A_806, %get3A_807] : memref<4x6x128xf32, #tpu.memory_space<smem>>
    %get3A_809 = arith.constant 1 : index
    %get3A_810 = arith.constant 4 : index
    %get3A_811 = arith.constant 6 : index
    %get3A_812 = memref.load %arg2[%get3A_809, %get3A_810, %get3A_811] : memref<4x6x128xf32, #tpu.memory_space<smem>>
    %div3A_813 = arith.divf %get3A_808, %max3A_775 : f32
    %div3A_814 = arith.divf %get3A_812, %max3A_775 : f32
    %mul3A_815 = arith.mulf %div3A_813, %div3A_813 : f32
    %sub3A_816 = arith.subf %div3A_814, %mul3A_815 : f32
    %mul3A_817 = arith.mulf %convert_element_type3A_773, %sub3A_816 : f32
    %add3A_818 = arith.addf %add3A_764, %mul3A_817 : f32
    %add3A_819 = arith.addf %add3A_765, %convert_element_type3A_773 : f32
    %max3A_820 = arith.constant 1.000000e+00 : f32
    %max3A_821 = arith.maximumf %add3A_819, %max3A_820 : f32
    %get3A_822 = arith.constant 1 : index
    %get3A_823 = arith.constant 5 : index
    %get3A_824 = arith.constant 0 : index
    %get3A_825 = memref.load %arg2[%get3A_822, %get3A_823, %get3A_824] : memref<4x6x128xf32, #tpu.memory_space<smem>>
    %add3A_826 = arith.addf %get3A_825, %get3A_438 : f32
    %div3A_827 = arith.constant 2.621440e+05 : f32
    %div3A_828 = arith.divf %add3A_826, %div3A_827 : f32
    %div3A_829 = arith.divf %add3A_804, %max3A_821 : f32
    %add3A_830 = arith.addf %add3A_412, %div3A_829 : f32
    %mul3A_831 = arith.constant 1.000000e+01 : f32
    %mul3A_832 = arith.mulf %mul3A_831, %add3A_818 : f32
    %div3A_833 = arith.divf %mul3A_832, %max3A_821 : f32
    %add3A_834 = arith.addf %add3A_830, %div3A_833 : f32
    %add3A_835 = arith.addf %add3A_834, %div3A_828 : f32
    %get3A_836 = arith.constant 0 : index
    %get3A_837 = arith.constant 0 : index
    %get3A_838 = vector.load %arg1[%get3A_836, %get3A_837] : memref<32x14336xf32, #tpu.memory_space<vmem>>, vector<16x14336xf32>
    %reduce_sum3A_839 = arith.constant dense<0.000000e+00> : vector<14336xf32>
    %reduce_sum3A_840 = vector.multi_reduction <add>, %get3A_838, %reduce_sum3A_839 [0] : vector<16x14336xf32> to vector<14336xf32>
    %broadcast_in_dim3A_841 = vector.shape_cast %reduce_sum3A_840 : vector<14336xf32> to vector<1x14336xf32>
    %slice3A_842 = vector.extract_strided_slice %broadcast_in_dim3A_841 {offsets = [0, 0], sizes = [1, 1024], strides = [1, 1]} : vector<1x14336xf32> to vector<1x1024xf32>
    %slice3A_843 = vector.extract_strided_slice %broadcast_in_dim3A_841 {offsets = [0, 1024], sizes = [1, 1024], strides = [1, 1]} : vector<1x14336xf32> to vector<1x1024xf32>
    %slice3A_844 = vector.extract_strided_slice %broadcast_in_dim3A_841 {offsets = [0, 2048], sizes = [1, 1024], strides = [1, 1]} : vector<1x14336xf32> to vector<1x1024xf32>
    %slice3A_845 = vector.extract_strided_slice %broadcast_in_dim3A_841 {offsets = [0, 3072], sizes = [1, 1024], strides = [1, 1]} : vector<1x14336xf32> to vector<1x1024xf32>
    %slice3A_846 = vector.extract_strided_slice %broadcast_in_dim3A_841 {offsets = [0, 4096], sizes = [1, 1024], strides = [1, 1]} : vector<1x14336xf32> to vector<1x1024xf32>
    %slice3A_847 = vector.extract_strided_slice %broadcast_in_dim3A_841 {offsets = [0, 5120], sizes = [1, 1024], strides = [1, 1]} : vector<1x14336xf32> to vector<1x1024xf32>
    %slice3A_848 = vector.extract_strided_slice %broadcast_in_dim3A_841 {offsets = [0, 6144], sizes = [1, 1024], strides = [1, 1]} : vector<1x14336xf32> to vector<1x1024xf32>
    %slice3A_849 = vector.extract_strided_slice %broadcast_in_dim3A_841 {offsets = [0, 7168], sizes = [1, 1024], strides = [1, 1]} : vector<1x14336xf32> to vector<1x1024xf32>
    %slice3A_850 = vector.extract_strided_slice %broadcast_in_dim3A_841 {offsets = [0, 8192], sizes = [1, 1024], strides = [1, 1]} : vector<1x14336xf32> to vector<1x1024xf32>
    %slice3A_851 = vector.extract_strided_slice %broadcast_in_dim3A_841 {offsets = [0, 9216], sizes = [1, 1024], strides = [1, 1]} : vector<1x14336xf32> to vector<1x1024xf32>
    %slice3A_852 = vector.extract_strided_slice %broadcast_in_dim3A_841 {offsets = [0, 10240], sizes = [1, 1024], strides = [1, 1]} : vector<1x14336xf32> to vector<1x1024xf32>
    %slice3A_853 = vector.extract_strided_slice %broadcast_in_dim3A_841 {offsets = [0, 11264], sizes = [1, 1024], strides = [1, 1]} : vector<1x14336xf32> to vector<1x1024xf32>
    %slice3A_854 = vector.extract_strided_slice %broadcast_in_dim3A_841 {offsets = [0, 12288], sizes = [1, 1024], strides = [1, 1]} : vector<1x14336xf32> to vector<1x1024xf32>
    %slice3A_855 = vector.extract_strided_slice %broadcast_in_dim3A_841 {offsets = [0, 13312], sizes = [1, 1024], strides = [1, 1]} : vector<1x14336xf32> to vector<1x1024xf32>
    %concatenate3A_856 = tpu.concatenate %slice3A_842, %slice3A_843, %slice3A_844, %slice3A_845, %slice3A_846, %slice3A_847, %slice3A_848, %slice3A_849, %slice3A_850, %slice3A_851, %slice3A_852, %slice3A_853, %slice3A_854, %slice3A_855 in 0 : vector<1x1024xf32>, vector<1x1024xf32>, vector<1x1024xf32>, vector<1x1024xf32>, vector<1x1024xf32>, vector<1x1024xf32>, vector<1x1024xf32>, vector<1x1024xf32>, vector<1x1024xf32>, vector<1x1024xf32>, vector<1x1024xf32>, vector<1x1024xf32>, vector<1x1024xf32>, vector<1x1024xf32> -> vector<14x1024xf32>
    %dot_general3A_857 = arith.constant dense<0.000000e+00> : vector<14x1024xf32>
    %dot_general3A_858 = tpu.matmul %concatenate3A_856, %convert_element_type3A_1, %dot_general3A_857 {dimension_numbers = #tpu.dot_dimension_numbers<[1], [0], [0], [1], [0, 0, 1, 1], [], []>, transpose_lhs_hint = false} : vector<14x1024xf32>, vector<1024x1024xf32>, vector<14x1024xf32> -> vector<14x1024xf32>
    %get3A_859 = arith.constant 0 : index
    %get3A_860 = arith.constant 0 : index
    %get3A_861 = memref.load %arg4[%get3A_859, %get3A_860] : memref<2x1xf32, #tpu.memory_space<smem>>
    %get3A_862 = arith.constant 2 : index
    %get3A_863 = arith.constant 0 : index
    %get3A_864 = arith.constant 0 : index
    %get3A_865 = memref.load %arg2[%get3A_862, %get3A_863, %get3A_864] : memref<4x6x128xf32, #tpu.memory_space<smem>>
    %gt3A_866 = arith.constant 0.000000e+00 : f32
    %gt3A_867 = arith.cmpf ogt, %get3A_865, %gt3A_866 : f32
    %convert_element_type3A_868 = arith.extui %gt3A_867 : i1 to i32
    %convert_element_type3A_869 = arith.sitofp %convert_element_type3A_868 : i32 to f32
    %max3A_870 = arith.constant 1.000000e+00 : f32
    %max3A_871 = arith.maximumf %get3A_865, %max3A_870 : f32
    %slice3A_872 = vector.extract_strided_slice %dot_general3A_858 {offsets = [0, 0], sizes = [1, 1024], strides = [1, 1]} : vector<14x1024xf32> to vector<1x1024xf32>
    %slice3A_873 = vector.extract_strided_slice %dot_general3A_858 {offsets = [1, 0], sizes = [1, 1024], strides = [1, 1]} : vector<14x1024xf32> to vector<1x1024xf32>
    %add3A_874 = arith.addf %slice3A_872, %slice3A_873 : vector<1x1024xf32>
    %sub3A_875 = vector.broadcast %get3A_865 : f32 to vector<1x1024xf32>
    %sub3A_876 = arith.subf %sub3A_875, %slice3A_872 : vector<1x1024xf32>
    %add3A_877 = vector.broadcast %get3A_865 : f32 to vector<1x1024xf32>
    %add3A_878 = arith.addf %add3A_877, %add3A_874 : vector<1x1024xf32>
    %sub3A_879 = arith.subf %add3A_878, %slice3A_872 : vector<1x1024xf32>
    %max3A_880 = arith.constant 1.000000e+00 : f32
    %max3A_881 = vector.broadcast %max3A_880 : f32 to vector<1x1024xf32>
    %max3A_882 = arith.maximumf %sub3A_879, %max3A_881 : vector<1x1024xf32>
    %div3A_883 = arith.divf %sub3A_876, %max3A_882 : vector<1x1024xf32>
    %sub3A_884 = arith.constant 1.000000e+00 : f32
    %sub3A_885 = vector.broadcast %sub3A_884 : f32 to vector<1x1024xf32>
    %sub3A_886 = arith.subf %sub3A_885, %div3A_883 : vector<1x1024xf32>
    %reduce_sum3A_887 = vector.shape_cast %sub3A_886 : vector<1x1024xf32> to vector<1x1x1024xf32>
    %reduce_sum3A_888 = arith.constant dense<0.000000e+00> : vector<1xf32>
    %reduce_sum3A_889 = vector.multi_reduction <add>, %reduce_sum3A_887, %reduce_sum3A_888 [1, 2] : vector<1x1x1024xf32> to vector<1xf32>
    %reduce_sum3A_890 = vector.shape_cast %reduce_sum3A_889 : vector<1xf32> to vector<1x1x1xf32>
    %reduce_sum3A_891 = vector.extract %reduce_sum3A_890[0, 0, 0] : f32 from vector<1x1x1xf32>
    %slice3A_892 = vector.extract_strided_slice %sub3A_886 {offsets = [0, 0], sizes = [1, 1], strides = [1, 1]} : vector<1x1024xf32> to vector<1x1xf32>
    %squeeze3A_893 = vector.extract %slice3A_892[0, 0] : f32 from vector<1x1xf32>
    %mul3A_894 = arith.constant 5.000000e-01 : f32
    %mul3A_895 = arith.mulf %mul3A_894, %squeeze3A_893 : f32
    %sub3A_896 = arith.subf %reduce_sum3A_891, %mul3A_895 : f32
    %mul3A_897 = arith.constant 0.001953125 : f32
    %mul3A_898 = arith.mulf %mul3A_897, %sub3A_896 : f32
    %mul3A_899 = arith.mulf %convert_element_type3A_869, %mul3A_898 : f32
    %add3A_900 = arith.constant 0.000000e+00 : f32
    %add3A_901 = arith.addf %add3A_900, %mul3A_899 : f32
    %get3A_902 = arith.constant 2 : index
    %get3A_903 = arith.constant 3 : index
    %get3A_904 = arith.constant 0 : index
    %get3A_905 = memref.load %arg2[%get3A_902, %get3A_903, %get3A_904] : memref<4x6x128xf32, #tpu.memory_space<smem>>
    %get3A_906 = arith.constant 2 : index
    %get3A_907 = arith.constant 4 : index
    %get3A_908 = arith.constant 0 : index
    %get3A_909 = memref.load %arg2[%get3A_906, %get3A_907, %get3A_908] : memref<4x6x128xf32, #tpu.memory_space<smem>>
    %div3A_910 = arith.divf %get3A_905, %max3A_871 : f32
    %div3A_911 = arith.divf %get3A_909, %max3A_871 : f32
    %mul3A_912 = arith.mulf %div3A_910, %div3A_910 : f32
    %sub3A_913 = arith.subf %div3A_911, %mul3A_912 : f32
    %mul3A_914 = arith.mulf %convert_element_type3A_869, %sub3A_913 : f32
    %add3A_915 = arith.constant 0.000000e+00 : f32
    %add3A_916 = arith.addf %add3A_915, %mul3A_914 : f32
    %add3A_917 = arith.constant 0.000000e+00 : f32
    %add3A_918 = arith.addf %add3A_917, %convert_element_type3A_869 : f32
    %get3A_919 = arith.constant 2 : index
    %get3A_920 = arith.constant 0 : index
    %get3A_921 = arith.constant 1 : index
    %get3A_922 = memref.load %arg2[%get3A_919, %get3A_920, %get3A_921] : memref<4x6x128xf32, #tpu.memory_space<smem>>
    %gt3A_923 = arith.constant 0.000000e+00 : f32
    %gt3A_924 = arith.cmpf ogt, %get3A_922, %gt3A_923 : f32
    %convert_element_type3A_925 = arith.extui %gt3A_924 : i1 to i32
    %convert_element_type3A_926 = arith.sitofp %convert_element_type3A_925 : i32 to f32
    %max3A_927 = arith.constant 1.000000e+00 : f32
    %max3A_928 = arith.maximumf %get3A_922, %max3A_927 : f32
    %slice3A_929 = vector.extract_strided_slice %dot_general3A_858 {offsets = [2, 0], sizes = [1, 1024], strides = [1, 1]} : vector<14x1024xf32> to vector<1x1024xf32>
    %slice3A_930 = vector.extract_strided_slice %dot_general3A_858 {offsets = [3, 0], sizes = [1, 1024], strides = [1, 1]} : vector<14x1024xf32> to vector<1x1024xf32>
    %add3A_931 = arith.addf %slice3A_929, %slice3A_930 : vector<1x1024xf32>
    %sub3A_932 = vector.broadcast %get3A_922 : f32 to vector<1x1024xf32>
    %sub3A_933 = arith.subf %sub3A_932, %slice3A_929 : vector<1x1024xf32>
    %add3A_934 = vector.broadcast %get3A_922 : f32 to vector<1x1024xf32>
    %add3A_935 = arith.addf %add3A_934, %add3A_931 : vector<1x1024xf32>
    %sub3A_936 = arith.subf %add3A_935, %slice3A_929 : vector<1x1024xf32>
    %max3A_937 = arith.constant 1.000000e+00 : f32
    %max3A_938 = vector.broadcast %max3A_937 : f32 to vector<1x1024xf32>
    %max3A_939 = arith.maximumf %sub3A_936, %max3A_938 : vector<1x1024xf32>
    %div3A_940 = arith.divf %sub3A_933, %max3A_939 : vector<1x1024xf32>
    %sub3A_941 = arith.constant 1.000000e+00 : f32
    %sub3A_942 = vector.broadcast %sub3A_941 : f32 to vector<1x1024xf32>
    %sub3A_943 = arith.subf %sub3A_942, %div3A_940 : vector<1x1024xf32>
    %reduce_sum3A_944 = vector.shape_cast %sub3A_943 : vector<1x1024xf32> to vector<1x1x1024xf32>
    %reduce_sum3A_945 = arith.constant dense<0.000000e+00> : vector<1xf32>
    %reduce_sum3A_946 = vector.multi_reduction <add>, %reduce_sum3A_944, %reduce_sum3A_945 [1, 2] : vector<1x1x1024xf32> to vector<1xf32>
    %reduce_sum3A_947 = vector.shape_cast %reduce_sum3A_946 : vector<1xf32> to vector<1x1x1xf32>
    %reduce_sum3A_948 = vector.extract %reduce_sum3A_947[0, 0, 0] : f32 from vector<1x1x1xf32>
    %slice3A_949 = vector.extract_strided_slice %sub3A_943 {offsets = [0, 0], sizes = [1, 1], strides = [1, 1]} : vector<1x1024xf32> to vector<1x1xf32>
    %squeeze3A_950 = vector.extract %slice3A_949[0, 0] : f32 from vector<1x1xf32>
    %mul3A_951 = arith.constant 5.000000e-01 : f32
    %mul3A_952 = arith.mulf %mul3A_951, %squeeze3A_950 : f32
    %sub3A_953 = arith.subf %reduce_sum3A_948, %mul3A_952 : f32
    %mul3A_954 = arith.constant 0.001953125 : f32
    %mul3A_955 = arith.mulf %mul3A_954, %sub3A_953 : f32
    %mul3A_956 = arith.mulf %convert_element_type3A_926, %mul3A_955 : f32
    %add3A_957 = arith.addf %add3A_901, %mul3A_956 : f32
    %get3A_958 = arith.constant 2 : index
    %get3A_959 = arith.constant 3 : index
    %get3A_960 = arith.constant 1 : index
    %get3A_961 = memref.load %arg2[%get3A_958, %get3A_959, %get3A_960] : memref<4x6x128xf32, #tpu.memory_space<smem>>
    %get3A_962 = arith.constant 2 : index
    %get3A_963 = arith.constant 4 : index
    %get3A_964 = arith.constant 1 : index
    %get3A_965 = memref.load %arg2[%get3A_962, %get3A_963, %get3A_964] : memref<4x6x128xf32, #tpu.memory_space<smem>>
    %div3A_966 = arith.divf %get3A_961, %max3A_928 : f32
    %div3A_967 = arith.divf %get3A_965, %max3A_928 : f32
    %mul3A_968 = arith.mulf %div3A_966, %div3A_966 : f32
    %sub3A_969 = arith.subf %div3A_967, %mul3A_968 : f32
    %mul3A_970 = arith.mulf %convert_element_type3A_926, %sub3A_969 : f32
    %add3A_971 = arith.addf %add3A_916, %mul3A_970 : f32
    %add3A_972 = arith.addf %add3A_918, %convert_element_type3A_926 : f32
    %get3A_973 = arith.constant 2 : index
    %get3A_974 = arith.constant 0 : index
    %get3A_975 = arith.constant 2 : index
    %get3A_976 = memref.load %arg2[%get3A_973, %get3A_974, %get3A_975] : memref<4x6x128xf32, #tpu.memory_space<smem>>
    %gt3A_977 = arith.constant 0.000000e+00 : f32
    %gt3A_978 = arith.cmpf ogt, %get3A_976, %gt3A_977 : f32
    %convert_element_type3A_979 = arith.extui %gt3A_978 : i1 to i32
    %convert_element_type3A_980 = arith.sitofp %convert_element_type3A_979 : i32 to f32
    %max3A_981 = arith.constant 1.000000e+00 : f32
    %max3A_982 = arith.maximumf %get3A_976, %max3A_981 : f32
    %slice3A_983 = vector.extract_strided_slice %dot_general3A_858 {offsets = [4, 0], sizes = [1, 1024], strides = [1, 1]} : vector<14x1024xf32> to vector<1x1024xf32>
    %slice3A_984 = vector.extract_strided_slice %dot_general3A_858 {offsets = [5, 0], sizes = [1, 1024], strides = [1, 1]} : vector<14x1024xf32> to vector<1x1024xf32>
    %add3A_985 = arith.addf %slice3A_983, %slice3A_984 : vector<1x1024xf32>
    %sub3A_986 = vector.broadcast %get3A_976 : f32 to vector<1x1024xf32>
    %sub3A_987 = arith.subf %sub3A_986, %slice3A_983 : vector<1x1024xf32>
    %add3A_988 = vector.broadcast %get3A_976 : f32 to vector<1x1024xf32>
    %add3A_989 = arith.addf %add3A_988, %add3A_985 : vector<1x1024xf32>
    %sub3A_990 = arith.subf %add3A_989, %slice3A_983 : vector<1x1024xf32>
    %max3A_991 = arith.constant 1.000000e+00 : f32
    %max3A_992 = vector.broadcast %max3A_991 : f32 to vector<1x1024xf32>
    %max3A_993 = arith.maximumf %sub3A_990, %max3A_992 : vector<1x1024xf32>
    %div3A_994 = arith.divf %sub3A_987, %max3A_993 : vector<1x1024xf32>
    %sub3A_995 = arith.constant 1.000000e+00 : f32
    %sub3A_996 = vector.broadcast %sub3A_995 : f32 to vector<1x1024xf32>
    %sub3A_997 = arith.subf %sub3A_996, %div3A_994 : vector<1x1024xf32>
    %reduce_sum3A_998 = vector.shape_cast %sub3A_997 : vector<1x1024xf32> to vector<1x1x1024xf32>
    %reduce_sum3A_999 = arith.constant dense<0.000000e+00> : vector<1xf32>
    %reduce_sum3A_1000 = vector.multi_reduction <add>, %reduce_sum3A_998, %reduce_sum3A_999 [1, 2] : vector<1x1x1024xf32> to vector<1xf32>
    %reduce_sum3A_1001 = vector.shape_cast %reduce_sum3A_1000 : vector<1xf32> to vector<1x1x1xf32>
    %reduce_sum3A_1002 = vector.extract %reduce_sum3A_1001[0, 0, 0] : f32 from vector<1x1x1xf32>
    %slice3A_1003 = vector.extract_strided_slice %sub3A_997 {offsets = [0, 0], sizes = [1, 1], strides = [1, 1]} : vector<1x1024xf32> to vector<1x1xf32>
    %squeeze3A_1004 = vector.extract %slice3A_1003[0, 0] : f32 from vector<1x1xf32>
    %mul3A_1005 = arith.constant 5.000000e-01 : f32
    %mul3A_1006 = arith.mulf %mul3A_1005, %squeeze3A_1004 : f32
    %sub3A_1007 = arith.subf %reduce_sum3A_1002, %mul3A_1006 : f32
    %mul3A_1008 = arith.constant 0.001953125 : f32
    %mul3A_1009 = arith.mulf %mul3A_1008, %sub3A_1007 : f32
    %mul3A_1010 = arith.mulf %convert_element_type3A_980, %mul3A_1009 : f32
    %add3A_1011 = arith.addf %add3A_957, %mul3A_1010 : f32
    %get3A_1012 = arith.constant 2 : index
    %get3A_1013 = arith.constant 3 : index
    %get3A_1014 = arith.constant 2 : index
    %get3A_1015 = memref.load %arg2[%get3A_1012, %get3A_1013, %get3A_1014] : memref<4x6x128xf32, #tpu.memory_space<smem>>
    %get3A_1016 = arith.constant 2 : index
    %get3A_1017 = arith.constant 4 : index
    %get3A_1018 = arith.constant 2 : index
    %get3A_1019 = memref.load %arg2[%get3A_1016, %get3A_1017, %get3A_1018] : memref<4x6x128xf32, #tpu.memory_space<smem>>
    %div3A_1020 = arith.divf %get3A_1015, %max3A_982 : f32
    %div3A_1021 = arith.divf %get3A_1019, %max3A_982 : f32
    %mul3A_1022 = arith.mulf %div3A_1020, %div3A_1020 : f32
    %sub3A_1023 = arith.subf %div3A_1021, %mul3A_1022 : f32
    %mul3A_1024 = arith.mulf %convert_element_type3A_980, %sub3A_1023 : f32
    %add3A_1025 = arith.addf %add3A_971, %mul3A_1024 : f32
    %add3A_1026 = arith.addf %add3A_972, %convert_element_type3A_980 : f32
    %get3A_1027 = arith.constant 2 : index
    %get3A_1028 = arith.constant 0 : index
    %get3A_1029 = arith.constant 3 : index
    %get3A_1030 = memref.load %arg2[%get3A_1027, %get3A_1028, %get3A_1029] : memref<4x6x128xf32, #tpu.memory_space<smem>>
    %gt3A_1031 = arith.constant 0.000000e+00 : f32
    %gt3A_1032 = arith.cmpf ogt, %get3A_1030, %gt3A_1031 : f32
    %convert_element_type3A_1033 = arith.extui %gt3A_1032 : i1 to i32
    %convert_element_type3A_1034 = arith.sitofp %convert_element_type3A_1033 : i32 to f32
    %max3A_1035 = arith.constant 1.000000e+00 : f32
    %max3A_1036 = arith.maximumf %get3A_1030, %max3A_1035 : f32
    %slice3A_1037 = vector.extract_strided_slice %dot_general3A_858 {offsets = [6, 0], sizes = [1, 1024], strides = [1, 1]} : vector<14x1024xf32> to vector<1x1024xf32>
    %slice3A_1038 = vector.extract_strided_slice %dot_general3A_858 {offsets = [7, 0], sizes = [1, 1024], strides = [1, 1]} : vector<14x1024xf32> to vector<1x1024xf32>
    %add3A_1039 = arith.addf %slice3A_1037, %slice3A_1038 : vector<1x1024xf32>
    %sub3A_1040 = vector.broadcast %get3A_1030 : f32 to vector<1x1024xf32>
    %sub3A_1041 = arith.subf %sub3A_1040, %slice3A_1037 : vector<1x1024xf32>
    %add3A_1042 = vector.broadcast %get3A_1030 : f32 to vector<1x1024xf32>
    %add3A_1043 = arith.addf %add3A_1042, %add3A_1039 : vector<1x1024xf32>
    %sub3A_1044 = arith.subf %add3A_1043, %slice3A_1037 : vector<1x1024xf32>
    %max3A_1045 = arith.constant 1.000000e+00 : f32
    %max3A_1046 = vector.broadcast %max3A_1045 : f32 to vector<1x1024xf32>
    %max3A_1047 = arith.maximumf %sub3A_1044, %max3A_1046 : vector<1x1024xf32>
    %div3A_1048 = arith.divf %sub3A_1041, %max3A_1047 : vector<1x1024xf32>
    %sub3A_1049 = arith.constant 1.000000e+00 : f32
    %sub3A_1050 = vector.broadcast %sub3A_1049 : f32 to vector<1x1024xf32>
    %sub3A_1051 = arith.subf %sub3A_1050, %div3A_1048 : vector<1x1024xf32>
    %reduce_sum3A_1052 = vector.shape_cast %sub3A_1051 : vector<1x1024xf32> to vector<1x1x1024xf32>
    %reduce_sum3A_1053 = arith.constant dense<0.000000e+00> : vector<1xf32>
    %reduce_sum3A_1054 = vector.multi_reduction <add>, %reduce_sum3A_1052, %reduce_sum3A_1053 [1, 2] : vector<1x1x1024xf32> to vector<1xf32>
    %reduce_sum3A_1055 = vector.shape_cast %reduce_sum3A_1054 : vector<1xf32> to vector<1x1x1xf32>
    %reduce_sum3A_1056 = vector.extract %reduce_sum3A_1055[0, 0, 0] : f32 from vector<1x1x1xf32>
    %slice3A_1057 = vector.extract_strided_slice %sub3A_1051 {offsets = [0, 0], sizes = [1, 1], strides = [1, 1]} : vector<1x1024xf32> to vector<1x1xf32>
    %squeeze3A_1058 = vector.extract %slice3A_1057[0, 0] : f32 from vector<1x1xf32>
    %mul3A_1059 = arith.constant 5.000000e-01 : f32
    %mul3A_1060 = arith.mulf %mul3A_1059, %squeeze3A_1058 : f32
    %sub3A_1061 = arith.subf %reduce_sum3A_1056, %mul3A_1060 : f32
    %mul3A_1062 = arith.constant 0.001953125 : f32
    %mul3A_1063 = arith.mulf %mul3A_1062, %sub3A_1061 : f32
    %mul3A_1064 = arith.mulf %convert_element_type3A_1034, %mul3A_1063 : f32
    %add3A_1065 = arith.addf %add3A_1011, %mul3A_1064 : f32
    %get3A_1066 = arith.constant 2 : index
    %get3A_1067 = arith.constant 3 : index
    %get3A_1068 = arith.constant 3 : index
    %get3A_1069 = memref.load %arg2[%get3A_1066, %get3A_1067, %get3A_1068] : memref<4x6x128xf32, #tpu.memory_space<smem>>
    %get3A_1070 = arith.constant 2 : index
    %get3A_1071 = arith.constant 4 : index
    %get3A_1072 = arith.constant 3 : index
    %get3A_1073 = memref.load %arg2[%get3A_1070, %get3A_1071, %get3A_1072] : memref<4x6x128xf32, #tpu.memory_space<smem>>
    %div3A_1074 = arith.divf %get3A_1069, %max3A_1036 : f32
    %div3A_1075 = arith.divf %get3A_1073, %max3A_1036 : f32
    %mul3A_1076 = arith.mulf %div3A_1074, %div3A_1074 : f32
    %sub3A_1077 = arith.subf %div3A_1075, %mul3A_1076 : f32
    %mul3A_1078 = arith.mulf %convert_element_type3A_1034, %sub3A_1077 : f32
    %add3A_1079 = arith.addf %add3A_1025, %mul3A_1078 : f32
    %add3A_1080 = arith.addf %add3A_1026, %convert_element_type3A_1034 : f32
    %get3A_1081 = arith.constant 2 : index
    %get3A_1082 = arith.constant 0 : index
    %get3A_1083 = arith.constant 4 : index
    %get3A_1084 = memref.load %arg2[%get3A_1081, %get3A_1082, %get3A_1083] : memref<4x6x128xf32, #tpu.memory_space<smem>>
    %gt3A_1085 = arith.constant 0.000000e+00 : f32
    %gt3A_1086 = arith.cmpf ogt, %get3A_1084, %gt3A_1085 : f32
    %convert_element_type3A_1087 = arith.extui %gt3A_1086 : i1 to i32
    %convert_element_type3A_1088 = arith.sitofp %convert_element_type3A_1087 : i32 to f32
    %max3A_1089 = arith.constant 1.000000e+00 : f32
    %max3A_1090 = arith.maximumf %get3A_1084, %max3A_1089 : f32
    %slice3A_1091 = vector.extract_strided_slice %dot_general3A_858 {offsets = [8, 0], sizes = [1, 1024], strides = [1, 1]} : vector<14x1024xf32> to vector<1x1024xf32>
    %slice3A_1092 = vector.extract_strided_slice %dot_general3A_858 {offsets = [9, 0], sizes = [1, 1024], strides = [1, 1]} : vector<14x1024xf32> to vector<1x1024xf32>
    %add3A_1093 = arith.addf %slice3A_1091, %slice3A_1092 : vector<1x1024xf32>
    %sub3A_1094 = vector.broadcast %get3A_1084 : f32 to vector<1x1024xf32>
    %sub3A_1095 = arith.subf %sub3A_1094, %slice3A_1091 : vector<1x1024xf32>
    %add3A_1096 = vector.broadcast %get3A_1084 : f32 to vector<1x1024xf32>
    %add3A_1097 = arith.addf %add3A_1096, %add3A_1093 : vector<1x1024xf32>
    %sub3A_1098 = arith.subf %add3A_1097, %slice3A_1091 : vector<1x1024xf32>
    %max3A_1099 = arith.constant 1.000000e+00 : f32
    %max3A_1100 = vector.broadcast %max3A_1099 : f32 to vector<1x1024xf32>
    %max3A_1101 = arith.maximumf %sub3A_1098, %max3A_1100 : vector<1x1024xf32>
    %div3A_1102 = arith.divf %sub3A_1095, %max3A_1101 : vector<1x1024xf32>
    %sub3A_1103 = arith.constant 1.000000e+00 : f32
    %sub3A_1104 = vector.broadcast %sub3A_1103 : f32 to vector<1x1024xf32>
    %sub3A_1105 = arith.subf %sub3A_1104, %div3A_1102 : vector<1x1024xf32>
    %reduce_sum3A_1106 = vector.shape_cast %sub3A_1105 : vector<1x1024xf32> to vector<1x1x1024xf32>
    %reduce_sum3A_1107 = arith.constant dense<0.000000e+00> : vector<1xf32>
    %reduce_sum3A_1108 = vector.multi_reduction <add>, %reduce_sum3A_1106, %reduce_sum3A_1107 [1, 2] : vector<1x1x1024xf32> to vector<1xf32>
    %reduce_sum3A_1109 = vector.shape_cast %reduce_sum3A_1108 : vector<1xf32> to vector<1x1x1xf32>
    %reduce_sum3A_1110 = vector.extract %reduce_sum3A_1109[0, 0, 0] : f32 from vector<1x1x1xf32>
    %slice3A_1111 = vector.extract_strided_slice %sub3A_1105 {offsets = [0, 0], sizes = [1, 1], strides = [1, 1]} : vector<1x1024xf32> to vector<1x1xf32>
    %squeeze3A_1112 = vector.extract %slice3A_1111[0, 0] : f32 from vector<1x1xf32>
    %mul3A_1113 = arith.constant 5.000000e-01 : f32
    %mul3A_1114 = arith.mulf %mul3A_1113, %squeeze3A_1112 : f32
    %sub3A_1115 = arith.subf %reduce_sum3A_1110, %mul3A_1114 : f32
    %mul3A_1116 = arith.constant 0.001953125 : f32
    %mul3A_1117 = arith.mulf %mul3A_1116, %sub3A_1115 : f32
    %mul3A_1118 = arith.mulf %convert_element_type3A_1088, %mul3A_1117 : f32
    %add3A_1119 = arith.addf %add3A_1065, %mul3A_1118 : f32
    %get3A_1120 = arith.constant 2 : index
    %get3A_1121 = arith.constant 3 : index
    %get3A_1122 = arith.constant 4 : index
    %get3A_1123 = memref.load %arg2[%get3A_1120, %get3A_1121, %get3A_1122] : memref<4x6x128xf32, #tpu.memory_space<smem>>
    %get3A_1124 = arith.constant 2 : index
    %get3A_1125 = arith.constant 4 : index
    %get3A_1126 = arith.constant 4 : index
    %get3A_1127 = memref.load %arg2[%get3A_1124, %get3A_1125, %get3A_1126] : memref<4x6x128xf32, #tpu.memory_space<smem>>
    %div3A_1128 = arith.divf %get3A_1123, %max3A_1090 : f32
    %div3A_1129 = arith.divf %get3A_1127, %max3A_1090 : f32
    %mul3A_1130 = arith.mulf %div3A_1128, %div3A_1128 : f32
    %sub3A_1131 = arith.subf %div3A_1129, %mul3A_1130 : f32
    %mul3A_1132 = arith.mulf %convert_element_type3A_1088, %sub3A_1131 : f32
    %add3A_1133 = arith.addf %add3A_1079, %mul3A_1132 : f32
    %add3A_1134 = arith.addf %add3A_1080, %convert_element_type3A_1088 : f32
    %get3A_1135 = arith.constant 2 : index
    %get3A_1136 = arith.constant 0 : index
    %get3A_1137 = arith.constant 5 : index
    %get3A_1138 = memref.load %arg2[%get3A_1135, %get3A_1136, %get3A_1137] : memref<4x6x128xf32, #tpu.memory_space<smem>>
    %gt3A_1139 = arith.constant 0.000000e+00 : f32
    %gt3A_1140 = arith.cmpf ogt, %get3A_1138, %gt3A_1139 : f32
    %convert_element_type3A_1141 = arith.extui %gt3A_1140 : i1 to i32
    %convert_element_type3A_1142 = arith.sitofp %convert_element_type3A_1141 : i32 to f32
    %max3A_1143 = arith.constant 1.000000e+00 : f32
    %max3A_1144 = arith.maximumf %get3A_1138, %max3A_1143 : f32
    %slice3A_1145 = vector.extract_strided_slice %dot_general3A_858 {offsets = [10, 0], sizes = [1, 1024], strides = [1, 1]} : vector<14x1024xf32> to vector<1x1024xf32>
    %slice3A_1146 = vector.extract_strided_slice %dot_general3A_858 {offsets = [11, 0], sizes = [1, 1024], strides = [1, 1]} : vector<14x1024xf32> to vector<1x1024xf32>
    %add3A_1147 = arith.addf %slice3A_1145, %slice3A_1146 : vector<1x1024xf32>
    %sub3A_1148 = vector.broadcast %get3A_1138 : f32 to vector<1x1024xf32>
    %sub3A_1149 = arith.subf %sub3A_1148, %slice3A_1145 : vector<1x1024xf32>
    %add3A_1150 = vector.broadcast %get3A_1138 : f32 to vector<1x1024xf32>
    %add3A_1151 = arith.addf %add3A_1150, %add3A_1147 : vector<1x1024xf32>
    %sub3A_1152 = arith.subf %add3A_1151, %slice3A_1145 : vector<1x1024xf32>
    %max3A_1153 = arith.constant 1.000000e+00 : f32
    %max3A_1154 = vector.broadcast %max3A_1153 : f32 to vector<1x1024xf32>
    %max3A_1155 = arith.maximumf %sub3A_1152, %max3A_1154 : vector<1x1024xf32>
    %div3A_1156 = arith.divf %sub3A_1149, %max3A_1155 : vector<1x1024xf32>
    %sub3A_1157 = arith.constant 1.000000e+00 : f32
    %sub3A_1158 = vector.broadcast %sub3A_1157 : f32 to vector<1x1024xf32>
    %sub3A_1159 = arith.subf %sub3A_1158, %div3A_1156 : vector<1x1024xf32>
    %reduce_sum3A_1160 = vector.shape_cast %sub3A_1159 : vector<1x1024xf32> to vector<1x1x1024xf32>
    %reduce_sum3A_1161 = arith.constant dense<0.000000e+00> : vector<1xf32>
    %reduce_sum3A_1162 = vector.multi_reduction <add>, %reduce_sum3A_1160, %reduce_sum3A_1161 [1, 2] : vector<1x1x1024xf32> to vector<1xf32>
    %reduce_sum3A_1163 = vector.shape_cast %reduce_sum3A_1162 : vector<1xf32> to vector<1x1x1xf32>
    %reduce_sum3A_1164 = vector.extract %reduce_sum3A_1163[0, 0, 0] : f32 from vector<1x1x1xf32>
    %slice3A_1165 = vector.extract_strided_slice %sub3A_1159 {offsets = [0, 0], sizes = [1, 1], strides = [1, 1]} : vector<1x1024xf32> to vector<1x1xf32>
    %squeeze3A_1166 = vector.extract %slice3A_1165[0, 0] : f32 from vector<1x1xf32>
    %mul3A_1167 = arith.constant 5.000000e-01 : f32
    %mul3A_1168 = arith.mulf %mul3A_1167, %squeeze3A_1166 : f32
    %sub3A_1169 = arith.subf %reduce_sum3A_1164, %mul3A_1168 : f32
    %mul3A_1170 = arith.constant 0.001953125 : f32
    %mul3A_1171 = arith.mulf %mul3A_1170, %sub3A_1169 : f32
    %mul3A_1172 = arith.mulf %convert_element_type3A_1142, %mul3A_1171 : f32
    %add3A_1173 = arith.addf %add3A_1119, %mul3A_1172 : f32
    %get3A_1174 = arith.constant 2 : index
    %get3A_1175 = arith.constant 3 : index
    %get3A_1176 = arith.constant 5 : index
    %get3A_1177 = memref.load %arg2[%get3A_1174, %get3A_1175, %get3A_1176] : memref<4x6x128xf32, #tpu.memory_space<smem>>
    %get3A_1178 = arith.constant 2 : index
    %get3A_1179 = arith.constant 4 : index
    %get3A_1180 = arith.constant 5 : index
    %get3A_1181 = memref.load %arg2[%get3A_1178, %get3A_1179, %get3A_1180] : memref<4x6x128xf32, #tpu.memory_space<smem>>
    %div3A_1182 = arith.divf %get3A_1177, %max3A_1144 : f32
    %div3A_1183 = arith.divf %get3A_1181, %max3A_1144 : f32
    %mul3A_1184 = arith.mulf %div3A_1182, %div3A_1182 : f32
    %sub3A_1185 = arith.subf %div3A_1183, %mul3A_1184 : f32
    %mul3A_1186 = arith.mulf %convert_element_type3A_1142, %sub3A_1185 : f32
    %add3A_1187 = arith.addf %add3A_1133, %mul3A_1186 : f32
    %add3A_1188 = arith.addf %add3A_1134, %convert_element_type3A_1142 : f32
    %get3A_1189 = arith.constant 2 : index
    %get3A_1190 = arith.constant 0 : index
    %get3A_1191 = arith.constant 6 : index
    %get3A_1192 = memref.load %arg2[%get3A_1189, %get3A_1190, %get3A_1191] : memref<4x6x128xf32, #tpu.memory_space<smem>>
    %gt3A_1193 = arith.constant 0.000000e+00 : f32
    %gt3A_1194 = arith.cmpf ogt, %get3A_1192, %gt3A_1193 : f32
    %convert_element_type3A_1195 = arith.extui %gt3A_1194 : i1 to i32
    %convert_element_type3A_1196 = arith.sitofp %convert_element_type3A_1195 : i32 to f32
    %max3A_1197 = arith.constant 1.000000e+00 : f32
    %max3A_1198 = arith.maximumf %get3A_1192, %max3A_1197 : f32
    %slice3A_1199 = vector.extract_strided_slice %dot_general3A_858 {offsets = [12, 0], sizes = [1, 1024], strides = [1, 1]} : vector<14x1024xf32> to vector<1x1024xf32>
    %slice3A_1200 = vector.extract_strided_slice %dot_general3A_858 {offsets = [13, 0], sizes = [1, 1024], strides = [1, 1]} : vector<14x1024xf32> to vector<1x1024xf32>
    %add3A_1201 = arith.addf %slice3A_1199, %slice3A_1200 : vector<1x1024xf32>
    %sub3A_1202 = vector.broadcast %get3A_1192 : f32 to vector<1x1024xf32>
    %sub3A_1203 = arith.subf %sub3A_1202, %slice3A_1199 : vector<1x1024xf32>
    %add3A_1204 = vector.broadcast %get3A_1192 : f32 to vector<1x1024xf32>
    %add3A_1205 = arith.addf %add3A_1204, %add3A_1201 : vector<1x1024xf32>
    %sub3A_1206 = arith.subf %add3A_1205, %slice3A_1199 : vector<1x1024xf32>
    %max3A_1207 = arith.constant 1.000000e+00 : f32
    %max3A_1208 = vector.broadcast %max3A_1207 : f32 to vector<1x1024xf32>
    %max3A_1209 = arith.maximumf %sub3A_1206, %max3A_1208 : vector<1x1024xf32>
    %div3A_1210 = arith.divf %sub3A_1203, %max3A_1209 : vector<1x1024xf32>
    %sub3A_1211 = arith.constant 1.000000e+00 : f32
    %sub3A_1212 = vector.broadcast %sub3A_1211 : f32 to vector<1x1024xf32>
    %sub3A_1213 = arith.subf %sub3A_1212, %div3A_1210 : vector<1x1024xf32>
    %reduce_sum3A_1214 = vector.shape_cast %sub3A_1213 : vector<1x1024xf32> to vector<1x1x1024xf32>
    %reduce_sum3A_1215 = arith.constant dense<0.000000e+00> : vector<1xf32>
    %reduce_sum3A_1216 = vector.multi_reduction <add>, %reduce_sum3A_1214, %reduce_sum3A_1215 [1, 2] : vector<1x1x1024xf32> to vector<1xf32>
    %reduce_sum3A_1217 = vector.shape_cast %reduce_sum3A_1216 : vector<1xf32> to vector<1x1x1xf32>
    %reduce_sum3A_1218 = vector.extract %reduce_sum3A_1217[0, 0, 0] : f32 from vector<1x1x1xf32>
    %slice3A_1219 = vector.extract_strided_slice %sub3A_1213 {offsets = [0, 0], sizes = [1, 1], strides = [1, 1]} : vector<1x1024xf32> to vector<1x1xf32>
    %squeeze3A_1220 = vector.extract %slice3A_1219[0, 0] : f32 from vector<1x1xf32>
    %mul3A_1221 = arith.constant 5.000000e-01 : f32
    %mul3A_1222 = arith.mulf %mul3A_1221, %squeeze3A_1220 : f32
    %sub3A_1223 = arith.subf %reduce_sum3A_1218, %mul3A_1222 : f32
    %mul3A_1224 = arith.constant 0.001953125 : f32
    %mul3A_1225 = arith.mulf %mul3A_1224, %sub3A_1223 : f32
    %mul3A_1226 = arith.mulf %convert_element_type3A_1196, %mul3A_1225 : f32
    %add3A_1227 = arith.addf %add3A_1173, %mul3A_1226 : f32
    %get3A_1228 = arith.constant 2 : index
    %get3A_1229 = arith.constant 3 : index
    %get3A_1230 = arith.constant 6 : index
    %get3A_1231 = memref.load %arg2[%get3A_1228, %get3A_1229, %get3A_1230] : memref<4x6x128xf32, #tpu.memory_space<smem>>
    %get3A_1232 = arith.constant 2 : index
    %get3A_1233 = arith.constant 4 : index
    %get3A_1234 = arith.constant 6 : index
    %get3A_1235 = memref.load %arg2[%get3A_1232, %get3A_1233, %get3A_1234] : memref<4x6x128xf32, #tpu.memory_space<smem>>
    %div3A_1236 = arith.divf %get3A_1231, %max3A_1198 : f32
    %div3A_1237 = arith.divf %get3A_1235, %max3A_1198 : f32
    %mul3A_1238 = arith.mulf %div3A_1236, %div3A_1236 : f32
    %sub3A_1239 = arith.subf %div3A_1237, %mul3A_1238 : f32
    %mul3A_1240 = arith.mulf %convert_element_type3A_1196, %sub3A_1239 : f32
    %add3A_1241 = arith.addf %add3A_1187, %mul3A_1240 : f32
    %add3A_1242 = arith.addf %add3A_1188, %convert_element_type3A_1196 : f32
    %max3A_1243 = arith.constant 1.000000e+00 : f32
    %max3A_1244 = arith.maximumf %add3A_1242, %max3A_1243 : f32
    %get3A_1245 = arith.constant 2 : index
    %get3A_1246 = arith.constant 5 : index
    %get3A_1247 = arith.constant 0 : index
    %get3A_1248 = memref.load %arg2[%get3A_1245, %get3A_1246, %get3A_1247] : memref<4x6x128xf32, #tpu.memory_space<smem>>
    %add3A_1249 = arith.addf %get3A_1248, %get3A_861 : f32
    %div3A_1250 = arith.constant 2.621440e+05 : f32
    %div3A_1251 = arith.divf %add3A_1249, %div3A_1250 : f32
    %div3A_1252 = arith.divf %add3A_1227, %max3A_1244 : f32
    %add3A_1253 = arith.addf %add3A_835, %div3A_1252 : f32
    %mul3A_1254 = arith.constant 1.000000e+01 : f32
    %mul3A_1255 = arith.mulf %mul3A_1254, %add3A_1241 : f32
    %div3A_1256 = arith.divf %mul3A_1255, %max3A_1244 : f32
    %add3A_1257 = arith.addf %add3A_1253, %div3A_1256 : f32
    %add3A_1258 = arith.addf %add3A_1257, %div3A_1251 : f32
    %get3A_1259 = arith.constant 16 : index
    %get3A_1260 = arith.constant 0 : index
    %get3A_1261 = vector.load %arg1[%get3A_1259, %get3A_1260] : memref<32x14336xf32, #tpu.memory_space<vmem>>, vector<16x14336xf32>
    %reduce_sum3A_1262 = arith.constant dense<0.000000e+00> : vector<14336xf32>
    %reduce_sum3A_1263 = vector.multi_reduction <add>, %get3A_1261, %reduce_sum3A_1262 [0] : vector<16x14336xf32> to vector<14336xf32>
    %broadcast_in_dim3A_1264 = vector.shape_cast %reduce_sum3A_1263 : vector<14336xf32> to vector<1x14336xf32>
    %slice3A_1265 = vector.extract_strided_slice %broadcast_in_dim3A_1264 {offsets = [0, 0], sizes = [1, 1024], strides = [1, 1]} : vector<1x14336xf32> to vector<1x1024xf32>
    %slice3A_1266 = vector.extract_strided_slice %broadcast_in_dim3A_1264 {offsets = [0, 1024], sizes = [1, 1024], strides = [1, 1]} : vector<1x14336xf32> to vector<1x1024xf32>
    %slice3A_1267 = vector.extract_strided_slice %broadcast_in_dim3A_1264 {offsets = [0, 2048], sizes = [1, 1024], strides = [1, 1]} : vector<1x14336xf32> to vector<1x1024xf32>
    %slice3A_1268 = vector.extract_strided_slice %broadcast_in_dim3A_1264 {offsets = [0, 3072], sizes = [1, 1024], strides = [1, 1]} : vector<1x14336xf32> to vector<1x1024xf32>
    %slice3A_1269 = vector.extract_strided_slice %broadcast_in_dim3A_1264 {offsets = [0, 4096], sizes = [1, 1024], strides = [1, 1]} : vector<1x14336xf32> to vector<1x1024xf32>
    %slice3A_1270 = vector.extract_strided_slice %broadcast_in_dim3A_1264 {offsets = [0, 5120], sizes = [1, 1024], strides = [1, 1]} : vector<1x14336xf32> to vector<1x1024xf32>
    %slice3A_1271 = vector.extract_strided_slice %broadcast_in_dim3A_1264 {offsets = [0, 6144], sizes = [1, 1024], strides = [1, 1]} : vector<1x14336xf32> to vector<1x1024xf32>
    %slice3A_1272 = vector.extract_strided_slice %broadcast_in_dim3A_1264 {offsets = [0, 7168], sizes = [1, 1024], strides = [1, 1]} : vector<1x14336xf32> to vector<1x1024xf32>
    %slice3A_1273 = vector.extract_strided_slice %broadcast_in_dim3A_1264 {offsets = [0, 8192], sizes = [1, 1024], strides = [1, 1]} : vector<1x14336xf32> to vector<1x1024xf32>
    %slice3A_1274 = vector.extract_strided_slice %broadcast_in_dim3A_1264 {offsets = [0, 9216], sizes = [1, 1024], strides = [1, 1]} : vector<1x14336xf32> to vector<1x1024xf32>
    %slice3A_1275 = vector.extract_strided_slice %broadcast_in_dim3A_1264 {offsets = [0, 10240], sizes = [1, 1024], strides = [1, 1]} : vector<1x14336xf32> to vector<1x1024xf32>
    %slice3A_1276 = vector.extract_strided_slice %broadcast_in_dim3A_1264 {offsets = [0, 11264], sizes = [1, 1024], strides = [1, 1]} : vector<1x14336xf32> to vector<1x1024xf32>
    %slice3A_1277 = vector.extract_strided_slice %broadcast_in_dim3A_1264 {offsets = [0, 12288], sizes = [1, 1024], strides = [1, 1]} : vector<1x14336xf32> to vector<1x1024xf32>
    %slice3A_1278 = vector.extract_strided_slice %broadcast_in_dim3A_1264 {offsets = [0, 13312], sizes = [1, 1024], strides = [1, 1]} : vector<1x14336xf32> to vector<1x1024xf32>
    %concatenate3A_1279 = tpu.concatenate %slice3A_1265, %slice3A_1266, %slice3A_1267, %slice3A_1268, %slice3A_1269, %slice3A_1270, %slice3A_1271, %slice3A_1272, %slice3A_1273, %slice3A_1274, %slice3A_1275, %slice3A_1276, %slice3A_1277, %slice3A_1278 in 0 : vector<1x1024xf32>, vector<1x1024xf32>, vector<1x1024xf32>, vector<1x1024xf32>, vector<1x1024xf32>, vector<1x1024xf32>, vector<1x1024xf32>, vector<1x1024xf32>, vector<1x1024xf32>, vector<1x1024xf32>, vector<1x1024xf32>, vector<1x1024xf32>, vector<1x1024xf32>, vector<1x1024xf32> -> vector<14x1024xf32>
    %dot_general3A_1280 = arith.constant dense<0.000000e+00> : vector<14x1024xf32>
    %dot_general3A_1281 = tpu.matmul %concatenate3A_1279, %convert_element_type3A_1, %dot_general3A_1280 {dimension_numbers = #tpu.dot_dimension_numbers<[1], [0], [0], [1], [0, 0, 1, 1], [], []>, transpose_lhs_hint = false} : vector<14x1024xf32>, vector<1024x1024xf32>, vector<14x1024xf32> -> vector<14x1024xf32>
    %get3A_1282 = arith.constant 1 : index
    %get3A_1283 = arith.constant 0 : index
    %get3A_1284 = memref.load %arg4[%get3A_1282, %get3A_1283] : memref<2x1xf32, #tpu.memory_space<smem>>
    %get3A_1285 = arith.constant 3 : index
    %get3A_1286 = arith.constant 0 : index
    %get3A_1287 = arith.constant 0 : index
    %get3A_1288 = memref.load %arg2[%get3A_1285, %get3A_1286, %get3A_1287] : memref<4x6x128xf32, #tpu.memory_space<smem>>
    %gt3A_1289 = arith.constant 0.000000e+00 : f32
    %gt3A_1290 = arith.cmpf ogt, %get3A_1288, %gt3A_1289 : f32
    %convert_element_type3A_1291 = arith.extui %gt3A_1290 : i1 to i32
    %convert_element_type3A_1292 = arith.sitofp %convert_element_type3A_1291 : i32 to f32
    %max3A_1293 = arith.constant 1.000000e+00 : f32
    %max3A_1294 = arith.maximumf %get3A_1288, %max3A_1293 : f32
    %slice3A_1295 = vector.extract_strided_slice %dot_general3A_1281 {offsets = [0, 0], sizes = [1, 1024], strides = [1, 1]} : vector<14x1024xf32> to vector<1x1024xf32>
    %slice3A_1296 = vector.extract_strided_slice %dot_general3A_1281 {offsets = [1, 0], sizes = [1, 1024], strides = [1, 1]} : vector<14x1024xf32> to vector<1x1024xf32>
    %add3A_1297 = arith.addf %slice3A_1295, %slice3A_1296 : vector<1x1024xf32>
    %sub3A_1298 = vector.broadcast %get3A_1288 : f32 to vector<1x1024xf32>
    %sub3A_1299 = arith.subf %sub3A_1298, %slice3A_1295 : vector<1x1024xf32>
    %add3A_1300 = vector.broadcast %get3A_1288 : f32 to vector<1x1024xf32>
    %add3A_1301 = arith.addf %add3A_1300, %add3A_1297 : vector<1x1024xf32>
    %sub3A_1302 = arith.subf %add3A_1301, %slice3A_1295 : vector<1x1024xf32>
    %max3A_1303 = arith.constant 1.000000e+00 : f32
    %max3A_1304 = vector.broadcast %max3A_1303 : f32 to vector<1x1024xf32>
    %max3A_1305 = arith.maximumf %sub3A_1302, %max3A_1304 : vector<1x1024xf32>
    %div3A_1306 = arith.divf %sub3A_1299, %max3A_1305 : vector<1x1024xf32>
    %sub3A_1307 = arith.constant 1.000000e+00 : f32
    %sub3A_1308 = vector.broadcast %sub3A_1307 : f32 to vector<1x1024xf32>
    %sub3A_1309 = arith.subf %sub3A_1308, %div3A_1306 : vector<1x1024xf32>
    %reduce_sum3A_1310 = vector.shape_cast %sub3A_1309 : vector<1x1024xf32> to vector<1x1x1024xf32>
    %reduce_sum3A_1311 = arith.constant dense<0.000000e+00> : vector<1xf32>
    %reduce_sum3A_1312 = vector.multi_reduction <add>, %reduce_sum3A_1310, %reduce_sum3A_1311 [1, 2] : vector<1x1x1024xf32> to vector<1xf32>
    %reduce_sum3A_1313 = vector.shape_cast %reduce_sum3A_1312 : vector<1xf32> to vector<1x1x1xf32>
    %reduce_sum3A_1314 = vector.extract %reduce_sum3A_1313[0, 0, 0] : f32 from vector<1x1x1xf32>
    %slice3A_1315 = vector.extract_strided_slice %sub3A_1309 {offsets = [0, 0], sizes = [1, 1], strides = [1, 1]} : vector<1x1024xf32> to vector<1x1xf32>
    %squeeze3A_1316 = vector.extract %slice3A_1315[0, 0] : f32 from vector<1x1xf32>
    %mul3A_1317 = arith.constant 5.000000e-01 : f32
    %mul3A_1318 = arith.mulf %mul3A_1317, %squeeze3A_1316 : f32
    %sub3A_1319 = arith.subf %reduce_sum3A_1314, %mul3A_1318 : f32
    %mul3A_1320 = arith.constant 0.001953125 : f32
    %mul3A_1321 = arith.mulf %mul3A_1320, %sub3A_1319 : f32
    %mul3A_1322 = arith.mulf %convert_element_type3A_1292, %mul3A_1321 : f32
    %add3A_1323 = arith.constant 0.000000e+00 : f32
    %add3A_1324 = arith.addf %add3A_1323, %mul3A_1322 : f32
    %get3A_1325 = arith.constant 3 : index
    %get3A_1326 = arith.constant 3 : index
    %get3A_1327 = arith.constant 0 : index
    %get3A_1328 = memref.load %arg2[%get3A_1325, %get3A_1326, %get3A_1327] : memref<4x6x128xf32, #tpu.memory_space<smem>>
    %get3A_1329 = arith.constant 3 : index
    %get3A_1330 = arith.constant 4 : index
    %get3A_1331 = arith.constant 0 : index
    %get3A_1332 = memref.load %arg2[%get3A_1329, %get3A_1330, %get3A_1331] : memref<4x6x128xf32, #tpu.memory_space<smem>>
    %div3A_1333 = arith.divf %get3A_1328, %max3A_1294 : f32
    %div3A_1334 = arith.divf %get3A_1332, %max3A_1294 : f32
    %mul3A_1335 = arith.mulf %div3A_1333, %div3A_1333 : f32
    %sub3A_1336 = arith.subf %div3A_1334, %mul3A_1335 : f32
    %mul3A_1337 = arith.mulf %convert_element_type3A_1292, %sub3A_1336 : f32
    %add3A_1338 = arith.constant 0.000000e+00 : f32
    %add3A_1339 = arith.addf %add3A_1338, %mul3A_1337 : f32
    %add3A_1340 = arith.constant 0.000000e+00 : f32
    %add3A_1341 = arith.addf %add3A_1340, %convert_element_type3A_1292 : f32
    %get3A_1342 = arith.constant 3 : index
    %get3A_1343 = arith.constant 0 : index
    %get3A_1344 = arith.constant 1 : index
    %get3A_1345 = memref.load %arg2[%get3A_1342, %get3A_1343, %get3A_1344] : memref<4x6x128xf32, #tpu.memory_space<smem>>
    %gt3A_1346 = arith.constant 0.000000e+00 : f32
    %gt3A_1347 = arith.cmpf ogt, %get3A_1345, %gt3A_1346 : f32
    %convert_element_type3A_1348 = arith.extui %gt3A_1347 : i1 to i32
    %convert_element_type3A_1349 = arith.sitofp %convert_element_type3A_1348 : i32 to f32
    %max3A_1350 = arith.constant 1.000000e+00 : f32
    %max3A_1351 = arith.maximumf %get3A_1345, %max3A_1350 : f32
    %slice3A_1352 = vector.extract_strided_slice %dot_general3A_1281 {offsets = [2, 0], sizes = [1, 1024], strides = [1, 1]} : vector<14x1024xf32> to vector<1x1024xf32>
    %slice3A_1353 = vector.extract_strided_slice %dot_general3A_1281 {offsets = [3, 0], sizes = [1, 1024], strides = [1, 1]} : vector<14x1024xf32> to vector<1x1024xf32>
    %add3A_1354 = arith.addf %slice3A_1352, %slice3A_1353 : vector<1x1024xf32>
    %sub3A_1355 = vector.broadcast %get3A_1345 : f32 to vector<1x1024xf32>
    %sub3A_1356 = arith.subf %sub3A_1355, %slice3A_1352 : vector<1x1024xf32>
    %add3A_1357 = vector.broadcast %get3A_1345 : f32 to vector<1x1024xf32>
    %add3A_1358 = arith.addf %add3A_1357, %add3A_1354 : vector<1x1024xf32>
    %sub3A_1359 = arith.subf %add3A_1358, %slice3A_1352 : vector<1x1024xf32>
    %max3A_1360 = arith.constant 1.000000e+00 : f32
    %max3A_1361 = vector.broadcast %max3A_1360 : f32 to vector<1x1024xf32>
    %max3A_1362 = arith.maximumf %sub3A_1359, %max3A_1361 : vector<1x1024xf32>
    %div3A_1363 = arith.divf %sub3A_1356, %max3A_1362 : vector<1x1024xf32>
    %sub3A_1364 = arith.constant 1.000000e+00 : f32
    %sub3A_1365 = vector.broadcast %sub3A_1364 : f32 to vector<1x1024xf32>
    %sub3A_1366 = arith.subf %sub3A_1365, %div3A_1363 : vector<1x1024xf32>
    %reduce_sum3A_1367 = vector.shape_cast %sub3A_1366 : vector<1x1024xf32> to vector<1x1x1024xf32>
    %reduce_sum3A_1368 = arith.constant dense<0.000000e+00> : vector<1xf32>
    %reduce_sum3A_1369 = vector.multi_reduction <add>, %reduce_sum3A_1367, %reduce_sum3A_1368 [1, 2] : vector<1x1x1024xf32> to vector<1xf32>
    %reduce_sum3A_1370 = vector.shape_cast %reduce_sum3A_1369 : vector<1xf32> to vector<1x1x1xf32>
    %reduce_sum3A_1371 = vector.extract %reduce_sum3A_1370[0, 0, 0] : f32 from vector<1x1x1xf32>
    %slice3A_1372 = vector.extract_strided_slice %sub3A_1366 {offsets = [0, 0], sizes = [1, 1], strides = [1, 1]} : vector<1x1024xf32> to vector<1x1xf32>
    %squeeze3A_1373 = vector.extract %slice3A_1372[0, 0] : f32 from vector<1x1xf32>
    %mul3A_1374 = arith.constant 5.000000e-01 : f32
    %mul3A_1375 = arith.mulf %mul3A_1374, %squeeze3A_1373 : f32
    %sub3A_1376 = arith.subf %reduce_sum3A_1371, %mul3A_1375 : f32
    %mul3A_1377 = arith.constant 0.001953125 : f32
    %mul3A_1378 = arith.mulf %mul3A_1377, %sub3A_1376 : f32
    %mul3A_1379 = arith.mulf %convert_element_type3A_1349, %mul3A_1378 : f32
    %add3A_1380 = arith.addf %add3A_1324, %mul3A_1379 : f32
    %get3A_1381 = arith.constant 3 : index
    %get3A_1382 = arith.constant 3 : index
    %get3A_1383 = arith.constant 1 : index
    %get3A_1384 = memref.load %arg2[%get3A_1381, %get3A_1382, %get3A_1383] : memref<4x6x128xf32, #tpu.memory_space<smem>>
    %get3A_1385 = arith.constant 3 : index
    %get3A_1386 = arith.constant 4 : index
    %get3A_1387 = arith.constant 1 : index
    %get3A_1388 = memref.load %arg2[%get3A_1385, %get3A_1386, %get3A_1387] : memref<4x6x128xf32, #tpu.memory_space<smem>>
    %div3A_1389 = arith.divf %get3A_1384, %max3A_1351 : f32
    %div3A_1390 = arith.divf %get3A_1388, %max3A_1351 : f32
    %mul3A_1391 = arith.mulf %div3A_1389, %div3A_1389 : f32
    %sub3A_1392 = arith.subf %div3A_1390, %mul3A_1391 : f32
    %mul3A_1393 = arith.mulf %convert_element_type3A_1349, %sub3A_1392 : f32
    %add3A_1394 = arith.addf %add3A_1339, %mul3A_1393 : f32
    %add3A_1395 = arith.addf %add3A_1341, %convert_element_type3A_1349 : f32
    %get3A_1396 = arith.constant 3 : index
    %get3A_1397 = arith.constant 0 : index
    %get3A_1398 = arith.constant 2 : index
    %get3A_1399 = memref.load %arg2[%get3A_1396, %get3A_1397, %get3A_1398] : memref<4x6x128xf32, #tpu.memory_space<smem>>
    %gt3A_1400 = arith.constant 0.000000e+00 : f32
    %gt3A_1401 = arith.cmpf ogt, %get3A_1399, %gt3A_1400 : f32
    %convert_element_type3A_1402 = arith.extui %gt3A_1401 : i1 to i32
    %convert_element_type3A_1403 = arith.sitofp %convert_element_type3A_1402 : i32 to f32
    %max3A_1404 = arith.constant 1.000000e+00 : f32
    %max3A_1405 = arith.maximumf %get3A_1399, %max3A_1404 : f32
    %slice3A_1406 = vector.extract_strided_slice %dot_general3A_1281 {offsets = [4, 0], sizes = [1, 1024], strides = [1, 1]} : vector<14x1024xf32> to vector<1x1024xf32>
    %slice3A_1407 = vector.extract_strided_slice %dot_general3A_1281 {offsets = [5, 0], sizes = [1, 1024], strides = [1, 1]} : vector<14x1024xf32> to vector<1x1024xf32>
    %add3A_1408 = arith.addf %slice3A_1406, %slice3A_1407 : vector<1x1024xf32>
    %sub3A_1409 = vector.broadcast %get3A_1399 : f32 to vector<1x1024xf32>
    %sub3A_1410 = arith.subf %sub3A_1409, %slice3A_1406 : vector<1x1024xf32>
    %add3A_1411 = vector.broadcast %get3A_1399 : f32 to vector<1x1024xf32>
    %add3A_1412 = arith.addf %add3A_1411, %add3A_1408 : vector<1x1024xf32>
    %sub3A_1413 = arith.subf %add3A_1412, %slice3A_1406 : vector<1x1024xf32>
    %max3A_1414 = arith.constant 1.000000e+00 : f32
    %max3A_1415 = vector.broadcast %max3A_1414 : f32 to vector<1x1024xf32>
    %max3A_1416 = arith.maximumf %sub3A_1413, %max3A_1415 : vector<1x1024xf32>
    %div3A_1417 = arith.divf %sub3A_1410, %max3A_1416 : vector<1x1024xf32>
    %sub3A_1418 = arith.constant 1.000000e+00 : f32
    %sub3A_1419 = vector.broadcast %sub3A_1418 : f32 to vector<1x1024xf32>
    %sub3A_1420 = arith.subf %sub3A_1419, %div3A_1417 : vector<1x1024xf32>
    %reduce_sum3A_1421 = vector.shape_cast %sub3A_1420 : vector<1x1024xf32> to vector<1x1x1024xf32>
    %reduce_sum3A_1422 = arith.constant dense<0.000000e+00> : vector<1xf32>
    %reduce_sum3A_1423 = vector.multi_reduction <add>, %reduce_sum3A_1421, %reduce_sum3A_1422 [1, 2] : vector<1x1x1024xf32> to vector<1xf32>
    %reduce_sum3A_1424 = vector.shape_cast %reduce_sum3A_1423 : vector<1xf32> to vector<1x1x1xf32>
    %reduce_sum3A_1425 = vector.extract %reduce_sum3A_1424[0, 0, 0] : f32 from vector<1x1x1xf32>
    %slice3A_1426 = vector.extract_strided_slice %sub3A_1420 {offsets = [0, 0], sizes = [1, 1], strides = [1, 1]} : vector<1x1024xf32> to vector<1x1xf32>
    %squeeze3A_1427 = vector.extract %slice3A_1426[0, 0] : f32 from vector<1x1xf32>
    %mul3A_1428 = arith.constant 5.000000e-01 : f32
    %mul3A_1429 = arith.mulf %mul3A_1428, %squeeze3A_1427 : f32
    %sub3A_1430 = arith.subf %reduce_sum3A_1425, %mul3A_1429 : f32
    %mul3A_1431 = arith.constant 0.001953125 : f32
    %mul3A_1432 = arith.mulf %mul3A_1431, %sub3A_1430 : f32
    %mul3A_1433 = arith.mulf %convert_element_type3A_1403, %mul3A_1432 : f32
    %add3A_1434 = arith.addf %add3A_1380, %mul3A_1433 : f32
    %get3A_1435 = arith.constant 3 : index
    %get3A_1436 = arith.constant 3 : index
    %get3A_1437 = arith.constant 2 : index
    %get3A_1438 = memref.load %arg2[%get3A_1435, %get3A_1436, %get3A_1437] : memref<4x6x128xf32, #tpu.memory_space<smem>>
    %get3A_1439 = arith.constant 3 : index
    %get3A_1440 = arith.constant 4 : index
    %get3A_1441 = arith.constant 2 : index
    %get3A_1442 = memref.load %arg2[%get3A_1439, %get3A_1440, %get3A_1441] : memref<4x6x128xf32, #tpu.memory_space<smem>>
    %div3A_1443 = arith.divf %get3A_1438, %max3A_1405 : f32
    %div3A_1444 = arith.divf %get3A_1442, %max3A_1405 : f32
    %mul3A_1445 = arith.mulf %div3A_1443, %div3A_1443 : f32
    %sub3A_1446 = arith.subf %div3A_1444, %mul3A_1445 : f32
    %mul3A_1447 = arith.mulf %convert_element_type3A_1403, %sub3A_1446 : f32
    %add3A_1448 = arith.addf %add3A_1394, %mul3A_1447 : f32
    %add3A_1449 = arith.addf %add3A_1395, %convert_element_type3A_1403 : f32
    %get3A_1450 = arith.constant 3 : index
    %get3A_1451 = arith.constant 0 : index
    %get3A_1452 = arith.constant 3 : index
    %get3A_1453 = memref.load %arg2[%get3A_1450, %get3A_1451, %get3A_1452] : memref<4x6x128xf32, #tpu.memory_space<smem>>
    %gt3A_1454 = arith.constant 0.000000e+00 : f32
    %gt3A_1455 = arith.cmpf ogt, %get3A_1453, %gt3A_1454 : f32
    %convert_element_type3A_1456 = arith.extui %gt3A_1455 : i1 to i32
    %convert_element_type3A_1457 = arith.sitofp %convert_element_type3A_1456 : i32 to f32
    %max3A_1458 = arith.constant 1.000000e+00 : f32
    %max3A_1459 = arith.maximumf %get3A_1453, %max3A_1458 : f32
    %slice3A_1460 = vector.extract_strided_slice %dot_general3A_1281 {offsets = [6, 0], sizes = [1, 1024], strides = [1, 1]} : vector<14x1024xf32> to vector<1x1024xf32>
    %slice3A_1461 = vector.extract_strided_slice %dot_general3A_1281 {offsets = [7, 0], sizes = [1, 1024], strides = [1, 1]} : vector<14x1024xf32> to vector<1x1024xf32>
    %add3A_1462 = arith.addf %slice3A_1460, %slice3A_1461 : vector<1x1024xf32>
    %sub3A_1463 = vector.broadcast %get3A_1453 : f32 to vector<1x1024xf32>
    %sub3A_1464 = arith.subf %sub3A_1463, %slice3A_1460 : vector<1x1024xf32>
    %add3A_1465 = vector.broadcast %get3A_1453 : f32 to vector<1x1024xf32>
    %add3A_1466 = arith.addf %add3A_1465, %add3A_1462 : vector<1x1024xf32>
    %sub3A_1467 = arith.subf %add3A_1466, %slice3A_1460 : vector<1x1024xf32>
    %max3A_1468 = arith.constant 1.000000e+00 : f32
    %max3A_1469 = vector.broadcast %max3A_1468 : f32 to vector<1x1024xf32>
    %max3A_1470 = arith.maximumf %sub3A_1467, %max3A_1469 : vector<1x1024xf32>
    %div3A_1471 = arith.divf %sub3A_1464, %max3A_1470 : vector<1x1024xf32>
    %sub3A_1472 = arith.constant 1.000000e+00 : f32
    %sub3A_1473 = vector.broadcast %sub3A_1472 : f32 to vector<1x1024xf32>
    %sub3A_1474 = arith.subf %sub3A_1473, %div3A_1471 : vector<1x1024xf32>
    %reduce_sum3A_1475 = vector.shape_cast %sub3A_1474 : vector<1x1024xf32> to vector<1x1x1024xf32>
    %reduce_sum3A_1476 = arith.constant dense<0.000000e+00> : vector<1xf32>
    %reduce_sum3A_1477 = vector.multi_reduction <add>, %reduce_sum3A_1475, %reduce_sum3A_1476 [1, 2] : vector<1x1x1024xf32> to vector<1xf32>
    %reduce_sum3A_1478 = vector.shape_cast %reduce_sum3A_1477 : vector<1xf32> to vector<1x1x1xf32>
    %reduce_sum3A_1479 = vector.extract %reduce_sum3A_1478[0, 0, 0] : f32 from vector<1x1x1xf32>
    %slice3A_1480 = vector.extract_strided_slice %sub3A_1474 {offsets = [0, 0], sizes = [1, 1], strides = [1, 1]} : vector<1x1024xf32> to vector<1x1xf32>
    %squeeze3A_1481 = vector.extract %slice3A_1480[0, 0] : f32 from vector<1x1xf32>
    %mul3A_1482 = arith.constant 5.000000e-01 : f32
    %mul3A_1483 = arith.mulf %mul3A_1482, %squeeze3A_1481 : f32
    %sub3A_1484 = arith.subf %reduce_sum3A_1479, %mul3A_1483 : f32
    %mul3A_1485 = arith.constant 0.001953125 : f32
    %mul3A_1486 = arith.mulf %mul3A_1485, %sub3A_1484 : f32
    %mul3A_1487 = arith.mulf %convert_element_type3A_1457, %mul3A_1486 : f32
    %add3A_1488 = arith.addf %add3A_1434, %mul3A_1487 : f32
    %get3A_1489 = arith.constant 3 : index
    %get3A_1490 = arith.constant 3 : index
    %get3A_1491 = arith.constant 3 : index
    %get3A_1492 = memref.load %arg2[%get3A_1489, %get3A_1490, %get3A_1491] : memref<4x6x128xf32, #tpu.memory_space<smem>>
    %get3A_1493 = arith.constant 3 : index
    %get3A_1494 = arith.constant 4 : index
    %get3A_1495 = arith.constant 3 : index
    %get3A_1496 = memref.load %arg2[%get3A_1493, %get3A_1494, %get3A_1495] : memref<4x6x128xf32, #tpu.memory_space<smem>>
    %div3A_1497 = arith.divf %get3A_1492, %max3A_1459 : f32
    %div3A_1498 = arith.divf %get3A_1496, %max3A_1459 : f32
    %mul3A_1499 = arith.mulf %div3A_1497, %div3A_1497 : f32
    %sub3A_1500 = arith.subf %div3A_1498, %mul3A_1499 : f32
    %mul3A_1501 = arith.mulf %convert_element_type3A_1457, %sub3A_1500 : f32
    %add3A_1502 = arith.addf %add3A_1448, %mul3A_1501 : f32
    %add3A_1503 = arith.addf %add3A_1449, %convert_element_type3A_1457 : f32
    %get3A_1504 = arith.constant 3 : index
    %get3A_1505 = arith.constant 0 : index
    %get3A_1506 = arith.constant 4 : index
    %get3A_1507 = memref.load %arg2[%get3A_1504, %get3A_1505, %get3A_1506] : memref<4x6x128xf32, #tpu.memory_space<smem>>
    %gt3A_1508 = arith.constant 0.000000e+00 : f32
    %gt3A_1509 = arith.cmpf ogt, %get3A_1507, %gt3A_1508 : f32
    %convert_element_type3A_1510 = arith.extui %gt3A_1509 : i1 to i32
    %convert_element_type3A_1511 = arith.sitofp %convert_element_type3A_1510 : i32 to f32
    %max3A_1512 = arith.constant 1.000000e+00 : f32
    %max3A_1513 = arith.maximumf %get3A_1507, %max3A_1512 : f32
    %slice3A_1514 = vector.extract_strided_slice %dot_general3A_1281 {offsets = [8, 0], sizes = [1, 1024], strides = [1, 1]} : vector<14x1024xf32> to vector<1x1024xf32>
    %slice3A_1515 = vector.extract_strided_slice %dot_general3A_1281 {offsets = [9, 0], sizes = [1, 1024], strides = [1, 1]} : vector<14x1024xf32> to vector<1x1024xf32>
    %add3A_1516 = arith.addf %slice3A_1514, %slice3A_1515 : vector<1x1024xf32>
    %sub3A_1517 = vector.broadcast %get3A_1507 : f32 to vector<1x1024xf32>
    %sub3A_1518 = arith.subf %sub3A_1517, %slice3A_1514 : vector<1x1024xf32>
    %add3A_1519 = vector.broadcast %get3A_1507 : f32 to vector<1x1024xf32>
    %add3A_1520 = arith.addf %add3A_1519, %add3A_1516 : vector<1x1024xf32>
    %sub3A_1521 = arith.subf %add3A_1520, %slice3A_1514 : vector<1x1024xf32>
    %max3A_1522 = arith.constant 1.000000e+00 : f32
    %max3A_1523 = vector.broadcast %max3A_1522 : f32 to vector<1x1024xf32>
    %max3A_1524 = arith.maximumf %sub3A_1521, %max3A_1523 : vector<1x1024xf32>
    %div3A_1525 = arith.divf %sub3A_1518, %max3A_1524 : vector<1x1024xf32>
    %sub3A_1526 = arith.constant 1.000000e+00 : f32
    %sub3A_1527 = vector.broadcast %sub3A_1526 : f32 to vector<1x1024xf32>
    %sub3A_1528 = arith.subf %sub3A_1527, %div3A_1525 : vector<1x1024xf32>
    %reduce_sum3A_1529 = vector.shape_cast %sub3A_1528 : vector<1x1024xf32> to vector<1x1x1024xf32>
    %reduce_sum3A_1530 = arith.constant dense<0.000000e+00> : vector<1xf32>
    %reduce_sum3A_1531 = vector.multi_reduction <add>, %reduce_sum3A_1529, %reduce_sum3A_1530 [1, 2] : vector<1x1x1024xf32> to vector<1xf32>
    %reduce_sum3A_1532 = vector.shape_cast %reduce_sum3A_1531 : vector<1xf32> to vector<1x1x1xf32>
    %reduce_sum3A_1533 = vector.extract %reduce_sum3A_1532[0, 0, 0] : f32 from vector<1x1x1xf32>
    %slice3A_1534 = vector.extract_strided_slice %sub3A_1528 {offsets = [0, 0], sizes = [1, 1], strides = [1, 1]} : vector<1x1024xf32> to vector<1x1xf32>
    %squeeze3A_1535 = vector.extract %slice3A_1534[0, 0] : f32 from vector<1x1xf32>
    %mul3A_1536 = arith.constant 5.000000e-01 : f32
    %mul3A_1537 = arith.mulf %mul3A_1536, %squeeze3A_1535 : f32
    %sub3A_1538 = arith.subf %reduce_sum3A_1533, %mul3A_1537 : f32
    %mul3A_1539 = arith.constant 0.001953125 : f32
    %mul3A_1540 = arith.mulf %mul3A_1539, %sub3A_1538 : f32
    %mul3A_1541 = arith.mulf %convert_element_type3A_1511, %mul3A_1540 : f32
    %add3A_1542 = arith.addf %add3A_1488, %mul3A_1541 : f32
    %get3A_1543 = arith.constant 3 : index
    %get3A_1544 = arith.constant 3 : index
    %get3A_1545 = arith.constant 4 : index
    %get3A_1546 = memref.load %arg2[%get3A_1543, %get3A_1544, %get3A_1545] : memref<4x6x128xf32, #tpu.memory_space<smem>>
    %get3A_1547 = arith.constant 3 : index
    %get3A_1548 = arith.constant 4 : index
    %get3A_1549 = arith.constant 4 : index
    %get3A_1550 = memref.load %arg2[%get3A_1547, %get3A_1548, %get3A_1549] : memref<4x6x128xf32, #tpu.memory_space<smem>>
    %div3A_1551 = arith.divf %get3A_1546, %max3A_1513 : f32
    %div3A_1552 = arith.divf %get3A_1550, %max3A_1513 : f32
    %mul3A_1553 = arith.mulf %div3A_1551, %div3A_1551 : f32
    %sub3A_1554 = arith.subf %div3A_1552, %mul3A_1553 : f32
    %mul3A_1555 = arith.mulf %convert_element_type3A_1511, %sub3A_1554 : f32
    %add3A_1556 = arith.addf %add3A_1502, %mul3A_1555 : f32
    %add3A_1557 = arith.addf %add3A_1503, %convert_element_type3A_1511 : f32
    %get3A_1558 = arith.constant 3 : index
    %get3A_1559 = arith.constant 0 : index
    %get3A_1560 = arith.constant 5 : index
    %get3A_1561 = memref.load %arg2[%get3A_1558, %get3A_1559, %get3A_1560] : memref<4x6x128xf32, #tpu.memory_space<smem>>
    %gt3A_1562 = arith.constant 0.000000e+00 : f32
    %gt3A_1563 = arith.cmpf ogt, %get3A_1561, %gt3A_1562 : f32
    %convert_element_type3A_1564 = arith.extui %gt3A_1563 : i1 to i32
    %convert_element_type3A_1565 = arith.sitofp %convert_element_type3A_1564 : i32 to f32
    %max3A_1566 = arith.constant 1.000000e+00 : f32
    %max3A_1567 = arith.maximumf %get3A_1561, %max3A_1566 : f32
    %slice3A_1568 = vector.extract_strided_slice %dot_general3A_1281 {offsets = [10, 0], sizes = [1, 1024], strides = [1, 1]} : vector<14x1024xf32> to vector<1x1024xf32>
    %slice3A_1569 = vector.extract_strided_slice %dot_general3A_1281 {offsets = [11, 0], sizes = [1, 1024], strides = [1, 1]} : vector<14x1024xf32> to vector<1x1024xf32>
    %add3A_1570 = arith.addf %slice3A_1568, %slice3A_1569 : vector<1x1024xf32>
    %sub3A_1571 = vector.broadcast %get3A_1561 : f32 to vector<1x1024xf32>
    %sub3A_1572 = arith.subf %sub3A_1571, %slice3A_1568 : vector<1x1024xf32>
    %add3A_1573 = vector.broadcast %get3A_1561 : f32 to vector<1x1024xf32>
    %add3A_1574 = arith.addf %add3A_1573, %add3A_1570 : vector<1x1024xf32>
    %sub3A_1575 = arith.subf %add3A_1574, %slice3A_1568 : vector<1x1024xf32>
    %max3A_1576 = arith.constant 1.000000e+00 : f32
    %max3A_1577 = vector.broadcast %max3A_1576 : f32 to vector<1x1024xf32>
    %max3A_1578 = arith.maximumf %sub3A_1575, %max3A_1577 : vector<1x1024xf32>
    %div3A_1579 = arith.divf %sub3A_1572, %max3A_1578 : vector<1x1024xf32>
    %sub3A_1580 = arith.constant 1.000000e+00 : f32
    %sub3A_1581 = vector.broadcast %sub3A_1580 : f32 to vector<1x1024xf32>
    %sub3A_1582 = arith.subf %sub3A_1581, %div3A_1579 : vector<1x1024xf32>
    %reduce_sum3A_1583 = vector.shape_cast %sub3A_1582 : vector<1x1024xf32> to vector<1x1x1024xf32>
    %reduce_sum3A_1584 = arith.constant dense<0.000000e+00> : vector<1xf32>
    %reduce_sum3A_1585 = vector.multi_reduction <add>, %reduce_sum3A_1583, %reduce_sum3A_1584 [1, 2] : vector<1x1x1024xf32> to vector<1xf32>
    %reduce_sum3A_1586 = vector.shape_cast %reduce_sum3A_1585 : vector<1xf32> to vector<1x1x1xf32>
    %reduce_sum3A_1587 = vector.extract %reduce_sum3A_1586[0, 0, 0] : f32 from vector<1x1x1xf32>
    %slice3A_1588 = vector.extract_strided_slice %sub3A_1582 {offsets = [0, 0], sizes = [1, 1], strides = [1, 1]} : vector<1x1024xf32> to vector<1x1xf32>
    %squeeze3A_1589 = vector.extract %slice3A_1588[0, 0] : f32 from vector<1x1xf32>
    %mul3A_1590 = arith.constant 5.000000e-01 : f32
    %mul3A_1591 = arith.mulf %mul3A_1590, %squeeze3A_1589 : f32
    %sub3A_1592 = arith.subf %reduce_sum3A_1587, %mul3A_1591 : f32
    %mul3A_1593 = arith.constant 0.001953125 : f32
    %mul3A_1594 = arith.mulf %mul3A_1593, %sub3A_1592 : f32
    %mul3A_1595 = arith.mulf %convert_element_type3A_1565, %mul3A_1594 : f32
    %add3A_1596 = arith.addf %add3A_1542, %mul3A_1595 : f32
    %get3A_1597 = arith.constant 3 : index
    %get3A_1598 = arith.constant 3 : index
    %get3A_1599 = arith.constant 5 : index
    %get3A_1600 = memref.load %arg2[%get3A_1597, %get3A_1598, %get3A_1599] : memref<4x6x128xf32, #tpu.memory_space<smem>>
    %get3A_1601 = arith.constant 3 : index
    %get3A_1602 = arith.constant 4 : index
    %get3A_1603 = arith.constant 5 : index
    %get3A_1604 = memref.load %arg2[%get3A_1601, %get3A_1602, %get3A_1603] : memref<4x6x128xf32, #tpu.memory_space<smem>>
    %div3A_1605 = arith.divf %get3A_1600, %max3A_1567 : f32
    %div3A_1606 = arith.divf %get3A_1604, %max3A_1567 : f32
    %mul3A_1607 = arith.mulf %div3A_1605, %div3A_1605 : f32
    %sub3A_1608 = arith.subf %div3A_1606, %mul3A_1607 : f32
    %mul3A_1609 = arith.mulf %convert_element_type3A_1565, %sub3A_1608 : f32
    %add3A_1610 = arith.addf %add3A_1556, %mul3A_1609 : f32
    %add3A_1611 = arith.addf %add3A_1557, %convert_element_type3A_1565 : f32
    %get3A_1612 = arith.constant 3 : index
    %get3A_1613 = arith.constant 0 : index
    %get3A_1614 = arith.constant 6 : index
    %get3A_1615 = memref.load %arg2[%get3A_1612, %get3A_1613, %get3A_1614] : memref<4x6x128xf32, #tpu.memory_space<smem>>
    %gt3A_1616 = arith.constant 0.000000e+00 : f32
    %gt3A_1617 = arith.cmpf ogt, %get3A_1615, %gt3A_1616 : f32
    %convert_element_type3A_1618 = arith.extui %gt3A_1617 : i1 to i32
    %convert_element_type3A_1619 = arith.sitofp %convert_element_type3A_1618 : i32 to f32
    %max3A_1620 = arith.constant 1.000000e+00 : f32
    %max3A_1621 = arith.maximumf %get3A_1615, %max3A_1620 : f32
    %slice3A_1622 = vector.extract_strided_slice %dot_general3A_1281 {offsets = [12, 0], sizes = [1, 1024], strides = [1, 1]} : vector<14x1024xf32> to vector<1x1024xf32>
    %slice3A_1623 = vector.extract_strided_slice %dot_general3A_1281 {offsets = [13, 0], sizes = [1, 1024], strides = [1, 1]} : vector<14x1024xf32> to vector<1x1024xf32>
    %add3A_1624 = arith.addf %slice3A_1622, %slice3A_1623 : vector<1x1024xf32>
    %sub3A_1625 = vector.broadcast %get3A_1615 : f32 to vector<1x1024xf32>
    %sub3A_1626 = arith.subf %sub3A_1625, %slice3A_1622 : vector<1x1024xf32>
    %add3A_1627 = vector.broadcast %get3A_1615 : f32 to vector<1x1024xf32>
    %add3A_1628 = arith.addf %add3A_1627, %add3A_1624 : vector<1x1024xf32>
    %sub3A_1629 = arith.subf %add3A_1628, %slice3A_1622 : vector<1x1024xf32>
    %max3A_1630 = arith.constant 1.000000e+00 : f32
    %max3A_1631 = vector.broadcast %max3A_1630 : f32 to vector<1x1024xf32>
    %max3A_1632 = arith.maximumf %sub3A_1629, %max3A_1631 : vector<1x1024xf32>
    %div3A_1633 = arith.divf %sub3A_1626, %max3A_1632 : vector<1x1024xf32>
    %sub3A_1634 = arith.constant 1.000000e+00 : f32
    %sub3A_1635 = vector.broadcast %sub3A_1634 : f32 to vector<1x1024xf32>
    %sub3A_1636 = arith.subf %sub3A_1635, %div3A_1633 : vector<1x1024xf32>
    %reduce_sum3A_1637 = vector.shape_cast %sub3A_1636 : vector<1x1024xf32> to vector<1x1x1024xf32>
    %reduce_sum3A_1638 = arith.constant dense<0.000000e+00> : vector<1xf32>
    %reduce_sum3A_1639 = vector.multi_reduction <add>, %reduce_sum3A_1637, %reduce_sum3A_1638 [1, 2] : vector<1x1x1024xf32> to vector<1xf32>
    %reduce_sum3A_1640 = vector.shape_cast %reduce_sum3A_1639 : vector<1xf32> to vector<1x1x1xf32>
    %reduce_sum3A_1641 = vector.extract %reduce_sum3A_1640[0, 0, 0] : f32 from vector<1x1x1xf32>
    %slice3A_1642 = vector.extract_strided_slice %sub3A_1636 {offsets = [0, 0], sizes = [1, 1], strides = [1, 1]} : vector<1x1024xf32> to vector<1x1xf32>
    %squeeze3A_1643 = vector.extract %slice3A_1642[0, 0] : f32 from vector<1x1xf32>
    %mul3A_1644 = arith.constant 5.000000e-01 : f32
    %mul3A_1645 = arith.mulf %mul3A_1644, %squeeze3A_1643 : f32
    %sub3A_1646 = arith.subf %reduce_sum3A_1641, %mul3A_1645 : f32
    %mul3A_1647 = arith.constant 0.001953125 : f32
    %mul3A_1648 = arith.mulf %mul3A_1647, %sub3A_1646 : f32
    %mul3A_1649 = arith.mulf %convert_element_type3A_1619, %mul3A_1648 : f32
    %add3A_1650 = arith.addf %add3A_1596, %mul3A_1649 : f32
    %get3A_1651 = arith.constant 3 : index
    %get3A_1652 = arith.constant 3 : index
    %get3A_1653 = arith.constant 6 : index
    %get3A_1654 = memref.load %arg2[%get3A_1651, %get3A_1652, %get3A_1653] : memref<4x6x128xf32, #tpu.memory_space<smem>>
    %get3A_1655 = arith.constant 3 : index
    %get3A_1656 = arith.constant 4 : index
    %get3A_1657 = arith.constant 6 : index
    %get3A_1658 = memref.load %arg2[%get3A_1655, %get3A_1656, %get3A_1657] : memref<4x6x128xf32, #tpu.memory_space<smem>>
    %div3A_1659 = arith.divf %get3A_1654, %max3A_1621 : f32
    %div3A_1660 = arith.divf %get3A_1658, %max3A_1621 : f32
    %mul3A_1661 = arith.mulf %div3A_1659, %div3A_1659 : f32
    %sub3A_1662 = arith.subf %div3A_1660, %mul3A_1661 : f32
    %mul3A_1663 = arith.mulf %convert_element_type3A_1619, %sub3A_1662 : f32
    %add3A_1664 = arith.addf %add3A_1610, %mul3A_1663 : f32
    %add3A_1665 = arith.addf %add3A_1611, %convert_element_type3A_1619 : f32
    %max3A_1666 = arith.constant 1.000000e+00 : f32
    %max3A_1667 = arith.maximumf %add3A_1665, %max3A_1666 : f32
    %get3A_1668 = arith.constant 3 : index
    %get3A_1669 = arith.constant 5 : index
    %get3A_1670 = arith.constant 0 : index
    %get3A_1671 = memref.load %arg2[%get3A_1668, %get3A_1669, %get3A_1670] : memref<4x6x128xf32, #tpu.memory_space<smem>>
    %add3A_1672 = arith.addf %get3A_1671, %get3A_1284 : f32
    %div3A_1673 = arith.constant 2.621440e+05 : f32
    %div3A_1674 = arith.divf %add3A_1672, %div3A_1673 : f32
    %div3A_1675 = arith.divf %add3A_1650, %max3A_1667 : f32
    %add3A_1676 = arith.addf %add3A_1258, %div3A_1675 : f32
    %mul3A_1677 = arith.constant 1.000000e+01 : f32
    %mul3A_1678 = arith.mulf %mul3A_1677, %add3A_1664 : f32
    %div3A_1679 = arith.divf %mul3A_1678, %max3A_1667 : f32
    %add3A_1680 = arith.addf %add3A_1676, %div3A_1679 : f32
    %add3A_1681 = arith.addf %add3A_1680, %div3A_1674 : f32
    %div3A_1682 = arith.constant 4.000000e+00 : f32
    %div3A_1683 = arith.divf %add3A_1681, %div3A_1682 : f32
    %swap3A = arith.constant 0 : index
    %swap3A_1684 = arith.constant 0 : index
    %swap3A_1685 = memref.load %arg5[%swap3A, %swap3A_1684] : memref<1x1xf32, #tpu.memory_space<smem>>
    memref.store %div3A_1683, %arg5[%swap3A, %swap3A_1684] : memref<1x1xf32, #tpu.memory_space<smem>>
    return
  }
}

module attributes {stable_mosaic.version = 14 : i64} {
  func.func @_pass2_body(%arg0: i32, %arg1: i32, %arg2: memref<4x6x128xf32, #tpu.memory_space<smem>>, %arg3: memref<1x4x128x512xf32, #tpu.memory_space<vmem>>, %arg4: memref<1x128x512xi32, #tpu.memory_space<vmem>>, %arg5: memref<1x7x128x512xi16, #tpu.memory_space<vmem>>, %arg6: memref<1x1x128xf32, #tpu.memory_space<vmem>>) attributes {dimension_semantics = [#tpu.dimension_semantics<arbitrary>, #tpu.dimension_semantics<arbitrary>], iteration_bounds = array<i64: 2, 4>, scalar_prefetch = 0 : i64, scratch_operands = 0 : i64, tpu.core_type = #tpu.core_type<tc>, window_params = [{transform_indices = @transform_0, window_bounds = array<i64: 4, 6, 128>}, {transform_indices = @transform_1, window_bounds = array<i64: 1, 4, 128, 512>}, {transform_indices = @transform_2, window_bounds = array<i64: 1, 128, 512>}, {transform_indices = @transform_3, window_bounds = array<i64: 1, 7, 128, 512>}, {transform_indices = @transform_4, window_bounds = array<i64: 1, 1, 128>}]} {
    %add3A = arith.constant 0 : i32
    %add3A_0 = arith.addi %arg0, %add3A : i32
    %get3A = arith.constant 0 : index
    %get3A_1 = arith.constant 0 : index
    %get3A_2 = arith.constant 0 : index
    %get3A_3 = arith.constant 0 : index
    %get3A_4 = vector.load %arg3[%get3A, %get3A_1, %get3A_2, %get3A_3] : memref<1x4x128x512xf32, #tpu.memory_space<vmem>>, vector<1x4x128x512xf32>
    %get3A_5 = vector.shape_cast %get3A_4 : vector<1x4x128x512xf32> to vector<4x128x512xf32>
    %mul3A = arith.constant 128 : i32
    %mul3A_6 = arith.muli %arg1, %mul3A : i32
    %convert_element_type3A = arith.sitofp %mul3A_6 : i32 to f32
    %iota3A = tpu.iota {dimensions = array<i32: 1>} : vector<128x512xi32>
    %convert_element_type3A_7 = arith.sitofp %iota3A : vector<128x512xi32> to vector<128x512xf32>
    %mul3A_8 = arith.constant 9.77039569E-4 : f32
    %mul3A_9 = vector.broadcast %mul3A_8 : f32 to vector<128x512xf32>
    %mul3A_10 = arith.mulf %convert_element_type3A_7, %mul3A_9 : vector<128x512xf32>
    %iota3A_11 = tpu.iota {dimensions = array<i32: 0>} : vector<128x512xi32>
    %convert_element_type3A_12 = arith.sitofp %iota3A_11 : vector<128x512xi32> to vector<128x512xf32>
    %add3A_13 = vector.broadcast %convert_element_type3A : f32 to vector<128x512xf32>
    %add3A_14 = arith.addf %convert_element_type3A_12, %add3A_13 : vector<128x512xf32>
    %mul3A_15 = arith.constant 9.77517105E-4 : f32
    %mul3A_16 = vector.broadcast %mul3A_15 : f32 to vector<128x512xf32>
    %mul3A_17 = arith.mulf %add3A_14, %mul3A_16 : vector<128x512xf32>
    %slice3A = vector.extract_strided_slice %get3A_5 {offsets = [0, 0, 0], sizes = [1, 128, 512], strides = [1, 1, 1]} : vector<4x128x512xf32> to vector<1x128x512xf32>
    %squeeze3A = vector.shape_cast %slice3A : vector<1x128x512xf32> to vector<128x512xf32>
    %tanh3A = math.tanh %squeeze3A : vector<128x512xf32>
    %add3A_18 = arith.addf %tanh3A, %mul3A_10 : vector<128x512xf32>
    %slice3A_19 = vector.extract_strided_slice %get3A_5 {offsets = [1, 0, 0], sizes = [1, 128, 512], strides = [1, 1, 1]} : vector<4x128x512xf32> to vector<1x128x512xf32>
    %squeeze3A_20 = vector.shape_cast %slice3A_19 : vector<1x128x512xf32> to vector<128x512xf32>
    %tanh3A_21 = math.tanh %squeeze3A_20 : vector<128x512xf32>
    %add3A_22 = arith.addf %tanh3A_21, %mul3A_17 : vector<128x512xf32>
    %slice3A_23 = vector.extract_strided_slice %get3A_5 {offsets = [3, 0, 0], sizes = [1, 128, 512], strides = [1, 1, 1]} : vector<4x128x512xf32> to vector<1x128x512xf32>
    %squeeze3A_24 = vector.shape_cast %slice3A_23 : vector<1x128x512xf32> to vector<128x512xf32>
    %logistic3A = arith.negf %squeeze3A_24 : vector<128x512xf32>
    %logistic3A_25 = math.exp %logistic3A : vector<128x512xf32>
    %logistic3A_26 = arith.constant 1.000000e+00 : f32
    %logistic3A_27 = vector.broadcast %logistic3A_26 : f32 to vector<128x512xf32>
    %logistic3A_28 = arith.addf %logistic3A_27, %logistic3A_25 : vector<128x512xf32>
    %logistic3A_29 = arith.divf %logistic3A_27, %logistic3A_28 : vector<128x512xf32>
    %get3A_30 = arith.constant 0 : index
    %get3A_31 = arith.constant 0 : index
    %get3A_32 = arith.constant 0 : index
    %get3A_33 = vector.load %arg4[%get3A_30, %get3A_31, %get3A_32] : memref<1x128x512xi32, #tpu.memory_space<vmem>>, vector<1x128x512xi32>
    %get3A_34 = vector.shape_cast %get3A_33 : vector<1x128x512xi32> to vector<128x512xi32>
    %iota3A_35 = tpu.iota {dimensions = array<i32: 1>} : vector<1x128xi32>
    %mul3A_36 = arith.mulf %add3A_18, %add3A_18 : vector<128x512xf32>
    %mul3A_37 = arith.mulf %add3A_22, %add3A_22 : vector<128x512xf32>
    %add3A_38 = arith.addf %mul3A_36, %mul3A_37 : vector<128x512xf32>
    %broadcast_in_dim3A = arith.constant 0.000000e+00 : f32
    %broadcast_in_dim3A_39 = vector.broadcast %broadcast_in_dim3A : f32 to vector<128x512xf32>
    %get3A_40 = arith.index_cast %add3A_0 : i32 to index
    %get3A_41 = arith.constant 0 : index
    %get3A_42 = arith.constant 0 : index
    %get3A_43 = memref.load %arg2[%get3A_40, %get3A_41, %get3A_42] : memref<4x6x128xf32, #tpu.memory_space<smem>>
    %max3A = arith.constant 1.000000e+00 : f32
    %max3A_44 = arith.maximumf %get3A_43, %max3A : f32
    %get3A_45 = arith.index_cast %add3A_0 : i32 to index
    %get3A_46 = arith.constant 1 : index
    %get3A_47 = arith.constant 0 : index
    %get3A_48 = memref.load %arg2[%get3A_45, %get3A_46, %get3A_47] : memref<4x6x128xf32, #tpu.memory_space<smem>>
    %div3A = arith.divf %get3A_48, %max3A_44 : f32
    %get3A_49 = arith.index_cast %add3A_0 : i32 to index
    %get3A_50 = arith.constant 2 : index
    %get3A_51 = arith.constant 0 : index
    %get3A_52 = memref.load %arg2[%get3A_49, %get3A_50, %get3A_51] : memref<4x6x128xf32, #tpu.memory_space<smem>>
    %div3A_53 = arith.divf %get3A_52, %max3A_44 : f32
    %get3A_54 = arith.index_cast %add3A_0 : i32 to index
    %get3A_55 = arith.constant 3 : index
    %get3A_56 = arith.constant 0 : index
    %get3A_57 = memref.load %arg2[%get3A_54, %get3A_55, %get3A_56] : memref<4x6x128xf32, #tpu.memory_space<smem>>
    %mul3A_58 = arith.constant 1.000000e+01 : f32
    %mul3A_59 = arith.mulf %mul3A_58, %get3A_57 : f32
    %div3A_60 = arith.divf %mul3A_59, %max3A_44 : f32
    %exp3A = math.exp %div3A_60 : f32
    %mul3A_61 = arith.constant -2.000000e+00 : f32
    %mul3A_62 = arith.mulf %mul3A_61, %exp3A : f32
    %mul3A_63 = arith.mulf %mul3A_62, %div3A : f32
    %mul3A_64 = arith.constant -2.000000e+00 : f32
    %mul3A_65 = arith.mulf %mul3A_64, %exp3A : f32
    %mul3A_66 = arith.mulf %mul3A_65, %div3A_53 : f32
    %mul3A_67 = arith.mulf %div3A, %div3A : f32
    %mul3A_68 = arith.mulf %div3A_53, %div3A_53 : f32
    %add3A_69 = arith.addf %mul3A_67, %mul3A_68 : f32
    %mul3A_70 = arith.mulf %exp3A, %add3A_69 : f32
    %mul3A_71 = vector.broadcast %exp3A : f32 to vector<128x512xf32>
    %mul3A_72 = arith.mulf %mul3A_71, %add3A_38 : vector<128x512xf32>
    %mul3A_73 = vector.broadcast %mul3A_63 : f32 to vector<128x512xf32>
    %mul3A_74 = arith.mulf %mul3A_73, %add3A_18 : vector<128x512xf32>
    %add3A_75 = arith.addf %mul3A_72, %mul3A_74 : vector<128x512xf32>
    %mul3A_76 = vector.broadcast %mul3A_66 : f32 to vector<128x512xf32>
    %mul3A_77 = arith.mulf %mul3A_76, %add3A_22 : vector<128x512xf32>
    %add3A_78 = arith.addf %add3A_75, %mul3A_77 : vector<128x512xf32>
    %add3A_79 = vector.broadcast %mul3A_70 : f32 to vector<128x512xf32>
    %add3A_80 = arith.addf %add3A_78, %add3A_79 : vector<128x512xf32>
    %neg3A = arith.constant 0.000000e+00 : f32
    %neg3A_81 = vector.broadcast %neg3A : f32 to vector<128x512xf32>
    %neg3A_82 = arith.subf %neg3A_81, %add3A_80 : vector<128x512xf32>
    %exp3A_83 = math.exp %neg3A_82 : vector<128x512xf32>
    %eq3A = arith.constant 1 : i32
    %eq3A_84 = vector.broadcast %eq3A : i32 to vector<128x512xi32>
    %eq3A_85 = arith.cmpi eq, %get3A_34, %eq3A_84 : vector<128x512xi32>
    %mul3A_86 = arith.constant 1.024000e+03 : f32
    %mul3A_87 = vector.broadcast %mul3A_86 : f32 to vector<128x512xf32>
    %mul3A_88 = arith.mulf %mul3A_87, %exp3A_83 : vector<128x512xf32>
    %convert_element_type3A_89 = arith.fptosi %mul3A_88 : vector<128x512xf32> to vector<128x512xi32>
    %min3A = arith.constant 1023 : i32
    %min3A_90 = vector.broadcast %min3A : i32 to vector<128x512xi32>
    %min3A_91 = arith.minsi %convert_element_type3A_89, %min3A_90 : vector<128x512xi32>
    %sub3A = arith.constant 1023 : i32
    %sub3A_92 = vector.broadcast %sub3A : i32 to vector<128x512xi32>
    %sub3A_93 = arith.subi %sub3A_92, %min3A_91 : vector<128x512xi32>
    %add3A_94 = arith.constant 1024 : i32
    %add3A_95 = vector.broadcast %add3A_94 : i32 to vector<128x512xi32>
    %add3A_96 = arith.addi %add3A_95, %min3A_91 : vector<128x512xi32>
    %select_n3A = arith.select %eq3A_85, %sub3A_93, %add3A_96 : vector<128x512xi1>, vector<128x512xi32>
    %convert_element_type3A_97 = arith.trunci %select_n3A : vector<128x512xi32> to vector<128x512xi16>
    %swap3A = arith.constant 0 : index
    %swap3A_98 = arith.constant 0 : index
    %swap3A_99 = arith.constant 0 : index
    %swap3A_100 = arith.constant 0 : index
    %swap3A_101 = vector.load %arg5[%swap3A, %swap3A_98, %swap3A_99, %swap3A_100] : memref<1x7x128x512xi16, #tpu.memory_space<vmem>>, vector<1x1x128x512xi16>
    %swap3A_102 = vector.shape_cast %swap3A_101 : vector<1x1x128x512xi16> to vector<128x512xi16>
    %swap3A_103 = vector.shape_cast %convert_element_type3A_97 : vector<128x512xi16> to vector<1x1x128x512xi16>
    tpu.vector_store %arg5[%swap3A, %swap3A_98, %swap3A_99, %swap3A_100], %swap3A_103 {strides = array<i32>} : memref<1x7x128x512xi16, #tpu.memory_space<vmem>>, vector<1x1x128x512xi16>,
    %jit3A = arith.constant 0.000000e+00 : f32
    %broadcast_in_dim3A_104 = vector.broadcast %jit3A : f32 to vector<128x512xf32>
    %select_n3A_105 = arith.select %eq3A_85, %exp3A_83, %broadcast_in_dim3A_104 : vector<128x512xi1>, vector<128x512xf32>
    %add3A_106 = arith.addf %broadcast_in_dim3A_39, %select_n3A_105 : vector<128x512xf32>
    %get3A_107 = arith.index_cast %add3A_0 : i32 to index
    %get3A_108 = arith.constant 0 : index
    %get3A_109 = arith.constant 1 : index
    %get3A_110 = memref.load %arg2[%get3A_107, %get3A_108, %get3A_109] : memref<4x6x128xf32, #tpu.memory_space<smem>>
    %max3A_111 = arith.constant 1.000000e+00 : f32
    %max3A_112 = arith.maximumf %get3A_110, %max3A_111 : f32
    %get3A_113 = arith.index_cast %add3A_0 : i32 to index
    %get3A_114 = arith.constant 1 : index
    %get3A_115 = arith.constant 1 : index
    %get3A_116 = memref.load %arg2[%get3A_113, %get3A_114, %get3A_115] : memref<4x6x128xf32, #tpu.memory_space<smem>>
    %div3A_117 = arith.divf %get3A_116, %max3A_112 : f32
    %get3A_118 = arith.index_cast %add3A_0 : i32 to index
    %get3A_119 = arith.constant 2 : index
    %get3A_120 = arith.constant 1 : index
    %get3A_121 = memref.load %arg2[%get3A_118, %get3A_119, %get3A_120] : memref<4x6x128xf32, #tpu.memory_space<smem>>
    %div3A_122 = arith.divf %get3A_121, %max3A_112 : f32
    %get3A_123 = arith.index_cast %add3A_0 : i32 to index
    %get3A_124 = arith.constant 3 : index
    %get3A_125 = arith.constant 1 : index
    %get3A_126 = memref.load %arg2[%get3A_123, %get3A_124, %get3A_125] : memref<4x6x128xf32, #tpu.memory_space<smem>>
    %mul3A_127 = arith.constant 1.000000e+01 : f32
    %mul3A_128 = arith.mulf %mul3A_127, %get3A_126 : f32
    %div3A_129 = arith.divf %mul3A_128, %max3A_112 : f32
    %exp3A_130 = math.exp %div3A_129 : f32
    %mul3A_131 = arith.constant -2.000000e+00 : f32
    %mul3A_132 = arith.mulf %mul3A_131, %exp3A_130 : f32
    %mul3A_133 = arith.mulf %mul3A_132, %div3A_117 : f32
    %mul3A_134 = arith.constant -2.000000e+00 : f32
    %mul3A_135 = arith.mulf %mul3A_134, %exp3A_130 : f32
    %mul3A_136 = arith.mulf %mul3A_135, %div3A_122 : f32
    %mul3A_137 = arith.mulf %div3A_117, %div3A_117 : f32
    %mul3A_138 = arith.mulf %div3A_122, %div3A_122 : f32
    %add3A_139 = arith.addf %mul3A_137, %mul3A_138 : f32
    %mul3A_140 = arith.mulf %exp3A_130, %add3A_139 : f32
    %mul3A_141 = vector.broadcast %exp3A_130 : f32 to vector<128x512xf32>
    %mul3A_142 = arith.mulf %mul3A_141, %add3A_38 : vector<128x512xf32>
    %mul3A_143 = vector.broadcast %mul3A_133 : f32 to vector<128x512xf32>
    %mul3A_144 = arith.mulf %mul3A_143, %add3A_18 : vector<128x512xf32>
    %add3A_145 = arith.addf %mul3A_142, %mul3A_144 : vector<128x512xf32>
    %mul3A_146 = vector.broadcast %mul3A_136 : f32 to vector<128x512xf32>
    %mul3A_147 = arith.mulf %mul3A_146, %add3A_22 : vector<128x512xf32>
    %add3A_148 = arith.addf %add3A_145, %mul3A_147 : vector<128x512xf32>
    %add3A_149 = vector.broadcast %mul3A_140 : f32 to vector<128x512xf32>
    %add3A_150 = arith.addf %add3A_148, %add3A_149 : vector<128x512xf32>
    %neg3A_151 = arith.constant 0.000000e+00 : f32
    %neg3A_152 = vector.broadcast %neg3A_151 : f32 to vector<128x512xf32>
    %neg3A_153 = arith.subf %neg3A_152, %add3A_150 : vector<128x512xf32>
    %exp3A_154 = math.exp %neg3A_153 : vector<128x512xf32>
    %eq3A_155 = arith.constant 2 : i32
    %eq3A_156 = vector.broadcast %eq3A_155 : i32 to vector<128x512xi32>
    %eq3A_157 = arith.cmpi eq, %get3A_34, %eq3A_156 : vector<128x512xi32>
    %mul3A_158 = arith.constant 1.024000e+03 : f32
    %mul3A_159 = vector.broadcast %mul3A_158 : f32 to vector<128x512xf32>
    %mul3A_160 = arith.mulf %mul3A_159, %exp3A_154 : vector<128x512xf32>
    %convert_element_type3A_161 = arith.fptosi %mul3A_160 : vector<128x512xf32> to vector<128x512xi32>
    %min3A_162 = arith.constant 1023 : i32
    %min3A_163 = vector.broadcast %min3A_162 : i32 to vector<128x512xi32>
    %min3A_164 = arith.minsi %convert_element_type3A_161, %min3A_163 : vector<128x512xi32>
    %sub3A_165 = arith.constant 3071 : i32
    %sub3A_166 = vector.broadcast %sub3A_165 : i32 to vector<128x512xi32>
    %sub3A_167 = arith.subi %sub3A_166, %min3A_164 : vector<128x512xi32>
    %add3A_168 = arith.constant 3072 : i32
    %add3A_169 = vector.broadcast %add3A_168 : i32 to vector<128x512xi32>
    %add3A_170 = arith.addi %add3A_169, %min3A_164 : vector<128x512xi32>
    %select_n3A_171 = arith.select %eq3A_157, %sub3A_167, %add3A_170 : vector<128x512xi1>, vector<128x512xi32>
    %convert_element_type3A_172 = arith.trunci %select_n3A_171 : vector<128x512xi32> to vector<128x512xi16>
    %swap3A_173 = arith.constant 0 : index
    %swap3A_174 = arith.constant 1 : index
    %swap3A_175 = arith.constant 0 : index
    %swap3A_176 = arith.constant 0 : index
    %swap3A_177 = vector.load %arg5[%swap3A_173, %swap3A_174, %swap3A_175, %swap3A_176] : memref<1x7x128x512xi16, #tpu.memory_space<vmem>>, vector<1x1x128x512xi16>
    %swap3A_178 = vector.shape_cast %swap3A_177 : vector<1x1x128x512xi16> to vector<128x512xi16>
    %swap3A_179 = vector.shape_cast %convert_element_type3A_172 : vector<128x512xi16> to vector<1x1x128x512xi16>
    tpu.vector_store %arg5[%swap3A_173, %swap3A_174, %swap3A_175, %swap3A_176], %swap3A_179 {strides = array<i32>} : memref<1x7x128x512xi16, #tpu.memory_space<vmem>>, vector<1x1x128x512xi16>,
    %jit3A_180 = arith.constant 0.000000e+00 : f32
    %broadcast_in_dim3A_181 = vector.broadcast %jit3A_180 : f32 to vector<128x512xf32>
    %select_n3A_182 = arith.select %eq3A_157, %exp3A_154, %broadcast_in_dim3A_181 : vector<128x512xi1>, vector<128x512xf32>
    %add3A_183 = arith.addf %add3A_106, %select_n3A_182 : vector<128x512xf32>
    %get3A_184 = arith.index_cast %add3A_0 : i32 to index
    %get3A_185 = arith.constant 0 : index
    %get3A_186 = arith.constant 2 : index
    %get3A_187 = memref.load %arg2[%get3A_184, %get3A_185, %get3A_186] : memref<4x6x128xf32, #tpu.memory_space<smem>>
    %max3A_188 = arith.constant 1.000000e+00 : f32
    %max3A_189 = arith.maximumf %get3A_187, %max3A_188 : f32
    %get3A_190 = arith.index_cast %add3A_0 : i32 to index
    %get3A_191 = arith.constant 1 : index
    %get3A_192 = arith.constant 2 : index
    %get3A_193 = memref.load %arg2[%get3A_190, %get3A_191, %get3A_192] : memref<4x6x128xf32, #tpu.memory_space<smem>>
    %div3A_194 = arith.divf %get3A_193, %max3A_189 : f32
    %get3A_195 = arith.index_cast %add3A_0 : i32 to index
    %get3A_196 = arith.constant 2 : index
    %get3A_197 = arith.constant 2 : index
    %get3A_198 = memref.load %arg2[%get3A_195, %get3A_196, %get3A_197] : memref<4x6x128xf32, #tpu.memory_space<smem>>
    %div3A_199 = arith.divf %get3A_198, %max3A_189 : f32
    %get3A_200 = arith.index_cast %add3A_0 : i32 to index
    %get3A_201 = arith.constant 3 : index
    %get3A_202 = arith.constant 2 : index
    %get3A_203 = memref.load %arg2[%get3A_200, %get3A_201, %get3A_202] : memref<4x6x128xf32, #tpu.memory_space<smem>>
    %mul3A_204 = arith.constant 1.000000e+01 : f32
    %mul3A_205 = arith.mulf %mul3A_204, %get3A_203 : f32
    %div3A_206 = arith.divf %mul3A_205, %max3A_189 : f32
    %exp3A_207 = math.exp %div3A_206 : f32
    %mul3A_208 = arith.constant -2.000000e+00 : f32
    %mul3A_209 = arith.mulf %mul3A_208, %exp3A_207 : f32
    %mul3A_210 = arith.mulf %mul3A_209, %div3A_194 : f32
    %mul3A_211 = arith.constant -2.000000e+00 : f32
    %mul3A_212 = arith.mulf %mul3A_211, %exp3A_207 : f32
    %mul3A_213 = arith.mulf %mul3A_212, %div3A_199 : f32
    %mul3A_214 = arith.mulf %div3A_194, %div3A_194 : f32
    %mul3A_215 = arith.mulf %div3A_199, %div3A_199 : f32
    %add3A_216 = arith.addf %mul3A_214, %mul3A_215 : f32
    %mul3A_217 = arith.mulf %exp3A_207, %add3A_216 : f32
    %mul3A_218 = vector.broadcast %exp3A_207 : f32 to vector<128x512xf32>
    %mul3A_219 = arith.mulf %mul3A_218, %add3A_38 : vector<128x512xf32>
    %mul3A_220 = vector.broadcast %mul3A_210 : f32 to vector<128x512xf32>
    %mul3A_221 = arith.mulf %mul3A_220, %add3A_18 : vector<128x512xf32>
    %add3A_222 = arith.addf %mul3A_219, %mul3A_221 : vector<128x512xf32>
    %mul3A_223 = vector.broadcast %mul3A_213 : f32 to vector<128x512xf32>
    %mul3A_224 = arith.mulf %mul3A_223, %add3A_22 : vector<128x512xf32>
    %add3A_225 = arith.addf %add3A_222, %mul3A_224 : vector<128x512xf32>
    %add3A_226 = vector.broadcast %mul3A_217 : f32 to vector<128x512xf32>
    %add3A_227 = arith.addf %add3A_225, %add3A_226 : vector<128x512xf32>
    %neg3A_228 = arith.constant 0.000000e+00 : f32
    %neg3A_229 = vector.broadcast %neg3A_228 : f32 to vector<128x512xf32>
    %neg3A_230 = arith.subf %neg3A_229, %add3A_227 : vector<128x512xf32>
    %exp3A_231 = math.exp %neg3A_230 : vector<128x512xf32>
    %eq3A_232 = arith.constant 3 : i32
    %eq3A_233 = vector.broadcast %eq3A_232 : i32 to vector<128x512xi32>
    %eq3A_234 = arith.cmpi eq, %get3A_34, %eq3A_233 : vector<128x512xi32>
    %mul3A_235 = arith.constant 1.024000e+03 : f32
    %mul3A_236 = vector.broadcast %mul3A_235 : f32 to vector<128x512xf32>
    %mul3A_237 = arith.mulf %mul3A_236, %exp3A_231 : vector<128x512xf32>
    %convert_element_type3A_238 = arith.fptosi %mul3A_237 : vector<128x512xf32> to vector<128x512xi32>
    %min3A_239 = arith.constant 1023 : i32
    %min3A_240 = vector.broadcast %min3A_239 : i32 to vector<128x512xi32>
    %min3A_241 = arith.minsi %convert_element_type3A_238, %min3A_240 : vector<128x512xi32>
    %sub3A_242 = arith.constant 5119 : i32
    %sub3A_243 = vector.broadcast %sub3A_242 : i32 to vector<128x512xi32>
    %sub3A_244 = arith.subi %sub3A_243, %min3A_241 : vector<128x512xi32>
    %add3A_245 = arith.constant 5120 : i32
    %add3A_246 = vector.broadcast %add3A_245 : i32 to vector<128x512xi32>
    %add3A_247 = arith.addi %add3A_246, %min3A_241 : vector<128x512xi32>
    %select_n3A_248 = arith.select %eq3A_234, %sub3A_244, %add3A_247 : vector<128x512xi1>, vector<128x512xi32>
    %convert_element_type3A_249 = arith.trunci %select_n3A_248 : vector<128x512xi32> to vector<128x512xi16>
    %swap3A_250 = arith.constant 0 : index
    %swap3A_251 = arith.constant 2 : index
    %swap3A_252 = arith.constant 0 : index
    %swap3A_253 = arith.constant 0 : index
    %swap3A_254 = vector.load %arg5[%swap3A_250, %swap3A_251, %swap3A_252, %swap3A_253] : memref<1x7x128x512xi16, #tpu.memory_space<vmem>>, vector<1x1x128x512xi16>
    %swap3A_255 = vector.shape_cast %swap3A_254 : vector<1x1x128x512xi16> to vector<128x512xi16>
    %swap3A_256 = vector.shape_cast %convert_element_type3A_249 : vector<128x512xi16> to vector<1x1x128x512xi16>
    tpu.vector_store %arg5[%swap3A_250, %swap3A_251, %swap3A_252, %swap3A_253], %swap3A_256 {strides = array<i32>} : memref<1x7x128x512xi16, #tpu.memory_space<vmem>>, vector<1x1x128x512xi16>,
    %jit3A_257 = arith.constant 0.000000e+00 : f32
    %broadcast_in_dim3A_258 = vector.broadcast %jit3A_257 : f32 to vector<128x512xf32>
    %select_n3A_259 = arith.select %eq3A_234, %exp3A_231, %broadcast_in_dim3A_258 : vector<128x512xi1>, vector<128x512xf32>
    %add3A_260 = arith.addf %add3A_183, %select_n3A_259 : vector<128x512xf32>
    %get3A_261 = arith.index_cast %add3A_0 : i32 to index
    %get3A_262 = arith.constant 0 : index
    %get3A_263 = arith.constant 3 : index
    %get3A_264 = memref.load %arg2[%get3A_261, %get3A_262, %get3A_263] : memref<4x6x128xf32, #tpu.memory_space<smem>>
    %max3A_265 = arith.constant 1.000000e+00 : f32
    %max3A_266 = arith.maximumf %get3A_264, %max3A_265 : f32
    %get3A_267 = arith.index_cast %add3A_0 : i32 to index
    %get3A_268 = arith.constant 1 : index
    %get3A_269 = arith.constant 3 : index
    %get3A_270 = memref.load %arg2[%get3A_267, %get3A_268, %get3A_269] : memref<4x6x128xf32, #tpu.memory_space<smem>>
    %div3A_271 = arith.divf %get3A_270, %max3A_266 : f32
    %get3A_272 = arith.index_cast %add3A_0 : i32 to index
    %get3A_273 = arith.constant 2 : index
    %get3A_274 = arith.constant 3 : index
    %get3A_275 = memref.load %arg2[%get3A_272, %get3A_273, %get3A_274] : memref<4x6x128xf32, #tpu.memory_space<smem>>
    %div3A_276 = arith.divf %get3A_275, %max3A_266 : f32
    %get3A_277 = arith.index_cast %add3A_0 : i32 to index
    %get3A_278 = arith.constant 3 : index
    %get3A_279 = arith.constant 3 : index
    %get3A_280 = memref.load %arg2[%get3A_277, %get3A_278, %get3A_279] : memref<4x6x128xf32, #tpu.memory_space<smem>>
    %mul3A_281 = arith.constant 1.000000e+01 : f32
    %mul3A_282 = arith.mulf %mul3A_281, %get3A_280 : f32
    %div3A_283 = arith.divf %mul3A_282, %max3A_266 : f32
    %exp3A_284 = math.exp %div3A_283 : f32
    %mul3A_285 = arith.constant -2.000000e+00 : f32
    %mul3A_286 = arith.mulf %mul3A_285, %exp3A_284 : f32
    %mul3A_287 = arith.mulf %mul3A_286, %div3A_271 : f32
    %mul3A_288 = arith.constant -2.000000e+00 : f32
    %mul3A_289 = arith.mulf %mul3A_288, %exp3A_284 : f32
    %mul3A_290 = arith.mulf %mul3A_289, %div3A_276 : f32
    %mul3A_291 = arith.mulf %div3A_271, %div3A_271 : f32
    %mul3A_292 = arith.mulf %div3A_276, %div3A_276 : f32
    %add3A_293 = arith.addf %mul3A_291, %mul3A_292 : f32
    %mul3A_294 = arith.mulf %exp3A_284, %add3A_293 : f32
    %mul3A_295 = vector.broadcast %exp3A_284 : f32 to vector<128x512xf32>
    %mul3A_296 = arith.mulf %mul3A_295, %add3A_38 : vector<128x512xf32>
    %mul3A_297 = vector.broadcast %mul3A_287 : f32 to vector<128x512xf32>
    %mul3A_298 = arith.mulf %mul3A_297, %add3A_18 : vector<128x512xf32>
    %add3A_299 = arith.addf %mul3A_296, %mul3A_298 : vector<128x512xf32>
    %mul3A_300 = vector.broadcast %mul3A_290 : f32 to vector<128x512xf32>
    %mul3A_301 = arith.mulf %mul3A_300, %add3A_22 : vector<128x512xf32>
    %add3A_302 = arith.addf %add3A_299, %mul3A_301 : vector<128x512xf32>
    %add3A_303 = vector.broadcast %mul3A_294 : f32 to vector<128x512xf32>
    %add3A_304 = arith.addf %add3A_302, %add3A_303 : vector<128x512xf32>
    %neg3A_305 = arith.constant 0.000000e+00 : f32
    %neg3A_306 = vector.broadcast %neg3A_305 : f32 to vector<128x512xf32>
    %neg3A_307 = arith.subf %neg3A_306, %add3A_304 : vector<128x512xf32>
    %exp3A_308 = math.exp %neg3A_307 : vector<128x512xf32>
    %eq3A_309 = arith.constant 4 : i32
    %eq3A_310 = vector.broadcast %eq3A_309 : i32 to vector<128x512xi32>
    %eq3A_311 = arith.cmpi eq, %get3A_34, %eq3A_310 : vector<128x512xi32>
    %mul3A_312 = arith.constant 1.024000e+03 : f32
    %mul3A_313 = vector.broadcast %mul3A_312 : f32 to vector<128x512xf32>
    %mul3A_314 = arith.mulf %mul3A_313, %exp3A_308 : vector<128x512xf32>
    %convert_element_type3A_315 = arith.fptosi %mul3A_314 : vector<128x512xf32> to vector<128x512xi32>
    %min3A_316 = arith.constant 1023 : i32
    %min3A_317 = vector.broadcast %min3A_316 : i32 to vector<128x512xi32>
    %min3A_318 = arith.minsi %convert_element_type3A_315, %min3A_317 : vector<128x512xi32>
    %sub3A_319 = arith.constant 7167 : i32
    %sub3A_320 = vector.broadcast %sub3A_319 : i32 to vector<128x512xi32>
    %sub3A_321 = arith.subi %sub3A_320, %min3A_318 : vector<128x512xi32>
    %add3A_322 = arith.constant 7168 : i32
    %add3A_323 = vector.broadcast %add3A_322 : i32 to vector<128x512xi32>
    %add3A_324 = arith.addi %add3A_323, %min3A_318 : vector<128x512xi32>
    %select_n3A_325 = arith.select %eq3A_311, %sub3A_321, %add3A_324 : vector<128x512xi1>, vector<128x512xi32>
    %convert_element_type3A_326 = arith.trunci %select_n3A_325 : vector<128x512xi32> to vector<128x512xi16>
    %swap3A_327 = arith.constant 0 : index
    %swap3A_328 = arith.constant 3 : index
    %swap3A_329 = arith.constant 0 : index
    %swap3A_330 = arith.constant 0 : index
    %swap3A_331 = vector.load %arg5[%swap3A_327, %swap3A_328, %swap3A_329, %swap3A_330] : memref<1x7x128x512xi16, #tpu.memory_space<vmem>>, vector<1x1x128x512xi16>
    %swap3A_332 = vector.shape_cast %swap3A_331 : vector<1x1x128x512xi16> to vector<128x512xi16>
    %swap3A_333 = vector.shape_cast %convert_element_type3A_326 : vector<128x512xi16> to vector<1x1x128x512xi16>
    tpu.vector_store %arg5[%swap3A_327, %swap3A_328, %swap3A_329, %swap3A_330], %swap3A_333 {strides = array<i32>} : memref<1x7x128x512xi16, #tpu.memory_space<vmem>>, vector<1x1x128x512xi16>,
    %jit3A_334 = arith.constant 0.000000e+00 : f32
    %broadcast_in_dim3A_335 = vector.broadcast %jit3A_334 : f32 to vector<128x512xf32>
    %select_n3A_336 = arith.select %eq3A_311, %exp3A_308, %broadcast_in_dim3A_335 : vector<128x512xi1>, vector<128x512xf32>
    %add3A_337 = arith.addf %add3A_260, %select_n3A_336 : vector<128x512xf32>
    %get3A_338 = arith.index_cast %add3A_0 : i32 to index
    %get3A_339 = arith.constant 0 : index
    %get3A_340 = arith.constant 4 : index
    %get3A_341 = memref.load %arg2[%get3A_338, %get3A_339, %get3A_340] : memref<4x6x128xf32, #tpu.memory_space<smem>>
    %max3A_342 = arith.constant 1.000000e+00 : f32
    %max3A_343 = arith.maximumf %get3A_341, %max3A_342 : f32
    %get3A_344 = arith.index_cast %add3A_0 : i32 to index
    %get3A_345 = arith.constant 1 : index
    %get3A_346 = arith.constant 4 : index
    %get3A_347 = memref.load %arg2[%get3A_344, %get3A_345, %get3A_346] : memref<4x6x128xf32, #tpu.memory_space<smem>>
    %div3A_348 = arith.divf %get3A_347, %max3A_343 : f32
    %get3A_349 = arith.index_cast %add3A_0 : i32 to index
    %get3A_350 = arith.constant 2 : index
    %get3A_351 = arith.constant 4 : index
    %get3A_352 = memref.load %arg2[%get3A_349, %get3A_350, %get3A_351] : memref<4x6x128xf32, #tpu.memory_space<smem>>
    %div3A_353 = arith.divf %get3A_352, %max3A_343 : f32
    %get3A_354 = arith.index_cast %add3A_0 : i32 to index
    %get3A_355 = arith.constant 3 : index
    %get3A_356 = arith.constant 4 : index
    %get3A_357 = memref.load %arg2[%get3A_354, %get3A_355, %get3A_356] : memref<4x6x128xf32, #tpu.memory_space<smem>>
    %mul3A_358 = arith.constant 1.000000e+01 : f32
    %mul3A_359 = arith.mulf %mul3A_358, %get3A_357 : f32
    %div3A_360 = arith.divf %mul3A_359, %max3A_343 : f32
    %exp3A_361 = math.exp %div3A_360 : f32
    %mul3A_362 = arith.constant -2.000000e+00 : f32
    %mul3A_363 = arith.mulf %mul3A_362, %exp3A_361 : f32
    %mul3A_364 = arith.mulf %mul3A_363, %div3A_348 : f32
    %mul3A_365 = arith.constant -2.000000e+00 : f32
    %mul3A_366 = arith.mulf %mul3A_365, %exp3A_361 : f32
    %mul3A_367 = arith.mulf %mul3A_366, %div3A_353 : f32
    %mul3A_368 = arith.mulf %div3A_348, %div3A_348 : f32
    %mul3A_369 = arith.mulf %div3A_353, %div3A_353 : f32
    %add3A_370 = arith.addf %mul3A_368, %mul3A_369 : f32
    %mul3A_371 = arith.mulf %exp3A_361, %add3A_370 : f32
    %mul3A_372 = vector.broadcast %exp3A_361 : f32 to vector<128x512xf32>
    %mul3A_373 = arith.mulf %mul3A_372, %add3A_38 : vector<128x512xf32>
    %mul3A_374 = vector.broadcast %mul3A_364 : f32 to vector<128x512xf32>
    %mul3A_375 = arith.mulf %mul3A_374, %add3A_18 : vector<128x512xf32>
    %add3A_376 = arith.addf %mul3A_373, %mul3A_375 : vector<128x512xf32>
    %mul3A_377 = vector.broadcast %mul3A_367 : f32 to vector<128x512xf32>
    %mul3A_378 = arith.mulf %mul3A_377, %add3A_22 : vector<128x512xf32>
    %add3A_379 = arith.addf %add3A_376, %mul3A_378 : vector<128x512xf32>
    %add3A_380 = vector.broadcast %mul3A_371 : f32 to vector<128x512xf32>
    %add3A_381 = arith.addf %add3A_379, %add3A_380 : vector<128x512xf32>
    %neg3A_382 = arith.constant 0.000000e+00 : f32
    %neg3A_383 = vector.broadcast %neg3A_382 : f32 to vector<128x512xf32>
    %neg3A_384 = arith.subf %neg3A_383, %add3A_381 : vector<128x512xf32>
    %exp3A_385 = math.exp %neg3A_384 : vector<128x512xf32>
    %eq3A_386 = arith.constant 5 : i32
    %eq3A_387 = vector.broadcast %eq3A_386 : i32 to vector<128x512xi32>
    %eq3A_388 = arith.cmpi eq, %get3A_34, %eq3A_387 : vector<128x512xi32>
    %mul3A_389 = arith.constant 1.024000e+03 : f32
    %mul3A_390 = vector.broadcast %mul3A_389 : f32 to vector<128x512xf32>
    %mul3A_391 = arith.mulf %mul3A_390, %exp3A_385 : vector<128x512xf32>
    %convert_element_type3A_392 = arith.fptosi %mul3A_391 : vector<128x512xf32> to vector<128x512xi32>
    %min3A_393 = arith.constant 1023 : i32
    %min3A_394 = vector.broadcast %min3A_393 : i32 to vector<128x512xi32>
    %min3A_395 = arith.minsi %convert_element_type3A_392, %min3A_394 : vector<128x512xi32>
    %sub3A_396 = arith.constant 9215 : i32
    %sub3A_397 = vector.broadcast %sub3A_396 : i32 to vector<128x512xi32>
    %sub3A_398 = arith.subi %sub3A_397, %min3A_395 : vector<128x512xi32>
    %add3A_399 = arith.constant 9216 : i32
    %add3A_400 = vector.broadcast %add3A_399 : i32 to vector<128x512xi32>
    %add3A_401 = arith.addi %add3A_400, %min3A_395 : vector<128x512xi32>
    %select_n3A_402 = arith.select %eq3A_388, %sub3A_398, %add3A_401 : vector<128x512xi1>, vector<128x512xi32>
    %convert_element_type3A_403 = arith.trunci %select_n3A_402 : vector<128x512xi32> to vector<128x512xi16>
    %swap3A_404 = arith.constant 0 : index
    %swap3A_405 = arith.constant 4 : index
    %swap3A_406 = arith.constant 0 : index
    %swap3A_407 = arith.constant 0 : index
    %swap3A_408 = vector.load %arg5[%swap3A_404, %swap3A_405, %swap3A_406, %swap3A_407] : memref<1x7x128x512xi16, #tpu.memory_space<vmem>>, vector<1x1x128x512xi16>
    %swap3A_409 = vector.shape_cast %swap3A_408 : vector<1x1x128x512xi16> to vector<128x512xi16>
    %swap3A_410 = vector.shape_cast %convert_element_type3A_403 : vector<128x512xi16> to vector<1x1x128x512xi16>
    tpu.vector_store %arg5[%swap3A_404, %swap3A_405, %swap3A_406, %swap3A_407], %swap3A_410 {strides = array<i32>} : memref<1x7x128x512xi16, #tpu.memory_space<vmem>>, vector<1x1x128x512xi16>,
    %jit3A_411 = arith.constant 0.000000e+00 : f32
    %broadcast_in_dim3A_412 = vector.broadcast %jit3A_411 : f32 to vector<128x512xf32>
    %select_n3A_413 = arith.select %eq3A_388, %exp3A_385, %broadcast_in_dim3A_412 : vector<128x512xi1>, vector<128x512xf32>
    %add3A_414 = arith.addf %add3A_337, %select_n3A_413 : vector<128x512xf32>
    %get3A_415 = arith.index_cast %add3A_0 : i32 to index
    %get3A_416 = arith.constant 0 : index
    %get3A_417 = arith.constant 5 : index
    %get3A_418 = memref.load %arg2[%get3A_415, %get3A_416, %get3A_417] : memref<4x6x128xf32, #tpu.memory_space<smem>>
    %max3A_419 = arith.constant 1.000000e+00 : f32
    %max3A_420 = arith.maximumf %get3A_418, %max3A_419 : f32
    %get3A_421 = arith.index_cast %add3A_0 : i32 to index
    %get3A_422 = arith.constant 1 : index
    %get3A_423 = arith.constant 5 : index
    %get3A_424 = memref.load %arg2[%get3A_421, %get3A_422, %get3A_423] : memref<4x6x128xf32, #tpu.memory_space<smem>>
    %div3A_425 = arith.divf %get3A_424, %max3A_420 : f32
    %get3A_426 = arith.index_cast %add3A_0 : i32 to index
    %get3A_427 = arith.constant 2 : index
    %get3A_428 = arith.constant 5 : index
    %get3A_429 = memref.load %arg2[%get3A_426, %get3A_427, %get3A_428] : memref<4x6x128xf32, #tpu.memory_space<smem>>
    %div3A_430 = arith.divf %get3A_429, %max3A_420 : f32
    %get3A_431 = arith.index_cast %add3A_0 : i32 to index
    %get3A_432 = arith.constant 3 : index
    %get3A_433 = arith.constant 5 : index
    %get3A_434 = memref.load %arg2[%get3A_431, %get3A_432, %get3A_433] : memref<4x6x128xf32, #tpu.memory_space<smem>>
    %mul3A_435 = arith.constant 1.000000e+01 : f32
    %mul3A_436 = arith.mulf %mul3A_435, %get3A_434 : f32
    %div3A_437 = arith.divf %mul3A_436, %max3A_420 : f32
    %exp3A_438 = math.exp %div3A_437 : f32
    %mul3A_439 = arith.constant -2.000000e+00 : f32
    %mul3A_440 = arith.mulf %mul3A_439, %exp3A_438 : f32
    %mul3A_441 = arith.mulf %mul3A_440, %div3A_425 : f32
    %mul3A_442 = arith.constant -2.000000e+00 : f32
    %mul3A_443 = arith.mulf %mul3A_442, %exp3A_438 : f32
    %mul3A_444 = arith.mulf %mul3A_443, %div3A_430 : f32
    %mul3A_445 = arith.mulf %div3A_425, %div3A_425 : f32
    %mul3A_446 = arith.mulf %div3A_430, %div3A_430 : f32
    %add3A_447 = arith.addf %mul3A_445, %mul3A_446 : f32
    %mul3A_448 = arith.mulf %exp3A_438, %add3A_447 : f32
    %mul3A_449 = vector.broadcast %exp3A_438 : f32 to vector<128x512xf32>
    %mul3A_450 = arith.mulf %mul3A_449, %add3A_38 : vector<128x512xf32>
    %mul3A_451 = vector.broadcast %mul3A_441 : f32 to vector<128x512xf32>
    %mul3A_452 = arith.mulf %mul3A_451, %add3A_18 : vector<128x512xf32>
    %add3A_453 = arith.addf %mul3A_450, %mul3A_452 : vector<128x512xf32>
    %mul3A_454 = vector.broadcast %mul3A_444 : f32 to vector<128x512xf32>
    %mul3A_455 = arith.mulf %mul3A_454, %add3A_22 : vector<128x512xf32>
    %add3A_456 = arith.addf %add3A_453, %mul3A_455 : vector<128x512xf32>
    %add3A_457 = vector.broadcast %mul3A_448 : f32 to vector<128x512xf32>
    %add3A_458 = arith.addf %add3A_456, %add3A_457 : vector<128x512xf32>
    %neg3A_459 = arith.constant 0.000000e+00 : f32
    %neg3A_460 = vector.broadcast %neg3A_459 : f32 to vector<128x512xf32>
    %neg3A_461 = arith.subf %neg3A_460, %add3A_458 : vector<128x512xf32>
    %exp3A_462 = math.exp %neg3A_461 : vector<128x512xf32>
    %eq3A_463 = arith.constant 6 : i32
    %eq3A_464 = vector.broadcast %eq3A_463 : i32 to vector<128x512xi32>
    %eq3A_465 = arith.cmpi eq, %get3A_34, %eq3A_464 : vector<128x512xi32>
    %mul3A_466 = arith.constant 1.024000e+03 : f32
    %mul3A_467 = vector.broadcast %mul3A_466 : f32 to vector<128x512xf32>
    %mul3A_468 = arith.mulf %mul3A_467, %exp3A_462 : vector<128x512xf32>
    %convert_element_type3A_469 = arith.fptosi %mul3A_468 : vector<128x512xf32> to vector<128x512xi32>
    %min3A_470 = arith.constant 1023 : i32
    %min3A_471 = vector.broadcast %min3A_470 : i32 to vector<128x512xi32>
    %min3A_472 = arith.minsi %convert_element_type3A_469, %min3A_471 : vector<128x512xi32>
    %sub3A_473 = arith.constant 11263 : i32
    %sub3A_474 = vector.broadcast %sub3A_473 : i32 to vector<128x512xi32>
    %sub3A_475 = arith.subi %sub3A_474, %min3A_472 : vector<128x512xi32>
    %add3A_476 = arith.constant 11264 : i32
    %add3A_477 = vector.broadcast %add3A_476 : i32 to vector<128x512xi32>
    %add3A_478 = arith.addi %add3A_477, %min3A_472 : vector<128x512xi32>
    %select_n3A_479 = arith.select %eq3A_465, %sub3A_475, %add3A_478 : vector<128x512xi1>, vector<128x512xi32>
    %convert_element_type3A_480 = arith.trunci %select_n3A_479 : vector<128x512xi32> to vector<128x512xi16>
    %swap3A_481 = arith.constant 0 : index
    %swap3A_482 = arith.constant 5 : index
    %swap3A_483 = arith.constant 0 : index
    %swap3A_484 = arith.constant 0 : index
    %swap3A_485 = vector.load %arg5[%swap3A_481, %swap3A_482, %swap3A_483, %swap3A_484] : memref<1x7x128x512xi16, #tpu.memory_space<vmem>>, vector<1x1x128x512xi16>
    %swap3A_486 = vector.shape_cast %swap3A_485 : vector<1x1x128x512xi16> to vector<128x512xi16>
    %swap3A_487 = vector.shape_cast %convert_element_type3A_480 : vector<128x512xi16> to vector<1x1x128x512xi16>
    tpu.vector_store %arg5[%swap3A_481, %swap3A_482, %swap3A_483, %swap3A_484], %swap3A_487 {strides = array<i32>} : memref<1x7x128x512xi16, #tpu.memory_space<vmem>>, vector<1x1x128x512xi16>,
    %jit3A_488 = arith.constant 0.000000e+00 : f32
    %broadcast_in_dim3A_489 = vector.broadcast %jit3A_488 : f32 to vector<128x512xf32>
    %select_n3A_490 = arith.select %eq3A_465, %exp3A_462, %broadcast_in_dim3A_489 : vector<128x512xi1>, vector<128x512xf32>
    %add3A_491 = arith.addf %add3A_414, %select_n3A_490 : vector<128x512xf32>
    %get3A_492 = arith.index_cast %add3A_0 : i32 to index
    %get3A_493 = arith.constant 0 : index
    %get3A_494 = arith.constant 6 : index
    %get3A_495 = memref.load %arg2[%get3A_492, %get3A_493, %get3A_494] : memref<4x6x128xf32, #tpu.memory_space<smem>>
    %max3A_496 = arith.constant 1.000000e+00 : f32
    %max3A_497 = arith.maximumf %get3A_495, %max3A_496 : f32
    %get3A_498 = arith.index_cast %add3A_0 : i32 to index
    %get3A_499 = arith.constant 1 : index
    %get3A_500 = arith.constant 6 : index
    %get3A_501 = memref.load %arg2[%get3A_498, %get3A_499, %get3A_500] : memref<4x6x128xf32, #tpu.memory_space<smem>>
    %div3A_502 = arith.divf %get3A_501, %max3A_497 : f32
    %get3A_503 = arith.index_cast %add3A_0 : i32 to index
    %get3A_504 = arith.constant 2 : index
    %get3A_505 = arith.constant 6 : index
    %get3A_506 = memref.load %arg2[%get3A_503, %get3A_504, %get3A_505] : memref<4x6x128xf32, #tpu.memory_space<smem>>
    %div3A_507 = arith.divf %get3A_506, %max3A_497 : f32
    %get3A_508 = arith.index_cast %add3A_0 : i32 to index
    %get3A_509 = arith.constant 3 : index
    %get3A_510 = arith.constant 6 : index
    %get3A_511 = memref.load %arg2[%get3A_508, %get3A_509, %get3A_510] : memref<4x6x128xf32, #tpu.memory_space<smem>>
    %mul3A_512 = arith.constant 1.000000e+01 : f32
    %mul3A_513 = arith.mulf %mul3A_512, %get3A_511 : f32
    %div3A_514 = arith.divf %mul3A_513, %max3A_497 : f32
    %exp3A_515 = math.exp %div3A_514 : f32
    %mul3A_516 = arith.constant -2.000000e+00 : f32
    %mul3A_517 = arith.mulf %mul3A_516, %exp3A_515 : f32
    %mul3A_518 = arith.mulf %mul3A_517, %div3A_502 : f32
    %mul3A_519 = arith.constant -2.000000e+00 : f32
    %mul3A_520 = arith.mulf %mul3A_519, %exp3A_515 : f32
    %mul3A_521 = arith.mulf %mul3A_520, %div3A_507 : f32
    %mul3A_522 = arith.mulf %div3A_502, %div3A_502 : f32
    %mul3A_523 = arith.mulf %div3A_507, %div3A_507 : f32
    %add3A_524 = arith.addf %mul3A_522, %mul3A_523 : f32
    %mul3A_525 = arith.mulf %exp3A_515, %add3A_524 : f32
    %mul3A_526 = vector.broadcast %exp3A_515 : f32 to vector<128x512xf32>
    %mul3A_527 = arith.mulf %mul3A_526, %add3A_38 : vector<128x512xf32>
    %mul3A_528 = vector.broadcast %mul3A_518 : f32 to vector<128x512xf32>
    %mul3A_529 = arith.mulf %mul3A_528, %add3A_18 : vector<128x512xf32>
    %add3A_530 = arith.addf %mul3A_527, %mul3A_529 : vector<128x512xf32>
    %mul3A_531 = vector.broadcast %mul3A_521 : f32 to vector<128x512xf32>
    %mul3A_532 = arith.mulf %mul3A_531, %add3A_22 : vector<128x512xf32>
    %add3A_533 = arith.addf %add3A_530, %mul3A_532 : vector<128x512xf32>
    %add3A_534 = vector.broadcast %mul3A_525 : f32 to vector<128x512xf32>
    %add3A_535 = arith.addf %add3A_533, %add3A_534 : vector<128x512xf32>
    %neg3A_536 = arith.constant 0.000000e+00 : f32
    %neg3A_537 = vector.broadcast %neg3A_536 : f32 to vector<128x512xf32>
    %neg3A_538 = arith.subf %neg3A_537, %add3A_535 : vector<128x512xf32>
    %exp3A_539 = math.exp %neg3A_538 : vector<128x512xf32>
    %eq3A_540 = arith.constant 7 : i32
    %eq3A_541 = vector.broadcast %eq3A_540 : i32 to vector<128x512xi32>
    %eq3A_542 = arith.cmpi eq, %get3A_34, %eq3A_541 : vector<128x512xi32>
    %mul3A_543 = arith.constant 1.024000e+03 : f32
    %mul3A_544 = vector.broadcast %mul3A_543 : f32 to vector<128x512xf32>
    %mul3A_545 = arith.mulf %mul3A_544, %exp3A_539 : vector<128x512xf32>
    %convert_element_type3A_546 = arith.fptosi %mul3A_545 : vector<128x512xf32> to vector<128x512xi32>
    %min3A_547 = arith.constant 1023 : i32
    %min3A_548 = vector.broadcast %min3A_547 : i32 to vector<128x512xi32>
    %min3A_549 = arith.minsi %convert_element_type3A_546, %min3A_548 : vector<128x512xi32>
    %sub3A_550 = arith.constant 13311 : i32
    %sub3A_551 = vector.broadcast %sub3A_550 : i32 to vector<128x512xi32>
    %sub3A_552 = arith.subi %sub3A_551, %min3A_549 : vector<128x512xi32>
    %add3A_553 = arith.constant 13312 : i32
    %add3A_554 = vector.broadcast %add3A_553 : i32 to vector<128x512xi32>
    %add3A_555 = arith.addi %add3A_554, %min3A_549 : vector<128x512xi32>
    %select_n3A_556 = arith.select %eq3A_542, %sub3A_552, %add3A_555 : vector<128x512xi1>, vector<128x512xi32>
    %convert_element_type3A_557 = arith.trunci %select_n3A_556 : vector<128x512xi32> to vector<128x512xi16>
    %swap3A_558 = arith.constant 0 : index
    %swap3A_559 = arith.constant 6 : index
    %swap3A_560 = arith.constant 0 : index
    %swap3A_561 = arith.constant 0 : index
    %swap3A_562 = vector.load %arg5[%swap3A_558, %swap3A_559, %swap3A_560, %swap3A_561] : memref<1x7x128x512xi16, #tpu.memory_space<vmem>>, vector<1x1x128x512xi16>
    %swap3A_563 = vector.shape_cast %swap3A_562 : vector<1x1x128x512xi16> to vector<128x512xi16>
    %swap3A_564 = vector.shape_cast %convert_element_type3A_557 : vector<128x512xi16> to vector<1x1x128x512xi16>
    tpu.vector_store %arg5[%swap3A_558, %swap3A_559, %swap3A_560, %swap3A_561], %swap3A_564 {strides = array<i32>} : memref<1x7x128x512xi16, #tpu.memory_space<vmem>>, vector<1x1x128x512xi16>,
    %jit3A_565 = arith.constant 0.000000e+00 : f32
    %broadcast_in_dim3A_566 = vector.broadcast %jit3A_565 : f32 to vector<128x512xf32>
    %select_n3A_567 = arith.select %eq3A_542, %exp3A_539, %broadcast_in_dim3A_566 : vector<128x512xi1>, vector<128x512xf32>
    %add3A_568 = arith.addf %add3A_491, %select_n3A_567 : vector<128x512xf32>
    %gt3A = arith.constant 0 : i32
    %gt3A_569 = vector.broadcast %gt3A : i32 to vector<128x512xi32>
    %gt3A_570 = arith.cmpi sgt, %get3A_34, %gt3A_569 : vector<128x512xi32>
    %sub3A_571 = arith.subf %logistic3A_29, %add3A_568 : vector<128x512xf32>
    %integer_pow3A = arith.mulf %sub3A_571, %sub3A_571 : vector<128x512xf32>
    %jit3A_572 = arith.constant 0.000000e+00 : f32
    %broadcast_in_dim3A_573 = vector.broadcast %jit3A_572 : f32 to vector<128x512xf32>
    %select_n3A_574 = arith.select %gt3A_570, %integer_pow3A, %broadcast_in_dim3A_573 : vector<128x512xi1>, vector<128x512xf32>
    %reduce_sum3A = vector.shape_cast %select_n3A_574 : vector<128x512xf32> to vector<1x128x512xf32>
    %reduce_sum3A_575 = arith.constant dense<0.000000e+00> : vector<1xf32>
    %reduce_sum3A_576 = vector.multi_reduction <add>, %reduce_sum3A, %reduce_sum3A_575 [1, 2] : vector<1x128x512xf32> to vector<1xf32>
    %reduce_sum3A_577 = vector.shape_cast %reduce_sum3A_576 : vector<1xf32> to vector<1x1x1xf32>
    %reduce_sum3A_578 = vector.extract %reduce_sum3A_577[0, 0, 0] : f32 from vector<1x1x1xf32>
    %eq3A_579 = arith.constant 0 : i32
    %eq3A_580 = vector.broadcast %eq3A_579 : i32 to vector<1x128xi32>
    %eq3A_581 = arith.cmpi eq, %iota3A_35, %eq3A_580 : vector<1x128xi32>
    %jit3A_582 = arith.constant 0.000000e+00 : f32
    %broadcast_in_dim3A_583 = vector.broadcast %reduce_sum3A_578 : f32 to vector<1x128xf32>
    %broadcast_in_dim3A_584 = vector.broadcast %jit3A_582 : f32 to vector<1x128xf32>
    %select_n3A_585 = arith.select %eq3A_581, %broadcast_in_dim3A_583, %broadcast_in_dim3A_584 : vector<1x128xi1>, vector<1x128xf32>
    %eq3A_586 = arith.constant 0 : i32
    %eq3A_587 = arith.cmpi eq, %arg1, %eq3A_586 : i32
    %convert_element_type3A_588 = arith.extui %eq3A_587 : i1 to i32
    %cond3A = arith.constant 0 : i32
    %cond3A_589 = arith.cmpi ne, %convert_element_type3A_588, %cond3A : i32
    scf.if %cond3A_589 {
      %swap3A_594 = arith.constant 0 : index
      %swap3A_595 = arith.constant 0 : index
      %swap3A_596 = arith.constant 0 : index
      %swap3A_597 = vector.load %arg6[%swap3A_594, %swap3A_595, %swap3A_596] : memref<1x1x128xf32, #tpu.memory_space<vmem>>, vector<1x1x128xf32>
      %swap3A_598 = vector.shape_cast %swap3A_597 : vector<1x1x128xf32> to vector<1x128xf32>
      %swap3A_599 = vector.shape_cast %select_n3A_585 : vector<1x128xf32> to vector<1x1x128xf32>
      tpu.vector_store %arg6[%swap3A_594, %swap3A_595, %swap3A_596], %swap3A_599 {strides = array<i32>} : memref<1x1x128xf32, #tpu.memory_space<vmem>>, vector<1x1x128xf32>,
    } else {
    }
    %ne3A = arith.constant 0 : i32
    %ne3A_590 = arith.cmpi ne, %arg1, %ne3A : i32
    %convert_element_type3A_591 = arith.extui %ne3A_590 : i1 to i32
    %cond3A_592 = arith.constant 0 : i32
    %cond3A_593 = arith.cmpi ne, %convert_element_type3A_591, %cond3A_592 : i32
    scf.if %cond3A_593 {
      %get3A_594 = arith.constant 0 : index
      %get3A_595 = arith.constant 0 : index
      %get3A_596 = arith.constant 0 : index
      %get3A_597 = vector.load %arg6[%get3A_594, %get3A_595, %get3A_596] : memref<1x1x128xf32, #tpu.memory_space<vmem>>, vector<1x1x128xf32>
      %get3A_598 = vector.shape_cast %get3A_597 : vector<1x1x128xf32> to vector<1x128xf32>
      %add3A_599 = arith.addf %get3A_598, %select_n3A_585 : vector<1x128xf32>
      %swap3A_600 = arith.constant 0 : index
      %swap3A_601 = arith.constant 0 : index
      %swap3A_602 = arith.constant 0 : index
      %swap3A_603 = vector.load %arg6[%swap3A_600, %swap3A_601, %swap3A_602] : memref<1x1x128xf32, #tpu.memory_space<vmem>>, vector<1x1x128xf32>
      %swap3A_604 = vector.shape_cast %swap3A_603 : vector<1x1x128xf32> to vector<1x128xf32>
      %swap3A_605 = vector.shape_cast %add3A_599 : vector<1x128xf32> to vector<1x1x128xf32>
      tpu.vector_store %arg6[%swap3A_600, %swap3A_601, %swap3A_602], %swap3A_605 {strides = array<i32>} : memref<1x1x128xf32, #tpu.memory_space<vmem>>, vector<1x1x128xf32>,
    } else {
    }
    return
  }
  func.func @transform_0(%arg0: i32, %arg1: i32) -> (i32, i32, i32) {
    %c0_i32 = arith.constant 0 : i32
    %c0_i32_0 = arith.constant 0 : i32
    %c0_i32_1 = arith.constant 0 : i32
    %c0_i32_2 = arith.constant 0 : i32
    return %c0_i32, %c0_i32_0, %c0_i32_1 : i32, i32, i32
  }
  func.func @transform_1(%arg0: i32, %arg1: i32) -> (i32, i32, i32, i32) {
    %add3A = arith.constant 0 : i32
    %add3A_0 = arith.addi %arg0, %add3A : i32
    %c0_i32 = arith.constant 0 : i32
    %c0_i32_1 = arith.constant 0 : i32
    %c0_i32_2 = arith.constant 0 : i32
    return %add3A_0, %c0_i32, %arg1, %c0_i32_1 : i32, i32, i32, i32
  }
  func.func @transform_2(%arg0: i32, %arg1: i32) -> (i32, i32, i32) {
    %add3A = arith.constant 0 : i32
    %add3A_0 = arith.addi %arg0, %add3A : i32
    %c0_i32 = arith.constant 0 : i32
    %c0_i32_1 = arith.constant 0 : i32
    return %add3A_0, %arg1, %c0_i32 : i32, i32, i32
  }
  func.func @transform_3(%arg0: i32, %arg1: i32) -> (i32, i32, i32, i32) {
    %c0_i32 = arith.constant 0 : i32
    %c0_i32_0 = arith.constant 0 : i32
    %c0_i32_1 = arith.constant 0 : i32
    return %arg0, %c0_i32, %arg1, %c0_i32_0 : i32, i32, i32, i32
  }
  func.func @transform_4(%arg0: i32, %arg1: i32) -> (i32, i32, i32) {
    %c0_i32 = arith.constant 0 : i32
    %c0_i32_0 = arith.constant 0 : i32
    %c0_i32_1 = arith.constant 0 : i32
    return %arg0, %c0_i32, %c0_i32_0 : i32, i32, i32
  }
}

module attributes {stable_mosaic.version = 14 : i64} {
  func.func @_pass1_body(%arg0: i32, %arg1: i32, %arg2: memref<1x2x512x512xf32, #tpu.memory_space<vmem>>, %arg3: memref<1x512x512xi32, #tpu.memory_space<vmem>>, %arg4: memref<1x512x512xi32, #tpu.memory_space<vmem>>, %arg5: memref<1x6x128xf32, #tpu.memory_space<vmem>>) attributes {dimension_semantics = [#tpu.dimension_semantics<arbitrary>, #tpu.dimension_semantics<arbitrary>], iteration_bounds = array<i64: 4, 1>, scalar_prefetch = 0 : i64, scratch_operands = 0 : i64, tpu.core_type = #tpu.core_type<tc>, window_params = [{transform_indices = @transform_0, window_bounds = array<i64: 1, 2, 512, 512>}, {transform_indices = @transform_1, window_bounds = array<i64: 1, 512, 512>}, {transform_indices = @transform_2, window_bounds = array<i64: 1, 512, 512>}, {transform_indices = @transform_3, window_bounds = array<i64: 1, 6, 128>}]} {
    %get3A = arith.constant 0 : index
    %get3A_0 = arith.constant 0 : index
    %get3A_1 = arith.constant 0 : index
    %get3A_2 = arith.constant 0 : index
    %get3A_3 = vector.load %arg2[%get3A, %get3A_0, %get3A_1, %get3A_2] : memref<1x2x512x512xf32, #tpu.memory_space<vmem>>, vector<1x1x512x512xf32>
    %get3A_4 = vector.shape_cast %get3A_3 : vector<1x1x512x512xf32> to vector<512x512xf32>
    %get3A_5 = arith.constant 0 : index
    %get3A_6 = arith.constant 1 : index
    %get3A_7 = arith.constant 0 : index
    %get3A_8 = arith.constant 0 : index
    %get3A_9 = vector.load %arg2[%get3A_5, %get3A_6, %get3A_7, %get3A_8] : memref<1x2x512x512xf32, #tpu.memory_space<vmem>>, vector<1x1x512x512xf32>
    %get3A_10 = vector.shape_cast %get3A_9 : vector<1x1x512x512xf32> to vector<512x512xf32>
    %logistic3A = arith.negf %get3A_10 : vector<512x512xf32>
    %logistic3A_11 = math.exp %logistic3A : vector<512x512xf32>
    %logistic3A_12 = arith.constant 1.000000e+00 : f32
    %logistic3A_13 = vector.broadcast %logistic3A_12 : f32 to vector<512x512xf32>
    %logistic3A_14 = arith.addf %logistic3A_13, %logistic3A_11 : vector<512x512xf32>
    %logistic3A_15 = arith.divf %logistic3A_13, %logistic3A_14 : vector<512x512xf32>
    %get3A_16 = arith.constant 0 : index
    %get3A_17 = arith.constant 0 : index
    %get3A_18 = arith.constant 0 : index
    %get3A_19 = vector.load %arg3[%get3A_16, %get3A_17, %get3A_18] : memref<1x512x512xi32, #tpu.memory_space<vmem>>, vector<1x512x512xi32>
    %get3A_20 = vector.shape_cast %get3A_19 : vector<1x512x512xi32> to vector<512x512xi32>
    %get3A_21 = arith.constant 0 : index
    %get3A_22 = arith.constant 0 : index
    %get3A_23 = arith.constant 0 : index
    %get3A_24 = vector.load %arg4[%get3A_21, %get3A_22, %get3A_23] : memref<1x512x512xi32, #tpu.memory_space<vmem>>, vector<1x512x512xi32>
    %get3A_25 = vector.shape_cast %get3A_24 : vector<1x512x512xi32> to vector<512x512xi32>
    %mul3A = arith.constant 512 : i32
    %mul3A_26 = arith.muli %arg1, %mul3A : i32
    %convert_element_type3A = arith.sitofp %mul3A_26 : i32 to f32
    %iota3A = tpu.iota {dimensions = array<i32: 1>} : vector<512x512xi32>
    %convert_element_type3A_27 = arith.sitofp %iota3A : vector<512x512xi32> to vector<512x512xf32>
    %mul3A_28 = arith.constant 9.77039569E-4 : f32
    %mul3A_29 = vector.broadcast %mul3A_28 : f32 to vector<512x512xf32>
    %mul3A_30 = arith.mulf %convert_element_type3A_27, %mul3A_29 : vector<512x512xf32>
    %iota3A_31 = tpu.iota {dimensions = array<i32: 0>} : vector<512x512xi32>
    %convert_element_type3A_32 = arith.sitofp %iota3A_31 : vector<512x512xi32> to vector<512x512xf32>
    %add3A = vector.broadcast %convert_element_type3A : f32 to vector<512x512xf32>
    %add3A_33 = arith.addf %convert_element_type3A_32, %add3A : vector<512x512xf32>
    %mul3A_34 = arith.constant 9.77517105E-4 : f32
    %mul3A_35 = vector.broadcast %mul3A_34 : f32 to vector<512x512xf32>
    %mul3A_36 = arith.mulf %add3A_33, %mul3A_35 : vector<512x512xf32>
    %iota3A_37 = tpu.iota {dimensions = array<i32: 1>} : vector<1x128xi32>
    %eq3A = arith.constant 0 : i32
    %eq3A_38 = vector.broadcast %eq3A : i32 to vector<512x512xi32>
    %eq3A_39 = arith.cmpi eq, %get3A_25, %eq3A_38 : vector<512x512xi32>
    %mul3A_40 = arith.mulf %logistic3A_15, %logistic3A_15 : vector<512x512xf32>
    %jit3A = arith.constant 0.000000e+00 : f32
    %broadcast_in_dim3A = vector.broadcast %jit3A : f32 to vector<512x512xf32>
    %select_n3A = arith.select %eq3A_39, %mul3A_40, %broadcast_in_dim3A : vector<512x512xi1>, vector<512x512xf32>
    %reduce_sum3A = vector.shape_cast %select_n3A : vector<512x512xf32> to vector<1x512x512xf32>
    %reduce_sum3A_41 = arith.constant dense<0.000000e+00> : vector<1xf32>
    %reduce_sum3A_42 = vector.multi_reduction <add>, %reduce_sum3A, %reduce_sum3A_41 [1, 2] : vector<1x512x512xf32> to vector<1xf32>
    %reduce_sum3A_43 = vector.shape_cast %reduce_sum3A_42 : vector<1xf32> to vector<1x1x1xf32>
    %reduce_sum3A_44 = vector.extract %reduce_sum3A_43[0, 0, 0] : f32 from vector<1x1x1xf32>
    %broadcast_in_dim3A_45 = arith.constant 0.000000e+00 : f32
    %broadcast_in_dim3A_46 = vector.broadcast %broadcast_in_dim3A_45 : f32 to vector<1x128xf32>
    %eq3A_47 = arith.constant 0 : i32
    %eq3A_48 = vector.broadcast %eq3A_47 : i32 to vector<1x128xi32>
    %eq3A_49 = arith.cmpi eq, %iota3A_37, %eq3A_48 : vector<1x128xi32>
    %jit3A_50 = arith.constant 0.000000e+00 : f32
    %broadcast_in_dim3A_51 = vector.broadcast %reduce_sum3A_44 : f32 to vector<1x128xf32>
    %broadcast_in_dim3A_52 = vector.broadcast %jit3A_50 : f32 to vector<1x128xf32>
    %select_n3A_53 = arith.select %eq3A_49, %broadcast_in_dim3A_51, %broadcast_in_dim3A_52 : vector<1x128xi1>, vector<1x128xf32>
    %eq3A_54 = arith.constant 1 : i32
    %eq3A_55 = vector.broadcast %eq3A_54 : i32 to vector<512x512xi32>
    %eq3A_56 = arith.cmpi eq, %get3A_20, %eq3A_55 : vector<512x512xi32>
    %convert_element_type3A_57 = arith.extui %eq3A_56 : vector<512x512xi1> to vector<512x512xi32>
    %convert_element_type3A_58 = arith.sitofp %convert_element_type3A_57 : vector<512x512xi32> to vector<512x512xf32>
    %eq3A_59 = arith.constant 0 : i32
    %eq3A_60 = vector.broadcast %eq3A_59 : i32 to vector<1x128xi32>
    %eq3A_61 = arith.cmpi eq, %iota3A_37, %eq3A_60 : vector<1x128xi32>
    %reduce_sum3A_62 = vector.shape_cast %convert_element_type3A_58 : vector<512x512xf32> to vector<1x512x512xf32>
    %reduce_sum3A_63 = arith.constant dense<0.000000e+00> : vector<1xf32>
    %reduce_sum3A_64 = vector.multi_reduction <add>, %reduce_sum3A_62, %reduce_sum3A_63 [1, 2] : vector<1x512x512xf32> to vector<1xf32>
    %reduce_sum3A_65 = vector.shape_cast %reduce_sum3A_64 : vector<1xf32> to vector<1x1x1xf32>
    %reduce_sum3A_66 = vector.extract %reduce_sum3A_65[0, 0, 0] : f32 from vector<1x1x1xf32>
    %jit3A_67 = arith.constant 0.000000e+00 : f32
    %broadcast_in_dim3A_68 = vector.broadcast %reduce_sum3A_66 : f32 to vector<1x128xf32>
    %broadcast_in_dim3A_69 = vector.broadcast %jit3A_67 : f32 to vector<1x128xf32>
    %select_n3A_70 = arith.select %eq3A_61, %broadcast_in_dim3A_68, %broadcast_in_dim3A_69 : vector<1x128xi1>, vector<1x128xf32>
    %add3A_71 = arith.addf %broadcast_in_dim3A_46, %select_n3A_70 : vector<1x128xf32>
    %mul3A_72 = arith.mulf %convert_element_type3A_58, %mul3A_30 : vector<512x512xf32>
    %reduce_sum3A_73 = vector.shape_cast %mul3A_72 : vector<512x512xf32> to vector<1x512x512xf32>
    %reduce_sum3A_74 = arith.constant dense<0.000000e+00> : vector<1xf32>
    %reduce_sum3A_75 = vector.multi_reduction <add>, %reduce_sum3A_73, %reduce_sum3A_74 [1, 2] : vector<1x512x512xf32> to vector<1xf32>
    %reduce_sum3A_76 = vector.shape_cast %reduce_sum3A_75 : vector<1xf32> to vector<1x1x1xf32>
    %reduce_sum3A_77 = vector.extract %reduce_sum3A_76[0, 0, 0] : f32 from vector<1x1x1xf32>
    %jit3A_78 = arith.constant 0.000000e+00 : f32
    %broadcast_in_dim3A_79 = vector.broadcast %reduce_sum3A_77 : f32 to vector<1x128xf32>
    %broadcast_in_dim3A_80 = vector.broadcast %jit3A_78 : f32 to vector<1x128xf32>
    %select_n3A_81 = arith.select %eq3A_61, %broadcast_in_dim3A_79, %broadcast_in_dim3A_80 : vector<1x128xi1>, vector<1x128xf32>
    %add3A_82 = arith.addf %broadcast_in_dim3A_46, %select_n3A_81 : vector<1x128xf32>
    %mul3A_83 = arith.mulf %convert_element_type3A_58, %mul3A_36 : vector<512x512xf32>
    %reduce_sum3A_84 = vector.shape_cast %mul3A_83 : vector<512x512xf32> to vector<1x512x512xf32>
    %reduce_sum3A_85 = arith.constant dense<0.000000e+00> : vector<1xf32>
    %reduce_sum3A_86 = vector.multi_reduction <add>, %reduce_sum3A_84, %reduce_sum3A_85 [1, 2] : vector<1x512x512xf32> to vector<1xf32>
    %reduce_sum3A_87 = vector.shape_cast %reduce_sum3A_86 : vector<1xf32> to vector<1x1x1xf32>
    %reduce_sum3A_88 = vector.extract %reduce_sum3A_87[0, 0, 0] : f32 from vector<1x1x1xf32>
    %jit3A_89 = arith.constant 0.000000e+00 : f32
    %broadcast_in_dim3A_90 = vector.broadcast %reduce_sum3A_88 : f32 to vector<1x128xf32>
    %broadcast_in_dim3A_91 = vector.broadcast %jit3A_89 : f32 to vector<1x128xf32>
    %select_n3A_92 = arith.select %eq3A_61, %broadcast_in_dim3A_90, %broadcast_in_dim3A_91 : vector<1x128xi1>, vector<1x128xf32>
    %add3A_93 = arith.addf %broadcast_in_dim3A_46, %select_n3A_92 : vector<1x128xf32>
    %mul3A_94 = arith.mulf %convert_element_type3A_58, %get3A_4 : vector<512x512xf32>
    %reduce_sum3A_95 = vector.shape_cast %mul3A_94 : vector<512x512xf32> to vector<1x512x512xf32>
    %reduce_sum3A_96 = arith.constant dense<0.000000e+00> : vector<1xf32>
    %reduce_sum3A_97 = vector.multi_reduction <add>, %reduce_sum3A_95, %reduce_sum3A_96 [1, 2] : vector<1x512x512xf32> to vector<1xf32>
    %reduce_sum3A_98 = vector.shape_cast %reduce_sum3A_97 : vector<1xf32> to vector<1x1x1xf32>
    %reduce_sum3A_99 = vector.extract %reduce_sum3A_98[0, 0, 0] : f32 from vector<1x1x1xf32>
    %jit3A_100 = arith.constant 0.000000e+00 : f32
    %broadcast_in_dim3A_101 = vector.broadcast %reduce_sum3A_99 : f32 to vector<1x128xf32>
    %broadcast_in_dim3A_102 = vector.broadcast %jit3A_100 : f32 to vector<1x128xf32>
    %select_n3A_103 = arith.select %eq3A_61, %broadcast_in_dim3A_101, %broadcast_in_dim3A_102 : vector<1x128xi1>, vector<1x128xf32>
    %add3A_104 = arith.addf %broadcast_in_dim3A_46, %select_n3A_103 : vector<1x128xf32>
    %mul3A_105 = arith.mulf %convert_element_type3A_58, %get3A_4 : vector<512x512xf32>
    %mul3A_106 = arith.mulf %mul3A_105, %get3A_4 : vector<512x512xf32>
    %reduce_sum3A_107 = vector.shape_cast %mul3A_106 : vector<512x512xf32> to vector<1x512x512xf32>
    %reduce_sum3A_108 = arith.constant dense<0.000000e+00> : vector<1xf32>
    %reduce_sum3A_109 = vector.multi_reduction <add>, %reduce_sum3A_107, %reduce_sum3A_108 [1, 2] : vector<1x512x512xf32> to vector<1xf32>
    %reduce_sum3A_110 = vector.shape_cast %reduce_sum3A_109 : vector<1xf32> to vector<1x1x1xf32>
    %reduce_sum3A_111 = vector.extract %reduce_sum3A_110[0, 0, 0] : f32 from vector<1x1x1xf32>
    %jit3A_112 = arith.constant 0.000000e+00 : f32
    %broadcast_in_dim3A_113 = vector.broadcast %reduce_sum3A_111 : f32 to vector<1x128xf32>
    %broadcast_in_dim3A_114 = vector.broadcast %jit3A_112 : f32 to vector<1x128xf32>
    %select_n3A_115 = arith.select %eq3A_61, %broadcast_in_dim3A_113, %broadcast_in_dim3A_114 : vector<1x128xi1>, vector<1x128xf32>
    %add3A_116 = arith.addf %broadcast_in_dim3A_46, %select_n3A_115 : vector<1x128xf32>
    %eq3A_117 = arith.constant 2 : i32
    %eq3A_118 = vector.broadcast %eq3A_117 : i32 to vector<512x512xi32>
    %eq3A_119 = arith.cmpi eq, %get3A_20, %eq3A_118 : vector<512x512xi32>
    %convert_element_type3A_120 = arith.extui %eq3A_119 : vector<512x512xi1> to vector<512x512xi32>
    %convert_element_type3A_121 = arith.sitofp %convert_element_type3A_120 : vector<512x512xi32> to vector<512x512xf32>
    %eq3A_122 = arith.constant 1 : i32
    %eq3A_123 = vector.broadcast %eq3A_122 : i32 to vector<1x128xi32>
    %eq3A_124 = arith.cmpi eq, %iota3A_37, %eq3A_123 : vector<1x128xi32>
    %reduce_sum3A_125 = vector.shape_cast %convert_element_type3A_121 : vector<512x512xf32> to vector<1x512x512xf32>
    %reduce_sum3A_126 = arith.constant dense<0.000000e+00> : vector<1xf32>
    %reduce_sum3A_127 = vector.multi_reduction <add>, %reduce_sum3A_125, %reduce_sum3A_126 [1, 2] : vector<1x512x512xf32> to vector<1xf32>
    %reduce_sum3A_128 = vector.shape_cast %reduce_sum3A_127 : vector<1xf32> to vector<1x1x1xf32>
    %reduce_sum3A_129 = vector.extract %reduce_sum3A_128[0, 0, 0] : f32 from vector<1x1x1xf32>
    %jit3A_130 = arith.constant 0.000000e+00 : f32
    %broadcast_in_dim3A_131 = vector.broadcast %reduce_sum3A_129 : f32 to vector<1x128xf32>
    %broadcast_in_dim3A_132 = vector.broadcast %jit3A_130 : f32 to vector<1x128xf32>
    %select_n3A_133 = arith.select %eq3A_124, %broadcast_in_dim3A_131, %broadcast_in_dim3A_132 : vector<1x128xi1>, vector<1x128xf32>
    %add3A_134 = arith.addf %add3A_71, %select_n3A_133 : vector<1x128xf32>
    %mul3A_135 = arith.mulf %convert_element_type3A_121, %mul3A_30 : vector<512x512xf32>
    %reduce_sum3A_136 = vector.shape_cast %mul3A_135 : vector<512x512xf32> to vector<1x512x512xf32>
    %reduce_sum3A_137 = arith.constant dense<0.000000e+00> : vector<1xf32>
    %reduce_sum3A_138 = vector.multi_reduction <add>, %reduce_sum3A_136, %reduce_sum3A_137 [1, 2] : vector<1x512x512xf32> to vector<1xf32>
    %reduce_sum3A_139 = vector.shape_cast %reduce_sum3A_138 : vector<1xf32> to vector<1x1x1xf32>
    %reduce_sum3A_140 = vector.extract %reduce_sum3A_139[0, 0, 0] : f32 from vector<1x1x1xf32>
    %jit3A_141 = arith.constant 0.000000e+00 : f32
    %broadcast_in_dim3A_142 = vector.broadcast %reduce_sum3A_140 : f32 to vector<1x128xf32>
    %broadcast_in_dim3A_143 = vector.broadcast %jit3A_141 : f32 to vector<1x128xf32>
    %select_n3A_144 = arith.select %eq3A_124, %broadcast_in_dim3A_142, %broadcast_in_dim3A_143 : vector<1x128xi1>, vector<1x128xf32>
    %add3A_145 = arith.addf %add3A_82, %select_n3A_144 : vector<1x128xf32>
    %mul3A_146 = arith.mulf %convert_element_type3A_121, %mul3A_36 : vector<512x512xf32>
    %reduce_sum3A_147 = vector.shape_cast %mul3A_146 : vector<512x512xf32> to vector<1x512x512xf32>
    %reduce_sum3A_148 = arith.constant dense<0.000000e+00> : vector<1xf32>
    %reduce_sum3A_149 = vector.multi_reduction <add>, %reduce_sum3A_147, %reduce_sum3A_148 [1, 2] : vector<1x512x512xf32> to vector<1xf32>
    %reduce_sum3A_150 = vector.shape_cast %reduce_sum3A_149 : vector<1xf32> to vector<1x1x1xf32>
    %reduce_sum3A_151 = vector.extract %reduce_sum3A_150[0, 0, 0] : f32 from vector<1x1x1xf32>
    %jit3A_152 = arith.constant 0.000000e+00 : f32
    %broadcast_in_dim3A_153 = vector.broadcast %reduce_sum3A_151 : f32 to vector<1x128xf32>
    %broadcast_in_dim3A_154 = vector.broadcast %jit3A_152 : f32 to vector<1x128xf32>
    %select_n3A_155 = arith.select %eq3A_124, %broadcast_in_dim3A_153, %broadcast_in_dim3A_154 : vector<1x128xi1>, vector<1x128xf32>
    %add3A_156 = arith.addf %add3A_93, %select_n3A_155 : vector<1x128xf32>
    %mul3A_157 = arith.mulf %convert_element_type3A_121, %get3A_4 : vector<512x512xf32>
    %reduce_sum3A_158 = vector.shape_cast %mul3A_157 : vector<512x512xf32> to vector<1x512x512xf32>
    %reduce_sum3A_159 = arith.constant dense<0.000000e+00> : vector<1xf32>
    %reduce_sum3A_160 = vector.multi_reduction <add>, %reduce_sum3A_158, %reduce_sum3A_159 [1, 2] : vector<1x512x512xf32> to vector<1xf32>
    %reduce_sum3A_161 = vector.shape_cast %reduce_sum3A_160 : vector<1xf32> to vector<1x1x1xf32>
    %reduce_sum3A_162 = vector.extract %reduce_sum3A_161[0, 0, 0] : f32 from vector<1x1x1xf32>
    %jit3A_163 = arith.constant 0.000000e+00 : f32
    %broadcast_in_dim3A_164 = vector.broadcast %reduce_sum3A_162 : f32 to vector<1x128xf32>
    %broadcast_in_dim3A_165 = vector.broadcast %jit3A_163 : f32 to vector<1x128xf32>
    %select_n3A_166 = arith.select %eq3A_124, %broadcast_in_dim3A_164, %broadcast_in_dim3A_165 : vector<1x128xi1>, vector<1x128xf32>
    %add3A_167 = arith.addf %add3A_104, %select_n3A_166 : vector<1x128xf32>
    %mul3A_168 = arith.mulf %convert_element_type3A_121, %get3A_4 : vector<512x512xf32>
    %mul3A_169 = arith.mulf %mul3A_168, %get3A_4 : vector<512x512xf32>
    %reduce_sum3A_170 = vector.shape_cast %mul3A_169 : vector<512x512xf32> to vector<1x512x512xf32>
    %reduce_sum3A_171 = arith.constant dense<0.000000e+00> : vector<1xf32>
    %reduce_sum3A_172 = vector.multi_reduction <add>, %reduce_sum3A_170, %reduce_sum3A_171 [1, 2] : vector<1x512x512xf32> to vector<1xf32>
    %reduce_sum3A_173 = vector.shape_cast %reduce_sum3A_172 : vector<1xf32> to vector<1x1x1xf32>
    %reduce_sum3A_174 = vector.extract %reduce_sum3A_173[0, 0, 0] : f32 from vector<1x1x1xf32>
    %jit3A_175 = arith.constant 0.000000e+00 : f32
    %broadcast_in_dim3A_176 = vector.broadcast %reduce_sum3A_174 : f32 to vector<1x128xf32>
    %broadcast_in_dim3A_177 = vector.broadcast %jit3A_175 : f32 to vector<1x128xf32>
    %select_n3A_178 = arith.select %eq3A_124, %broadcast_in_dim3A_176, %broadcast_in_dim3A_177 : vector<1x128xi1>, vector<1x128xf32>
    %add3A_179 = arith.addf %add3A_116, %select_n3A_178 : vector<1x128xf32>
    %eq3A_180 = arith.constant 3 : i32
    %eq3A_181 = vector.broadcast %eq3A_180 : i32 to vector<512x512xi32>
    %eq3A_182 = arith.cmpi eq, %get3A_20, %eq3A_181 : vector<512x512xi32>
    %convert_element_type3A_183 = arith.extui %eq3A_182 : vector<512x512xi1> to vector<512x512xi32>
    %convert_element_type3A_184 = arith.sitofp %convert_element_type3A_183 : vector<512x512xi32> to vector<512x512xf32>
    %eq3A_185 = arith.constant 2 : i32
    %eq3A_186 = vector.broadcast %eq3A_185 : i32 to vector<1x128xi32>
    %eq3A_187 = arith.cmpi eq, %iota3A_37, %eq3A_186 : vector<1x128xi32>
    %reduce_sum3A_188 = vector.shape_cast %convert_element_type3A_184 : vector<512x512xf32> to vector<1x512x512xf32>
    %reduce_sum3A_189 = arith.constant dense<0.000000e+00> : vector<1xf32>
    %reduce_sum3A_190 = vector.multi_reduction <add>, %reduce_sum3A_188, %reduce_sum3A_189 [1, 2] : vector<1x512x512xf32> to vector<1xf32>
    %reduce_sum3A_191 = vector.shape_cast %reduce_sum3A_190 : vector<1xf32> to vector<1x1x1xf32>
    %reduce_sum3A_192 = vector.extract %reduce_sum3A_191[0, 0, 0] : f32 from vector<1x1x1xf32>
    %jit3A_193 = arith.constant 0.000000e+00 : f32
    %broadcast_in_dim3A_194 = vector.broadcast %reduce_sum3A_192 : f32 to vector<1x128xf32>
    %broadcast_in_dim3A_195 = vector.broadcast %jit3A_193 : f32 to vector<1x128xf32>
    %select_n3A_196 = arith.select %eq3A_187, %broadcast_in_dim3A_194, %broadcast_in_dim3A_195 : vector<1x128xi1>, vector<1x128xf32>
    %add3A_197 = arith.addf %add3A_134, %select_n3A_196 : vector<1x128xf32>
    %mul3A_198 = arith.mulf %convert_element_type3A_184, %mul3A_30 : vector<512x512xf32>
    %reduce_sum3A_199 = vector.shape_cast %mul3A_198 : vector<512x512xf32> to vector<1x512x512xf32>
    %reduce_sum3A_200 = arith.constant dense<0.000000e+00> : vector<1xf32>
    %reduce_sum3A_201 = vector.multi_reduction <add>, %reduce_sum3A_199, %reduce_sum3A_200 [1, 2] : vector<1x512x512xf32> to vector<1xf32>
    %reduce_sum3A_202 = vector.shape_cast %reduce_sum3A_201 : vector<1xf32> to vector<1x1x1xf32>
    %reduce_sum3A_203 = vector.extract %reduce_sum3A_202[0, 0, 0] : f32 from vector<1x1x1xf32>
    %jit3A_204 = arith.constant 0.000000e+00 : f32
    %broadcast_in_dim3A_205 = vector.broadcast %reduce_sum3A_203 : f32 to vector<1x128xf32>
    %broadcast_in_dim3A_206 = vector.broadcast %jit3A_204 : f32 to vector<1x128xf32>
    %select_n3A_207 = arith.select %eq3A_187, %broadcast_in_dim3A_205, %broadcast_in_dim3A_206 : vector<1x128xi1>, vector<1x128xf32>
    %add3A_208 = arith.addf %add3A_145, %select_n3A_207 : vector<1x128xf32>
    %mul3A_209 = arith.mulf %convert_element_type3A_184, %mul3A_36 : vector<512x512xf32>
    %reduce_sum3A_210 = vector.shape_cast %mul3A_209 : vector<512x512xf32> to vector<1x512x512xf32>
    %reduce_sum3A_211 = arith.constant dense<0.000000e+00> : vector<1xf32>
    %reduce_sum3A_212 = vector.multi_reduction <add>, %reduce_sum3A_210, %reduce_sum3A_211 [1, 2] : vector<1x512x512xf32> to vector<1xf32>
    %reduce_sum3A_213 = vector.shape_cast %reduce_sum3A_212 : vector<1xf32> to vector<1x1x1xf32>
    %reduce_sum3A_214 = vector.extract %reduce_sum3A_213[0, 0, 0] : f32 from vector<1x1x1xf32>
    %jit3A_215 = arith.constant 0.000000e+00 : f32
    %broadcast_in_dim3A_216 = vector.broadcast %reduce_sum3A_214 : f32 to vector<1x128xf32>
    %broadcast_in_dim3A_217 = vector.broadcast %jit3A_215 : f32 to vector<1x128xf32>
    %select_n3A_218 = arith.select %eq3A_187, %broadcast_in_dim3A_216, %broadcast_in_dim3A_217 : vector<1x128xi1>, vector<1x128xf32>
    %add3A_219 = arith.addf %add3A_156, %select_n3A_218 : vector<1x128xf32>
    %mul3A_220 = arith.mulf %convert_element_type3A_184, %get3A_4 : vector<512x512xf32>
    %reduce_sum3A_221 = vector.shape_cast %mul3A_220 : vector<512x512xf32> to vector<1x512x512xf32>
    %reduce_sum3A_222 = arith.constant dense<0.000000e+00> : vector<1xf32>
    %reduce_sum3A_223 = vector.multi_reduction <add>, %reduce_sum3A_221, %reduce_sum3A_222 [1, 2] : vector<1x512x512xf32> to vector<1xf32>
    %reduce_sum3A_224 = vector.shape_cast %reduce_sum3A_223 : vector<1xf32> to vector<1x1x1xf32>
    %reduce_sum3A_225 = vector.extract %reduce_sum3A_224[0, 0, 0] : f32 from vector<1x1x1xf32>
    %jit3A_226 = arith.constant 0.000000e+00 : f32
    %broadcast_in_dim3A_227 = vector.broadcast %reduce_sum3A_225 : f32 to vector<1x128xf32>
    %broadcast_in_dim3A_228 = vector.broadcast %jit3A_226 : f32 to vector<1x128xf32>
    %select_n3A_229 = arith.select %eq3A_187, %broadcast_in_dim3A_227, %broadcast_in_dim3A_228 : vector<1x128xi1>, vector<1x128xf32>
    %add3A_230 = arith.addf %add3A_167, %select_n3A_229 : vector<1x128xf32>
    %mul3A_231 = arith.mulf %convert_element_type3A_184, %get3A_4 : vector<512x512xf32>
    %mul3A_232 = arith.mulf %mul3A_231, %get3A_4 : vector<512x512xf32>
    %reduce_sum3A_233 = vector.shape_cast %mul3A_232 : vector<512x512xf32> to vector<1x512x512xf32>
    %reduce_sum3A_234 = arith.constant dense<0.000000e+00> : vector<1xf32>
    %reduce_sum3A_235 = vector.multi_reduction <add>, %reduce_sum3A_233, %reduce_sum3A_234 [1, 2] : vector<1x512x512xf32> to vector<1xf32>
    %reduce_sum3A_236 = vector.shape_cast %reduce_sum3A_235 : vector<1xf32> to vector<1x1x1xf32>
    %reduce_sum3A_237 = vector.extract %reduce_sum3A_236[0, 0, 0] : f32 from vector<1x1x1xf32>
    %jit3A_238 = arith.constant 0.000000e+00 : f32
    %broadcast_in_dim3A_239 = vector.broadcast %reduce_sum3A_237 : f32 to vector<1x128xf32>
    %broadcast_in_dim3A_240 = vector.broadcast %jit3A_238 : f32 to vector<1x128xf32>
    %select_n3A_241 = arith.select %eq3A_187, %broadcast_in_dim3A_239, %broadcast_in_dim3A_240 : vector<1x128xi1>, vector<1x128xf32>
    %add3A_242 = arith.addf %add3A_179, %select_n3A_241 : vector<1x128xf32>
    %eq3A_243 = arith.constant 4 : i32
    %eq3A_244 = vector.broadcast %eq3A_243 : i32 to vector<512x512xi32>
    %eq3A_245 = arith.cmpi eq, %get3A_20, %eq3A_244 : vector<512x512xi32>
    %convert_element_type3A_246 = arith.extui %eq3A_245 : vector<512x512xi1> to vector<512x512xi32>
    %convert_element_type3A_247 = arith.sitofp %convert_element_type3A_246 : vector<512x512xi32> to vector<512x512xf32>
    %eq3A_248 = arith.constant 3 : i32
    %eq3A_249 = vector.broadcast %eq3A_248 : i32 to vector<1x128xi32>
    %eq3A_250 = arith.cmpi eq, %iota3A_37, %eq3A_249 : vector<1x128xi32>
    %reduce_sum3A_251 = vector.shape_cast %convert_element_type3A_247 : vector<512x512xf32> to vector<1x512x512xf32>
    %reduce_sum3A_252 = arith.constant dense<0.000000e+00> : vector<1xf32>
    %reduce_sum3A_253 = vector.multi_reduction <add>, %reduce_sum3A_251, %reduce_sum3A_252 [1, 2] : vector<1x512x512xf32> to vector<1xf32>
    %reduce_sum3A_254 = vector.shape_cast %reduce_sum3A_253 : vector<1xf32> to vector<1x1x1xf32>
    %reduce_sum3A_255 = vector.extract %reduce_sum3A_254[0, 0, 0] : f32 from vector<1x1x1xf32>
    %jit3A_256 = arith.constant 0.000000e+00 : f32
    %broadcast_in_dim3A_257 = vector.broadcast %reduce_sum3A_255 : f32 to vector<1x128xf32>
    %broadcast_in_dim3A_258 = vector.broadcast %jit3A_256 : f32 to vector<1x128xf32>
    %select_n3A_259 = arith.select %eq3A_250, %broadcast_in_dim3A_257, %broadcast_in_dim3A_258 : vector<1x128xi1>, vector<1x128xf32>
    %add3A_260 = arith.addf %add3A_197, %select_n3A_259 : vector<1x128xf32>
    %mul3A_261 = arith.mulf %convert_element_type3A_247, %mul3A_30 : vector<512x512xf32>
    %reduce_sum3A_262 = vector.shape_cast %mul3A_261 : vector<512x512xf32> to vector<1x512x512xf32>
    %reduce_sum3A_263 = arith.constant dense<0.000000e+00> : vector<1xf32>
    %reduce_sum3A_264 = vector.multi_reduction <add>, %reduce_sum3A_262, %reduce_sum3A_263 [1, 2] : vector<1x512x512xf32> to vector<1xf32>
    %reduce_sum3A_265 = vector.shape_cast %reduce_sum3A_264 : vector<1xf32> to vector<1x1x1xf32>
    %reduce_sum3A_266 = vector.extract %reduce_sum3A_265[0, 0, 0] : f32 from vector<1x1x1xf32>
    %jit3A_267 = arith.constant 0.000000e+00 : f32
    %broadcast_in_dim3A_268 = vector.broadcast %reduce_sum3A_266 : f32 to vector<1x128xf32>
    %broadcast_in_dim3A_269 = vector.broadcast %jit3A_267 : f32 to vector<1x128xf32>
    %select_n3A_270 = arith.select %eq3A_250, %broadcast_in_dim3A_268, %broadcast_in_dim3A_269 : vector<1x128xi1>, vector<1x128xf32>
    %add3A_271 = arith.addf %add3A_208, %select_n3A_270 : vector<1x128xf32>
    %mul3A_272 = arith.mulf %convert_element_type3A_247, %mul3A_36 : vector<512x512xf32>
    %reduce_sum3A_273 = vector.shape_cast %mul3A_272 : vector<512x512xf32> to vector<1x512x512xf32>
    %reduce_sum3A_274 = arith.constant dense<0.000000e+00> : vector<1xf32>
    %reduce_sum3A_275 = vector.multi_reduction <add>, %reduce_sum3A_273, %reduce_sum3A_274 [1, 2] : vector<1x512x512xf32> to vector<1xf32>
    %reduce_sum3A_276 = vector.shape_cast %reduce_sum3A_275 : vector<1xf32> to vector<1x1x1xf32>
    %reduce_sum3A_277 = vector.extract %reduce_sum3A_276[0, 0, 0] : f32 from vector<1x1x1xf32>
    %jit3A_278 = arith.constant 0.000000e+00 : f32
    %broadcast_in_dim3A_279 = vector.broadcast %reduce_sum3A_277 : f32 to vector<1x128xf32>
    %broadcast_in_dim3A_280 = vector.broadcast %jit3A_278 : f32 to vector<1x128xf32>
    %select_n3A_281 = arith.select %eq3A_250, %broadcast_in_dim3A_279, %broadcast_in_dim3A_280 : vector<1x128xi1>, vector<1x128xf32>
    %add3A_282 = arith.addf %add3A_219, %select_n3A_281 : vector<1x128xf32>
    %mul3A_283 = arith.mulf %convert_element_type3A_247, %get3A_4 : vector<512x512xf32>
    %reduce_sum3A_284 = vector.shape_cast %mul3A_283 : vector<512x512xf32> to vector<1x512x512xf32>
    %reduce_sum3A_285 = arith.constant dense<0.000000e+00> : vector<1xf32>
    %reduce_sum3A_286 = vector.multi_reduction <add>, %reduce_sum3A_284, %reduce_sum3A_285 [1, 2] : vector<1x512x512xf32> to vector<1xf32>
    %reduce_sum3A_287 = vector.shape_cast %reduce_sum3A_286 : vector<1xf32> to vector<1x1x1xf32>
    %reduce_sum3A_288 = vector.extract %reduce_sum3A_287[0, 0, 0] : f32 from vector<1x1x1xf32>
    %jit3A_289 = arith.constant 0.000000e+00 : f32
    %broadcast_in_dim3A_290 = vector.broadcast %reduce_sum3A_288 : f32 to vector<1x128xf32>
    %broadcast_in_dim3A_291 = vector.broadcast %jit3A_289 : f32 to vector<1x128xf32>
    %select_n3A_292 = arith.select %eq3A_250, %broadcast_in_dim3A_290, %broadcast_in_dim3A_291 : vector<1x128xi1>, vector<1x128xf32>
    %add3A_293 = arith.addf %add3A_230, %select_n3A_292 : vector<1x128xf32>
    %mul3A_294 = arith.mulf %convert_element_type3A_247, %get3A_4 : vector<512x512xf32>
    %mul3A_295 = arith.mulf %mul3A_294, %get3A_4 : vector<512x512xf32>
    %reduce_sum3A_296 = vector.shape_cast %mul3A_295 : vector<512x512xf32> to vector<1x512x512xf32>
    %reduce_sum3A_297 = arith.constant dense<0.000000e+00> : vector<1xf32>
    %reduce_sum3A_298 = vector.multi_reduction <add>, %reduce_sum3A_296, %reduce_sum3A_297 [1, 2] : vector<1x512x512xf32> to vector<1xf32>
    %reduce_sum3A_299 = vector.shape_cast %reduce_sum3A_298 : vector<1xf32> to vector<1x1x1xf32>
    %reduce_sum3A_300 = vector.extract %reduce_sum3A_299[0, 0, 0] : f32 from vector<1x1x1xf32>
    %jit3A_301 = arith.constant 0.000000e+00 : f32
    %broadcast_in_dim3A_302 = vector.broadcast %reduce_sum3A_300 : f32 to vector<1x128xf32>
    %broadcast_in_dim3A_303 = vector.broadcast %jit3A_301 : f32 to vector<1x128xf32>
    %select_n3A_304 = arith.select %eq3A_250, %broadcast_in_dim3A_302, %broadcast_in_dim3A_303 : vector<1x128xi1>, vector<1x128xf32>
    %add3A_305 = arith.addf %add3A_242, %select_n3A_304 : vector<1x128xf32>
    %eq3A_306 = arith.constant 5 : i32
    %eq3A_307 = vector.broadcast %eq3A_306 : i32 to vector<512x512xi32>
    %eq3A_308 = arith.cmpi eq, %get3A_20, %eq3A_307 : vector<512x512xi32>
    %convert_element_type3A_309 = arith.extui %eq3A_308 : vector<512x512xi1> to vector<512x512xi32>
    %convert_element_type3A_310 = arith.sitofp %convert_element_type3A_309 : vector<512x512xi32> to vector<512x512xf32>
    %eq3A_311 = arith.constant 4 : i32
    %eq3A_312 = vector.broadcast %eq3A_311 : i32 to vector<1x128xi32>
    %eq3A_313 = arith.cmpi eq, %iota3A_37, %eq3A_312 : vector<1x128xi32>
    %reduce_sum3A_314 = vector.shape_cast %convert_element_type3A_310 : vector<512x512xf32> to vector<1x512x512xf32>
    %reduce_sum3A_315 = arith.constant dense<0.000000e+00> : vector<1xf32>
    %reduce_sum3A_316 = vector.multi_reduction <add>, %reduce_sum3A_314, %reduce_sum3A_315 [1, 2] : vector<1x512x512xf32> to vector<1xf32>
    %reduce_sum3A_317 = vector.shape_cast %reduce_sum3A_316 : vector<1xf32> to vector<1x1x1xf32>
    %reduce_sum3A_318 = vector.extract %reduce_sum3A_317[0, 0, 0] : f32 from vector<1x1x1xf32>
    %jit3A_319 = arith.constant 0.000000e+00 : f32
    %broadcast_in_dim3A_320 = vector.broadcast %reduce_sum3A_318 : f32 to vector<1x128xf32>
    %broadcast_in_dim3A_321 = vector.broadcast %jit3A_319 : f32 to vector<1x128xf32>
    %select_n3A_322 = arith.select %eq3A_313, %broadcast_in_dim3A_320, %broadcast_in_dim3A_321 : vector<1x128xi1>, vector<1x128xf32>
    %add3A_323 = arith.addf %add3A_260, %select_n3A_322 : vector<1x128xf32>
    %mul3A_324 = arith.mulf %convert_element_type3A_310, %mul3A_30 : vector<512x512xf32>
    %reduce_sum3A_325 = vector.shape_cast %mul3A_324 : vector<512x512xf32> to vector<1x512x512xf32>
    %reduce_sum3A_326 = arith.constant dense<0.000000e+00> : vector<1xf32>
    %reduce_sum3A_327 = vector.multi_reduction <add>, %reduce_sum3A_325, %reduce_sum3A_326 [1, 2] : vector<1x512x512xf32> to vector<1xf32>
    %reduce_sum3A_328 = vector.shape_cast %reduce_sum3A_327 : vector<1xf32> to vector<1x1x1xf32>
    %reduce_sum3A_329 = vector.extract %reduce_sum3A_328[0, 0, 0] : f32 from vector<1x1x1xf32>
    %jit3A_330 = arith.constant 0.000000e+00 : f32
    %broadcast_in_dim3A_331 = vector.broadcast %reduce_sum3A_329 : f32 to vector<1x128xf32>
    %broadcast_in_dim3A_332 = vector.broadcast %jit3A_330 : f32 to vector<1x128xf32>
    %select_n3A_333 = arith.select %eq3A_313, %broadcast_in_dim3A_331, %broadcast_in_dim3A_332 : vector<1x128xi1>, vector<1x128xf32>
    %add3A_334 = arith.addf %add3A_271, %select_n3A_333 : vector<1x128xf32>
    %mul3A_335 = arith.mulf %convert_element_type3A_310, %mul3A_36 : vector<512x512xf32>
    %reduce_sum3A_336 = vector.shape_cast %mul3A_335 : vector<512x512xf32> to vector<1x512x512xf32>
    %reduce_sum3A_337 = arith.constant dense<0.000000e+00> : vector<1xf32>
    %reduce_sum3A_338 = vector.multi_reduction <add>, %reduce_sum3A_336, %reduce_sum3A_337 [1, 2] : vector<1x512x512xf32> to vector<1xf32>
    %reduce_sum3A_339 = vector.shape_cast %reduce_sum3A_338 : vector<1xf32> to vector<1x1x1xf32>
    %reduce_sum3A_340 = vector.extract %reduce_sum3A_339[0, 0, 0] : f32 from vector<1x1x1xf32>
    %jit3A_341 = arith.constant 0.000000e+00 : f32
    %broadcast_in_dim3A_342 = vector.broadcast %reduce_sum3A_340 : f32 to vector<1x128xf32>
    %broadcast_in_dim3A_343 = vector.broadcast %jit3A_341 : f32 to vector<1x128xf32>
    %select_n3A_344 = arith.select %eq3A_313, %broadcast_in_dim3A_342, %broadcast_in_dim3A_343 : vector<1x128xi1>, vector<1x128xf32>
    %add3A_345 = arith.addf %add3A_282, %select_n3A_344 : vector<1x128xf32>
    %mul3A_346 = arith.mulf %convert_element_type3A_310, %get3A_4 : vector<512x512xf32>
    %reduce_sum3A_347 = vector.shape_cast %mul3A_346 : vector<512x512xf32> to vector<1x512x512xf32>
    %reduce_sum3A_348 = arith.constant dense<0.000000e+00> : vector<1xf32>
    %reduce_sum3A_349 = vector.multi_reduction <add>, %reduce_sum3A_347, %reduce_sum3A_348 [1, 2] : vector<1x512x512xf32> to vector<1xf32>
    %reduce_sum3A_350 = vector.shape_cast %reduce_sum3A_349 : vector<1xf32> to vector<1x1x1xf32>
    %reduce_sum3A_351 = vector.extract %reduce_sum3A_350[0, 0, 0] : f32 from vector<1x1x1xf32>
    %jit3A_352 = arith.constant 0.000000e+00 : f32
    %broadcast_in_dim3A_353 = vector.broadcast %reduce_sum3A_351 : f32 to vector<1x128xf32>
    %broadcast_in_dim3A_354 = vector.broadcast %jit3A_352 : f32 to vector<1x128xf32>
    %select_n3A_355 = arith.select %eq3A_313, %broadcast_in_dim3A_353, %broadcast_in_dim3A_354 : vector<1x128xi1>, vector<1x128xf32>
    %add3A_356 = arith.addf %add3A_293, %select_n3A_355 : vector<1x128xf32>
    %mul3A_357 = arith.mulf %convert_element_type3A_310, %get3A_4 : vector<512x512xf32>
    %mul3A_358 = arith.mulf %mul3A_357, %get3A_4 : vector<512x512xf32>
    %reduce_sum3A_359 = vector.shape_cast %mul3A_358 : vector<512x512xf32> to vector<1x512x512xf32>
    %reduce_sum3A_360 = arith.constant dense<0.000000e+00> : vector<1xf32>
    %reduce_sum3A_361 = vector.multi_reduction <add>, %reduce_sum3A_359, %reduce_sum3A_360 [1, 2] : vector<1x512x512xf32> to vector<1xf32>
    %reduce_sum3A_362 = vector.shape_cast %reduce_sum3A_361 : vector<1xf32> to vector<1x1x1xf32>
    %reduce_sum3A_363 = vector.extract %reduce_sum3A_362[0, 0, 0] : f32 from vector<1x1x1xf32>
    %jit3A_364 = arith.constant 0.000000e+00 : f32
    %broadcast_in_dim3A_365 = vector.broadcast %reduce_sum3A_363 : f32 to vector<1x128xf32>
    %broadcast_in_dim3A_366 = vector.broadcast %jit3A_364 : f32 to vector<1x128xf32>
    %select_n3A_367 = arith.select %eq3A_313, %broadcast_in_dim3A_365, %broadcast_in_dim3A_366 : vector<1x128xi1>, vector<1x128xf32>
    %add3A_368 = arith.addf %add3A_305, %select_n3A_367 : vector<1x128xf32>
    %eq3A_369 = arith.constant 6 : i32
    %eq3A_370 = vector.broadcast %eq3A_369 : i32 to vector<512x512xi32>
    %eq3A_371 = arith.cmpi eq, %get3A_20, %eq3A_370 : vector<512x512xi32>
    %convert_element_type3A_372 = arith.extui %eq3A_371 : vector<512x512xi1> to vector<512x512xi32>
    %convert_element_type3A_373 = arith.sitofp %convert_element_type3A_372 : vector<512x512xi32> to vector<512x512xf32>
    %eq3A_374 = arith.constant 5 : i32
    %eq3A_375 = vector.broadcast %eq3A_374 : i32 to vector<1x128xi32>
    %eq3A_376 = arith.cmpi eq, %iota3A_37, %eq3A_375 : vector<1x128xi32>
    %reduce_sum3A_377 = vector.shape_cast %convert_element_type3A_373 : vector<512x512xf32> to vector<1x512x512xf32>
    %reduce_sum3A_378 = arith.constant dense<0.000000e+00> : vector<1xf32>
    %reduce_sum3A_379 = vector.multi_reduction <add>, %reduce_sum3A_377, %reduce_sum3A_378 [1, 2] : vector<1x512x512xf32> to vector<1xf32>
    %reduce_sum3A_380 = vector.shape_cast %reduce_sum3A_379 : vector<1xf32> to vector<1x1x1xf32>
    %reduce_sum3A_381 = vector.extract %reduce_sum3A_380[0, 0, 0] : f32 from vector<1x1x1xf32>
    %jit3A_382 = arith.constant 0.000000e+00 : f32
    %broadcast_in_dim3A_383 = vector.broadcast %reduce_sum3A_381 : f32 to vector<1x128xf32>
    %broadcast_in_dim3A_384 = vector.broadcast %jit3A_382 : f32 to vector<1x128xf32>
    %select_n3A_385 = arith.select %eq3A_376, %broadcast_in_dim3A_383, %broadcast_in_dim3A_384 : vector<1x128xi1>, vector<1x128xf32>
    %add3A_386 = arith.addf %add3A_323, %select_n3A_385 : vector<1x128xf32>
    %mul3A_387 = arith.mulf %convert_element_type3A_373, %mul3A_30 : vector<512x512xf32>
    %reduce_sum3A_388 = vector.shape_cast %mul3A_387 : vector<512x512xf32> to vector<1x512x512xf32>
    %reduce_sum3A_389 = arith.constant dense<0.000000e+00> : vector<1xf32>
    %reduce_sum3A_390 = vector.multi_reduction <add>, %reduce_sum3A_388, %reduce_sum3A_389 [1, 2] : vector<1x512x512xf32> to vector<1xf32>
    %reduce_sum3A_391 = vector.shape_cast %reduce_sum3A_390 : vector<1xf32> to vector<1x1x1xf32>
    %reduce_sum3A_392 = vector.extract %reduce_sum3A_391[0, 0, 0] : f32 from vector<1x1x1xf32>
    %jit3A_393 = arith.constant 0.000000e+00 : f32
    %broadcast_in_dim3A_394 = vector.broadcast %reduce_sum3A_392 : f32 to vector<1x128xf32>
    %broadcast_in_dim3A_395 = vector.broadcast %jit3A_393 : f32 to vector<1x128xf32>
    %select_n3A_396 = arith.select %eq3A_376, %broadcast_in_dim3A_394, %broadcast_in_dim3A_395 : vector<1x128xi1>, vector<1x128xf32>
    %add3A_397 = arith.addf %add3A_334, %select_n3A_396 : vector<1x128xf32>
    %mul3A_398 = arith.mulf %convert_element_type3A_373, %mul3A_36 : vector<512x512xf32>
    %reduce_sum3A_399 = vector.shape_cast %mul3A_398 : vector<512x512xf32> to vector<1x512x512xf32>
    %reduce_sum3A_400 = arith.constant dense<0.000000e+00> : vector<1xf32>
    %reduce_sum3A_401 = vector.multi_reduction <add>, %reduce_sum3A_399, %reduce_sum3A_400 [1, 2] : vector<1x512x512xf32> to vector<1xf32>
    %reduce_sum3A_402 = vector.shape_cast %reduce_sum3A_401 : vector<1xf32> to vector<1x1x1xf32>
    %reduce_sum3A_403 = vector.extract %reduce_sum3A_402[0, 0, 0] : f32 from vector<1x1x1xf32>
    %jit3A_404 = arith.constant 0.000000e+00 : f32
    %broadcast_in_dim3A_405 = vector.broadcast %reduce_sum3A_403 : f32 to vector<1x128xf32>
    %broadcast_in_dim3A_406 = vector.broadcast %jit3A_404 : f32 to vector<1x128xf32>
    %select_n3A_407 = arith.select %eq3A_376, %broadcast_in_dim3A_405, %broadcast_in_dim3A_406 : vector<1x128xi1>, vector<1x128xf32>
    %add3A_408 = arith.addf %add3A_345, %select_n3A_407 : vector<1x128xf32>
    %mul3A_409 = arith.mulf %convert_element_type3A_373, %get3A_4 : vector<512x512xf32>
    %reduce_sum3A_410 = vector.shape_cast %mul3A_409 : vector<512x512xf32> to vector<1x512x512xf32>
    %reduce_sum3A_411 = arith.constant dense<0.000000e+00> : vector<1xf32>
    %reduce_sum3A_412 = vector.multi_reduction <add>, %reduce_sum3A_410, %reduce_sum3A_411 [1, 2] : vector<1x512x512xf32> to vector<1xf32>
    %reduce_sum3A_413 = vector.shape_cast %reduce_sum3A_412 : vector<1xf32> to vector<1x1x1xf32>
    %reduce_sum3A_414 = vector.extract %reduce_sum3A_413[0, 0, 0] : f32 from vector<1x1x1xf32>
    %jit3A_415 = arith.constant 0.000000e+00 : f32
    %broadcast_in_dim3A_416 = vector.broadcast %reduce_sum3A_414 : f32 to vector<1x128xf32>
    %broadcast_in_dim3A_417 = vector.broadcast %jit3A_415 : f32 to vector<1x128xf32>
    %select_n3A_418 = arith.select %eq3A_376, %broadcast_in_dim3A_416, %broadcast_in_dim3A_417 : vector<1x128xi1>, vector<1x128xf32>
    %add3A_419 = arith.addf %add3A_356, %select_n3A_418 : vector<1x128xf32>
    %mul3A_420 = arith.mulf %convert_element_type3A_373, %get3A_4 : vector<512x512xf32>
    %mul3A_421 = arith.mulf %mul3A_420, %get3A_4 : vector<512x512xf32>
    %reduce_sum3A_422 = vector.shape_cast %mul3A_421 : vector<512x512xf32> to vector<1x512x512xf32>
    %reduce_sum3A_423 = arith.constant dense<0.000000e+00> : vector<1xf32>
    %reduce_sum3A_424 = vector.multi_reduction <add>, %reduce_sum3A_422, %reduce_sum3A_423 [1, 2] : vector<1x512x512xf32> to vector<1xf32>
    %reduce_sum3A_425 = vector.shape_cast %reduce_sum3A_424 : vector<1xf32> to vector<1x1x1xf32>
    %reduce_sum3A_426 = vector.extract %reduce_sum3A_425[0, 0, 0] : f32 from vector<1x1x1xf32>
    %jit3A_427 = arith.constant 0.000000e+00 : f32
    %broadcast_in_dim3A_428 = vector.broadcast %reduce_sum3A_426 : f32 to vector<1x128xf32>
    %broadcast_in_dim3A_429 = vector.broadcast %jit3A_427 : f32 to vector<1x128xf32>
    %select_n3A_430 = arith.select %eq3A_376, %broadcast_in_dim3A_428, %broadcast_in_dim3A_429 : vector<1x128xi1>, vector<1x128xf32>
    %add3A_431 = arith.addf %add3A_368, %select_n3A_430 : vector<1x128xf32>
    %eq3A_432 = arith.constant 7 : i32
    %eq3A_433 = vector.broadcast %eq3A_432 : i32 to vector<512x512xi32>
    %eq3A_434 = arith.cmpi eq, %get3A_20, %eq3A_433 : vector<512x512xi32>
    %convert_element_type3A_435 = arith.extui %eq3A_434 : vector<512x512xi1> to vector<512x512xi32>
    %convert_element_type3A_436 = arith.sitofp %convert_element_type3A_435 : vector<512x512xi32> to vector<512x512xf32>
    %eq3A_437 = arith.constant 6 : i32
    %eq3A_438 = vector.broadcast %eq3A_437 : i32 to vector<1x128xi32>
    %eq3A_439 = arith.cmpi eq, %iota3A_37, %eq3A_438 : vector<1x128xi32>
    %reduce_sum3A_440 = vector.shape_cast %convert_element_type3A_436 : vector<512x512xf32> to vector<1x512x512xf32>
    %reduce_sum3A_441 = arith.constant dense<0.000000e+00> : vector<1xf32>
    %reduce_sum3A_442 = vector.multi_reduction <add>, %reduce_sum3A_440, %reduce_sum3A_441 [1, 2] : vector<1x512x512xf32> to vector<1xf32>
    %reduce_sum3A_443 = vector.shape_cast %reduce_sum3A_442 : vector<1xf32> to vector<1x1x1xf32>
    %reduce_sum3A_444 = vector.extract %reduce_sum3A_443[0, 0, 0] : f32 from vector<1x1x1xf32>
    %jit3A_445 = arith.constant 0.000000e+00 : f32
    %broadcast_in_dim3A_446 = vector.broadcast %reduce_sum3A_444 : f32 to vector<1x128xf32>
    %broadcast_in_dim3A_447 = vector.broadcast %jit3A_445 : f32 to vector<1x128xf32>
    %select_n3A_448 = arith.select %eq3A_439, %broadcast_in_dim3A_446, %broadcast_in_dim3A_447 : vector<1x128xi1>, vector<1x128xf32>
    %add3A_449 = arith.addf %add3A_386, %select_n3A_448 : vector<1x128xf32>
    %mul3A_450 = arith.mulf %convert_element_type3A_436, %mul3A_30 : vector<512x512xf32>
    %reduce_sum3A_451 = vector.shape_cast %mul3A_450 : vector<512x512xf32> to vector<1x512x512xf32>
    %reduce_sum3A_452 = arith.constant dense<0.000000e+00> : vector<1xf32>
    %reduce_sum3A_453 = vector.multi_reduction <add>, %reduce_sum3A_451, %reduce_sum3A_452 [1, 2] : vector<1x512x512xf32> to vector<1xf32>
    %reduce_sum3A_454 = vector.shape_cast %reduce_sum3A_453 : vector<1xf32> to vector<1x1x1xf32>
    %reduce_sum3A_455 = vector.extract %reduce_sum3A_454[0, 0, 0] : f32 from vector<1x1x1xf32>
    %jit3A_456 = arith.constant 0.000000e+00 : f32
    %broadcast_in_dim3A_457 = vector.broadcast %reduce_sum3A_455 : f32 to vector<1x128xf32>
    %broadcast_in_dim3A_458 = vector.broadcast %jit3A_456 : f32 to vector<1x128xf32>
    %select_n3A_459 = arith.select %eq3A_439, %broadcast_in_dim3A_457, %broadcast_in_dim3A_458 : vector<1x128xi1>, vector<1x128xf32>
    %add3A_460 = arith.addf %add3A_397, %select_n3A_459 : vector<1x128xf32>
    %mul3A_461 = arith.mulf %convert_element_type3A_436, %mul3A_36 : vector<512x512xf32>
    %reduce_sum3A_462 = vector.shape_cast %mul3A_461 : vector<512x512xf32> to vector<1x512x512xf32>
    %reduce_sum3A_463 = arith.constant dense<0.000000e+00> : vector<1xf32>
    %reduce_sum3A_464 = vector.multi_reduction <add>, %reduce_sum3A_462, %reduce_sum3A_463 [1, 2] : vector<1x512x512xf32> to vector<1xf32>
    %reduce_sum3A_465 = vector.shape_cast %reduce_sum3A_464 : vector<1xf32> to vector<1x1x1xf32>
    %reduce_sum3A_466 = vector.extract %reduce_sum3A_465[0, 0, 0] : f32 from vector<1x1x1xf32>
    %jit3A_467 = arith.constant 0.000000e+00 : f32
    %broadcast_in_dim3A_468 = vector.broadcast %reduce_sum3A_466 : f32 to vector<1x128xf32>
    %broadcast_in_dim3A_469 = vector.broadcast %jit3A_467 : f32 to vector<1x128xf32>
    %select_n3A_470 = arith.select %eq3A_439, %broadcast_in_dim3A_468, %broadcast_in_dim3A_469 : vector<1x128xi1>, vector<1x128xf32>
    %add3A_471 = arith.addf %add3A_408, %select_n3A_470 : vector<1x128xf32>
    %mul3A_472 = arith.mulf %convert_element_type3A_436, %get3A_4 : vector<512x512xf32>
    %reduce_sum3A_473 = vector.shape_cast %mul3A_472 : vector<512x512xf32> to vector<1x512x512xf32>
    %reduce_sum3A_474 = arith.constant dense<0.000000e+00> : vector<1xf32>
    %reduce_sum3A_475 = vector.multi_reduction <add>, %reduce_sum3A_473, %reduce_sum3A_474 [1, 2] : vector<1x512x512xf32> to vector<1xf32>
    %reduce_sum3A_476 = vector.shape_cast %reduce_sum3A_475 : vector<1xf32> to vector<1x1x1xf32>
    %reduce_sum3A_477 = vector.extract %reduce_sum3A_476[0, 0, 0] : f32 from vector<1x1x1xf32>
    %jit3A_478 = arith.constant 0.000000e+00 : f32
    %broadcast_in_dim3A_479 = vector.broadcast %reduce_sum3A_477 : f32 to vector<1x128xf32>
    %broadcast_in_dim3A_480 = vector.broadcast %jit3A_478 : f32 to vector<1x128xf32>
    %select_n3A_481 = arith.select %eq3A_439, %broadcast_in_dim3A_479, %broadcast_in_dim3A_480 : vector<1x128xi1>, vector<1x128xf32>
    %add3A_482 = arith.addf %add3A_419, %select_n3A_481 : vector<1x128xf32>
    %mul3A_483 = arith.mulf %convert_element_type3A_436, %get3A_4 : vector<512x512xf32>
    %mul3A_484 = arith.mulf %mul3A_483, %get3A_4 : vector<512x512xf32>
    %reduce_sum3A_485 = vector.shape_cast %mul3A_484 : vector<512x512xf32> to vector<1x512x512xf32>
    %reduce_sum3A_486 = arith.constant dense<0.000000e+00> : vector<1xf32>
    %reduce_sum3A_487 = vector.multi_reduction <add>, %reduce_sum3A_485, %reduce_sum3A_486 [1, 2] : vector<1x512x512xf32> to vector<1xf32>
    %reduce_sum3A_488 = vector.shape_cast %reduce_sum3A_487 : vector<1xf32> to vector<1x1x1xf32>
    %reduce_sum3A_489 = vector.extract %reduce_sum3A_488[0, 0, 0] : f32 from vector<1x1x1xf32>
    %jit3A_490 = arith.constant 0.000000e+00 : f32
    %broadcast_in_dim3A_491 = vector.broadcast %reduce_sum3A_489 : f32 to vector<1x128xf32>
    %broadcast_in_dim3A_492 = vector.broadcast %jit3A_490 : f32 to vector<1x128xf32>
    %select_n3A_493 = arith.select %eq3A_439, %broadcast_in_dim3A_491, %broadcast_in_dim3A_492 : vector<1x128xi1>, vector<1x128xf32>
    %add3A_494 = arith.addf %add3A_431, %select_n3A_493 : vector<1x128xf32>
    %concatenate3A = tpu.concatenate %add3A_449, %add3A_460, %add3A_471, %add3A_482, %add3A_494, %select_n3A_53 in 0 : vector<1x128xf32>, vector<1x128xf32>, vector<1x128xf32>, vector<1x128xf32>, vector<1x128xf32>, vector<1x128xf32> -> vector<6x128xf32>
    %eq3A_495 = arith.constant 0 : i32
    %eq3A_496 = arith.cmpi eq, %arg1, %eq3A_495 : i32
    %convert_element_type3A_497 = arith.extui %eq3A_496 : i1 to i32
    %cond3A = arith.constant 0 : i32
    %cond3A_498 = arith.cmpi ne, %convert_element_type3A_497, %cond3A : i32
    scf.if %cond3A_498 {
      %swap3A = arith.constant 0 : index
      %swap3A_503 = arith.constant 0 : index
      %swap3A_504 = arith.constant 0 : index
      %swap3A_505 = vector.load %arg5[%swap3A, %swap3A_503, %swap3A_504] : memref<1x6x128xf32, #tpu.memory_space<vmem>>, vector<1x6x128xf32>
      %swap3A_506 = vector.shape_cast %swap3A_505 : vector<1x6x128xf32> to vector<6x128xf32>
      %swap3A_507 = vector.shape_cast %concatenate3A : vector<6x128xf32> to vector<1x6x128xf32>
      tpu.vector_store %arg5[%swap3A, %swap3A_503, %swap3A_504], %swap3A_507 {strides = array<i32>} : memref<1x6x128xf32, #tpu.memory_space<vmem>>, vector<1x6x128xf32>,
    } else {
    }
    %ne3A = arith.constant 0 : i32
    %ne3A_499 = arith.cmpi ne, %arg1, %ne3A : i32
    %convert_element_type3A_500 = arith.extui %ne3A_499 : i1 to i32
    %cond3A_501 = arith.constant 0 : i32
    %cond3A_502 = arith.cmpi ne, %convert_element_type3A_500, %cond3A_501 : i32
    scf.if %cond3A_502 {
      %get3A_503 = arith.constant 0 : index
      %get3A_504 = arith.constant 0 : index
      %get3A_505 = arith.constant 0 : index
      %get3A_506 = vector.load %arg5[%get3A_503, %get3A_504, %get3A_505] : memref<1x6x128xf32, #tpu.memory_space<vmem>>, vector<1x6x128xf32>
      %get3A_507 = vector.shape_cast %get3A_506 : vector<1x6x128xf32> to vector<6x128xf32>
      %add3A_508 = arith.addf %get3A_507, %concatenate3A : vector<6x128xf32>
      %swap3A = arith.constant 0 : index
      %swap3A_509 = arith.constant 0 : index
      %swap3A_510 = arith.constant 0 : index
      %swap3A_511 = vector.load %arg5[%swap3A, %swap3A_509, %swap3A_510] : memref<1x6x128xf32, #tpu.memory_space<vmem>>, vector<1x6x128xf32>
      %swap3A_512 = vector.shape_cast %swap3A_511 : vector<1x6x128xf32> to vector<6x128xf32>
      %swap3A_513 = vector.shape_cast %add3A_508 : vector<6x128xf32> to vector<1x6x128xf32>
      tpu.vector_store %arg5[%swap3A, %swap3A_509, %swap3A_510], %swap3A_513 {strides = array<i32>} : memref<1x6x128xf32, #tpu.memory_space<vmem>>, vector<1x6x128xf32>,
    } else {
    }
    return
  }
  func.func @transform_0(%arg0: i32, %arg1: i32) -> (i32, i32, i32, i32) {
    %c1_i32 = arith.constant 1 : i32
    %c0_i32 = arith.constant 0 : i32
    %c0_i32_0 = arith.constant 0 : i32
    return %arg0, %c1_i32, %arg1, %c0_i32 : i32, i32, i32, i32
  }
  func.func @transform_1(%arg0: i32, %arg1: i32) -> (i32, i32, i32) {
    %c0_i32 = arith.constant 0 : i32
    %c0_i32_0 = arith.constant 0 : i32
    return %arg0, %arg1, %c0_i32 : i32, i32, i32
  }
  func.func @transform_2(%arg0: i32, %arg1: i32) -> (i32, i32, i32) {
    %c0_i32 = arith.constant 0 : i32
    %c0_i32_0 = arith.constant 0 : i32
    return %arg0, %arg1, %c0_i32 : i32, i32, i32
  }
  func.func @transform_3(%arg0: i32, %arg1: i32) -> (i32, i32, i32) {
    %c0_i32 = arith.constant 0 : i32
    %c0_i32_0 = arith.constant 0 : i32
    %c0_i32_1 = arith.constant 0 : i32
    return %arg0, %c0_i32, %c0_i32_0 : i32, i32, i32
  }
}

module attributes {stable_mosaic.version = 14 : i64} {
  func.func @_pass2_body(%arg0: i32, %arg1: i32, %arg2: memref<4x6x128xf32, #tpu.memory_space<smem>>, %arg3: memref<1x4x128x512xf32, #tpu.memory_space<vmem>>, %arg4: memref<1x128x512xi32, #tpu.memory_space<vmem>>, %arg5: memref<1x7x128x512xi16, #tpu.memory_space<vmem>>, %arg6: memref<1x1x128xf32, #tpu.memory_space<vmem>>) attributes {dimension_semantics = [#tpu.dimension_semantics<arbitrary>, #tpu.dimension_semantics<arbitrary>], iteration_bounds = array<i64: 2, 4>, scalar_prefetch = 0 : i64, scratch_operands = 0 : i64, tpu.core_type = #tpu.core_type<tc>, window_params = [{transform_indices = @transform_0, window_bounds = array<i64: 4, 6, 128>}, {transform_indices = @transform_1, window_bounds = array<i64: 1, 4, 128, 512>}, {transform_indices = @transform_2, window_bounds = array<i64: 1, 128, 512>}, {transform_indices = @transform_3, window_bounds = array<i64: 1, 7, 128, 512>}, {transform_indices = @transform_4, window_bounds = array<i64: 1, 1, 128>}]} {
    %add3A = arith.constant 2 : i32
    %add3A_0 = arith.addi %arg0, %add3A : i32
    %get3A = arith.constant 0 : index
    %get3A_1 = arith.constant 0 : index
    %get3A_2 = arith.constant 0 : index
    %get3A_3 = arith.constant 0 : index
    %get3A_4 = vector.load %arg3[%get3A, %get3A_1, %get3A_2, %get3A_3] : memref<1x4x128x512xf32, #tpu.memory_space<vmem>>, vector<1x4x128x512xf32>
    %get3A_5 = vector.shape_cast %get3A_4 : vector<1x4x128x512xf32> to vector<4x128x512xf32>
    %mul3A = arith.constant 128 : i32
    %mul3A_6 = arith.muli %arg1, %mul3A : i32
    %convert_element_type3A = arith.sitofp %mul3A_6 : i32 to f32
    %iota3A = tpu.iota {dimensions = array<i32: 1>} : vector<128x512xi32>
    %convert_element_type3A_7 = arith.sitofp %iota3A : vector<128x512xi32> to vector<128x512xf32>
    %mul3A_8 = arith.constant 9.77039569E-4 : f32
    %mul3A_9 = vector.broadcast %mul3A_8 : f32 to vector<128x512xf32>
    %mul3A_10 = arith.mulf %convert_element_type3A_7, %mul3A_9 : vector<128x512xf32>
    %iota3A_11 = tpu.iota {dimensions = array<i32: 0>} : vector<128x512xi32>
    %convert_element_type3A_12 = arith.sitofp %iota3A_11 : vector<128x512xi32> to vector<128x512xf32>
    %add3A_13 = vector.broadcast %convert_element_type3A : f32 to vector<128x512xf32>
    %add3A_14 = arith.addf %convert_element_type3A_12, %add3A_13 : vector<128x512xf32>
    %mul3A_15 = arith.constant 9.77517105E-4 : f32
    %mul3A_16 = vector.broadcast %mul3A_15 : f32 to vector<128x512xf32>
    %mul3A_17 = arith.mulf %add3A_14, %mul3A_16 : vector<128x512xf32>
    %slice3A = vector.extract_strided_slice %get3A_5 {offsets = [0, 0, 0], sizes = [1, 128, 512], strides = [1, 1, 1]} : vector<4x128x512xf32> to vector<1x128x512xf32>
    %squeeze3A = vector.shape_cast %slice3A : vector<1x128x512xf32> to vector<128x512xf32>
    %tanh3A = math.tanh %squeeze3A : vector<128x512xf32>
    %add3A_18 = arith.addf %tanh3A, %mul3A_10 : vector<128x512xf32>
    %slice3A_19 = vector.extract_strided_slice %get3A_5 {offsets = [1, 0, 0], sizes = [1, 128, 512], strides = [1, 1, 1]} : vector<4x128x512xf32> to vector<1x128x512xf32>
    %squeeze3A_20 = vector.shape_cast %slice3A_19 : vector<1x128x512xf32> to vector<128x512xf32>
    %tanh3A_21 = math.tanh %squeeze3A_20 : vector<128x512xf32>
    %add3A_22 = arith.addf %tanh3A_21, %mul3A_17 : vector<128x512xf32>
    %slice3A_23 = vector.extract_strided_slice %get3A_5 {offsets = [3, 0, 0], sizes = [1, 128, 512], strides = [1, 1, 1]} : vector<4x128x512xf32> to vector<1x128x512xf32>
    %squeeze3A_24 = vector.shape_cast %slice3A_23 : vector<1x128x512xf32> to vector<128x512xf32>
    %logistic3A = arith.negf %squeeze3A_24 : vector<128x512xf32>
    %logistic3A_25 = math.exp %logistic3A : vector<128x512xf32>
    %logistic3A_26 = arith.constant 1.000000e+00 : f32
    %logistic3A_27 = vector.broadcast %logistic3A_26 : f32 to vector<128x512xf32>
    %logistic3A_28 = arith.addf %logistic3A_27, %logistic3A_25 : vector<128x512xf32>
    %logistic3A_29 = arith.divf %logistic3A_27, %logistic3A_28 : vector<128x512xf32>
    %get3A_30 = arith.constant 0 : index
    %get3A_31 = arith.constant 0 : index
    %get3A_32 = arith.constant 0 : index
    %get3A_33 = vector.load %arg4[%get3A_30, %get3A_31, %get3A_32] : memref<1x128x512xi32, #tpu.memory_space<vmem>>, vector<1x128x512xi32>
    %get3A_34 = vector.shape_cast %get3A_33 : vector<1x128x512xi32> to vector<128x512xi32>
    %iota3A_35 = tpu.iota {dimensions = array<i32: 1>} : vector<1x128xi32>
    %mul3A_36 = arith.mulf %add3A_18, %add3A_18 : vector<128x512xf32>
    %mul3A_37 = arith.mulf %add3A_22, %add3A_22 : vector<128x512xf32>
    %add3A_38 = arith.addf %mul3A_36, %mul3A_37 : vector<128x512xf32>
    %broadcast_in_dim3A = arith.constant 0.000000e+00 : f32
    %broadcast_in_dim3A_39 = vector.broadcast %broadcast_in_dim3A : f32 to vector<128x512xf32>
    %get3A_40 = arith.index_cast %add3A_0 : i32 to index
    %get3A_41 = arith.constant 0 : index
    %get3A_42 = arith.constant 0 : index
    %get3A_43 = memref.load %arg2[%get3A_40, %get3A_41, %get3A_42] : memref<4x6x128xf32, #tpu.memory_space<smem>>
    %max3A = arith.constant 1.000000e+00 : f32
    %max3A_44 = arith.maximumf %get3A_43, %max3A : f32
    %get3A_45 = arith.index_cast %add3A_0 : i32 to index
    %get3A_46 = arith.constant 1 : index
    %get3A_47 = arith.constant 0 : index
    %get3A_48 = memref.load %arg2[%get3A_45, %get3A_46, %get3A_47] : memref<4x6x128xf32, #tpu.memory_space<smem>>
    %div3A = arith.divf %get3A_48, %max3A_44 : f32
    %get3A_49 = arith.index_cast %add3A_0 : i32 to index
    %get3A_50 = arith.constant 2 : index
    %get3A_51 = arith.constant 0 : index
    %get3A_52 = memref.load %arg2[%get3A_49, %get3A_50, %get3A_51] : memref<4x6x128xf32, #tpu.memory_space<smem>>
    %div3A_53 = arith.divf %get3A_52, %max3A_44 : f32
    %get3A_54 = arith.index_cast %add3A_0 : i32 to index
    %get3A_55 = arith.constant 3 : index
    %get3A_56 = arith.constant 0 : index
    %get3A_57 = memref.load %arg2[%get3A_54, %get3A_55, %get3A_56] : memref<4x6x128xf32, #tpu.memory_space<smem>>
    %mul3A_58 = arith.constant 1.000000e+01 : f32
    %mul3A_59 = arith.mulf %mul3A_58, %get3A_57 : f32
    %div3A_60 = arith.divf %mul3A_59, %max3A_44 : f32
    %exp3A = math.exp %div3A_60 : f32
    %mul3A_61 = arith.constant -2.000000e+00 : f32
    %mul3A_62 = arith.mulf %mul3A_61, %exp3A : f32
    %mul3A_63 = arith.mulf %mul3A_62, %div3A : f32
    %mul3A_64 = arith.constant -2.000000e+00 : f32
    %mul3A_65 = arith.mulf %mul3A_64, %exp3A : f32
    %mul3A_66 = arith.mulf %mul3A_65, %div3A_53 : f32
    %mul3A_67 = arith.mulf %div3A, %div3A : f32
    %mul3A_68 = arith.mulf %div3A_53, %div3A_53 : f32
    %add3A_69 = arith.addf %mul3A_67, %mul3A_68 : f32
    %mul3A_70 = arith.mulf %exp3A, %add3A_69 : f32
    %mul3A_71 = vector.broadcast %exp3A : f32 to vector<128x512xf32>
    %mul3A_72 = arith.mulf %mul3A_71, %add3A_38 : vector<128x512xf32>
    %mul3A_73 = vector.broadcast %mul3A_63 : f32 to vector<128x512xf32>
    %mul3A_74 = arith.mulf %mul3A_73, %add3A_18 : vector<128x512xf32>
    %add3A_75 = arith.addf %mul3A_72, %mul3A_74 : vector<128x512xf32>
    %mul3A_76 = vector.broadcast %mul3A_66 : f32 to vector<128x512xf32>
    %mul3A_77 = arith.mulf %mul3A_76, %add3A_22 : vector<128x512xf32>
    %add3A_78 = arith.addf %add3A_75, %mul3A_77 : vector<128x512xf32>
    %add3A_79 = vector.broadcast %mul3A_70 : f32 to vector<128x512xf32>
    %add3A_80 = arith.addf %add3A_78, %add3A_79 : vector<128x512xf32>
    %neg3A = arith.constant 0.000000e+00 : f32
    %neg3A_81 = vector.broadcast %neg3A : f32 to vector<128x512xf32>
    %neg3A_82 = arith.subf %neg3A_81, %add3A_80 : vector<128x512xf32>
    %exp3A_83 = math.exp %neg3A_82 : vector<128x512xf32>
    %eq3A = arith.constant 1 : i32
    %eq3A_84 = vector.broadcast %eq3A : i32 to vector<128x512xi32>
    %eq3A_85 = arith.cmpi eq, %get3A_34, %eq3A_84 : vector<128x512xi32>
    %mul3A_86 = arith.constant 1.024000e+03 : f32
    %mul3A_87 = vector.broadcast %mul3A_86 : f32 to vector<128x512xf32>
    %mul3A_88 = arith.mulf %mul3A_87, %exp3A_83 : vector<128x512xf32>
    %convert_element_type3A_89 = arith.fptosi %mul3A_88 : vector<128x512xf32> to vector<128x512xi32>
    %min3A = arith.constant 1023 : i32
    %min3A_90 = vector.broadcast %min3A : i32 to vector<128x512xi32>
    %min3A_91 = arith.minsi %convert_element_type3A_89, %min3A_90 : vector<128x512xi32>
    %sub3A = arith.constant 1023 : i32
    %sub3A_92 = vector.broadcast %sub3A : i32 to vector<128x512xi32>
    %sub3A_93 = arith.subi %sub3A_92, %min3A_91 : vector<128x512xi32>
    %add3A_94 = arith.constant 1024 : i32
    %add3A_95 = vector.broadcast %add3A_94 : i32 to vector<128x512xi32>
    %add3A_96 = arith.addi %add3A_95, %min3A_91 : vector<128x512xi32>
    %select_n3A = arith.select %eq3A_85, %sub3A_93, %add3A_96 : vector<128x512xi1>, vector<128x512xi32>
    %convert_element_type3A_97 = arith.trunci %select_n3A : vector<128x512xi32> to vector<128x512xi16>
    %swap3A = arith.constant 0 : index
    %swap3A_98 = arith.constant 0 : index
    %swap3A_99 = arith.constant 0 : index
    %swap3A_100 = arith.constant 0 : index
    %swap3A_101 = vector.load %arg5[%swap3A, %swap3A_98, %swap3A_99, %swap3A_100] : memref<1x7x128x512xi16, #tpu.memory_space<vmem>>, vector<1x1x128x512xi16>
    %swap3A_102 = vector.shape_cast %swap3A_101 : vector<1x1x128x512xi16> to vector<128x512xi16>
    %swap3A_103 = vector.shape_cast %convert_element_type3A_97 : vector<128x512xi16> to vector<1x1x128x512xi16>
    tpu.vector_store %arg5[%swap3A, %swap3A_98, %swap3A_99, %swap3A_100], %swap3A_103 {strides = array<i32>} : memref<1x7x128x512xi16, #tpu.memory_space<vmem>>, vector<1x1x128x512xi16>,
    %jit3A = arith.constant 0.000000e+00 : f32
    %broadcast_in_dim3A_104 = vector.broadcast %jit3A : f32 to vector<128x512xf32>
    %select_n3A_105 = arith.select %eq3A_85, %exp3A_83, %broadcast_in_dim3A_104 : vector<128x512xi1>, vector<128x512xf32>
    %add3A_106 = arith.addf %broadcast_in_dim3A_39, %select_n3A_105 : vector<128x512xf32>
    %get3A_107 = arith.index_cast %add3A_0 : i32 to index
    %get3A_108 = arith.constant 0 : index
    %get3A_109 = arith.constant 1 : index
    %get3A_110 = memref.load %arg2[%get3A_107, %get3A_108, %get3A_109] : memref<4x6x128xf32, #tpu.memory_space<smem>>
    %max3A_111 = arith.constant 1.000000e+00 : f32
    %max3A_112 = arith.maximumf %get3A_110, %max3A_111 : f32
    %get3A_113 = arith.index_cast %add3A_0 : i32 to index
    %get3A_114 = arith.constant 1 : index
    %get3A_115 = arith.constant 1 : index
    %get3A_116 = memref.load %arg2[%get3A_113, %get3A_114, %get3A_115] : memref<4x6x128xf32, #tpu.memory_space<smem>>
    %div3A_117 = arith.divf %get3A_116, %max3A_112 : f32
    %get3A_118 = arith.index_cast %add3A_0 : i32 to index
    %get3A_119 = arith.constant 2 : index
    %get3A_120 = arith.constant 1 : index
    %get3A_121 = memref.load %arg2[%get3A_118, %get3A_119, %get3A_120] : memref<4x6x128xf32, #tpu.memory_space<smem>>
    %div3A_122 = arith.divf %get3A_121, %max3A_112 : f32
    %get3A_123 = arith.index_cast %add3A_0 : i32 to index
    %get3A_124 = arith.constant 3 : index
    %get3A_125 = arith.constant 1 : index
    %get3A_126 = memref.load %arg2[%get3A_123, %get3A_124, %get3A_125] : memref<4x6x128xf32, #tpu.memory_space<smem>>
    %mul3A_127 = arith.constant 1.000000e+01 : f32
    %mul3A_128 = arith.mulf %mul3A_127, %get3A_126 : f32
    %div3A_129 = arith.divf %mul3A_128, %max3A_112 : f32
    %exp3A_130 = math.exp %div3A_129 : f32
    %mul3A_131 = arith.constant -2.000000e+00 : f32
    %mul3A_132 = arith.mulf %mul3A_131, %exp3A_130 : f32
    %mul3A_133 = arith.mulf %mul3A_132, %div3A_117 : f32
    %mul3A_134 = arith.constant -2.000000e+00 : f32
    %mul3A_135 = arith.mulf %mul3A_134, %exp3A_130 : f32
    %mul3A_136 = arith.mulf %mul3A_135, %div3A_122 : f32
    %mul3A_137 = arith.mulf %div3A_117, %div3A_117 : f32
    %mul3A_138 = arith.mulf %div3A_122, %div3A_122 : f32
    %add3A_139 = arith.addf %mul3A_137, %mul3A_138 : f32
    %mul3A_140 = arith.mulf %exp3A_130, %add3A_139 : f32
    %mul3A_141 = vector.broadcast %exp3A_130 : f32 to vector<128x512xf32>
    %mul3A_142 = arith.mulf %mul3A_141, %add3A_38 : vector<128x512xf32>
    %mul3A_143 = vector.broadcast %mul3A_133 : f32 to vector<128x512xf32>
    %mul3A_144 = arith.mulf %mul3A_143, %add3A_18 : vector<128x512xf32>
    %add3A_145 = arith.addf %mul3A_142, %mul3A_144 : vector<128x512xf32>
    %mul3A_146 = vector.broadcast %mul3A_136 : f32 to vector<128x512xf32>
    %mul3A_147 = arith.mulf %mul3A_146, %add3A_22 : vector<128x512xf32>
    %add3A_148 = arith.addf %add3A_145, %mul3A_147 : vector<128x512xf32>
    %add3A_149 = vector.broadcast %mul3A_140 : f32 to vector<128x512xf32>
    %add3A_150 = arith.addf %add3A_148, %add3A_149 : vector<128x512xf32>
    %neg3A_151 = arith.constant 0.000000e+00 : f32
    %neg3A_152 = vector.broadcast %neg3A_151 : f32 to vector<128x512xf32>
    %neg3A_153 = arith.subf %neg3A_152, %add3A_150 : vector<128x512xf32>
    %exp3A_154 = math.exp %neg3A_153 : vector<128x512xf32>
    %eq3A_155 = arith.constant 2 : i32
    %eq3A_156 = vector.broadcast %eq3A_155 : i32 to vector<128x512xi32>
    %eq3A_157 = arith.cmpi eq, %get3A_34, %eq3A_156 : vector<128x512xi32>
    %mul3A_158 = arith.constant 1.024000e+03 : f32
    %mul3A_159 = vector.broadcast %mul3A_158 : f32 to vector<128x512xf32>
    %mul3A_160 = arith.mulf %mul3A_159, %exp3A_154 : vector<128x512xf32>
    %convert_element_type3A_161 = arith.fptosi %mul3A_160 : vector<128x512xf32> to vector<128x512xi32>
    %min3A_162 = arith.constant 1023 : i32
    %min3A_163 = vector.broadcast %min3A_162 : i32 to vector<128x512xi32>
    %min3A_164 = arith.minsi %convert_element_type3A_161, %min3A_163 : vector<128x512xi32>
    %sub3A_165 = arith.constant 3071 : i32
    %sub3A_166 = vector.broadcast %sub3A_165 : i32 to vector<128x512xi32>
    %sub3A_167 = arith.subi %sub3A_166, %min3A_164 : vector<128x512xi32>
    %add3A_168 = arith.constant 3072 : i32
    %add3A_169 = vector.broadcast %add3A_168 : i32 to vector<128x512xi32>
    %add3A_170 = arith.addi %add3A_169, %min3A_164 : vector<128x512xi32>
    %select_n3A_171 = arith.select %eq3A_157, %sub3A_167, %add3A_170 : vector<128x512xi1>, vector<128x512xi32>
    %convert_element_type3A_172 = arith.trunci %select_n3A_171 : vector<128x512xi32> to vector<128x512xi16>
    %swap3A_173 = arith.constant 0 : index
    %swap3A_174 = arith.constant 1 : index
    %swap3A_175 = arith.constant 0 : index
    %swap3A_176 = arith.constant 0 : index
    %swap3A_177 = vector.load %arg5[%swap3A_173, %swap3A_174, %swap3A_175, %swap3A_176] : memref<1x7x128x512xi16, #tpu.memory_space<vmem>>, vector<1x1x128x512xi16>
    %swap3A_178 = vector.shape_cast %swap3A_177 : vector<1x1x128x512xi16> to vector<128x512xi16>
    %swap3A_179 = vector.shape_cast %convert_element_type3A_172 : vector<128x512xi16> to vector<1x1x128x512xi16>
    tpu.vector_store %arg5[%swap3A_173, %swap3A_174, %swap3A_175, %swap3A_176], %swap3A_179 {strides = array<i32>} : memref<1x7x128x512xi16, #tpu.memory_space<vmem>>, vector<1x1x128x512xi16>,
    %jit3A_180 = arith.constant 0.000000e+00 : f32
    %broadcast_in_dim3A_181 = vector.broadcast %jit3A_180 : f32 to vector<128x512xf32>
    %select_n3A_182 = arith.select %eq3A_157, %exp3A_154, %broadcast_in_dim3A_181 : vector<128x512xi1>, vector<128x512xf32>
    %add3A_183 = arith.addf %add3A_106, %select_n3A_182 : vector<128x512xf32>
    %get3A_184 = arith.index_cast %add3A_0 : i32 to index
    %get3A_185 = arith.constant 0 : index
    %get3A_186 = arith.constant 2 : index
    %get3A_187 = memref.load %arg2[%get3A_184, %get3A_185, %get3A_186] : memref<4x6x128xf32, #tpu.memory_space<smem>>
    %max3A_188 = arith.constant 1.000000e+00 : f32
    %max3A_189 = arith.maximumf %get3A_187, %max3A_188 : f32
    %get3A_190 = arith.index_cast %add3A_0 : i32 to index
    %get3A_191 = arith.constant 1 : index
    %get3A_192 = arith.constant 2 : index
    %get3A_193 = memref.load %arg2[%get3A_190, %get3A_191, %get3A_192] : memref<4x6x128xf32, #tpu.memory_space<smem>>
    %div3A_194 = arith.divf %get3A_193, %max3A_189 : f32
    %get3A_195 = arith.index_cast %add3A_0 : i32 to index
    %get3A_196 = arith.constant 2 : index
    %get3A_197 = arith.constant 2 : index
    %get3A_198 = memref.load %arg2[%get3A_195, %get3A_196, %get3A_197] : memref<4x6x128xf32, #tpu.memory_space<smem>>
    %div3A_199 = arith.divf %get3A_198, %max3A_189 : f32
    %get3A_200 = arith.index_cast %add3A_0 : i32 to index
    %get3A_201 = arith.constant 3 : index
    %get3A_202 = arith.constant 2 : index
    %get3A_203 = memref.load %arg2[%get3A_200, %get3A_201, %get3A_202] : memref<4x6x128xf32, #tpu.memory_space<smem>>
    %mul3A_204 = arith.constant 1.000000e+01 : f32
    %mul3A_205 = arith.mulf %mul3A_204, %get3A_203 : f32
    %div3A_206 = arith.divf %mul3A_205, %max3A_189 : f32
    %exp3A_207 = math.exp %div3A_206 : f32
    %mul3A_208 = arith.constant -2.000000e+00 : f32
    %mul3A_209 = arith.mulf %mul3A_208, %exp3A_207 : f32
    %mul3A_210 = arith.mulf %mul3A_209, %div3A_194 : f32
    %mul3A_211 = arith.constant -2.000000e+00 : f32
    %mul3A_212 = arith.mulf %mul3A_211, %exp3A_207 : f32
    %mul3A_213 = arith.mulf %mul3A_212, %div3A_199 : f32
    %mul3A_214 = arith.mulf %div3A_194, %div3A_194 : f32
    %mul3A_215 = arith.mulf %div3A_199, %div3A_199 : f32
    %add3A_216 = arith.addf %mul3A_214, %mul3A_215 : f32
    %mul3A_217 = arith.mulf %exp3A_207, %add3A_216 : f32
    %mul3A_218 = vector.broadcast %exp3A_207 : f32 to vector<128x512xf32>
    %mul3A_219 = arith.mulf %mul3A_218, %add3A_38 : vector<128x512xf32>
    %mul3A_220 = vector.broadcast %mul3A_210 : f32 to vector<128x512xf32>
    %mul3A_221 = arith.mulf %mul3A_220, %add3A_18 : vector<128x512xf32>
    %add3A_222 = arith.addf %mul3A_219, %mul3A_221 : vector<128x512xf32>
    %mul3A_223 = vector.broadcast %mul3A_213 : f32 to vector<128x512xf32>
    %mul3A_224 = arith.mulf %mul3A_223, %add3A_22 : vector<128x512xf32>
    %add3A_225 = arith.addf %add3A_222, %mul3A_224 : vector<128x512xf32>
    %add3A_226 = vector.broadcast %mul3A_217 : f32 to vector<128x512xf32>
    %add3A_227 = arith.addf %add3A_225, %add3A_226 : vector<128x512xf32>
    %neg3A_228 = arith.constant 0.000000e+00 : f32
    %neg3A_229 = vector.broadcast %neg3A_228 : f32 to vector<128x512xf32>
    %neg3A_230 = arith.subf %neg3A_229, %add3A_227 : vector<128x512xf32>
    %exp3A_231 = math.exp %neg3A_230 : vector<128x512xf32>
    %eq3A_232 = arith.constant 3 : i32
    %eq3A_233 = vector.broadcast %eq3A_232 : i32 to vector<128x512xi32>
    %eq3A_234 = arith.cmpi eq, %get3A_34, %eq3A_233 : vector<128x512xi32>
    %mul3A_235 = arith.constant 1.024000e+03 : f32
    %mul3A_236 = vector.broadcast %mul3A_235 : f32 to vector<128x512xf32>
    %mul3A_237 = arith.mulf %mul3A_236, %exp3A_231 : vector<128x512xf32>
    %convert_element_type3A_238 = arith.fptosi %mul3A_237 : vector<128x512xf32> to vector<128x512xi32>
    %min3A_239 = arith.constant 1023 : i32
    %min3A_240 = vector.broadcast %min3A_239 : i32 to vector<128x512xi32>
    %min3A_241 = arith.minsi %convert_element_type3A_238, %min3A_240 : vector<128x512xi32>
    %sub3A_242 = arith.constant 5119 : i32
    %sub3A_243 = vector.broadcast %sub3A_242 : i32 to vector<128x512xi32>
    %sub3A_244 = arith.subi %sub3A_243, %min3A_241 : vector<128x512xi32>
    %add3A_245 = arith.constant 5120 : i32
    %add3A_246 = vector.broadcast %add3A_245 : i32 to vector<128x512xi32>
    %add3A_247 = arith.addi %add3A_246, %min3A_241 : vector<128x512xi32>
    %select_n3A_248 = arith.select %eq3A_234, %sub3A_244, %add3A_247 : vector<128x512xi1>, vector<128x512xi32>
    %convert_element_type3A_249 = arith.trunci %select_n3A_248 : vector<128x512xi32> to vector<128x512xi16>
    %swap3A_250 = arith.constant 0 : index
    %swap3A_251 = arith.constant 2 : index
    %swap3A_252 = arith.constant 0 : index
    %swap3A_253 = arith.constant 0 : index
    %swap3A_254 = vector.load %arg5[%swap3A_250, %swap3A_251, %swap3A_252, %swap3A_253] : memref<1x7x128x512xi16, #tpu.memory_space<vmem>>, vector<1x1x128x512xi16>
    %swap3A_255 = vector.shape_cast %swap3A_254 : vector<1x1x128x512xi16> to vector<128x512xi16>
    %swap3A_256 = vector.shape_cast %convert_element_type3A_249 : vector<128x512xi16> to vector<1x1x128x512xi16>
    tpu.vector_store %arg5[%swap3A_250, %swap3A_251, %swap3A_252, %swap3A_253], %swap3A_256 {strides = array<i32>} : memref<1x7x128x512xi16, #tpu.memory_space<vmem>>, vector<1x1x128x512xi16>,
    %jit3A_257 = arith.constant 0.000000e+00 : f32
    %broadcast_in_dim3A_258 = vector.broadcast %jit3A_257 : f32 to vector<128x512xf32>
    %select_n3A_259 = arith.select %eq3A_234, %exp3A_231, %broadcast_in_dim3A_258 : vector<128x512xi1>, vector<128x512xf32>
    %add3A_260 = arith.addf %add3A_183, %select_n3A_259 : vector<128x512xf32>
    %get3A_261 = arith.index_cast %add3A_0 : i32 to index
    %get3A_262 = arith.constant 0 : index
    %get3A_263 = arith.constant 3 : index
    %get3A_264 = memref.load %arg2[%get3A_261, %get3A_262, %get3A_263] : memref<4x6x128xf32, #tpu.memory_space<smem>>
    %max3A_265 = arith.constant 1.000000e+00 : f32
    %max3A_266 = arith.maximumf %get3A_264, %max3A_265 : f32
    %get3A_267 = arith.index_cast %add3A_0 : i32 to index
    %get3A_268 = arith.constant 1 : index
    %get3A_269 = arith.constant 3 : index
    %get3A_270 = memref.load %arg2[%get3A_267, %get3A_268, %get3A_269] : memref<4x6x128xf32, #tpu.memory_space<smem>>
    %div3A_271 = arith.divf %get3A_270, %max3A_266 : f32
    %get3A_272 = arith.index_cast %add3A_0 : i32 to index
    %get3A_273 = arith.constant 2 : index
    %get3A_274 = arith.constant 3 : index
    %get3A_275 = memref.load %arg2[%get3A_272, %get3A_273, %get3A_274] : memref<4x6x128xf32, #tpu.memory_space<smem>>
    %div3A_276 = arith.divf %get3A_275, %max3A_266 : f32
    %get3A_277 = arith.index_cast %add3A_0 : i32 to index
    %get3A_278 = arith.constant 3 : index
    %get3A_279 = arith.constant 3 : index
    %get3A_280 = memref.load %arg2[%get3A_277, %get3A_278, %get3A_279] : memref<4x6x128xf32, #tpu.memory_space<smem>>
    %mul3A_281 = arith.constant 1.000000e+01 : f32
    %mul3A_282 = arith.mulf %mul3A_281, %get3A_280 : f32
    %div3A_283 = arith.divf %mul3A_282, %max3A_266 : f32
    %exp3A_284 = math.exp %div3A_283 : f32
    %mul3A_285 = arith.constant -2.000000e+00 : f32
    %mul3A_286 = arith.mulf %mul3A_285, %exp3A_284 : f32
    %mul3A_287 = arith.mulf %mul3A_286, %div3A_271 : f32
    %mul3A_288 = arith.constant -2.000000e+00 : f32
    %mul3A_289 = arith.mulf %mul3A_288, %exp3A_284 : f32
    %mul3A_290 = arith.mulf %mul3A_289, %div3A_276 : f32
    %mul3A_291 = arith.mulf %div3A_271, %div3A_271 : f32
    %mul3A_292 = arith.mulf %div3A_276, %div3A_276 : f32
    %add3A_293 = arith.addf %mul3A_291, %mul3A_292 : f32
    %mul3A_294 = arith.mulf %exp3A_284, %add3A_293 : f32
    %mul3A_295 = vector.broadcast %exp3A_284 : f32 to vector<128x512xf32>
    %mul3A_296 = arith.mulf %mul3A_295, %add3A_38 : vector<128x512xf32>
    %mul3A_297 = vector.broadcast %mul3A_287 : f32 to vector<128x512xf32>
    %mul3A_298 = arith.mulf %mul3A_297, %add3A_18 : vector<128x512xf32>
    %add3A_299 = arith.addf %mul3A_296, %mul3A_298 : vector<128x512xf32>
    %mul3A_300 = vector.broadcast %mul3A_290 : f32 to vector<128x512xf32>
    %mul3A_301 = arith.mulf %mul3A_300, %add3A_22 : vector<128x512xf32>
    %add3A_302 = arith.addf %add3A_299, %mul3A_301 : vector<128x512xf32>
    %add3A_303 = vector.broadcast %mul3A_294 : f32 to vector<128x512xf32>
    %add3A_304 = arith.addf %add3A_302, %add3A_303 : vector<128x512xf32>
    %neg3A_305 = arith.constant 0.000000e+00 : f32
    %neg3A_306 = vector.broadcast %neg3A_305 : f32 to vector<128x512xf32>
    %neg3A_307 = arith.subf %neg3A_306, %add3A_304 : vector<128x512xf32>
    %exp3A_308 = math.exp %neg3A_307 : vector<128x512xf32>
    %eq3A_309 = arith.constant 4 : i32
    %eq3A_310 = vector.broadcast %eq3A_309 : i32 to vector<128x512xi32>
    %eq3A_311 = arith.cmpi eq, %get3A_34, %eq3A_310 : vector<128x512xi32>
    %mul3A_312 = arith.constant 1.024000e+03 : f32
    %mul3A_313 = vector.broadcast %mul3A_312 : f32 to vector<128x512xf32>
    %mul3A_314 = arith.mulf %mul3A_313, %exp3A_308 : vector<128x512xf32>
    %convert_element_type3A_315 = arith.fptosi %mul3A_314 : vector<128x512xf32> to vector<128x512xi32>
    %min3A_316 = arith.constant 1023 : i32
    %min3A_317 = vector.broadcast %min3A_316 : i32 to vector<128x512xi32>
    %min3A_318 = arith.minsi %convert_element_type3A_315, %min3A_317 : vector<128x512xi32>
    %sub3A_319 = arith.constant 7167 : i32
    %sub3A_320 = vector.broadcast %sub3A_319 : i32 to vector<128x512xi32>
    %sub3A_321 = arith.subi %sub3A_320, %min3A_318 : vector<128x512xi32>
    %add3A_322 = arith.constant 7168 : i32
    %add3A_323 = vector.broadcast %add3A_322 : i32 to vector<128x512xi32>
    %add3A_324 = arith.addi %add3A_323, %min3A_318 : vector<128x512xi32>
    %select_n3A_325 = arith.select %eq3A_311, %sub3A_321, %add3A_324 : vector<128x512xi1>, vector<128x512xi32>
    %convert_element_type3A_326 = arith.trunci %select_n3A_325 : vector<128x512xi32> to vector<128x512xi16>
    %swap3A_327 = arith.constant 0 : index
    %swap3A_328 = arith.constant 3 : index
    %swap3A_329 = arith.constant 0 : index
    %swap3A_330 = arith.constant 0 : index
    %swap3A_331 = vector.load %arg5[%swap3A_327, %swap3A_328, %swap3A_329, %swap3A_330] : memref<1x7x128x512xi16, #tpu.memory_space<vmem>>, vector<1x1x128x512xi16>
    %swap3A_332 = vector.shape_cast %swap3A_331 : vector<1x1x128x512xi16> to vector<128x512xi16>
    %swap3A_333 = vector.shape_cast %convert_element_type3A_326 : vector<128x512xi16> to vector<1x1x128x512xi16>
    tpu.vector_store %arg5[%swap3A_327, %swap3A_328, %swap3A_329, %swap3A_330], %swap3A_333 {strides = array<i32>} : memref<1x7x128x512xi16, #tpu.memory_space<vmem>>, vector<1x1x128x512xi16>,
    %jit3A_334 = arith.constant 0.000000e+00 : f32
    %broadcast_in_dim3A_335 = vector.broadcast %jit3A_334 : f32 to vector<128x512xf32>
    %select_n3A_336 = arith.select %eq3A_311, %exp3A_308, %broadcast_in_dim3A_335 : vector<128x512xi1>, vector<128x512xf32>
    %add3A_337 = arith.addf %add3A_260, %select_n3A_336 : vector<128x512xf32>
    %get3A_338 = arith.index_cast %add3A_0 : i32 to index
    %get3A_339 = arith.constant 0 : index
    %get3A_340 = arith.constant 4 : index
    %get3A_341 = memref.load %arg2[%get3A_338, %get3A_339, %get3A_340] : memref<4x6x128xf32, #tpu.memory_space<smem>>
    %max3A_342 = arith.constant 1.000000e+00 : f32
    %max3A_343 = arith.maximumf %get3A_341, %max3A_342 : f32
    %get3A_344 = arith.index_cast %add3A_0 : i32 to index
    %get3A_345 = arith.constant 1 : index
    %get3A_346 = arith.constant 4 : index
    %get3A_347 = memref.load %arg2[%get3A_344, %get3A_345, %get3A_346] : memref<4x6x128xf32, #tpu.memory_space<smem>>
    %div3A_348 = arith.divf %get3A_347, %max3A_343 : f32
    %get3A_349 = arith.index_cast %add3A_0 : i32 to index
    %get3A_350 = arith.constant 2 : index
    %get3A_351 = arith.constant 4 : index
    %get3A_352 = memref.load %arg2[%get3A_349, %get3A_350, %get3A_351] : memref<4x6x128xf32, #tpu.memory_space<smem>>
    %div3A_353 = arith.divf %get3A_352, %max3A_343 : f32
    %get3A_354 = arith.index_cast %add3A_0 : i32 to index
    %get3A_355 = arith.constant 3 : index
    %get3A_356 = arith.constant 4 : index
    %get3A_357 = memref.load %arg2[%get3A_354, %get3A_355, %get3A_356] : memref<4x6x128xf32, #tpu.memory_space<smem>>
    %mul3A_358 = arith.constant 1.000000e+01 : f32
    %mul3A_359 = arith.mulf %mul3A_358, %get3A_357 : f32
    %div3A_360 = arith.divf %mul3A_359, %max3A_343 : f32
    %exp3A_361 = math.exp %div3A_360 : f32
    %mul3A_362 = arith.constant -2.000000e+00 : f32
    %mul3A_363 = arith.mulf %mul3A_362, %exp3A_361 : f32
    %mul3A_364 = arith.mulf %mul3A_363, %div3A_348 : f32
    %mul3A_365 = arith.constant -2.000000e+00 : f32
    %mul3A_366 = arith.mulf %mul3A_365, %exp3A_361 : f32
    %mul3A_367 = arith.mulf %mul3A_366, %div3A_353 : f32
    %mul3A_368 = arith.mulf %div3A_348, %div3A_348 : f32
    %mul3A_369 = arith.mulf %div3A_353, %div3A_353 : f32
    %add3A_370 = arith.addf %mul3A_368, %mul3A_369 : f32
    %mul3A_371 = arith.mulf %exp3A_361, %add3A_370 : f32
    %mul3A_372 = vector.broadcast %exp3A_361 : f32 to vector<128x512xf32>
    %mul3A_373 = arith.mulf %mul3A_372, %add3A_38 : vector<128x512xf32>
    %mul3A_374 = vector.broadcast %mul3A_364 : f32 to vector<128x512xf32>
    %mul3A_375 = arith.mulf %mul3A_374, %add3A_18 : vector<128x512xf32>
    %add3A_376 = arith.addf %mul3A_373, %mul3A_375 : vector<128x512xf32>
    %mul3A_377 = vector.broadcast %mul3A_367 : f32 to vector<128x512xf32>
    %mul3A_378 = arith.mulf %mul3A_377, %add3A_22 : vector<128x512xf32>
    %add3A_379 = arith.addf %add3A_376, %mul3A_378 : vector<128x512xf32>
    %add3A_380 = vector.broadcast %mul3A_371 : f32 to vector<128x512xf32>
    %add3A_381 = arith.addf %add3A_379, %add3A_380 : vector<128x512xf32>
    %neg3A_382 = arith.constant 0.000000e+00 : f32
    %neg3A_383 = vector.broadcast %neg3A_382 : f32 to vector<128x512xf32>
    %neg3A_384 = arith.subf %neg3A_383, %add3A_381 : vector<128x512xf32>
    %exp3A_385 = math.exp %neg3A_384 : vector<128x512xf32>
    %eq3A_386 = arith.constant 5 : i32
    %eq3A_387 = vector.broadcast %eq3A_386 : i32 to vector<128x512xi32>
    %eq3A_388 = arith.cmpi eq, %get3A_34, %eq3A_387 : vector<128x512xi32>
    %mul3A_389 = arith.constant 1.024000e+03 : f32
    %mul3A_390 = vector.broadcast %mul3A_389 : f32 to vector<128x512xf32>
    %mul3A_391 = arith.mulf %mul3A_390, %exp3A_385 : vector<128x512xf32>
    %convert_element_type3A_392 = arith.fptosi %mul3A_391 : vector<128x512xf32> to vector<128x512xi32>
    %min3A_393 = arith.constant 1023 : i32
    %min3A_394 = vector.broadcast %min3A_393 : i32 to vector<128x512xi32>
    %min3A_395 = arith.minsi %convert_element_type3A_392, %min3A_394 : vector<128x512xi32>
    %sub3A_396 = arith.constant 9215 : i32
    %sub3A_397 = vector.broadcast %sub3A_396 : i32 to vector<128x512xi32>
    %sub3A_398 = arith.subi %sub3A_397, %min3A_395 : vector<128x512xi32>
    %add3A_399 = arith.constant 9216 : i32
    %add3A_400 = vector.broadcast %add3A_399 : i32 to vector<128x512xi32>
    %add3A_401 = arith.addi %add3A_400, %min3A_395 : vector<128x512xi32>
    %select_n3A_402 = arith.select %eq3A_388, %sub3A_398, %add3A_401 : vector<128x512xi1>, vector<128x512xi32>
    %convert_element_type3A_403 = arith.trunci %select_n3A_402 : vector<128x512xi32> to vector<128x512xi16>
    %swap3A_404 = arith.constant 0 : index
    %swap3A_405 = arith.constant 4 : index
    %swap3A_406 = arith.constant 0 : index
    %swap3A_407 = arith.constant 0 : index
    %swap3A_408 = vector.load %arg5[%swap3A_404, %swap3A_405, %swap3A_406, %swap3A_407] : memref<1x7x128x512xi16, #tpu.memory_space<vmem>>, vector<1x1x128x512xi16>
    %swap3A_409 = vector.shape_cast %swap3A_408 : vector<1x1x128x512xi16> to vector<128x512xi16>
    %swap3A_410 = vector.shape_cast %convert_element_type3A_403 : vector<128x512xi16> to vector<1x1x128x512xi16>
    tpu.vector_store %arg5[%swap3A_404, %swap3A_405, %swap3A_406, %swap3A_407], %swap3A_410 {strides = array<i32>} : memref<1x7x128x512xi16, #tpu.memory_space<vmem>>, vector<1x1x128x512xi16>,
    %jit3A_411 = arith.constant 0.000000e+00 : f32
    %broadcast_in_dim3A_412 = vector.broadcast %jit3A_411 : f32 to vector<128x512xf32>
    %select_n3A_413 = arith.select %eq3A_388, %exp3A_385, %broadcast_in_dim3A_412 : vector<128x512xi1>, vector<128x512xf32>
    %add3A_414 = arith.addf %add3A_337, %select_n3A_413 : vector<128x512xf32>
    %get3A_415 = arith.index_cast %add3A_0 : i32 to index
    %get3A_416 = arith.constant 0 : index
    %get3A_417 = arith.constant 5 : index
    %get3A_418 = memref.load %arg2[%get3A_415, %get3A_416, %get3A_417] : memref<4x6x128xf32, #tpu.memory_space<smem>>
    %max3A_419 = arith.constant 1.000000e+00 : f32
    %max3A_420 = arith.maximumf %get3A_418, %max3A_419 : f32
    %get3A_421 = arith.index_cast %add3A_0 : i32 to index
    %get3A_422 = arith.constant 1 : index
    %get3A_423 = arith.constant 5 : index
    %get3A_424 = memref.load %arg2[%get3A_421, %get3A_422, %get3A_423] : memref<4x6x128xf32, #tpu.memory_space<smem>>
    %div3A_425 = arith.divf %get3A_424, %max3A_420 : f32
    %get3A_426 = arith.index_cast %add3A_0 : i32 to index
    %get3A_427 = arith.constant 2 : index
    %get3A_428 = arith.constant 5 : index
    %get3A_429 = memref.load %arg2[%get3A_426, %get3A_427, %get3A_428] : memref<4x6x128xf32, #tpu.memory_space<smem>>
    %div3A_430 = arith.divf %get3A_429, %max3A_420 : f32
    %get3A_431 = arith.index_cast %add3A_0 : i32 to index
    %get3A_432 = arith.constant 3 : index
    %get3A_433 = arith.constant 5 : index
    %get3A_434 = memref.load %arg2[%get3A_431, %get3A_432, %get3A_433] : memref<4x6x128xf32, #tpu.memory_space<smem>>
    %mul3A_435 = arith.constant 1.000000e+01 : f32
    %mul3A_436 = arith.mulf %mul3A_435, %get3A_434 : f32
    %div3A_437 = arith.divf %mul3A_436, %max3A_420 : f32
    %exp3A_438 = math.exp %div3A_437 : f32
    %mul3A_439 = arith.constant -2.000000e+00 : f32
    %mul3A_440 = arith.mulf %mul3A_439, %exp3A_438 : f32
    %mul3A_441 = arith.mulf %mul3A_440, %div3A_425 : f32
    %mul3A_442 = arith.constant -2.000000e+00 : f32
    %mul3A_443 = arith.mulf %mul3A_442, %exp3A_438 : f32
    %mul3A_444 = arith.mulf %mul3A_443, %div3A_430 : f32
    %mul3A_445 = arith.mulf %div3A_425, %div3A_425 : f32
    %mul3A_446 = arith.mulf %div3A_430, %div3A_430 : f32
    %add3A_447 = arith.addf %mul3A_445, %mul3A_446 : f32
    %mul3A_448 = arith.mulf %exp3A_438, %add3A_447 : f32
    %mul3A_449 = vector.broadcast %exp3A_438 : f32 to vector<128x512xf32>
    %mul3A_450 = arith.mulf %mul3A_449, %add3A_38 : vector<128x512xf32>
    %mul3A_451 = vector.broadcast %mul3A_441 : f32 to vector<128x512xf32>
    %mul3A_452 = arith.mulf %mul3A_451, %add3A_18 : vector<128x512xf32>
    %add3A_453 = arith.addf %mul3A_450, %mul3A_452 : vector<128x512xf32>
    %mul3A_454 = vector.broadcast %mul3A_444 : f32 to vector<128x512xf32>
    %mul3A_455 = arith.mulf %mul3A_454, %add3A_22 : vector<128x512xf32>
    %add3A_456 = arith.addf %add3A_453, %mul3A_455 : vector<128x512xf32>
    %add3A_457 = vector.broadcast %mul3A_448 : f32 to vector<128x512xf32>
    %add3A_458 = arith.addf %add3A_456, %add3A_457 : vector<128x512xf32>
    %neg3A_459 = arith.constant 0.000000e+00 : f32
    %neg3A_460 = vector.broadcast %neg3A_459 : f32 to vector<128x512xf32>
    %neg3A_461 = arith.subf %neg3A_460, %add3A_458 : vector<128x512xf32>
    %exp3A_462 = math.exp %neg3A_461 : vector<128x512xf32>
    %eq3A_463 = arith.constant 6 : i32
    %eq3A_464 = vector.broadcast %eq3A_463 : i32 to vector<128x512xi32>
    %eq3A_465 = arith.cmpi eq, %get3A_34, %eq3A_464 : vector<128x512xi32>
    %mul3A_466 = arith.constant 1.024000e+03 : f32
    %mul3A_467 = vector.broadcast %mul3A_466 : f32 to vector<128x512xf32>
    %mul3A_468 = arith.mulf %mul3A_467, %exp3A_462 : vector<128x512xf32>
    %convert_element_type3A_469 = arith.fptosi %mul3A_468 : vector<128x512xf32> to vector<128x512xi32>
    %min3A_470 = arith.constant 1023 : i32
    %min3A_471 = vector.broadcast %min3A_470 : i32 to vector<128x512xi32>
    %min3A_472 = arith.minsi %convert_element_type3A_469, %min3A_471 : vector<128x512xi32>
    %sub3A_473 = arith.constant 11263 : i32
    %sub3A_474 = vector.broadcast %sub3A_473 : i32 to vector<128x512xi32>
    %sub3A_475 = arith.subi %sub3A_474, %min3A_472 : vector<128x512xi32>
    %add3A_476 = arith.constant 11264 : i32
    %add3A_477 = vector.broadcast %add3A_476 : i32 to vector<128x512xi32>
    %add3A_478 = arith.addi %add3A_477, %min3A_472 : vector<128x512xi32>
    %select_n3A_479 = arith.select %eq3A_465, %sub3A_475, %add3A_478 : vector<128x512xi1>, vector<128x512xi32>
    %convert_element_type3A_480 = arith.trunci %select_n3A_479 : vector<128x512xi32> to vector<128x512xi16>
    %swap3A_481 = arith.constant 0 : index
    %swap3A_482 = arith.constant 5 : index
    %swap3A_483 = arith.constant 0 : index
    %swap3A_484 = arith.constant 0 : index
    %swap3A_485 = vector.load %arg5[%swap3A_481, %swap3A_482, %swap3A_483, %swap3A_484] : memref<1x7x128x512xi16, #tpu.memory_space<vmem>>, vector<1x1x128x512xi16>
    %swap3A_486 = vector.shape_cast %swap3A_485 : vector<1x1x128x512xi16> to vector<128x512xi16>
    %swap3A_487 = vector.shape_cast %convert_element_type3A_480 : vector<128x512xi16> to vector<1x1x128x512xi16>
    tpu.vector_store %arg5[%swap3A_481, %swap3A_482, %swap3A_483, %swap3A_484], %swap3A_487 {strides = array<i32>} : memref<1x7x128x512xi16, #tpu.memory_space<vmem>>, vector<1x1x128x512xi16>,
    %jit3A_488 = arith.constant 0.000000e+00 : f32
    %broadcast_in_dim3A_489 = vector.broadcast %jit3A_488 : f32 to vector<128x512xf32>
    %select_n3A_490 = arith.select %eq3A_465, %exp3A_462, %broadcast_in_dim3A_489 : vector<128x512xi1>, vector<128x512xf32>
    %add3A_491 = arith.addf %add3A_414, %select_n3A_490 : vector<128x512xf32>
    %get3A_492 = arith.index_cast %add3A_0 : i32 to index
    %get3A_493 = arith.constant 0 : index
    %get3A_494 = arith.constant 6 : index
    %get3A_495 = memref.load %arg2[%get3A_492, %get3A_493, %get3A_494] : memref<4x6x128xf32, #tpu.memory_space<smem>>
    %max3A_496 = arith.constant 1.000000e+00 : f32
    %max3A_497 = arith.maximumf %get3A_495, %max3A_496 : f32
    %get3A_498 = arith.index_cast %add3A_0 : i32 to index
    %get3A_499 = arith.constant 1 : index
    %get3A_500 = arith.constant 6 : index
    %get3A_501 = memref.load %arg2[%get3A_498, %get3A_499, %get3A_500] : memref<4x6x128xf32, #tpu.memory_space<smem>>
    %div3A_502 = arith.divf %get3A_501, %max3A_497 : f32
    %get3A_503 = arith.index_cast %add3A_0 : i32 to index
    %get3A_504 = arith.constant 2 : index
    %get3A_505 = arith.constant 6 : index
    %get3A_506 = memref.load %arg2[%get3A_503, %get3A_504, %get3A_505] : memref<4x6x128xf32, #tpu.memory_space<smem>>
    %div3A_507 = arith.divf %get3A_506, %max3A_497 : f32
    %get3A_508 = arith.index_cast %add3A_0 : i32 to index
    %get3A_509 = arith.constant 3 : index
    %get3A_510 = arith.constant 6 : index
    %get3A_511 = memref.load %arg2[%get3A_508, %get3A_509, %get3A_510] : memref<4x6x128xf32, #tpu.memory_space<smem>>
    %mul3A_512 = arith.constant 1.000000e+01 : f32
    %mul3A_513 = arith.mulf %mul3A_512, %get3A_511 : f32
    %div3A_514 = arith.divf %mul3A_513, %max3A_497 : f32
    %exp3A_515 = math.exp %div3A_514 : f32
    %mul3A_516 = arith.constant -2.000000e+00 : f32
    %mul3A_517 = arith.mulf %mul3A_516, %exp3A_515 : f32
    %mul3A_518 = arith.mulf %mul3A_517, %div3A_502 : f32
    %mul3A_519 = arith.constant -2.000000e+00 : f32
    %mul3A_520 = arith.mulf %mul3A_519, %exp3A_515 : f32
    %mul3A_521 = arith.mulf %mul3A_520, %div3A_507 : f32
    %mul3A_522 = arith.mulf %div3A_502, %div3A_502 : f32
    %mul3A_523 = arith.mulf %div3A_507, %div3A_507 : f32
    %add3A_524 = arith.addf %mul3A_522, %mul3A_523 : f32
    %mul3A_525 = arith.mulf %exp3A_515, %add3A_524 : f32
    %mul3A_526 = vector.broadcast %exp3A_515 : f32 to vector<128x512xf32>
    %mul3A_527 = arith.mulf %mul3A_526, %add3A_38 : vector<128x512xf32>
    %mul3A_528 = vector.broadcast %mul3A_518 : f32 to vector<128x512xf32>
    %mul3A_529 = arith.mulf %mul3A_528, %add3A_18 : vector<128x512xf32>
    %add3A_530 = arith.addf %mul3A_527, %mul3A_529 : vector<128x512xf32>
    %mul3A_531 = vector.broadcast %mul3A_521 : f32 to vector<128x512xf32>
    %mul3A_532 = arith.mulf %mul3A_531, %add3A_22 : vector<128x512xf32>
    %add3A_533 = arith.addf %add3A_530, %mul3A_532 : vector<128x512xf32>
    %add3A_534 = vector.broadcast %mul3A_525 : f32 to vector<128x512xf32>
    %add3A_535 = arith.addf %add3A_533, %add3A_534 : vector<128x512xf32>
    %neg3A_536 = arith.constant 0.000000e+00 : f32
    %neg3A_537 = vector.broadcast %neg3A_536 : f32 to vector<128x512xf32>
    %neg3A_538 = arith.subf %neg3A_537, %add3A_535 : vector<128x512xf32>
    %exp3A_539 = math.exp %neg3A_538 : vector<128x512xf32>
    %eq3A_540 = arith.constant 7 : i32
    %eq3A_541 = vector.broadcast %eq3A_540 : i32 to vector<128x512xi32>
    %eq3A_542 = arith.cmpi eq, %get3A_34, %eq3A_541 : vector<128x512xi32>
    %mul3A_543 = arith.constant 1.024000e+03 : f32
    %mul3A_544 = vector.broadcast %mul3A_543 : f32 to vector<128x512xf32>
    %mul3A_545 = arith.mulf %mul3A_544, %exp3A_539 : vector<128x512xf32>
    %convert_element_type3A_546 = arith.fptosi %mul3A_545 : vector<128x512xf32> to vector<128x512xi32>
    %min3A_547 = arith.constant 1023 : i32
    %min3A_548 = vector.broadcast %min3A_547 : i32 to vector<128x512xi32>
    %min3A_549 = arith.minsi %convert_element_type3A_546, %min3A_548 : vector<128x512xi32>
    %sub3A_550 = arith.constant 13311 : i32
    %sub3A_551 = vector.broadcast %sub3A_550 : i32 to vector<128x512xi32>
    %sub3A_552 = arith.subi %sub3A_551, %min3A_549 : vector<128x512xi32>
    %add3A_553 = arith.constant 13312 : i32
    %add3A_554 = vector.broadcast %add3A_553 : i32 to vector<128x512xi32>
    %add3A_555 = arith.addi %add3A_554, %min3A_549 : vector<128x512xi32>
    %select_n3A_556 = arith.select %eq3A_542, %sub3A_552, %add3A_555 : vector<128x512xi1>, vector<128x512xi32>
    %convert_element_type3A_557 = arith.trunci %select_n3A_556 : vector<128x512xi32> to vector<128x512xi16>
    %swap3A_558 = arith.constant 0 : index
    %swap3A_559 = arith.constant 6 : index
    %swap3A_560 = arith.constant 0 : index
    %swap3A_561 = arith.constant 0 : index
    %swap3A_562 = vector.load %arg5[%swap3A_558, %swap3A_559, %swap3A_560, %swap3A_561] : memref<1x7x128x512xi16, #tpu.memory_space<vmem>>, vector<1x1x128x512xi16>
    %swap3A_563 = vector.shape_cast %swap3A_562 : vector<1x1x128x512xi16> to vector<128x512xi16>
    %swap3A_564 = vector.shape_cast %convert_element_type3A_557 : vector<128x512xi16> to vector<1x1x128x512xi16>
    tpu.vector_store %arg5[%swap3A_558, %swap3A_559, %swap3A_560, %swap3A_561], %swap3A_564 {strides = array<i32>} : memref<1x7x128x512xi16, #tpu.memory_space<vmem>>, vector<1x1x128x512xi16>,
    %jit3A_565 = arith.constant 0.000000e+00 : f32
    %broadcast_in_dim3A_566 = vector.broadcast %jit3A_565 : f32 to vector<128x512xf32>
    %select_n3A_567 = arith.select %eq3A_542, %exp3A_539, %broadcast_in_dim3A_566 : vector<128x512xi1>, vector<128x512xf32>
    %add3A_568 = arith.addf %add3A_491, %select_n3A_567 : vector<128x512xf32>
    %gt3A = arith.constant 0 : i32
    %gt3A_569 = vector.broadcast %gt3A : i32 to vector<128x512xi32>
    %gt3A_570 = arith.cmpi sgt, %get3A_34, %gt3A_569 : vector<128x512xi32>
    %sub3A_571 = arith.subf %logistic3A_29, %add3A_568 : vector<128x512xf32>
    %integer_pow3A = arith.mulf %sub3A_571, %sub3A_571 : vector<128x512xf32>
    %jit3A_572 = arith.constant 0.000000e+00 : f32
    %broadcast_in_dim3A_573 = vector.broadcast %jit3A_572 : f32 to vector<128x512xf32>
    %select_n3A_574 = arith.select %gt3A_570, %integer_pow3A, %broadcast_in_dim3A_573 : vector<128x512xi1>, vector<128x512xf32>
    %reduce_sum3A = vector.shape_cast %select_n3A_574 : vector<128x512xf32> to vector<1x128x512xf32>
    %reduce_sum3A_575 = arith.constant dense<0.000000e+00> : vector<1xf32>
    %reduce_sum3A_576 = vector.multi_reduction <add>, %reduce_sum3A, %reduce_sum3A_575 [1, 2] : vector<1x128x512xf32> to vector<1xf32>
    %reduce_sum3A_577 = vector.shape_cast %reduce_sum3A_576 : vector<1xf32> to vector<1x1x1xf32>
    %reduce_sum3A_578 = vector.extract %reduce_sum3A_577[0, 0, 0] : f32 from vector<1x1x1xf32>
    %eq3A_579 = arith.constant 0 : i32
    %eq3A_580 = vector.broadcast %eq3A_579 : i32 to vector<1x128xi32>
    %eq3A_581 = arith.cmpi eq, %iota3A_35, %eq3A_580 : vector<1x128xi32>
    %jit3A_582 = arith.constant 0.000000e+00 : f32
    %broadcast_in_dim3A_583 = vector.broadcast %reduce_sum3A_578 : f32 to vector<1x128xf32>
    %broadcast_in_dim3A_584 = vector.broadcast %jit3A_582 : f32 to vector<1x128xf32>
    %select_n3A_585 = arith.select %eq3A_581, %broadcast_in_dim3A_583, %broadcast_in_dim3A_584 : vector<1x128xi1>, vector<1x128xf32>
    %eq3A_586 = arith.constant 0 : i32
    %eq3A_587 = arith.cmpi eq, %arg1, %eq3A_586 : i32
    %convert_element_type3A_588 = arith.extui %eq3A_587 : i1 to i32
    %cond3A = arith.constant 0 : i32
    %cond3A_589 = arith.cmpi ne, %convert_element_type3A_588, %cond3A : i32
    scf.if %cond3A_589 {
      %swap3A_594 = arith.constant 0 : index
      %swap3A_595 = arith.constant 0 : index
      %swap3A_596 = arith.constant 0 : index
      %swap3A_597 = vector.load %arg6[%swap3A_594, %swap3A_595, %swap3A_596] : memref<1x1x128xf32, #tpu.memory_space<vmem>>, vector<1x1x128xf32>
      %swap3A_598 = vector.shape_cast %swap3A_597 : vector<1x1x128xf32> to vector<1x128xf32>
      %swap3A_599 = vector.shape_cast %select_n3A_585 : vector<1x128xf32> to vector<1x1x128xf32>
      tpu.vector_store %arg6[%swap3A_594, %swap3A_595, %swap3A_596], %swap3A_599 {strides = array<i32>} : memref<1x1x128xf32, #tpu.memory_space<vmem>>, vector<1x1x128xf32>,
    } else {
    }
    %ne3A = arith.constant 0 : i32
    %ne3A_590 = arith.cmpi ne, %arg1, %ne3A : i32
    %convert_element_type3A_591 = arith.extui %ne3A_590 : i1 to i32
    %cond3A_592 = arith.constant 0 : i32
    %cond3A_593 = arith.cmpi ne, %convert_element_type3A_591, %cond3A_592 : i32
    scf.if %cond3A_593 {
      %get3A_594 = arith.constant 0 : index
      %get3A_595 = arith.constant 0 : index
      %get3A_596 = arith.constant 0 : index
      %get3A_597 = vector.load %arg6[%get3A_594, %get3A_595, %get3A_596] : memref<1x1x128xf32, #tpu.memory_space<vmem>>, vector<1x1x128xf32>
      %get3A_598 = vector.shape_cast %get3A_597 : vector<1x1x128xf32> to vector<1x128xf32>
      %add3A_599 = arith.addf %get3A_598, %select_n3A_585 : vector<1x128xf32>
      %swap3A_600 = arith.constant 0 : index
      %swap3A_601 = arith.constant 0 : index
      %swap3A_602 = arith.constant 0 : index
      %swap3A_603 = vector.load %arg6[%swap3A_600, %swap3A_601, %swap3A_602] : memref<1x1x128xf32, #tpu.memory_space<vmem>>, vector<1x1x128xf32>
      %swap3A_604 = vector.shape_cast %swap3A_603 : vector<1x1x128xf32> to vector<1x128xf32>
      %swap3A_605 = vector.shape_cast %add3A_599 : vector<1x128xf32> to vector<1x1x128xf32>
      tpu.vector_store %arg6[%swap3A_600, %swap3A_601, %swap3A_602], %swap3A_605 {strides = array<i32>} : memref<1x1x128xf32, #tpu.memory_space<vmem>>, vector<1x1x128xf32>,
    } else {
    }
    return
  }
  func.func @transform_0(%arg0: i32, %arg1: i32) -> (i32, i32, i32) {
    %c0_i32 = arith.constant 0 : i32
    %c0_i32_0 = arith.constant 0 : i32
    %c0_i32_1 = arith.constant 0 : i32
    %c0_i32_2 = arith.constant 0 : i32
    return %c0_i32, %c0_i32_0, %c0_i32_1 : i32, i32, i32
  }
  func.func @transform_1(%arg0: i32, %arg1: i32) -> (i32, i32, i32, i32) {
    %add3A = arith.constant 2 : i32
    %add3A_0 = arith.addi %arg0, %add3A : i32
    %c0_i32 = arith.constant 0 : i32
    %c0_i32_1 = arith.constant 0 : i32
    %c0_i32_2 = arith.constant 0 : i32
    return %add3A_0, %c0_i32, %arg1, %c0_i32_1 : i32, i32, i32, i32
  }
  func.func @transform_2(%arg0: i32, %arg1: i32) -> (i32, i32, i32) {
    %add3A = arith.constant 2 : i32
    %add3A_0 = arith.addi %arg0, %add3A : i32
    %c0_i32 = arith.constant 0 : i32
    %c0_i32_1 = arith.constant 0 : i32
    return %add3A_0, %arg1, %c0_i32 : i32, i32, i32
  }
  func.func @transform_3(%arg0: i32, %arg1: i32) -> (i32, i32, i32, i32) {
    %c0_i32 = arith.constant 0 : i32
    %c0_i32_0 = arith.constant 0 : i32
    %c0_i32_1 = arith.constant 0 : i32
    return %arg0, %c0_i32, %arg1, %c0_i32_0 : i32, i32, i32, i32
  }
  func.func @transform_4(%arg0: i32, %arg1: i32) -> (i32, i32, i32) {
    %c0_i32 = arith.constant 0 : i32
    %c0_i32_0 = arith.constant 0 : i32
    %c0_i32_1 = arith.constant 0 : i32
    return %arg0, %c0_i32, %c0_i32_0 : i32, i32, i32
  }
}

</mosaic_0001>

<sc_bundles>
// kernel: kernel.11.cloned.1.call-start
scs
__scs_entry_jumppad:
0x0: {  	(pc) =	sbr.rel $0x88, $3  }
0x1: {  	(tag) =	ssettag $0x0;
	lr =	simm.s32 $0x1  }
0x2: {  	[smem:$0x3F9E] =	sst lr;
	_ =	strace $0xD0000000  }
0x3: {  	_ = 	snop  }
0x4: {  	_ = 	snop  }
0x5: {  	_ = 	snop  }
0x6: {  	_ = 	snop  }
0x7: {  	_ = 	snop  }
__scs_overlays_trampoline_lowered:
0x8: {  	[smem:$0x3FAD] =	sst s0  }
0x9: {  	[smem:$0x3FAE] =	sst s1  }
0xa: {  	[smem:$0x3FAF] =	sst s2  }
0xb: {  	[smem:$0x3FB0] =	sst s3  }
0xc: {  	[smem:$0x3FB1] =	sst s4  }
0xd: {  	[smem:$0x3FB2] =	sst s5  }
0xe: {  	[smem:$0x3FB3] =	sst s6  }
0xf: {  	[smem:$0x3FB4] =	sst s7  }
0x10: {  	[smem:$0x3FB5] =	sst s8  }
0x11: {  	[smem:$0x3FB6] =	sst s9;
	s0 =	simm.s32 @!p0 $0x0  }
0x12: {  	s1 =	sld [smem:$0x3F9C];
	s0 =	simm.s32 @p0 $0x1  }
0x13: {  	[smem:$0x3FB7] =	sst s0;
	s0 =	simm.s32 @!p1 $0x0  }
0x14: {  	s2 =	sld [smem:$0x3F9B];
	s0 =	simm.s32 @p1 $0x1  }
0x15: {  	[smem:$0x3FB8] =	sst s0;
	s0 =	simm.s32 @!p2 $0x0  }
0x16: {  	s3 =	sld [smem:$0x3FDB];
	s0 =	simm.s32 @p2 $0x1  }
0x17: {  	s4 =	simm.s32 $0x1BF5;
	[smem:$0x3FBA] =	sst s0  }
0x18: {  	s0 =	sld [smem:$0x3F9D];
	_ =	swait.ge [sflag:s4], $0x0  }
0x19: {  	s7 =	sld [smem:$0x3F9E]  }
0x1a: {  	s8 =	sadd.s32 $0xFFFFE003, lr  }
0x1b: {  	s9 =	sadd.s32 $0xFFFFFEF7, lr;
	s5 =	simm.s32 $0xFFFFFFFF;
	p2 =	slt.u32 s8, $0xFFFFF086  }
0x1c: {  	p1 =	slt.u32 s9, $0xF7A;
	s5 =	simm.s32 @!p2 $0x0  }
0x1d: {  	s5 =	simm.s32 @p1 $0x1;
	p0 =	seq.s32 s7, s2  }
0x1e: {  	s7 =	smul.u32 @!p0 $0xF7A, s2;
	p2 =	seq.s32 @!p0 s5, $0x0  }
0x1f: {  	s9 =	smul.u32 $0xF7A, s1;
	s8 =	simm.s32 @!p0 $0x1BF5;
	p2 =	por !p2, p0  }
0x20: {  	[sflag:s8] =	ssyncset.s32 @!p0 $0xFFFFF086;
	s6 =	sadd.s32 @!p0 s3, s7;
	s7 =	simm.s32 @!p0 $0x108  }
0x21: {  	s3 =	sadd.s32 s3, s9;
	s6 =	sadd.s32 @!p0 $0x88, s6;
	s7 =	simm.s32 @p2 $0x1082  }
0x22: {  	[simem:s7], [sflag:s8] =	dma.local @!p0 [hbm:s6], $0xF7A  }
0x23: {  	s9 =	sor.u32 $0xD0000000, s2;
	s6 =	simm.s32 $0x108;
	_ =	swait.ge @!p0 [sflag:s8], $0x0  }
0x24: {  	s3 =	sadd.s32 $0x88, s3;
	s6 =	simm.s32 @!p1 $0x1082;
	[sflag:s4] =	ssyncset.s32 $0xFFFFF086  }
0x25: {  	[simem:s6], [sflag:s4] =	dma.local [hbm:s3], $0xF7A  }
0x26: {  	[smem:$0x3F9E] =	sst s1;
	(tag) =	ssettag s2;
	_ =	strace s9  }
0x27: {  	s1 =	sld [smem:$0x3FAE]  }
0x28: {  	s2 =	sld [smem:$0x3FAF]  }
0x29: {  	s4 =	sld [smem:$0x3FB1]  }
0x2a: {  	p0 =	seq.s32 s5, $0x0;
	s5 =	sld [smem:$0x3FB2]  }
0x2b: {  	s6 =	sld [smem:$0x3FB3]  }
0x2c: {  	s7 =	sld [smem:$0x3FB4]  }
0x2d: {  	s3 =	simm.s32 $0x108;
	s8 =	sld [smem:$0x3FB5]  }
0x2e: {  	s3 =	simm.s32 @!p0 $0x1082;
	s9 =	sld [smem:$0x3FB6]  }
0x2f: {  	lr =	sadd.s32 s0, s3;
	s0 =	sld [smem:$0x3FAD]  }
0x30: {  	s3 =	sld [smem:$0x3FB0]  }
0x31: {  	[smem:$0x3FB9] =	sst s10  }
0x32: {  	s10 =	sld [smem:$0x3FB7];
	_ =	sdelay $0x3  }
0x33: {  	p0 =	seq.s32 s10, $0x1;
	s10 =	sld [smem:$0x3FB9];
	_ =	sdelay $0x3  }
0x34: {  	[smem:$0x3FB9] =	sst s10  }
0x35: {  	s10 =	sld [smem:$0x3FB8];
	_ =	sdelay $0x3  }
0x36: {  	p1 =	seq.s32 s10, $0x1;
	s10 =	sld [smem:$0x3FB9];
	_ =	sdelay $0x3  }
0x37: {  	[smem:$0x3FB9] =	sst s10  }
0x38: {  	s10 =	sld [smem:$0x3FBA]  }
0x39: {  	_ = 	snop;
	(pc) =	sbr.ind lr, $3  }
0x3a: {  	_ = 	snop  }
0x3b: {  	_ = 	snop  }
0x3c: {  	p2 =	seq.s32 s10, $0x1;
	s10 =	sld [smem:$0x3FB9]  }
0x3d: {  	_ =	shalt  }
0x3e: {  	_ =	shalt  }
0x3f: {  	_ =	shalt  }
0x40: {  	_ =	shalt  }
0x41: {  	_ =	shalt  }
0x42: {  	_ =	shalt  }
0x43: {  	_ =	shalt  }
0x44: {  	_ =	shalt  }
0x45: {  	_ =	shalt  }
0x46: {  	_ =	shalt  }
0x47: {  	_ =	shalt  }
0x48: {  	_ =	shalt  }
0x49: {  	_ =	shalt  }
0x4a: {  	_ =	shalt  }
0x4b: {  	_ =	shalt  }
0x4c: {  	_ =	shalt  }
0x4d: {  	_ =	shalt  }
0x4e: {  	_ =	shalt  }
0x4f: {  	_ =	shalt  }
0x50: {  	_ =	shalt  }
0x51: {  	_ =	shalt  }
0x52: {  	_ =	shalt  }
0x53: {  	_ =	shalt  }
0x54: {  	_ =	shalt  }
0x55: {  	_ =	shalt  }
0x56: {  	_ =	shalt  }
0x57: {  	_ =	shalt  }
0x58: {  	_ =	shalt  }
0x59: {  	_ =	shalt  }
0x5a: {  	_ =	shalt  }
0x5b: {  	_ =	shalt  }
0x5c: {  	_ =	shalt  }
0x5d: {  	_ =	shalt  }
0x5e: {  	_ =	shalt  }
0x5f: {  	_ =	shalt  }
0x60: {  	_ =	shalt  }
0x61: {  	_ =	shalt  }
0x62: {  	_ =	shalt  }
0x63: {  	_ =	shalt  }
0x64: {  	_ =	shalt  }
0x65: {  	_ =	shalt  }
0x66: {  	_ =	shalt  }
0x67: {  	_ =	shalt  }
0x68: {  	_ =	shalt  }
0x69: {  	_ =	shalt  }
0x6a: {  	_ =	shalt  }
0x6b: {  	_ =	shalt  }
0x6c: {  	_ =	shalt  }
0x6d: {  	_ =	shalt  }
0x6e: {  	_ =	shalt  }
0x6f: {  	_ =	shalt  }
0x70: {  	_ =	shalt  }
0x71: {  	_ =	shalt  }
0x72: {  	_ =	shalt  }
0x73: {  	_ =	shalt  }
0x74: {  	_ =	shalt  }
0x75: {  	_ =	shalt  }
0x76: {  	_ =	shalt  }
0x77: {  	_ =	shalt  }
0x78: {  	_ =	shalt  }
0x79: {  	_ =	shalt  }
0x7a: {  	_ =	shalt  }
0x7b: {  	_ =	shalt  }
0x7c: {  	_ =	shalt  }
0x7d: {  	_ =	shalt  }
0x7e: {  	_ =	shalt  }
0x7f: {  	_ =	shalt  }
0x80: {  	_ =	shalt  }
0x81: {  	_ =	shalt  }
0x82: {  	_ =	shalt  }
0x83: {  	_ =	shalt  }
0x84: {  	_ =	shalt  }
0x85: {  	_ =	shalt  }
0x86: {  	_ =	shalt  }
0x87: {  	_ =	shalt  }
.Lfunc_end0:
.L_simem_size_0:
called_computation.1_lowered:
.L_overlay_start_0:
0x88: {  	s2 =	sld [smem:$0x3FD9]  }
0x89: {  	s3 =	sld [smem:$0x3FFE];
	_ =	sdelay $0x1  }
0x8a: {  	s1 =	srdreg.scid  }
0x8b: {  	s0 =	sand.u32 $0x1, s1  }
0x8c: {  	s16 =	sshll.u32 s0, $0xA;
	s2 =	sadd.s32 s3, s2  }
0x8d: {  	s2 =	sadd.s32 s2, s16  }
0x8e: {  	[smem:$0x3FC5] =	sst s2  }
0x8f: {  	_ = 	snop  }
0x90: {  	(tm) =	ssettm $0x1  }
0x91: {  	s17 =	sld [smem:$0x3FFB];
	_ =	sdelay $0x3  }
0x92: {  	_ =	strace s17  }
0x93: {  	s2 =	sld [smem:$0x3FFC];
	_ =	sdelay $0x3  }
0x94: {  	_ =	strace s2  }
0x95: {  	s2 =	sld [smem:$0x3FFD];
	_ =	sdelay $0x3  }
0x96: {  	_ =	strace s2  }
0x97: {  	_ =	strace $0x8FFFFFFF  }
0x98: {  	s18 =	sld [smem:$0x3FDB];
	_ =	sdelay $0x1  }
0x99: {  	s19 =	simm.s32 $_scs_section_size  }
0x9a: {  	s4 =	simm.s32 $_size__tile_overlayer_lowered;
	s5 =	simm.s32 $_tile_overlayer_lowered  }
0x9b: {  	s22 =	simm.s32 $0x1BFF;
	s21 =	sshll.u32 s5, $0x1;
	s2 =	sadd.s32 s19, s18  }
0x9c: {  	s6 =	simm.s32 $0x0;
	s20 =	sshll.u32 s4, $0x1;
	s4 =	sadd.s32 s21, s2  }
0x9d: {  	[timem:s6], [sflag:s22] =	dma.local [hbm:s4], s20  }
0x9e: {  	_ =	swait.ge [sflag:s22], s20  }
0x9f: {  	s3 =	ssub.s32 $0x0, s20;
	[sflag:s22] =	ssyncset.done $0x0  }
0xa0: {  	[sflag:s22] =	ssyncadd.s32 s3;
	_ =	sdelay $0x1  }
0xa1: {  	s23 =	simm.s32 $0x1B8B  }
0xa2: {  	_ =	swait.ge [sflag:s23], $0x1  }
0xa3: {  	[sflag:s23] =	ssyncset.done $0x0  }
0xa4: {  	s25 =	simm.s32 $0x1B8E;
	s24 =	sld [smem:$0x3FFE];
	[sflag:s23] =	ssyncadd.s32 $0xFFFFFFFF  }
0xa5: {  	s26 =	simm.s32 $execute0_lowered;
	[smem:$0x3FD2] =	sst s25  }
0xa6: {  	s4 =	sshll.u32 s26, $0x1;
	_ =	strace $0x80000046;
	[dreg:$0x1] =	wrdreg $0xFFFFFFFF  }
0xa7: {  	s28 =	simm.s32 $_size_execute0_lowered;
	s2 =	sadd.s32 s2, s4;
	[dreg:$0x0] =	wrdreg $0x0  }
0xa8: {  	s4 =	sshll.u32 s28, $0x1;
	[dreg:$0x2] =	wrdreg s2  }
0xa9: {  	[dreg:$0x3] =	wrdreg s4  }
0xaa: {  	[dreg:$0x4] =	wrdreg $0xC0  }
0xab: {  	_ =	task [dreg:s6], $0x5FFFF  }
0xac: {  	[dreg:$0x1] =	wrdreg $0xFFFFFFFF  }
0xad: {  	[dreg:$0x0] =	wrdreg $0x60  }
0xae: {  	[dreg:$0x2] =	wrdreg s24  }
0xaf: {  	[dreg:$0x3] =	wrdreg $0xA  }
0xb0: {  	_ =	task.clear_ibuf [dreg:s6], $0x4FFFF;
	_ =	strace $0x90000046  }
0xb1: {  	s29 =	simm.s32 $0xA;
	_ =	strace $0x80000048  }
0xb2: {  	_ =	swait.ge [sflag:s29], $0x1  }
0xb3: {  	[sflag:s29] =	ssyncadd.s32 $0xFFFFFFFF  }
0xb4: {  	_ =	strace $0x90000048  }
0xb5: {  	_ =	sfence  }
0xb6: {  	s30 =	sld [smem:$0x0];
	_ =	sdelay $0x2  }
0xb7: {  	s31 =	sshll.u32 s1, $0xD;
	s1 =	sshrl.u32 s1, $0x2  }
0xb8: {  	s3 =	sand.u32 $0x4000, s31;
	s1 =	sadd.s32 s1, s30  }
0xb9: {  	s0 =	sor.u32 s3, s0;
	s1 =	sshll.u32 s1, $0x11  }
0xba: {  	s0 =	sor.u32 s1, s0  }
0xbb: {  	s0 =	sadd.s32 $0x8F2B, s0  }
0xbc: {  	[sflag:s0] =	ssyncadd.remote.s32 $0x1  }
0xbd: {  	_ =	sfence.sel $0xFFFF  }
0xbe: {  	[dreg:$0x0] =	wrdreg $0xFFFFFFFF;
	(pc) =	sbr.abs _section_cstart, $3  }
0xbf: {  	[dreg:$0x1] =	wrdreg $0xFFFFFFFF  }
0xc0: {  	_ =	task.clear_ibuf [dreg:s6], $0x2FFFF;
	_ =	strace $0x9FFFFFFF  }
0xc1: {  	(tm) =	ssettm $0x7FFFFFFF  }
tec
execute0_lowered:
.L_overlay_start_1:
0x0: {  	(tag) =	ssettag $0x1  }
0x1: {  	s4 =	rddreg [dreg:$0x0]  }
0x2: {  	s0 =	rddreg [dreg:$0x1];
	s2 =	simm.s32 $0x0;
	s3 =	srdreg.scid  }
0x3: {  	s1 =	stileid.u32;
	s12 =	simm.s32 $0x200;
	s13 =	simm.s32 $0x800  }
0x4: {  	s14 =	simm.s32 $0x400;
	s15 =	simm.s32 $0xC00;
	s16 =	simm.s32 $0x1000  }
0x5: {  	s17 =	simm.s32 $0x1400;
	s18 =	simm.s32 $0x1800;
	s19 =	simm.s32 $0x1C00  }
0x6: {  	s20 =	simm.s32 $0x1;
	s21 =	simm.s32 $0x2000;
	s22 =	simm.s32 $0x2  }
0x7: {  	s23 =	simm.s32 $0x80;
	s24 =	simm.s32 $0x3;
	[smem:$0x7FF] =	sst s2  }
0x8: {  	s5 =	sand.u32 $0x1, s3;
	s29 =	sshll.u32 s1, $0x1;
	s3 =	sadd.s32 $0x1A00, s4  }
0x9: {  	s7 =	sshrl.u32 s1, $0x2;
	s9 =	sshrl.u32 s1, $0x3;
	_ =	strace $0x80000047  }
0xa: {  	s6 =	sor.u32 s5, s29;
	s7 =	smul.u32 $0x1C000, s7;
	s10 =	sshll.u32 s9, $0x12  }
0xb: {  	s9 =	smul.u32 $0x1C0000, s9;
	s8 =	sshll.u32 s6, $0x7;
	s6 =	sshll.u32 s6, $0xE  }
0xc: {  	s5 =	ssub.s32 $0x2, s5;
	s8 =	sand.u32 $0x380, s8;
	s6 =	ssub.s32 s6, s10  }
0xd: {  	s30 =	sshrl.u32 s5, $0x1;
	s7 =	sor.u32 s7, s8;
	s6 =	sadd.s32 s9, s6  }
0xe: {  	s8 =	ssub.s32 s5, s30;
	s7 =	sshrl.u32 s7, $0x3;
	s31 =	sshrl.u32 s6, $0x4  }
0xf: {  	s5 =	sor.u32 $0x2000, s6;
	s6 =	sadd.s32 $0x40000, s6;
	s7 =	sadd.s32 s7, s4  }
0x10: {  	s8 =	smax.u32 s8, $0x1;
	s4 =	sadd.s32 s3, s31;
	s7 =	sadd.s32 $0x39A00, s7  }
0x11: {  	v0 =	vimm.f32 $0.0e+00;
	v1 =	vimm.f32 $1.000000000e+00;
	s9 =	sadd.s32 $0x40, s4;
	s10 =	sadd.s32 $0x80, s4;
	s11 =	sadd.s32 $0xC0, s4  }
.LBB2_1:
0x12: {  	s25 =	simm.s32 $0x2040  }
0x13: {  	[tilespmem:s25+$0xFFFFFFC0] =	vst v0  }
0x14: {  	[tilespmem:s25+$0x30] =	vst v0  }
0x15: {  	[tilespmem:s25+$0x20] =	vst v0  }
0x16: {  	[tilespmem:s25+$0x10] =	vst v0  }
0x17: {  	[tilespmem:s25+$0x0] =	vst v0  }
0x18: {  	[tilespmem:s25+$0xFFFFFFF0] =	vst v0  }
0x19: {  	s26 =	simm.s32 $0x0;
	[tilespmem:s25+$0xFFFFFFE0] =	vst v0  }
.LBB2_2:
0x1a: {  	s26 =	sadd.s32 $0x8, s26;
	[tilespmem:s25+$0xFFFFFFD0] =	vst v0;
	s25 =	sadd.s32 $0x80, s25  }
0x1b: {  	[tilespmem:s25+$0xFFFFFFC0] =	vst v0;
	p0 =	slt.u32 s26, $0x378  }
0x1c: {  	[tilespmem:s25+$0x30] =	vst v0  }
.Ltmp0:
0x1d: {  	[tilespmem:s25+$0x20] =	vst v0;
	(pc) =	sbr.rel @p0 .LBB2_2-.Ltmp0, $4  }
0x1e: {  	[tilespmem:s25+$0x10] =	vst v0  }
0x1f: {  	[tilespmem:s25+$0x0] =	vst v0  }
0x20: {  	[tilespmem:s25+$0xFFFFFFF0] =	vst v0  }
0x21: {  	[tilespmem:s25+$0xFFFFFFE0] =	vst v0  }
0x22: {  	[tilespmem:s25+$0xFFFFFFD0] =	vst v0;
	s25 =	simm.s32 $0x0  }
0x23: {  	[tilespmem:s25], [sflag:$0x1] =	stream.strided.gather [hbm4b:s4+s12], $0x400, s13, s12, $0x38;
	[tilespmem:$0x5800] =	vst v63  }
0x24: {  	_ = 	snop  }
0x25: {  	[tilespmem:s14], [sflag:$0x1] =	stream.strided.gather [hbm4b:s9+s12], $0x400, s13, s12, $0x38;
	[tilespmem:$0x5800] =	vst v63  }
0x26: {  	_ = 	snop  }
0x27: {  	[tilespmem:s13], [sflag:$0x1] =	stream.strided.gather [hbm4b:s10+s12], $0x400, s13, s12, $0x38;
	[tilespmem:$0x5800] =	vst v63  }
0x28: {  	_ = 	snop  }
0x29: {  	[tilespmem:s15], [sflag:$0x1] =	stream.strided.gather [hbm4b:s11+s12], $0x400, s13, s12, $0x38;
	[tilespmem:$0x5800] =	vst v63  }
.LBB2_4:
0x2a: {  	s26 =	sshll.u32 s25, $0x12  }
0x2b: {  	s28 =	sadd.s32 s26, s5  }
0x2c: {  	s28 =	sshrl.u32 s28, $0x4  }
0x2d: {  	s28 =	sadd.s32 s3, s28  }
0x2e: {  	[tilespmem:s16], [sflag:$0x2] =	stream.strided.gather [hbm4b:s28+s12], $0x400, s13, s12, $0x38;
	[tilespmem:$0x5800] =	vst v63  }
0x2f: {  	s29 =	sadd.s32 $0x40, s28  }
0x30: {  	[tilespmem:s17], [sflag:$0x2] =	stream.strided.gather [hbm4b:s29+s12], $0x400, s13, s12, $0x38;
	[tilespmem:$0x5800] =	vst v63  }
0x31: {  	s29 =	sadd.s32 $0x80, s28  }
0x32: {  	[tilespmem:s18], [sflag:$0x2] =	stream.strided.gather [hbm4b:s29+s12], $0x400, s13, s12, $0x38;
	[tilespmem:$0x5800] =	vst v63  }
0x33: {  	s28 =	sadd.s32 $0xC0, s28  }
0x34: {  	[tilespmem:s19], [sflag:$0x2] =	stream.strided.gather [hbm4b:s28+s12], $0x400, s13, s12, $0x38;
	[tilespmem:$0x5800] =	vst v63  }
0x35: {  	s29 =	simm.s32 $0x0;
	s28 =	simm.s32 $0x0;
	_ =	swait.ge [sflag:s20], $0x1000  }
0x36: {  	s29 =	sand.u32 $0x380, s29;
	s28 =	sand.u32 $0x800, s28;
	[sflag:s20] =	ssyncset.done $0x0  }
0x37: {  	s28 =	sor.u32 s29, s28;
	[sflag:s20] =	ssyncadd.s32 $0xFFFFF000  }
0x38: {  	v2 =	vld [tilespmem:s28+$0x460]  }
0x39: {  	v3 =	vld [tilespmem:s28+$0x0]  }
0x3a: {  	v4 =	vld [tilespmem:s28+$0x20]  }
0x3b: {  	v7 =	vld [tilespmem:s28+$0x60];
	_ =	sdelay $0x1  }
0x3c: {  	v6 =	vunpack.i.l.s16.s32 v2  }
0x3d: {  	v5 =	vld [tilespmem:s28+$0x40];
	v9 =	vunpack.i.l.s16.s32 v3  }
0x3e: {  	v8 =	vld [tilespmem:s28+$0x400];
	v11 =	vunpack.i.l.s16.s32 v4  }
0x3f: {  	v10 =	vld [tilespmem:s28+$0x420];
	v63 =	vunpack.i.l.s16.s32 v7  }
0x40: {  	v12 =	vld [tilespmem:s28+$0x440];
	v2 =	vunpack.i.u.s16.s32 v2  }
0x41: {  	v3 =	vunpack.i.u.s16.s32 v3;
	[tilespmem:v6+s21+$0x0] =	vst.idx.add.f32.msk $0xffff, v1  }
0x42: {  	v4 =	vunpack.i.u.s16.s32 v4;
	[tilespmem:v9+s21+$0x0] =	vst.idx.add.f32.msk $0xffff, v1  }
0x43: {  	v6 =	vunpack.i.l.s16.s32 v5;
	[tilespmem:v11+s21+$0x0] =	vst.idx.add.f32.msk $0xffff, v1  }
0x44: {  	v13 =	vunpack.i.u.s16.s32 v7;
	[tilespmem:v63+s21+$0x0] =	vst.idx.add.f32.msk $0xffff, v1  }
0x45: {  	[tilespmem:v2+s21+$0x0] =	vst.idx.add.f32.msk $0xffff, v1;
	v2 =	vunpack.i.u.s16.s32 v5  }
0x46: {  	v7 =	vunpack.i.l.s16.s32 v8;
	[tilespmem:v3+s21+$0x0] =	vst.idx.add.f32.msk $0xffff, v1  }
0x47: {  	[tilespmem:v4+s21+$0x0] =	vst.idx.add.f32.msk $0xffff, v1;
	v5 =	vunpack.i.u.s16.s32 v8  }
0x48: {  	[tilespmem:v6+s21+$0x0] =	vst.idx.add.f32.msk $0xffff, v1;
	v6 =	vunpack.i.l.s16.s32 v10  }
0x49: {  	v4 =	vunpack.i.u.s16.s32 v10;
	[tilespmem:v13+s21+$0x0] =	vst.idx.add.f32.msk $0xffff, v1  }
0x4a: {  	s29 =	simm.s32 $0x0;
	s28 =	simm.s32 $0x0;
	v3 =	vunpack.i.l.s16.s32 v12;
	[tilespmem:v2+s21+$0x0] =	vst.idx.add.f32.msk $0xffff, v1;
	v2 =	vunpack.i.u.s16.s32 v12  }
.LBB2_5:
0x4b: {  	s28 =	sadd.s32 $0x8, s28;
	[tilespmem:v7+s21+$0x0] =	vst.idx.add.f32.msk $0xffff, v1;
	s29 =	sadd.s32 $0x1000, s29  }
0x4c: {  	s30 =	sshrl.u32 s29, $0x1;
	s31 =	sshll.u32 s28, $0x2;
	p0 =	slt.u32 s28, $0xF8;
	[tilespmem:v5+s21+$0x0] =	vst.idx.add.f32.msk $0xffff, v1  }
0x4d: {  	s30 =	sand.u32 $0x800, s30;
	s31 =	sand.u32 $0x380, s31;
	[tilespmem:v6+s21+$0x0] =	vst.idx.add.f32.msk $0xffff, v1  }
0x4e: {  	s30 =	sor.u32 s31, s30;
	[tilespmem:v4+s21+$0x0] =	vst.idx.add.f32.msk $0xffff, v1  }
0x4f: {  	v4 =	vld [tilespmem:s30+$0x460]  }
0x50: {  	v5 =	vld [tilespmem:s30+$0x0]  }
0x51: {  	v6 =	vld [tilespmem:s30+$0x20]  }
0x52: {  	v7 =	vld [tilespmem:s30+$0x40]  }
0x53: {  	v8 =	vld [tilespmem:s30+$0x60]  }
0x54: {  	v9 =	vld [tilespmem:s30+$0x400];
	v10 =	vunpack.i.l.s16.s32 v4  }
0x55: {  	v14 =	vunpack.i.u.s16.s32 v4;
	v11 =	vunpack.i.u.s16.s32 v5;
	v12 =	vunpack.i.l.s16.s32 v5;
	v13 =	vld [tilespmem:s30+$0x420]  }
0x56: {  	v15 =	vunpack.i.u.s16.s32 v6;
	v16 =	vunpack.i.l.s16.s32 v6;
	v17 =	vld [tilespmem:s30+$0x440]  }
0x57: {  	v18 =	vunpack.i.u.s16.s32 v7;
	v19 =	vunpack.i.l.s16.s32 v7;
	[tilespmem:v3+s21+$0x0] =	vst.idx.add.f32.msk $0xffff, v1  }
0x58: {  	v20 =	vunpack.i.u.s16.s32 v8;
	v8 =	vunpack.i.l.s16.s32 v8;
	[tilespmem:v2+s21+$0x0] =	vst.idx.add.f32.msk $0xffff, v1  }
0x59: {  	v5 =	vunpack.i.u.s16.s32 v9;
	v7 =	vunpack.i.l.s16.s32 v9;
	[tilespmem:v10+s21+$0x0] =	vst.idx.add.f32.msk $0xffff, v1  }
0x5a: {  	v4 =	vunpack.i.u.s16.s32 v13;
	v6 =	vunpack.i.l.s16.s32 v13;
	[tilespmem:v14+s21+$0x0] =	vst.idx.add.f32.msk $0xffff, v1  }
0x5b: {  	[tilespmem:v12+s21+$0x0] =	vst.idx.add.f32.msk $0xffff, v1;
	v2 =	vunpack.i.u.s16.s32 v17;
	v3 =	vunpack.i.l.s16.s32 v17  }
0x5c: {  	[tilespmem:v11+s21+$0x0] =	vst.idx.add.f32.msk $0xffff, v1  }
0x5d: {  	[tilespmem:v16+s21+$0x0] =	vst.idx.add.f32.msk $0xffff, v1  }
.Ltmp1:
0x5e: {  	[tilespmem:v15+s21+$0x0] =	vst.idx.add.f32.msk $0xffff, v1;
	(pc) =	sbr.rel @p0 .LBB2_5-.Ltmp1, $4  }
0x5f: {  	[tilespmem:v19+s21+$0x0] =	vst.idx.add.f32.msk $0xffff, v1  }
0x60: {  	[tilespmem:v18+s21+$0x0] =	vst.idx.add.f32.msk $0xffff, v1  }
0x61: {  	[tilespmem:v8+s21+$0x0] =	vst.idx.add.f32.msk $0xffff, v1  }
0x62: {  	[tilespmem:v20+s21+$0x0] =	vst.idx.add.f32.msk $0xffff, v1  }
0x63: {  	_ =	sdelay $0x3  }
0x64: {  	[tilespmem:v7+s21+$0x0] =	vst.idx.add.f32.msk $0xffff, v1  }
0x65: {  	[tilespmem:v6+s21+$0x0] =	vst.idx.add.f32.msk $0xffff, v1  }
0x66: {  	p0 =	seq.s32 s25, $0x6;
	[tilespmem:v3+s21+$0x0] =	vst.idx.add.f32.msk $0xffff, v1  }
0x67: {  	[tilespmem:v5+s21+$0x0] =	vst.idx.add.f32.msk $0xffff, v1;
	s26 =	sadd.s32 @!p0 s26, s6  }
0x68: {  	[tilespmem:v4+s21+$0x0] =	vst.idx.add.f32.msk $0xffff, v1;
	s28 =	simm.s32 @!p0 $0x200;
	s26 =	sshrl.u32 @!p0 s26, $0x4  }
0x69: {  	[tilespmem:v2+s21+$0x0] =	vst.idx.add.f32.msk $0xffff, v1;
	s29 =	simm.s32 @!p0 $0x800;
	s30 =	simm.s32 @!p0 $0x0;
	s26 =	sadd.s32 @!p0 s3, s26  }
0x6a: {  	[tilespmem:s30], [sflag:$0x1] =	stream.strided.gather @!p0 [hbm4b:s26+s28], $0x400, s29, s28, $0x38;
	[tilespmem:$0x5800] =	vst v63  }
0x6b: {  	s31 =	simm.s32 @!p0 $0x400;
	s30 =	sadd.s32 @!p0 $0x40, s26  }
0x6c: {  	[tilespmem:s31], [sflag:$0x1] =	stream.strided.gather @!p0 [hbm4b:s30+s28], $0x400, s29, s28, $0x38;
	[tilespmem:$0x5800] =	vst v63  }
0x6d: {  	s30 =	sadd.s32 @!p0 $0x80, s26  }
0x6e: {  	[tilespmem:s29], [sflag:$0x1] =	stream.strided.gather @!p0 [hbm4b:s30+s28], $0x400, s29, s28, $0x38;
	[tilespmem:$0x5800] =	vst v63  }
0x6f: {  	s26 =	sadd.s32 @!p0 $0xC0, s26;
	s30 =	simm.s32 @!p0 $0xC00  }
0x70: {  	[tilespmem:s30], [sflag:$0x1] =	stream.strided.gather @!p0 [hbm4b:s26+s28], $0x400, s29, s28, $0x38;
	[tilespmem:$0x5800] =	vst v63  }
0x71: {  	s31 =	simm.s32 $0x0;
	s28 =	simm.s32 $0x0;
	_ =	swait.ge [sflag:s22], $0x1000  }
0x72: {  	s26 =	sand.u32 $0x800, s31;
	s28 =	sand.u32 $0x380, s28;
	[sflag:s22] =	ssyncset.done $0x0  }
0x73: {  	s26 =	sor.u32 s28, s26;
	[sflag:s22] =	ssyncadd.s32 $0xFFFFF000  }
0x74: {  	v2 =	vld [tilespmem:s26+$0x1460]  }
0x75: {  	v3 =	vld [tilespmem:s26+$0x1000]  }
0x76: {  	v4 =	vld [tilespmem:s26+$0x1020]  }
0x77: {  	v7 =	vld [tilespmem:s26+$0x1060];
	_ =	sdelay $0x1  }
0x78: {  	v6 =	vunpack.i.l.s16.s32 v2  }
0x79: {  	v5 =	vld [tilespmem:s26+$0x1040];
	v9 =	vunpack.i.l.s16.s32 v3  }
0x7a: {  	v8 =	vld [tilespmem:s26+$0x1400];
	v11 =	vunpack.i.l.s16.s32 v4  }
0x7b: {  	v10 =	vld [tilespmem:s26+$0x1420];
	v63 =	vunpack.i.l.s16.s32 v7  }
0x7c: {  	v12 =	vld [tilespmem:s26+$0x1440];
	v2 =	vunpack.i.u.s16.s32 v2  }
0x7d: {  	v3 =	vunpack.i.u.s16.s32 v3;
	[tilespmem:v6+s21+$0x0] =	vst.idx.add.f32.msk $0xffff, v1  }
0x7e: {  	v4 =	vunpack.i.u.s16.s32 v4;
	[tilespmem:v9+s21+$0x0] =	vst.idx.add.f32.msk $0xffff, v1  }
0x7f: {  	v6 =	vunpack.i.l.s16.s32 v5;
	[tilespmem:v11+s21+$0x0] =	vst.idx.add.f32.msk $0xffff, v1  }
0x80: {  	v13 =	vunpack.i.u.s16.s32 v7;
	[tilespmem:v63+s21+$0x0] =	vst.idx.add.f32.msk $0xffff, v1  }
0x81: {  	[tilespmem:v2+s21+$0x0] =	vst.idx.add.f32.msk $0xffff, v1;
	v2 =	vunpack.i.u.s16.s32 v5  }
0x82: {  	v7 =	vunpack.i.l.s16.s32 v8;
	[tilespmem:v3+s21+$0x0] =	vst.idx.add.f32.msk $0xffff, v1  }
0x83: {  	[tilespmem:v4+s21+$0x0] =	vst.idx.add.f32.msk $0xffff, v1;
	v5 =	vunpack.i.u.s16.s32 v8  }
0x84: {  	[tilespmem:v6+s21+$0x0] =	vst.idx.add.f32.msk $0xffff, v1;
	v6 =	vunpack.i.l.s16.s32 v10  }
0x85: {  	v4 =	vunpack.i.u.s16.s32 v10;
	[tilespmem:v13+s21+$0x0] =	vst.idx.add.f32.msk $0xffff, v1  }
0x86: {  	s28 =	simm.s32 $0x0;
	s26 =	simm.s32 $0x0;
	v3 =	vunpack.i.l.s16.s32 v12;
	[tilespmem:v2+s21+$0x0] =	vst.idx.add.f32.msk $0xffff, v1;
	v2 =	vunpack.i.u.s16.s32 v12  }
.LBB2_7:
0x87: {  	s28 =	sadd.s32 $0x8, s28;
	[tilespmem:v7+s21+$0x0] =	vst.idx.add.f32.msk $0xffff, v1;
	s26 =	sadd.s32 $0x1000, s26  }
0x88: {  	s29 =	sshrl.u32 s26, $0x1;
	s30 =	sshll.u32 s28, $0x2;
	p0 =	slt.u32 s28, $0xF8;
	[tilespmem:v5+s21+$0x0] =	vst.idx.add.f32.msk $0xffff, v1  }
0x89: {  	s29 =	sand.u32 $0x800, s29;
	s30 =	sand.u32 $0x380, s30;
	[tilespmem:v6+s21+$0x0] =	vst.idx.add.f32.msk $0xffff, v1  }
0x8a: {  	s29 =	sor.u32 s30, s29;
	[tilespmem:v4+s21+$0x0] =	vst.idx.add.f32.msk $0xffff, v1  }
0x8b: {  	v4 =	vld [tilespmem:s29+$0x1460]  }
0x8c: {  	v5 =	vld [tilespmem:s29+$0x1000]  }
0x8d: {  	v6 =	vld [tilespmem:s29+$0x1020]  }
0x8e: {  	v7 =	vld [tilespmem:s29+$0x1040]  }
0x8f: {  	v8 =	vld [tilespmem:s29+$0x1060]  }
0x90: {  	v9 =	vld [tilespmem:s29+$0x1400];
	v10 =	vunpack.i.l.s16.s32 v4  }
0x91: {  	v14 =	vunpack.i.u.s16.s32 v4;
	v11 =	vunpack.i.u.s16.s32 v5;
	v12 =	vunpack.i.l.s16.s32 v5;
	v13 =	vld [tilespmem:s29+$0x1420]  }
0x92: {  	v15 =	vunpack.i.u.s16.s32 v6;
	v16 =	vunpack.i.l.s16.s32 v6;
	v17 =	vld [tilespmem:s29+$0x1440]  }
0x93: {  	v18 =	vunpack.i.u.s16.s32 v7;
	v19 =	vunpack.i.l.s16.s32 v7;
	[tilespmem:v3+s21+$0x0] =	vst.idx.add.f32.msk $0xffff, v1  }
0x94: {  	v20 =	vunpack.i.u.s16.s32 v8;
	v8 =	vunpack.i.l.s16.s32 v8;
	[tilespmem:v2+s21+$0x0] =	vst.idx.add.f32.msk $0xffff, v1  }
0x95: {  	v5 =	vunpack.i.u.s16.s32 v9;
	v7 =	vunpack.i.l.s16.s32 v9;
	[tilespmem:v10+s21+$0x0] =	vst.idx.add.f32.msk $0xffff, v1  }
0x96: {  	v4 =	vunpack.i.u.s16.s32 v13;
	v6 =	vunpack.i.l.s16.s32 v13;
	[tilespmem:v14+s21+$0x0] =	vst.idx.add.f32.msk $0xffff, v1  }
0x97: {  	[tilespmem:v12+s21+$0x0] =	vst.idx.add.f32.msk $0xffff, v1;
	v2 =	vunpack.i.u.s16.s32 v17;
	v3 =	vunpack.i.l.s16.s32 v17  }
0x98: {  	[tilespmem:v11+s21+$0x0] =	vst.idx.add.f32.msk $0xffff, v1  }
0x99: {  	[tilespmem:v16+s21+$0x0] =	vst.idx.add.f32.msk $0xffff, v1  }
.Ltmp2:
0x9a: {  	[tilespmem:v15+s21+$0x0] =	vst.idx.add.f32.msk $0xffff, v1;
	(pc) =	sbr.rel @p0 .LBB2_7-.Ltmp2, $4  }
0x9b: {  	[tilespmem:v19+s21+$0x0] =	vst.idx.add.f32.msk $0xffff, v1  }
0x9c: {  	[tilespmem:v18+s21+$0x0] =	vst.idx.add.f32.msk $0xffff, v1  }
0x9d: {  	[tilespmem:v8+s21+$0x0] =	vst.idx.add.f32.msk $0xffff, v1  }
0x9e: {  	[tilespmem:v20+s21+$0x0] =	vst.idx.add.f32.msk $0xffff, v1  }
0x9f: {  	_ =	sdelay $0x2  }
0xa0: {  	s25 =	sadd.s32 $0x1, s25  }
0xa1: {  	[tilespmem:v7+s21+$0x0] =	vst.idx.add.f32.msk $0xffff, v1;
	p0 =	sne.s32 s25, $0x7  }
.Ltmp3:
0xa2: {  	[tilespmem:v6+s21+$0x0] =	vst.idx.add.f32.msk $0xffff, v1;
	(pc) =	sbr.rel @p0 .LBB2_4-.Ltmp3, $4  }
0xa3: {  	[tilespmem:v3+s21+$0x0] =	vst.idx.add.f32.msk $0xffff, v1  }
0xa4: {  	[tilespmem:v5+s21+$0x0] =	vst.idx.add.f32.msk $0xffff, v1  }
0xa5: {  	[tilespmem:v4+s21+$0x0] =	vst.idx.add.f32.msk $0xffff, v1  }
0xa6: {  	[tilespmem:v2+s21+$0x0] =	vst.idx.add.f32.msk $0xffff, v1  }
0xa7: {  	s2 =	sadd.s32 $0x1, s2  }
0xa8: {  	p0 =	sne.s32 s2, s8  }
.Ltmp4:
0xa9: {  	_ = 	snop;
	(pc) =	sbr.rel @p0 .LBB2_1-.Ltmp4, $4  }
0xaa: {  	[hbm4b:s7+s23] =	stream.strided.scatter [tilespmem:s21], [sflag:$0x3], $0x3800, s14, s23, $0x38;
	[tilespmem:$0x5800] =	vst v63  }
0xab: {  	_ =	swait.ge [sflag:s24], $0x3800  }
0xac: {  	[sflag:s24] =	ssyncset.done $0x0  }
0xad: {  	[sflag:s24] =	ssyncadd.s32 $0xFFFFC800  }
0xae: {  	_ =	sfence.sel $0x180000  }
0xaf: {  	[bflag:$0x0] =	sbarrier.arrive $0xFFFF  }
0xb0: {  	p0 =	sne.s32 s1, $0x0;
	_ =	strace $0x90000047  }
0xb1: {  	s0 =	sadd.s32 @!p0 $0x100000, s0;
	[bflag:$0x2] =	sbarrier.arrive $0xFFFF  }
0xb2: {  	[sflag:s0] =	ssyncadd.tile.s32 @!p0 $0x1;
	_ =	shalt  }
.Lfunc_end2:
_tile_overlayer_lowered:
.L_overlay_start_2:
0xb3: {  	(tag) =	ssettag $0x2  }
0xb4: {  	s0 =	rddreg [dreg:$0x0];
	s2 =	stileid.u32  }
0xb5: {  	s1 =	rddreg [dreg:$0x1];
	p0 =	sne.s32 s2, $0x0  }
0xb6: {  	s3 =	rddreg [dreg:$0x2];
	[bflag:$0x3] =	sbarrier.arrive $0xFFFF;
	s2 =	simm.s32 @!p0 $0x1C03  }
0xb7: {  	[timem:s3], [sflag:s2] =	dma.local @!p0 [hbm:s0], s1  }
0xb8: {  	s0 =	simm.s32 @!p0 $0x3  }
0xb9: {  	_ =	swait.ge @!p0 [sflag:s0], s1  }
0xba: {  	s1 =	ssub.s32 @!p0 $0x0, s1;
	[sflag:s0] =	ssyncset.done @!p0 $0x0  }
0xbb: {  	[sflag:s0] =	ssyncadd.s32 @!p0 s1  }
0xbc: {  	[bflag:$0x3] =	sbarrier.arrive $0xFFFF  }
0xbd: {  	_ =	shalt  }

// kernel: kernel.8.cloned.1.call-start
scs
__scs_entry_jumppad:
0x0: {  	(pc) =	sbr.rel $0x88, $3  }
0x1: {  	(tag) =	ssettag $0x0;
	lr =	simm.s32 $0x1  }
0x2: {  	[smem:$0x3F9E] =	sst lr;
	_ =	strace $0xD0000000  }
0x3: {  	_ = 	snop  }
0x4: {  	_ = 	snop  }
0x5: {  	_ = 	snop  }
0x6: {  	_ = 	snop  }
0x7: {  	_ = 	snop  }
__scs_overlays_trampoline_lowered:
0x8: {  	[smem:$0x3FAD] =	sst s0  }
0x9: {  	[smem:$0x3FAE] =	sst s1  }
0xa: {  	[smem:$0x3FAF] =	sst s2  }
0xb: {  	[smem:$0x3FB0] =	sst s3  }
0xc: {  	[smem:$0x3FB1] =	sst s4  }
0xd: {  	[smem:$0x3FB2] =	sst s5  }
0xe: {  	[smem:$0x3FB3] =	sst s6  }
0xf: {  	[smem:$0x3FB4] =	sst s7  }
0x10: {  	[smem:$0x3FB5] =	sst s8  }
0x11: {  	[smem:$0x3FB6] =	sst s9;
	s0 =	simm.s32 @!p0 $0x0  }
0x12: {  	s1 =	sld [smem:$0x3F9C];
	s0 =	simm.s32 @p0 $0x1  }
0x13: {  	[smem:$0x3FB7] =	sst s0;
	s0 =	simm.s32 @!p1 $0x0  }
0x14: {  	s2 =	sld [smem:$0x3F9B];
	s0 =	simm.s32 @p1 $0x1  }
0x15: {  	[smem:$0x3FB8] =	sst s0;
	s0 =	simm.s32 @!p2 $0x0  }
0x16: {  	s3 =	sld [smem:$0x3FDB];
	s0 =	simm.s32 @p2 $0x1  }
0x17: {  	s4 =	simm.s32 $0x1BF5;
	[smem:$0x3FBA] =	sst s0  }
0x18: {  	s0 =	sld [smem:$0x3F9D];
	_ =	swait.ge [sflag:s4], $0x0  }
0x19: {  	s7 =	sld [smem:$0x3F9E]  }
0x1a: {  	s8 =	sadd.s32 $0xFFFFE003, lr  }
0x1b: {  	s9 =	sadd.s32 $0xFFFFFEF7, lr;
	s5 =	simm.s32 $0xFFFFFFFF;
	p2 =	slt.u32 s8, $0xFFFFF086  }
0x1c: {  	p1 =	slt.u32 s9, $0xF7A;
	s5 =	simm.s32 @!p2 $0x0  }
0x1d: {  	s5 =	simm.s32 @p1 $0x1;
	p0 =	seq.s32 s7, s2  }
0x1e: {  	s7 =	smul.u32 @!p0 $0xF7A, s2;
	p2 =	seq.s32 @!p0 s5, $0x0  }
0x1f: {  	s9 =	smul.u32 $0xF7A, s1;
	s8 =	simm.s32 @!p0 $0x1BF5;
	p2 =	por !p2, p0  }
0x20: {  	[sflag:s8] =	ssyncset.s32 @!p0 $0xFFFFF086;
	s6 =	sadd.s32 @!p0 s3, s7;
	s7 =	simm.s32 @!p0 $0x108  }
0x21: {  	s3 =	sadd.s32 s3, s9;
	s6 =	sadd.s32 @!p0 $0x88, s6;
	s7 =	simm.s32 @p2 $0x1082  }
0x22: {  	[simem:s7], [sflag:s8] =	dma.local @!p0 [hbm:s6], $0xF7A  }
0x23: {  	s9 =	sor.u32 $0xD0000000, s2;
	s6 =	simm.s32 $0x108;
	_ =	swait.ge @!p0 [sflag:s8], $0x0  }
0x24: {  	s3 =	sadd.s32 $0x88, s3;
	s6 =	simm.s32 @!p1 $0x1082;
	[sflag:s4] =	ssyncset.s32 $0xFFFFF086  }
0x25: {  	[simem:s6], [sflag:s4] =	dma.local [hbm:s3], $0xF7A  }
0x26: {  	[smem:$0x3F9E] =	sst s1;
	(tag) =	ssettag s2;
	_ =	strace s9  }
0x27: {  	s1 =	sld [smem:$0x3FAE]  }
0x28: {  	s2 =	sld [smem:$0x3FAF]  }
0x29: {  	s4 =	sld [smem:$0x3FB1]  }
0x2a: {  	p0 =	seq.s32 s5, $0x0;
	s5 =	sld [smem:$0x3FB2]  }
0x2b: {  	s6 =	sld [smem:$0x3FB3]  }
0x2c: {  	s7 =	sld [smem:$0x3FB4]  }
0x2d: {  	s3 =	simm.s32 $0x108;
	s8 =	sld [smem:$0x3FB5]  }
0x2e: {  	s3 =	simm.s32 @!p0 $0x1082;
	s9 =	sld [smem:$0x3FB6]  }
0x2f: {  	lr =	sadd.s32 s0, s3;
	s0 =	sld [smem:$0x3FAD]  }
0x30: {  	s3 =	sld [smem:$0x3FB0]  }
0x31: {  	[smem:$0x3FB9] =	sst s10  }
0x32: {  	s10 =	sld [smem:$0x3FB7];
	_ =	sdelay $0x3  }
0x33: {  	p0 =	seq.s32 s10, $0x1;
	s10 =	sld [smem:$0x3FB9];
	_ =	sdelay $0x3  }
0x34: {  	[smem:$0x3FB9] =	sst s10  }
0x35: {  	s10 =	sld [smem:$0x3FB8];
	_ =	sdelay $0x3  }
0x36: {  	p1 =	seq.s32 s10, $0x1;
	s10 =	sld [smem:$0x3FB9];
	_ =	sdelay $0x3  }
0x37: {  	[smem:$0x3FB9] =	sst s10  }
0x38: {  	s10 =	sld [smem:$0x3FBA]  }
0x39: {  	_ = 	snop;
	(pc) =	sbr.ind lr, $3  }
0x3a: {  	_ = 	snop  }
0x3b: {  	_ = 	snop  }
0x3c: {  	p2 =	seq.s32 s10, $0x1;
	s10 =	sld [smem:$0x3FB9]  }
0x3d: {  	_ =	shalt  }
0x3e: {  	_ =	shalt  }
0x3f: {  	_ =	shalt  }
0x40: {  	_ =	shalt  }
0x41: {  	_ =	shalt  }
0x42: {  	_ =	shalt  }
0x43: {  	_ =	shalt  }
0x44: {  	_ =	shalt  }
0x45: {  	_ =	shalt  }
0x46: {  	_ =	shalt  }
0x47: {  	_ =	shalt  }
0x48: {  	_ =	shalt  }
0x49: {  	_ =	shalt  }
0x4a: {  	_ =	shalt  }
0x4b: {  	_ =	shalt  }
0x4c: {  	_ =	shalt  }
0x4d: {  	_ =	shalt  }
0x4e: {  	_ =	shalt  }
0x4f: {  	_ =	shalt  }
0x50: {  	_ =	shalt  }
0x51: {  	_ =	shalt  }
0x52: {  	_ =	shalt  }
0x53: {  	_ =	shalt  }
0x54: {  	_ =	shalt  }
0x55: {  	_ =	shalt  }
0x56: {  	_ =	shalt  }
0x57: {  	_ =	shalt  }
0x58: {  	_ =	shalt  }
0x59: {  	_ =	shalt  }
0x5a: {  	_ =	shalt  }
0x5b: {  	_ =	shalt  }
0x5c: {  	_ =	shalt  }
0x5d: {  	_ =	shalt  }
0x5e: {  	_ =	shalt  }
0x5f: {  	_ =	shalt  }
0x60: {  	_ =	shalt  }
0x61: {  	_ =	shalt  }
0x62: {  	_ =	shalt  }
0x63: {  	_ =	shalt  }
0x64: {  	_ =	shalt  }
0x65: {  	_ =	shalt  }
0x66: {  	_ =	shalt  }
0x67: {  	_ =	shalt  }
0x68: {  	_ =	shalt  }
0x69: {  	_ =	shalt  }
0x6a: {  	_ =	shalt  }
0x6b: {  	_ =	shalt  }
0x6c: {  	_ =	shalt  }
0x6d: {  	_ =	shalt  }
0x6e: {  	_ =	shalt  }
0x6f: {  	_ =	shalt  }
0x70: {  	_ =	shalt  }
0x71: {  	_ =	shalt  }
0x72: {  	_ =	shalt  }
0x73: {  	_ =	shalt  }
0x74: {  	_ =	shalt  }
0x75: {  	_ =	shalt  }
0x76: {  	_ =	shalt  }
0x77: {  	_ =	shalt  }
0x78: {  	_ =	shalt  }
0x79: {  	_ =	shalt  }
0x7a: {  	_ =	shalt  }
0x7b: {  	_ =	shalt  }
0x7c: {  	_ =	shalt  }
0x7d: {  	_ =	shalt  }
0x7e: {  	_ =	shalt  }
0x7f: {  	_ =	shalt  }
0x80: {  	_ =	shalt  }
0x81: {  	_ =	shalt  }
0x82: {  	_ =	shalt  }
0x83: {  	_ =	shalt  }
0x84: {  	_ =	shalt  }
0x85: {  	_ =	shalt  }
0x86: {  	_ =	shalt  }
0x87: {  	_ =	shalt  }
.Lfunc_end0:
.L_simem_size_0:
called_computation_lowered:
.L_overlay_start_0:
0x88: {  	s2 =	sld [smem:$0x3FD9]  }
0x89: {  	s3 =	sld [smem:$0x3FFE];
	_ =	sdelay $0x1  }
0x8a: {  	s1 =	srdreg.scid  }
0x8b: {  	s0 =	sand.u32 $0x1, s1  }
0x8c: {  	s17 =	sshll.u32 s0, $0xA;
	s2 =	sadd.s32 s3, s2  }
0x8d: {  	s2 =	sadd.s32 s2, s17  }
0x8e: {  	[smem:$0x3FC5] =	sst s2  }
0x8f: {  	_ = 	snop  }
0x90: {  	(tm) =	ssettm $0x1  }
0x91: {  	s18 =	sld [smem:$0x3FFB];
	_ =	sdelay $0x3  }
0x92: {  	_ =	strace s18  }
0x93: {  	s2 =	sld [smem:$0x3FFC];
	_ =	sdelay $0x3  }
0x94: {  	_ =	strace s2  }
0x95: {  	s2 =	sld [smem:$0x3FFD];
	_ =	sdelay $0x3  }
0x96: {  	_ =	strace s2  }
0x97: {  	_ =	strace $0x8FFFFFFF  }
0x98: {  	s19 =	sld [smem:$0x3FDB];
	_ =	sdelay $0x1  }
0x99: {  	s20 =	simm.s32 $_scs_section_size  }
0x9a: {  	s4 =	simm.s32 $_size__tile_overlayer_lowered;
	s5 =	simm.s32 $_tile_overlayer_lowered  }
0x9b: {  	s6 =	simm.s32 $0x1BFF;
	s21 =	sshll.u32 s5, $0x1;
	s3 =	sadd.s32 s20, s19  }
0x9c: {  	s22 =	simm.s32 $0x0;
	s4 =	sshll.u32 s4, $0x1;
	s5 =	sadd.s32 s21, s3  }
0x9d: {  	[timem:s22], [sflag:s6] =	dma.local [hbm:s5], s4  }
0x9e: {  	_ =	swait.ge [sflag:s6], s4  }
0x9f: {  	s4 =	ssub.s32 $0x0, s4;
	[sflag:s6] =	ssyncset.done $0x0  }
0xa0: {  	[sflag:s6] =	ssyncadd.s32 s4;
	_ =	sdelay $0x1  }
0xa1: {  	s23 =	simm.s32 $0x1B8B  }
0xa2: {  	_ =	swait.ge [sflag:s23], $0x1  }
0xa3: {  	[sflag:s23] =	ssyncset.done $0x0  }
0xa4: {  	[sflag:s23] =	ssyncadd.s32 $0xFFFFFFFF  }
0xa5: {  	s4 =	sld [smem:$0x0]  }
0xa6: {  	s5 =	sand.u32 $0xFFFFFFFE, s1  }
0xa7: {  	p0 =	sne.s32 s1, s5  }
0xa8: {  	s5 =	sshll.u32 @p0 s5, $0xE  }
0xa9: {  	s5 =	sadd.s32 @p0 $0x11B8D, s5;
	s6 =	sshll.u32 @p0 s4, $0x11  }
0xaa: {  	s5 =	sor.u32 @p0 s6, s5  }
0xab: {  	[sflag:s5] =	ssyncadd.remote.s32 @p0 $0x1;
	_ =	sdelay $0x1  }
0xac: {  	s5 =	simm.s32 @p0 $0x1B8D  }
0xad: {  	_ =	swait.eq @p0 [sflag:s5], $0x1  }
0xae: {  	[sflag:s5] =	ssyncadd.s32 @p0 $0xFFFFFFFF  }
0xaf: {  	s6 =	sshll.u32 @!p0 s1, $0xE  }
0xb0: {  	s6 =	sor.u32 @!p0 $0x4000, s6;
	s5 =	simm.s32 @!p0 $0x1B8D  }
0xb1: {  	s4 =	sshll.u32 @!p0 s4, $0x11;
	s6 =	sadd.s32 @!p0 $0x11B8D, s6;
	_ =	swait.eq @!p0 [sflag:s5], $0x1  }
0xb2: {  	s4 =	sor.u32 @!p0 s4, s6;
	[sflag:s5] =	ssyncadd.s32 @!p0 $0xFFFFFFFF  }
0xb3: {  	s25 =	simm.s32 $0x1B8E;
	s24 =	sld [smem:$0x3FFE];
	[sflag:s4] =	ssyncadd.remote.s32 @!p0 $0x1  }
0xb4: {  	s26 =	simm.s32 $execute0_lowered;
	[smem:$0x3FD2] =	sst s25  }
0xb5: {  	s5 =	sshll.u32 s26, $0x1;
	_ =	strace $0x80000049;
	[dreg:$0x1] =	wrdreg $0xFFFFFFFF  }
0xb6: {  	s28 =	simm.s32 $_size_execute0_lowered;
	s3 =	sadd.s32 s3, s5;
	[dreg:$0x0] =	wrdreg $0x0  }
0xb7: {  	s5 =	sshll.u32 s28, $0x1;
	[dreg:$0x2] =	wrdreg s3  }
0xb8: {  	[dreg:$0x3] =	wrdreg s5  }
0xb9: {  	[dreg:$0x4] =	wrdreg $0xC0  }
0xba: {  	_ =	task [dreg:s22], $0x5FFFF  }
0xbb: {  	[dreg:$0x1] =	wrdreg $0xFFFFFFFF  }
0xbc: {  	[dreg:$0x0] =	wrdreg $0x60  }
0xbd: {  	[dreg:$0x2] =	wrdreg s24  }
0xbe: {  	[dreg:$0x3] =	wrdreg $0x9  }
0xbf: {  	_ =	task.clear_ibuf [dreg:s22], $0x4FFFF;
	_ =	strace $0x90000049  }
0xc0: {  	s29 =	simm.s32 $0x9;
	_ =	strace $0x8000004B  }
0xc1: {  	_ =	swait.ge [sflag:s29], $0x1  }
0xc2: {  	[sflag:s29] =	ssyncadd.s32 $0xFFFFFFFF  }
0xc3: {  	_ =	strace $0x9000004B  }
0xc4: {  	_ =	sfence  }
0xc5: {  	s30 =	sld [smem:$0x0];
	_ =	sdelay $0x2  }
0xc6: {  	s31 =	sshll.u32 s1, $0xD;
	s1 =	sshrl.u32 s1, $0x2  }
0xc7: {  	s4 =	sand.u32 $0x4000, s31;
	s1 =	sadd.s32 s1, s30  }
0xc8: {  	s0 =	sor.u32 s4, s0;
	s1 =	sshll.u32 s1, $0x11  }
0xc9: {  	s0 =	sor.u32 s1, s0  }
0xca: {  	s0 =	sadd.s32 $0x8F2B, s0  }
0xcb: {  	[sflag:s0] =	ssyncadd.remote.s32 $0x1  }
0xcc: {  	_ =	sfence.sel $0xFFFF  }
0xcd: {  	[dreg:$0x0] =	wrdreg $0xFFFFFFFF;
	(pc) =	sbr.abs _section_cstart, $3  }
0xce: {  	[dreg:$0x1] =	wrdreg $0xFFFFFFFF  }
0xcf: {  	_ =	task.clear_ibuf [dreg:s22], $0x2FFFF;
	_ =	strace $0x9FFFFFFF  }
0xd0: {  	(tm) =	ssettm $0x7FFFFFFF  }
0xd1: {  	_ =	shalt  }
tec
execute0_lowered:
.L_overlay_start_1:
0x0: {  	(tag) =	ssettag $0x1  }
0x1: {  	s4 =	rddreg [dreg:$0x0]  }
0x2: {  	s0 =	rddreg [dreg:$0x1];
	s2 =	simm.s32 $0x0;
	s3 =	srdreg.scid  }
0x3: {  	s1 =	stileid.u32;
	s12 =	simm.s32 $0x200;
	s13 =	simm.s32 $0x800  }
0x4: {  	s14 =	simm.s32 $0x400;
	s15 =	simm.s32 $0xC00;
	s16 =	simm.s32 $0x1000  }
0x5: {  	s17 =	simm.s32 $0x1400;
	s18 =	simm.s32 $0x1800;
	s19 =	simm.s32 $0x1C00  }
0x6: {  	s20 =	simm.s32 $0x1;
	s21 =	simm.s32 $0x2000;
	s22 =	simm.s32 $0x2  }
0x7: {  	s23 =	simm.s32 $0x80;
	s24 =	simm.s32 $0x3;
	[smem:$0x7FF] =	sst s2  }
0x8: {  	s5 =	sand.u32 $0x1, s3;
	s29 =	sshll.u32 s1, $0x1;
	s3 =	sadd.s32 $0x47A00, s4  }
0x9: {  	s7 =	sshrl.u32 s1, $0x2;
	s9 =	sshrl.u32 s1, $0x3;
	_ =	strace $0x8000004A  }
0xa: {  	s6 =	sor.u32 s5, s29;
	s7 =	smul.u32 $0x1C000, s7;
	s10 =	sshll.u32 s9, $0x12  }
0xb: {  	s9 =	smul.u32 $0x1C0000, s9;
	s8 =	sshll.u32 s6, $0x7;
	s6 =	sshll.u32 s6, $0xE  }
0xc: {  	s5 =	ssub.s32 $0x2, s5;
	s8 =	sand.u32 $0x380, s8;
	s6 =	ssub.s32 s6, s10  }
0xd: {  	s30 =	sshrl.u32 s5, $0x1;
	s7 =	sor.u32 s7, s8;
	s6 =	sadd.s32 s9, s6  }
0xe: {  	s8 =	ssub.s32 s5, s30;
	s7 =	sshrl.u32 s7, $0x3;
	s31 =	sshrl.u32 s6, $0x4  }
0xf: {  	s5 =	sor.u32 $0x2000, s6;
	s6 =	sadd.s32 $0x40000, s6;
	s7 =	sadd.s32 s7, s4  }
0x10: {  	s8 =	smax.u32 s8, $0x1;
	s4 =	sadd.s32 s3, s31;
	s7 =	sadd.s32 $0x7FA00, s7  }
0x11: {  	v0 =	vimm.f32 $0.0e+00;
	v1 =	vimm.f32 $1.000000000e+00;
	s9 =	sadd.s32 $0x40, s4;
	s10 =	sadd.s32 $0x80, s4;
	s11 =	sadd.s32 $0xC0, s4  }
.LBB2_1:
0x12: {  	s25 =	simm.s32 $0x2040  }
0x13: {  	[tilespmem:s25+$0xFFFFFFC0] =	vst v0  }
0x14: {  	[tilespmem:s25+$0x30] =	vst v0  }
0x15: {  	[tilespmem:s25+$0x20] =	vst v0  }
0x16: {  	[tilespmem:s25+$0x10] =	vst v0  }
0x17: {  	[tilespmem:s25+$0x0] =	vst v0  }
0x18: {  	[tilespmem:s25+$0xFFFFFFF0] =	vst v0  }
0x19: {  	s26 =	simm.s32 $0x0;
	[tilespmem:s25+$0xFFFFFFE0] =	vst v0  }
.LBB2_2:
0x1a: {  	s26 =	sadd.s32 $0x8, s26;
	[tilespmem:s25+$0xFFFFFFD0] =	vst v0;
	s25 =	sadd.s32 $0x80, s25  }
0x1b: {  	[tilespmem:s25+$0xFFFFFFC0] =	vst v0;
	p0 =	slt.u32 s26, $0x378  }
0x1c: {  	[tilespmem:s25+$0x30] =	vst v0  }
.Ltmp0:
0x1d: {  	[tilespmem:s25+$0x20] =	vst v0;
	(pc) =	sbr.rel @p0 .LBB2_2-.Ltmp0, $4  }
0x1e: {  	[tilespmem:s25+$0x10] =	vst v0  }
0x1f: {  	[tilespmem:s25+$0x0] =	vst v0  }
0x20: {  	[tilespmem:s25+$0xFFFFFFF0] =	vst v0  }
0x21: {  	[tilespmem:s25+$0xFFFFFFE0] =	vst v0  }
0x22: {  	[tilespmem:s25+$0xFFFFFFD0] =	vst v0;
	s25 =	simm.s32 $0x0  }
0x23: {  	[tilespmem:s25], [sflag:$0x1] =	stream.strided.gather [hbm4b:s4+s12], $0x400, s13, s12, $0x38;
	[tilespmem:$0x5800] =	vst v63  }
0x24: {  	_ = 	snop  }
0x25: {  	[tilespmem:s14], [sflag:$0x1] =	stream.strided.gather [hbm4b:s9+s12], $0x400, s13, s12, $0x38;
	[tilespmem:$0x5800] =	vst v63  }
0x26: {  	_ = 	snop  }
0x27: {  	[tilespmem:s13], [sflag:$0x1] =	stream.strided.gather [hbm4b:s10+s12], $0x400, s13, s12, $0x38;
	[tilespmem:$0x5800] =	vst v63  }
0x28: {  	_ = 	snop  }
0x29: {  	[tilespmem:s15], [sflag:$0x1] =	stream.strided.gather [hbm4b:s11+s12], $0x400, s13, s12, $0x38;
	[tilespmem:$0x5800] =	vst v63  }
.LBB2_4:
0x2a: {  	s26 =	sshll.u32 s25, $0x12  }
0x2b: {  	s28 =	sadd.s32 s26, s5  }
0x2c: {  	s28 =	sshrl.u32 s28, $0x4  }
0x2d: {  	s28 =	sadd.s32 s3, s28  }
0x2e: {  	[tilespmem:s16], [sflag:$0x2] =	stream.strided.gather [hbm4b:s28+s12], $0x400, s13, s12, $0x38;
	[tilespmem:$0x5800] =	vst v63  }
0x2f: {  	s29 =	sadd.s32 $0x40, s28  }
0x30: {  	[tilespmem:s17], [sflag:$0x2] =	stream.strided.gather [hbm4b:s29+s12], $0x400, s13, s12, $0x38;
	[tilespmem:$0x5800] =	vst v63  }
0x31: {  	s29 =	sadd.s32 $0x80, s28  }
0x32: {  	[tilespmem:s18], [sflag:$0x2] =	stream.strided.gather [hbm4b:s29+s12], $0x400, s13, s12, $0x38;
	[tilespmem:$0x5800] =	vst v63  }
0x33: {  	s28 =	sadd.s32 $0xC0, s28  }
0x34: {  	[tilespmem:s19], [sflag:$0x2] =	stream.strided.gather [hbm4b:s28+s12], $0x400, s13, s12, $0x38;
	[tilespmem:$0x5800] =	vst v63  }
0x35: {  	s29 =	simm.s32 $0x0;
	s28 =	simm.s32 $0x0;
	_ =	swait.ge [sflag:s20], $0x1000  }
0x36: {  	s29 =	sand.u32 $0x380, s29;
	s28 =	sand.u32 $0x800, s28;
	[sflag:s20] =	ssyncset.done $0x0  }
0x37: {  	s28 =	sor.u32 s29, s28;
	[sflag:s20] =	ssyncadd.s32 $0xFFFFF000  }
0x38: {  	v2 =	vld [tilespmem:s28+$0x460]  }
0x39: {  	v3 =	vld [tilespmem:s28+$0x0]  }
0x3a: {  	v4 =	vld [tilespmem:s28+$0x20]  }
0x3b: {  	v7 =	vld [tilespmem:s28+$0x60];
	_ =	sdelay $0x1  }
0x3c: {  	v6 =	vunpack.i.l.s16.s32 v2  }
0x3d: {  	v5 =	vld [tilespmem:s28+$0x40];
	v9 =	vunpack.i.l.s16.s32 v3  }
0x3e: {  	v8 =	vld [tilespmem:s28+$0x400];
	v11 =	vunpack.i.l.s16.s32 v4  }
0x3f: {  	v10 =	vld [tilespmem:s28+$0x420];
	v63 =	vunpack.i.l.s16.s32 v7  }
0x40: {  	v12 =	vld [tilespmem:s28+$0x440];
	v2 =	vunpack.i.u.s16.s32 v2  }
0x41: {  	v3 =	vunpack.i.u.s16.s32 v3;
	[tilespmem:v6+s21+$0x0] =	vst.idx.add.f32.msk $0xffff, v1  }
0x42: {  	v4 =	vunpack.i.u.s16.s32 v4;
	[tilespmem:v9+s21+$0x0] =	vst.idx.add.f32.msk $0xffff, v1  }
0x43: {  	v6 =	vunpack.i.l.s16.s32 v5;
	[tilespmem:v11+s21+$0x0] =	vst.idx.add.f32.msk $0xffff, v1  }
0x44: {  	v13 =	vunpack.i.u.s16.s32 v7;
	[tilespmem:v63+s21+$0x0] =	vst.idx.add.f32.msk $0xffff, v1  }
0x45: {  	[tilespmem:v2+s21+$0x0] =	vst.idx.add.f32.msk $0xffff, v1;
	v2 =	vunpack.i.u.s16.s32 v5  }
0x46: {  	v7 =	vunpack.i.l.s16.s32 v8;
	[tilespmem:v3+s21+$0x0] =	vst.idx.add.f32.msk $0xffff, v1  }
0x47: {  	[tilespmem:v4+s21+$0x0] =	vst.idx.add.f32.msk $0xffff, v1;
	v5 =	vunpack.i.u.s16.s32 v8  }
0x48: {  	[tilespmem:v6+s21+$0x0] =	vst.idx.add.f32.msk $0xffff, v1;
	v6 =	vunpack.i.l.s16.s32 v10  }
0x49: {  	v4 =	vunpack.i.u.s16.s32 v10;
	[tilespmem:v13+s21+$0x0] =	vst.idx.add.f32.msk $0xffff, v1  }
0x4a: {  	s29 =	simm.s32 $0x0;
	s28 =	simm.s32 $0x0;
	v3 =	vunpack.i.l.s16.s32 v12;
	[tilespmem:v2+s21+$0x0] =	vst.idx.add.f32.msk $0xffff, v1;
	v2 =	vunpack.i.u.s16.s32 v12  }
.LBB2_5:
0x4b: {  	s28 =	sadd.s32 $0x8, s28;
	[tilespmem:v7+s21+$0x0] =	vst.idx.add.f32.msk $0xffff, v1;
	s29 =	sadd.s32 $0x1000, s29  }
0x4c: {  	s30 =	sshrl.u32 s29, $0x1;
	s31 =	sshll.u32 s28, $0x2;
	p0 =	slt.u32 s28, $0xF8;
	[tilespmem:v5+s21+$0x0] =	vst.idx.add.f32.msk $0xffff, v1  }
0x4d: {  	s30 =	sand.u32 $0x800, s30;
	s31 =	sand.u32 $0x380, s31;
	[tilespmem:v6+s21+$0x0] =	vst.idx.add.f32.msk $0xffff, v1  }
0x4e: {  	s30 =	sor.u32 s31, s30;
	[tilespmem:v4+s21+$0x0] =	vst.idx.add.f32.msk $0xffff, v1  }
0x4f: {  	v4 =	vld [tilespmem:s30+$0x460]  }
0x50: {  	v5 =	vld [tilespmem:s30+$0x0]  }
0x51: {  	v6 =	vld [tilespmem:s30+$0x20]  }
0x52: {  	v7 =	vld [tilespmem:s30+$0x40]  }
0x53: {  	v8 =	vld [tilespmem:s30+$0x60]  }
0x54: {  	v9 =	vld [tilespmem:s30+$0x400];
	v10 =	vunpack.i.l.s16.s32 v4  }
0x55: {  	v14 =	vunpack.i.u.s16.s32 v4;
	v11 =	vunpack.i.u.s16.s32 v5;
	v12 =	vunpack.i.l.s16.s32 v5;
	v13 =	vld [tilespmem:s30+$0x420]  }
0x56: {  	v15 =	vunpack.i.u.s16.s32 v6;
	v16 =	vunpack.i.l.s16.s32 v6;
	v17 =	vld [tilespmem:s30+$0x440]  }
0x57: {  	v18 =	vunpack.i.u.s16.s32 v7;
	v19 =	vunpack.i.l.s16.s32 v7;
	[tilespmem:v3+s21+$0x0] =	vst.idx.add.f32.msk $0xffff, v1  }
0x58: {  	v20 =	vunpack.i.u.s16.s32 v8;
	v8 =	vunpack.i.l.s16.s32 v8;
	[tilespmem:v2+s21+$0x0] =	vst.idx.add.f32.msk $0xffff, v1  }
0x59: {  	v5 =	vunpack.i.u.s16.s32 v9;
	v7 =	vunpack.i.l.s16.s32 v9;
	[tilespmem:v10+s21+$0x0] =	vst.idx.add.f32.msk $0xffff, v1  }
0x5a: {  	v4 =	vunpack.i.u.s16.s32 v13;
	v6 =	vunpack.i.l.s16.s32 v13;
	[tilespmem:v14+s21+$0x0] =	vst.idx.add.f32.msk $0xffff, v1  }
0x5b: {  	[tilespmem:v12+s21+$0x0] =	vst.idx.add.f32.msk $0xffff, v1;
	v2 =	vunpack.i.u.s16.s32 v17;
	v3 =	vunpack.i.l.s16.s32 v17  }
0x5c: {  	[tilespmem:v11+s21+$0x0] =	vst.idx.add.f32.msk $0xffff, v1  }
0x5d: {  	[tilespmem:v16+s21+$0x0] =	vst.idx.add.f32.msk $0xffff, v1  }
.Ltmp1:
0x5e: {  	[tilespmem:v15+s21+$0x0] =	vst.idx.add.f32.msk $0xffff, v1;
	(pc) =	sbr.rel @p0 .LBB2_5-.Ltmp1, $4  }
0x5f: {  	[tilespmem:v19+s21+$0x0] =	vst.idx.add.f32.msk $0xffff, v1  }
0x60: {  	[tilespmem:v18+s21+$0x0] =	vst.idx.add.f32.msk $0xffff, v1  }
0x61: {  	[tilespmem:v8+s21+$0x0] =	vst.idx.add.f32.msk $0xffff, v1  }
0x62: {  	[tilespmem:v20+s21+$0x0] =	vst.idx.add.f32.msk $0xffff, v1  }
0x63: {  	_ =	sdelay $0x3  }
0x64: {  	[tilespmem:v7+s21+$0x0] =	vst.idx.add.f32.msk $0xffff, v1  }
0x65: {  	[tilespmem:v6+s21+$0x0] =	vst.idx.add.f32.msk $0xffff, v1  }
0x66: {  	p0 =	seq.s32 s25, $0x6;
	[tilespmem:v3+s21+$0x0] =	vst.idx.add.f32.msk $0xffff, v1  }
0x67: {  	[tilespmem:v5+s21+$0x0] =	vst.idx.add.f32.msk $0xffff, v1;
	s26 =	sadd.s32 @!p0 s26, s6  }
0x68: {  	[tilespmem:v4+s21+$0x0] =	vst.idx.add.f32.msk $0xffff, v1;
	s28 =	simm.s32 @!p0 $0x200;
	s26 =	sshrl.u32 @!p0 s26, $0x4  }
0x69: {  	[tilespmem:v2+s21+$0x0] =	vst.idx.add.f32.msk $0xffff, v1;
	s29 =	simm.s32 @!p0 $0x800;
	s30 =	simm.s32 @!p0 $0x0;
	s26 =	sadd.s32 @!p0 s3, s26  }
0x6a: {  	[tilespmem:s30], [sflag:$0x1] =	stream.strided.gather @!p0 [hbm4b:s26+s28], $0x400, s29, s28, $0x38;
	[tilespmem:$0x5800] =	vst v63  }
0x6b: {  	s31 =	simm.s32 @!p0 $0x400;
	s30 =	sadd.s32 @!p0 $0x40, s26  }
0x6c: {  	[tilespmem:s31], [sflag:$0x1] =	stream.strided.gather @!p0 [hbm4b:s30+s28], $0x400, s29, s28, $0x38;
	[tilespmem:$0x5800] =	vst v63  }
0x6d: {  	s30 =	sadd.s32 @!p0 $0x80, s26  }
0x6e: {  	[tilespmem:s29], [sflag:$0x1] =	stream.strided.gather @!p0 [hbm4b:s30+s28], $0x400, s29, s28, $0x38;
	[tilespmem:$0x5800] =	vst v63  }
0x6f: {  	s26 =	sadd.s32 @!p0 $0xC0, s26;
	s30 =	simm.s32 @!p0 $0xC00  }
0x70: {  	[tilespmem:s30], [sflag:$0x1] =	stream.strided.gather @!p0 [hbm4b:s26+s28], $0x400, s29, s28, $0x38;
	[tilespmem:$0x5800] =	vst v63  }
0x71: {  	s31 =	simm.s32 $0x0;
	s28 =	simm.s32 $0x0;
	_ =	swait.ge [sflag:s22], $0x1000  }
0x72: {  	s26 =	sand.u32 $0x800, s31;
	s28 =	sand.u32 $0x380, s28;
	[sflag:s22] =	ssyncset.done $0x0  }
0x73: {  	s26 =	sor.u32 s28, s26;
	[sflag:s22] =	ssyncadd.s32 $0xFFFFF000  }
0x74: {  	v2 =	vld [tilespmem:s26+$0x1460]  }
0x75: {  	v3 =	vld [tilespmem:s26+$0x1000]  }
0x76: {  	v4 =	vld [tilespmem:s26+$0x1020]  }
0x77: {  	v7 =	vld [tilespmem:s26+$0x1060];
	_ =	sdelay $0x1  }
0x78: {  	v6 =	vunpack.i.l.s16.s32 v2  }
0x79: {  	v5 =	vld [tilespmem:s26+$0x1040];
	v9 =	vunpack.i.l.s16.s32 v3  }
0x7a: {  	v8 =	vld [tilespmem:s26+$0x1400];
	v11 =	vunpack.i.l.s16.s32 v4  }
0x7b: {  	v10 =	vld [tilespmem:s26+$0x1420];
	v63 =	vunpack.i.l.s16.s32 v7  }
0x7c: {  	v12 =	vld [tilespmem:s26+$0x1440];
	v2 =	vunpack.i.u.s16.s32 v2  }
0x7d: {  	v3 =	vunpack.i.u.s16.s32 v3;
	[tilespmem:v6+s21+$0x0] =	vst.idx.add.f32.msk $0xffff, v1  }
0x7e: {  	v4 =	vunpack.i.u.s16.s32 v4;
	[tilespmem:v9+s21+$0x0] =	vst.idx.add.f32.msk $0xffff, v1  }
0x7f: {  	v6 =	vunpack.i.l.s16.s32 v5;
	[tilespmem:v11+s21+$0x0] =	vst.idx.add.f32.msk $0xffff, v1  }
0x80: {  	v13 =	vunpack.i.u.s16.s32 v7;
	[tilespmem:v63+s21+$0x0] =	vst.idx.add.f32.msk $0xffff, v1  }
0x81: {  	[tilespmem:v2+s21+$0x0] =	vst.idx.add.f32.msk $0xffff, v1;
	v2 =	vunpack.i.u.s16.s32 v5  }
0x82: {  	v7 =	vunpack.i.l.s16.s32 v8;
	[tilespmem:v3+s21+$0x0] =	vst.idx.add.f32.msk $0xffff, v1  }
0x83: {  	[tilespmem:v4+s21+$0x0] =	vst.idx.add.f32.msk $0xffff, v1;
	v5 =	vunpack.i.u.s16.s32 v8  }
0x84: {  	[tilespmem:v6+s21+$0x0] =	vst.idx.add.f32.msk $0xffff, v1;
	v6 =	vunpack.i.l.s16.s32 v10  }
0x85: {  	v4 =	vunpack.i.u.s16.s32 v10;
	[tilespmem:v13+s21+$0x0] =	vst.idx.add.f32.msk $0xffff, v1  }
0x86: {  	s28 =	simm.s32 $0x0;
	s26 =	simm.s32 $0x0;
	v3 =	vunpack.i.l.s16.s32 v12;
	[tilespmem:v2+s21+$0x0] =	vst.idx.add.f32.msk $0xffff, v1;
	v2 =	vunpack.i.u.s16.s32 v12  }
.LBB2_7:
0x87: {  	s28 =	sadd.s32 $0x8, s28;
	[tilespmem:v7+s21+$0x0] =	vst.idx.add.f32.msk $0xffff, v1;
	s26 =	sadd.s32 $0x1000, s26  }
0x88: {  	s29 =	sshrl.u32 s26, $0x1;
	s30 =	sshll.u32 s28, $0x2;
	p0 =	slt.u32 s28, $0xF8;
	[tilespmem:v5+s21+$0x0] =	vst.idx.add.f32.msk $0xffff, v1  }
0x89: {  	s29 =	sand.u32 $0x800, s29;
	s30 =	sand.u32 $0x380, s30;
	[tilespmem:v6+s21+$0x0] =	vst.idx.add.f32.msk $0xffff, v1  }
0x8a: {  	s29 =	sor.u32 s30, s29;
	[tilespmem:v4+s21+$0x0] =	vst.idx.add.f32.msk $0xffff, v1  }
0x8b: {  	v4 =	vld [tilespmem:s29+$0x1460]  }
0x8c: {  	v5 =	vld [tilespmem:s29+$0x1000]  }
0x8d: {  	v6 =	vld [tilespmem:s29+$0x1020]  }
0x8e: {  	v7 =	vld [tilespmem:s29+$0x1040]  }
0x8f: {  	v8 =	vld [tilespmem:s29+$0x1060]  }
0x90: {  	v9 =	vld [tilespmem:s29+$0x1400];
	v10 =	vunpack.i.l.s16.s32 v4  }
0x91: {  	v14 =	vunpack.i.u.s16.s32 v4;
	v11 =	vunpack.i.u.s16.s32 v5;
	v12 =	vunpack.i.l.s16.s32 v5;
	v13 =	vld [tilespmem:s29+$0x1420]  }
0x92: {  	v15 =	vunpack.i.u.s16.s32 v6;
	v16 =	vunpack.i.l.s16.s32 v6;
	v17 =	vld [tilespmem:s29+$0x1440]  }
0x93: {  	v18 =	vunpack.i.u.s16.s32 v7;
	v19 =	vunpack.i.l.s16.s32 v7;
	[tilespmem:v3+s21+$0x0] =	vst.idx.add.f32.msk $0xffff, v1  }
0x94: {  	v20 =	vunpack.i.u.s16.s32 v8;
	v8 =	vunpack.i.l.s16.s32 v8;
	[tilespmem:v2+s21+$0x0] =	vst.idx.add.f32.msk $0xffff, v1  }
0x95: {  	v5 =	vunpack.i.u.s16.s32 v9;
	v7 =	vunpack.i.l.s16.s32 v9;
	[tilespmem:v10+s21+$0x0] =	vst.idx.add.f32.msk $0xffff, v1  }
0x96: {  	v4 =	vunpack.i.u.s16.s32 v13;
	v6 =	vunpack.i.l.s16.s32 v13;
	[tilespmem:v14+s21+$0x0] =	vst.idx.add.f32.msk $0xffff, v1  }
0x97: {  	[tilespmem:v12+s21+$0x0] =	vst.idx.add.f32.msk $0xffff, v1;
	v2 =	vunpack.i.u.s16.s32 v17;
	v3 =	vunpack.i.l.s16.s32 v17  }
0x98: {  	[tilespmem:v11+s21+$0x0] =	vst.idx.add.f32.msk $0xffff, v1  }
0x99: {  	[tilespmem:v16+s21+$0x0] =	vst.idx.add.f32.msk $0xffff, v1  }
.Ltmp2:
0x9a: {  	[tilespmem:v15+s21+$0x0] =	vst.idx.add.f32.msk $0xffff, v1;
	(pc) =	sbr.rel @p0 .LBB2_7-.Ltmp2, $4  }
0x9b: {  	[tilespmem:v19+s21+$0x0] =	vst.idx.add.f32.msk $0xffff, v1  }
0x9c: {  	[tilespmem:v18+s21+$0x0] =	vst.idx.add.f32.msk $0xffff, v1  }
0x9d: {  	[tilespmem:v8+s21+$0x0] =	vst.idx.add.f32.msk $0xffff, v1  }
0x9e: {  	[tilespmem:v20+s21+$0x0] =	vst.idx.add.f32.msk $0xffff, v1  }
0x9f: {  	_ =	sdelay $0x2  }
0xa0: {  	s25 =	sadd.s32 $0x1, s25  }
0xa1: {  	[tilespmem:v7+s21+$0x0] =	vst.idx.add.f32.msk $0xffff, v1;
	p0 =	sne.s32 s25, $0x7  }
.Ltmp3:
0xa2: {  	[tilespmem:v6+s21+$0x0] =	vst.idx.add.f32.msk $0xffff, v1;
	(pc) =	sbr.rel @p0 .LBB2_4-.Ltmp3, $4  }
0xa3: {  	[tilespmem:v3+s21+$0x0] =	vst.idx.add.f32.msk $0xffff, v1  }
0xa4: {  	[tilespmem:v5+s21+$0x0] =	vst.idx.add.f32.msk $0xffff, v1  }
0xa5: {  	[tilespmem:v4+s21+$0x0] =	vst.idx.add.f32.msk $0xffff, v1  }
0xa6: {  	[tilespmem:v2+s21+$0x0] =	vst.idx.add.f32.msk $0xffff, v1  }
0xa7: {  	s2 =	sadd.s32 $0x1, s2  }
0xa8: {  	p0 =	sne.s32 s2, s8  }
.Ltmp4:
0xa9: {  	_ = 	snop;
	(pc) =	sbr.rel @p0 .LBB2_1-.Ltmp4, $4  }
0xaa: {  	[hbm4b:s7+s23] =	stream.strided.scatter [tilespmem:s21], [sflag:$0x3], $0x3800, s14, s23, $0x38;
	[tilespmem:$0x5800] =	vst v63  }
0xab: {  	_ =	swait.ge [sflag:s24], $0x3800  }
0xac: {  	[sflag:s24] =	ssyncset.done $0x0  }
0xad: {  	[sflag:s24] =	ssyncadd.s32 $0xFFFFC800  }
0xae: {  	_ =	sfence.sel $0x180000  }
0xaf: {  	[bflag:$0x0] =	sbarrier.arrive $0xFFFF  }
0xb0: {  	p0 =	sne.s32 s1, $0x0;
	_ =	strace $0x9000004A  }
0xb1: {  	s0 =	sadd.s32 @!p0 $0x100000, s0;
	[bflag:$0x2] =	sbarrier.arrive $0xFFFF  }
0xb2: {  	[sflag:s0] =	ssyncadd.tile.s32 @!p0 $0x1;
	_ =	shalt  }
.Lfunc_end2:
_tile_overlayer_lowered:
.L_overlay_start_2:
0xb3: {  	(tag) =	ssettag $0x2  }
0xb4: {  	s0 =	rddreg [dreg:$0x0];
	s2 =	stileid.u32  }
0xb5: {  	s1 =	rddreg [dreg:$0x1];
	p0 =	sne.s32 s2, $0x0  }
0xb6: {  	s3 =	rddreg [dreg:$0x2];
	[bflag:$0x3] =	sbarrier.arrive $0xFFFF;
	s2 =	simm.s32 @!p0 $0x1C03  }
0xb7: {  	[timem:s3], [sflag:s2] =	dma.local @!p0 [hbm:s0], s1  }
0xb8: {  	s0 =	simm.s32 @!p0 $0x3  }
0xb9: {  	_ =	swait.ge @!p0 [sflag:s0], s1  }
0xba: {  	s1 =	ssub.s32 @!p0 $0x0, s1;
	[sflag:s0] =	ssyncset.done @!p0 $0x0  }
0xbb: {  	[sflag:s0] =	ssyncadd.s32 @!p0 s1  }
0xbc: {  	[bflag:$0x3] =	sbarrier.arrive $0xFFFF  }
0xbd: {  	_ =	shalt  }

</sc_bundles>
